<compile_context>
chip_gen: v7x
topology: tpu7x:2x2x1
jax: 0.10.2.dev20260603
libtpu: 0.0.44.dev20260713+nightly
codegen_flags: <defaults>
</compile_context>

<pallas_src>
import functools

import jax
import jax.numpy as jnp
import numpy as np
from jax import lax
from jax.experimental import pallas as pl
from jax.experimental.pallas import tpu as pltpu
from jax.experimental.pallas import tpu_sc as plsc

B = 1024
T = 20
DEPTH = 1000

NUM_CORES = 2
NUM_SUBCORES = 16
NW = NUM_CORES * NUM_SUBCORES

DT = DEPTH // 8
BT = B // 128
UPW = 4
NBUF = 2


def _sc_one_hot(x_hbm, zsrc_hbm, out_hbm, x_v, zbuf, *sems):
    wid = lax.axis_index("s") * NUM_CORES + lax.axis_index("c")
    dt0 = jnp.minimum(wid * UPW, DT - UPW)
    d_lo = dt0 * 8

    zfills = [
        pltpu.async_copy(zsrc_hbm, zbuf.at[nb], sems[nb]) for nb in range(NBUF)
    ]
    pltpu.sync_copy(x_hbm, x_v)
    for h in zfills:
        h.wait()

    iota = lax.iota(jnp.int32, 16)
    iota_t = iota * T
    one_f = jnp.full((16,), 1.0, jnp.float32)
    zero_f = jnp.zeros((16,), jnp.float32)

    def scan(t, nb, val):
        nbv = jnp.full((16,), nb, jnp.int32)

        def body(v, carry):
            b0 = v * 16
            xv = plsc.load_gather(x_v, [iota_t + (b0 * T + t)])
            u = xv - d_lo
            m = plsc.bitcast(u, jnp.uint32) < jnp.uint32(UPW * 8)
            unit = lax.shift_right_arithmetic(u, 3)
            di = lax.bitwise_and(u, 7)
            btv = jnp.broadcast_to(lax.shift_right_logical(v, 3), (16,))
            bi = iota + lax.bitwise_and(b0, 127)
            plsc.store_scatter(zbuf, [nbv, unit, btv, di, bi], val, mask=m)
            return carry

        lax.fori_loop(0, B // 16, body, 0)

    handles = {}
    for j in range(T):
        nb = j % NBUF
        if j >= NBUF:
            handles.pop(j - NBUF).wait()
            scan(j - NBUF, nb, zero_f)
        scan(j, nb, one_f)
        handles[j] = pltpu.async_copy(
            zbuf.at[nb], out_hbm.at[j, pl.ds(dt0, UPW)], sems[nb]
        )
    for j in sorted(handles):
        handles[j].wait()


_ZSRC = np.zeros((UPW, BT, 8, 128), np.float32)


@jax.jit
def _one_hot(x):
    zsrc = jnp.asarray(_ZSRC)
    run = functools.partial(
        pl.kernel,
        out_type=jax.ShapeDtypeStruct((T, DT, BT, 8, 128), jnp.float32),
        mesh=plsc.VectorSubcoreMesh(core_axis_name="c", subcore_axis_name="s"),
        scratch_types=[
            pltpu.VMEM((B * T,), jnp.int32),
            pltpu.VMEM((NBUF, UPW, BT, 8, 128), jnp.float32),
        ] + [pltpu.SemaphoreType.DMA] * NBUF,
        compiler_params=pltpu.CompilerParams(needs_layout_passes=False),
    )(_sc_one_hot)
    out5 = run(x.reshape(B * T), zsrc)
    return out5.transpose(2, 4, 1, 3, 0).reshape(B, DEPTH, T)


def kernel(X_in, ones):
    del ones
    return _one_hot(X_in.astype(jnp.int32))

# --- scband reference (transcript-rebuilt; emitter-appended) ---
"""Pipeline reference for scband-one-hot-83811991814153 (READ-ONLY COPY).

The authoritative reference and input builder live on the scoring server;
editing this copy changes nothing except your own understanding.
"""

import jax, jax.numpy as jnp
import numpy as np

DEPTH = 1000

def setup_inputs(seed: int = 0) -> dict:
    key = jax.random.key(seed)
    k1, = jax.random.split(key, 1)
    X_in = jax.random.randint(k1, (1024, 20), 0, DEPTH, dtype=jnp.int64 if jax.config.jax_enable_x64 else jnp.int32)
    ones = jnp.eye(DEPTH, dtype=jnp.float32)
    return {"X_in": X_in, "ones": ones}

def reference(X_in, ones):
    # Faithful translation of One_Hot.forward
    n_dim = X_in.ndim
    depth = ones.shape[0]
    output_size = tuple(X_in.shape) + (depth,)
    num_element = X_in.size
    flat = X_in.reshape(num_element).astype(jnp.int32)
    out = jnp.take(ones, flat, axis=0).reshape(output_size)
    # permute(0, -1, *range(1, n_dim))
    perm = (0, n_dim) + tuple(range(1, n_dim))
    out = jnp.transpose(out, perm)
    # torch squeeze(dim=2) is a no-op unless size 1
    if out.ndim > 2 and out.shape[2] == 1:
        out = jnp.squeeze(out, axis=2)
    return out.astype(jnp.float32)

if __name__ == "__main__":
    import jax
    _d = setup_inputs()
    print(jax.jit(kernel)(*tuple(_d.values())))

</pallas_src>

<mosaic_0001>
#map = affine_map<(d0, d1) -> (0)>
#map1 = affine_map<(d0, d1) -> (0, 0, 0, 0)>
#map2 = affine_map<(d0, d1) -> (0, 0, 0, 0, 0)>
module attributes {stable_mosaic.version = 14 : i64} {
  func.func @_sc_one_hot(%arg0: i32, %arg1: i32, %arg2: memref<20480xi32, #tpu.memory_space<hbm>>, %arg3: memref<4x8x8x128xf32, #tpu.memory_space<hbm>>, %arg4: memref<20x125x8x8x128xf32, #tpu.memory_space<hbm>>, %arg5: memref<20480xi32, #tpu.memory_space<vmem>>, %arg6: memref<2x4x8x8x128xf32, #tpu.memory_space<vmem>>, %arg7: memref<!tpu.dma_semaphore, #tpu.memory_space<semaphore_mem>>, %arg8: memref<!tpu.dma_semaphore, #tpu.memory_space<semaphore_mem>>) attributes {dimension_semantics = [#tpu.dimension_semantics<core_parallel>, #tpu.dimension_semantics<subcore_parallel>], iteration_bounds = array<i64: 2, 16>, scalar_prefetch = 0 : i64, scratch_operands = 4 : i64, tpu.core_type = #tpu.core_type<sc_vector_subcore>, window_params = [{transform_indices = #map}, {transform_indices = #map1}, {transform_indices = #map2}]} {
    %mul3A = arith.constant 2 : i32
    %mul3A_0 = arith.muli %arg1, %mul3A : i32
    %add3A = arith.addi %mul3A_0, %arg0 : i32
    %mul3A_1 = arith.constant 4 : i32
    %mul3A_2 = arith.muli %add3A, %mul3A_1 : i32
    %min3A = arith.constant 121 : i32
    %min3A_3 = arith.minsi %mul3A_2, %min3A : i32
    %mul3A_4 = arith.constant 8 : i32
    %mul3A_5 = arith.muli %min3A_3, %mul3A_4 : i32
    %dma_start3A = arith.constant 0 : i32
    %dma_start3A_6 = arith.constant 0 : i32
    %dma_start3A_7 = arith.constant 0 : i32
    %dma_start3A_8 = arith.constant 0 : i32
    %dma_start3A_9 = arith.constant 0 : i32
    %dma_start3A_10 = tpu.memref_slice %arg6[%dma_start3A, %dma_start3A_6, %dma_start3A_7, %dma_start3A_8, %dma_start3A_9] : memref<2x4x8x8x128xf32, #tpu.memory_space<vmem>> -> memref<1x4x8x8x128xf32, #tpu.memory_space<vmem>>
    %dma_start3A_11 = tpu.memref_squeeze %dma_start3A_10 : memref<1x4x8x8x128xf32, #tpu.memory_space<vmem>> -> memref<4x8x8x128xf32, #tpu.memory_space<vmem>>
    %dma_start3A_12 = arith.constant 0 : i32
    %dma_start3A_13 = arith.constant 0 : i32
    %dma_start3A_14 = arith.constant 0 : i32
    %dma_start3A_15 = arith.constant 0 : i32
    %dma_start3A_16 = tpu.memref_slice %arg6[%dma_start3A, %dma_start3A_12, %dma_start3A_13, %dma_start3A_14, %dma_start3A_15] : memref<2x4x8x8x128xf32, #tpu.memory_space<vmem>> -> memref<1x4x8x8x128xf32, #tpu.memory_space<vmem>>
    %dma_start3A_17 = tpu.memref_squeeze %dma_start3A_16 : memref<1x4x8x8x128xf32, #tpu.memory_space<vmem>> -> memref<4x8x8x128xf32, #tpu.memory_space<vmem>>
    tpu.enqueue_dma source(%arg3 : memref<4x8x8x128xf32, #tpu.memory_space<hbm>>) target(%dma_start3A_17 : memref<4x8x8x128xf32, #tpu.memory_space<vmem>>) target_semaphore(%arg7 : memref<!tpu.dma_semaphore, #tpu.memory_space<semaphore_mem>>)
    %dma_start3A_18 = arith.constant 1 : i32
    %dma_start3A_19 = arith.constant 0 : i32
    %dma_start3A_20 = arith.constant 0 : i32
    %dma_start3A_21 = arith.constant 0 : i32
    %dma_start3A_22 = arith.constant 0 : i32
    %dma_start3A_23 = tpu.memref_slice %arg6[%dma_start3A_18, %dma_start3A_19, %dma_start3A_20, %dma_start3A_21, %dma_start3A_22] : memref<2x4x8x8x128xf32, #tpu.memory_space<vmem>> -> memref<1x4x8x8x128xf32, #tpu.memory_space<vmem>>
    %dma_start3A_24 = tpu.memref_squeeze %dma_start3A_23 : memref<1x4x8x8x128xf32, #tpu.memory_space<vmem>> -> memref<4x8x8x128xf32, #tpu.memory_space<vmem>>
    %dma_start3A_25 = arith.constant 0 : i32
    %dma_start3A_26 = arith.constant 0 : i32
    %dma_start3A_27 = arith.constant 0 : i32
    %dma_start3A_28 = arith.constant 0 : i32
    %dma_start3A_29 = tpu.memref_slice %arg6[%dma_start3A_18, %dma_start3A_25, %dma_start3A_26, %dma_start3A_27, %dma_start3A_28] : memref<2x4x8x8x128xf32, #tpu.memory_space<vmem>> -> memref<1x4x8x8x128xf32, #tpu.memory_space<vmem>>
    %dma_start3A_30 = tpu.memref_squeeze %dma_start3A_29 : memref<1x4x8x8x128xf32, #tpu.memory_space<vmem>> -> memref<4x8x8x128xf32, #tpu.memory_space<vmem>>
    tpu.enqueue_dma source(%arg3 : memref<4x8x8x128xf32, #tpu.memory_space<hbm>>) target(%dma_start3A_30 : memref<4x8x8x128xf32, #tpu.memory_space<vmem>>) target_semaphore(%arg8 : memref<!tpu.dma_semaphore, #tpu.memory_space<semaphore_mem>>)
    "tpu.region"() ({
      %run_scoped3A = tpu.sem_alloc : memref<!tpu.dma_semaphore, #tpu.memory_space<semaphore_mem>>
      tpu.enqueue_dma source(%arg2 : memref<20480xi32, #tpu.memory_space<hbm>>) target(%arg5 : memref<20480xi32, #tpu.memory_space<vmem>>) target_semaphore(%run_scoped3A : memref<!tpu.dma_semaphore, #tpu.memory_space<semaphore_mem>>)
      tpu.wait_dma2 semaphore(%run_scoped3A : memref<!tpu.dma_semaphore, #tpu.memory_space<semaphore_mem>>) src(%arg2 : memref<20480xi32, #tpu.memory_space<hbm>>) dst(%arg5 : memref<20480xi32, #tpu.memory_space<vmem>>)
      tpu.yield
    }) : () -> ()
    %dma_wait3A = arith.constant 0 : i32
    %dma_wait3A_31 = arith.constant 0 : i32
    %dma_wait3A_32 = arith.constant 0 : i32
    %dma_wait3A_33 = arith.constant 0 : i32
    %dma_wait3A_34 = arith.constant 0 : i32
    %dma_wait3A_35 = tpu.memref_slice %arg6[%dma_wait3A, %dma_wait3A_31, %dma_wait3A_32, %dma_wait3A_33, %dma_wait3A_34] : memref<2x4x8x8x128xf32, #tpu.memory_space<vmem>> -> memref<1x4x8x8x128xf32, #tpu.memory_space<vmem>>
    %dma_wait3A_36 = tpu.memref_squeeze %dma_wait3A_35 : memref<1x4x8x8x128xf32, #tpu.memory_space<vmem>> -> memref<4x8x8x128xf32, #tpu.memory_space<vmem>>
    %dma_wait3A_37 = arith.constant 0 : i32
    %dma_wait3A_38 = arith.constant 0 : i32
    %dma_wait3A_39 = arith.constant 0 : i32
    %dma_wait3A_40 = arith.constant 0 : i32
    %dma_wait3A_41 = tpu.memref_slice %arg6[%dma_wait3A, %dma_wait3A_37, %dma_wait3A_38, %dma_wait3A_39, %dma_wait3A_40] : memref<2x4x8x8x128xf32, #tpu.memory_space<vmem>> -> memref<1x4x8x8x128xf32, #tpu.memory_space<vmem>>
    %dma_wait3A_42 = tpu.memref_squeeze %dma_wait3A_41 : memref<1x4x8x8x128xf32, #tpu.memory_space<vmem>> -> memref<4x8x8x128xf32, #tpu.memory_space<vmem>>
    tpu.wait_dma2 semaphore(%arg7 : memref<!tpu.dma_semaphore, #tpu.memory_space<semaphore_mem>>) src(%arg3 : memref<4x8x8x128xf32, #tpu.memory_space<hbm>>) dst(%dma_wait3A_42 : memref<4x8x8x128xf32, #tpu.memory_space<vmem>>)
    %dma_wait3A_43 = arith.constant 1 : i32
    %dma_wait3A_44 = arith.constant 0 : i32
    %dma_wait3A_45 = arith.constant 0 : i32
    %dma_wait3A_46 = arith.constant 0 : i32
    %dma_wait3A_47 = arith.constant 0 : i32
    %dma_wait3A_48 = tpu.memref_slice %arg6[%dma_wait3A_43, %dma_wait3A_44, %dma_wait3A_45, %dma_wait3A_46, %dma_wait3A_47] : memref<2x4x8x8x128xf32, #tpu.memory_space<vmem>> -> memref<1x4x8x8x128xf32, #tpu.memory_space<vmem>>
    %dma_wait3A_49 = tpu.memref_squeeze %dma_wait3A_48 : memref<1x4x8x8x128xf32, #tpu.memory_space<vmem>> -> memref<4x8x8x128xf32, #tpu.memory_space<vmem>>
    %dma_wait3A_50 = arith.constant 0 : i32
    %dma_wait3A_51 = arith.constant 0 : i32
    %dma_wait3A_52 = arith.constant 0 : i32
    %dma_wait3A_53 = arith.constant 0 : i32
    %dma_wait3A_54 = tpu.memref_slice %arg6[%dma_wait3A_43, %dma_wait3A_50, %dma_wait3A_51, %dma_wait3A_52, %dma_wait3A_53] : memref<2x4x8x8x128xf32, #tpu.memory_space<vmem>> -> memref<1x4x8x8x128xf32, #tpu.memory_space<vmem>>
    %dma_wait3A_55 = tpu.memref_squeeze %dma_wait3A_54 : memref<1x4x8x8x128xf32, #tpu.memory_space<vmem>> -> memref<4x8x8x128xf32, #tpu.memory_space<vmem>>
    tpu.wait_dma2 semaphore(%arg8 : memref<!tpu.dma_semaphore, #tpu.memory_space<semaphore_mem>>) src(%arg3 : memref<4x8x8x128xf32, #tpu.memory_space<hbm>>) dst(%dma_wait3A_55 : memref<4x8x8x128xf32, #tpu.memory_space<vmem>>)
    %iota3A = tpu.iota {dimensions = array<i32: 0>} : vector<16xi32>
    %mul3A_56 = arith.constant 20 : i32
    %mul3A_57 = vector.broadcast %mul3A_56 : i32 to vector<16xi32>
    %mul3A_58 = arith.muli %iota3A, %mul3A_57 : vector<16xi32>
    %broadcast_in_dim3A = arith.constant 1.000000e+00 : f32
    %broadcast_in_dim3A_59 = vector.broadcast %broadcast_in_dim3A : f32 to vector<16xf32>
    %broadcast_in_dim3A_60 = arith.constant 0.000000e+00 : f32
    %broadcast_in_dim3A_61 = vector.broadcast %broadcast_in_dim3A_60 : f32 to vector<16xf32>
    %broadcast_in_dim3A_62 = arith.constant 0 : i32
    %broadcast_in_dim3A_63 = vector.broadcast %broadcast_in_dim3A_62 : i32 to vector<16xi32>
    %scan3A = arith.constant 0 : i32
    %scan3A_64 = arith.constant 0 : i32
    %scan3A_65 = arith.constant 64 : i32
    %scan3A_66 = arith.addi %scan3A_64, %scan3A_65 : i32
    %scan3A_67 = arith.constant 1 : i32
    scf.for %scan3A_1325 = %scan3A_64 to %scan3A_66 step %scan3A_67  : i32 {
      %mul3A_1326 = arith.constant 16 : i32
      %mul3A_1327 = arith.muli %scan3A_1325, %mul3A_1326 : i32
      %mul3A_1328 = arith.constant 20 : i32
      %mul3A_1329 = arith.muli %mul3A_1327, %mul3A_1328 : i32
      %add3A_1330 = arith.constant 0 : i32
      %add3A_1331 = arith.addi %mul3A_1329, %add3A_1330 : i32
      %add3A_1332 = vector.broadcast %add3A_1331 : i32 to vector<16xi32>
      %add3A_1333 = arith.addi %mul3A_58, %add3A_1332 : vector<16xi32>
      %gather3A = tpu.vector_load_idx %arg5[%add3A_1333] : memref<20480xi32, #tpu.memory_space<vmem>>[vector<16xi32>], vector<16xi32>,
      %sub3A = vector.broadcast %mul3A_5 : i32 to vector<16xi32>
      %sub3A_1334 = arith.subi %gather3A, %sub3A : vector<16xi32>
      %bitcast3A = vector.bitcast %sub3A_1334 : vector<16xi32> to vector<16xi32>
      %lt3A = arith.constant 32 : i32
      %lt3A_1335 = vector.broadcast %lt3A : i32 to vector<16xi32>
      %lt3A_1336 = arith.cmpi ult, %bitcast3A, %lt3A_1335 : vector<16xi32>
      %shift_right_arithmetic3A = arith.constant 3 : i32
      %shift_right_arithmetic3A_1337 = vector.broadcast %shift_right_arithmetic3A : i32 to vector<16xi32>
      %shift_right_arithmetic3A_1338 = arith.shrsi %sub3A_1334, %shift_right_arithmetic3A_1337 : vector<16xi32>
      %and3A = arith.constant 7 : i32
      %and3A_1339 = vector.broadcast %and3A : i32 to vector<16xi32>
      %and3A_1340 = arith.andi %sub3A_1334, %and3A_1339 : vector<16xi32>
      %shift_right_logical3A = arith.constant 3 : i32
      %shift_right_logical3A_1341 = arith.shrui %scan3A_1325, %shift_right_logical3A : i32
      %broadcast_in_dim3A_1342 = vector.broadcast %shift_right_logical3A_1341 : i32 to vector<16xi32>
      %and3A_1343 = arith.constant 127 : i32
      %and3A_1344 = arith.andi %mul3A_1327, %and3A_1343 : i32
      %add3A_1345 = vector.broadcast %and3A_1344 : i32 to vector<16xi32>
      %add3A_1346 = arith.addi %iota3A, %add3A_1345 : vector<16xi32>
      tpu.vector_store_idx %arg6[%broadcast_in_dim3A_63, %shift_right_arithmetic3A_1338, %broadcast_in_dim3A_1342, %and3A_1340, %add3A_1346], %broadcast_in_dim3A_59 masked %lt3A_1336 : memref<2x4x8x8x128xf32, #tpu.memory_space<vmem>>[vector<16xi32>, vector<16xi32>, vector<16xi32>, vector<16xi32>, vector<16xi32>], vector<16xf32>, vector<16xi1>
    }
    %scan3A_68 = arith.constant 64 : i32
    %dma_start3A_69 = arith.constant 0 : i32
    %dma_start3A_70 = arith.constant 0 : i32
    %dma_start3A_71 = arith.constant 0 : i32
    %dma_start3A_72 = arith.constant 0 : i32
    %dma_start3A_73 = arith.constant 0 : i32
    %dma_start3A_74 = arith.constant 0 : i32
    %dma_start3A_75 = tpu.memref_slice %arg6[%dma_start3A_69, %dma_start3A_71, %dma_start3A_72, %dma_start3A_73, %dma_start3A_74] : memref<2x4x8x8x128xf32, #tpu.memory_space<vmem>> -> memref<1x4x8x8x128xf32, #tpu.memory_space<vmem>>
    %dma_start3A_76 = tpu.memref_squeeze %dma_start3A_75 : memref<1x4x8x8x128xf32, #tpu.memory_space<vmem>> -> memref<4x8x8x128xf32, #tpu.memory_space<vmem>>
    %dma_start3A_77 = arith.constant 0 : i32
    %dma_start3A_78 = arith.constant 0 : i32
    %dma_start3A_79 = arith.constant 0 : i32
    %dma_start3A_80 = tpu.memref_slice %arg4[%dma_start3A_70, %min3A_3, %dma_start3A_77, %dma_start3A_78, %dma_start3A_79] : memref<20x125x8x8x128xf32, #tpu.memory_space<hbm>> -> memref<1x4x8x8x128xf32, #tpu.memory_space<hbm>>
    %dma_start3A_81 = tpu.memref_squeeze %dma_start3A_80 : memref<1x4x8x8x128xf32, #tpu.memory_space<hbm>> -> memref<4x8x8x128xf32, #tpu.memory_space<hbm>>
    %dma_start3A_82 = arith.constant 0 : i32
    %dma_start3A_83 = arith.constant 0 : i32
    %dma_start3A_84 = arith.constant 0 : i32
    %dma_start3A_85 = tpu.memref_slice %arg4[%dma_start3A_70, %min3A_3, %dma_start3A_82, %dma_start3A_83, %dma_start3A_84] : memref<20x125x8x8x128xf32, #tpu.memory_space<hbm>> -> memref<1x4x8x8x128xf32, #tpu.memory_space<hbm>>
    %dma_start3A_86 = tpu.memref_squeeze %dma_start3A_85 : memref<1x4x8x8x128xf32, #tpu.memory_space<hbm>> -> memref<4x8x8x128xf32, #tpu.memory_space<hbm>>
    %dma_start3A_87 = arith.constant 0 : i32
    %dma_start3A_88 = arith.constant 0 : i32
    %dma_start3A_89 = arith.constant 0 : i32
    %dma_start3A_90 = arith.constant 0 : i32
    %dma_start3A_91 = tpu.memref_slice %arg6[%dma_start3A_69, %dma_start3A_87, %dma_start3A_88, %dma_start3A_89, %dma_start3A_90] : memref<2x4x8x8x128xf32, #tpu.memory_space<vmem>> -> memref<1x4x8x8x128xf32, #tpu.memory_space<vmem>>
    %dma_start3A_92 = tpu.memref_squeeze %dma_start3A_91 : memref<1x4x8x8x128xf32, #tpu.memory_space<vmem>> -> memref<4x8x8x128xf32, #tpu.memory_space<vmem>>
    tpu.enqueue_dma source(%dma_start3A_92 : memref<4x8x8x128xf32, #tpu.memory_space<vmem>>) target(%dma_start3A_86 : memref<4x8x8x128xf32, #tpu.memory_space<hbm>>) target_semaphore(%arg7 : memref<!tpu.dma_semaphore, #tpu.memory_space<semaphore_mem>>)
    %broadcast_in_dim3A_93 = arith.constant 1 : i32
    %broadcast_in_dim3A_94 = vector.broadcast %broadcast_in_dim3A_93 : i32 to vector<16xi32>
    %scan3A_95 = arith.constant 0 : i32
    %scan3A_96 = arith.constant 0 : i32
    %scan3A_97 = arith.constant 64 : i32
    %scan3A_98 = arith.addi %scan3A_96, %scan3A_97 : i32
    %scan3A_99 = arith.constant 1 : i32
    scf.for %scan3A_1325 = %scan3A_96 to %scan3A_98 step %scan3A_99  : i32 {
      %mul3A_1326 = arith.constant 16 : i32
      %mul3A_1327 = arith.muli %scan3A_1325, %mul3A_1326 : i32
      %mul3A_1328 = arith.constant 20 : i32
      %mul3A_1329 = arith.muli %mul3A_1327, %mul3A_1328 : i32
      %add3A_1330 = arith.constant 1 : i32
      %add3A_1331 = arith.addi %mul3A_1329, %add3A_1330 : i32
      %add3A_1332 = vector.broadcast %add3A_1331 : i32 to vector<16xi32>
      %add3A_1333 = arith.addi %mul3A_58, %add3A_1332 : vector<16xi32>
      %gather3A = tpu.vector_load_idx %arg5[%add3A_1333] : memref<20480xi32, #tpu.memory_space<vmem>>[vector<16xi32>], vector<16xi32>,
      %sub3A = vector.broadcast %mul3A_5 : i32 to vector<16xi32>
      %sub3A_1334 = arith.subi %gather3A, %sub3A : vector<16xi32>
      %bitcast3A = vector.bitcast %sub3A_1334 : vector<16xi32> to vector<16xi32>
      %lt3A = arith.constant 32 : i32
      %lt3A_1335 = vector.broadcast %lt3A : i32 to vector<16xi32>
      %lt3A_1336 = arith.cmpi ult, %bitcast3A, %lt3A_1335 : vector<16xi32>
      %shift_right_arithmetic3A = arith.constant 3 : i32
      %shift_right_arithmetic3A_1337 = vector.broadcast %shift_right_arithmetic3A : i32 to vector<16xi32>
      %shift_right_arithmetic3A_1338 = arith.shrsi %sub3A_1334, %shift_right_arithmetic3A_1337 : vector<16xi32>
      %and3A = arith.constant 7 : i32
      %and3A_1339 = vector.broadcast %and3A : i32 to vector<16xi32>
      %and3A_1340 = arith.andi %sub3A_1334, %and3A_1339 : vector<16xi32>
      %shift_right_logical3A = arith.constant 3 : i32
      %shift_right_logical3A_1341 = arith.shrui %scan3A_1325, %shift_right_logical3A : i32
      %broadcast_in_dim3A_1342 = vector.broadcast %shift_right_logical3A_1341 : i32 to vector<16xi32>
      %and3A_1343 = arith.constant 127 : i32
      %and3A_1344 = arith.andi %mul3A_1327, %and3A_1343 : i32
      %add3A_1345 = vector.broadcast %and3A_1344 : i32 to vector<16xi32>
      %add3A_1346 = arith.addi %iota3A, %add3A_1345 : vector<16xi32>
      tpu.vector_store_idx %arg6[%broadcast_in_dim3A_94, %shift_right_arithmetic3A_1338, %broadcast_in_dim3A_1342, %and3A_1340, %add3A_1346], %broadcast_in_dim3A_59 masked %lt3A_1336 : memref<2x4x8x8x128xf32, #tpu.memory_space<vmem>>[vector<16xi32>, vector<16xi32>, vector<16xi32>, vector<16xi32>, vector<16xi32>], vector<16xf32>, vector<16xi1>
    }
    %scan3A_100 = arith.constant 64 : i32
    %dma_start3A_101 = arith.constant 1 : i32
    %dma_start3A_102 = arith.constant 1 : i32
    %dma_start3A_103 = arith.constant 0 : i32
    %dma_start3A_104 = arith.constant 0 : i32
    %dma_start3A_105 = arith.constant 0 : i32
    %dma_start3A_106 = arith.constant 0 : i32
    %dma_start3A_107 = tpu.memref_slice %arg6[%dma_start3A_101, %dma_start3A_103, %dma_start3A_104, %dma_start3A_105, %dma_start3A_106] : memref<2x4x8x8x128xf32, #tpu.memory_space<vmem>> -> memref<1x4x8x8x128xf32, #tpu.memory_space<vmem>>
    %dma_start3A_108 = tpu.memref_squeeze %dma_start3A_107 : memref<1x4x8x8x128xf32, #tpu.memory_space<vmem>> -> memref<4x8x8x128xf32, #tpu.memory_space<vmem>>
    %dma_start3A_109 = arith.constant 0 : i32
    %dma_start3A_110 = arith.constant 0 : i32
    %dma_start3A_111 = arith.constant 0 : i32
    %dma_start3A_112 = tpu.memref_slice %arg4[%dma_start3A_102, %min3A_3, %dma_start3A_109, %dma_start3A_110, %dma_start3A_111] : memref<20x125x8x8x128xf32, #tpu.memory_space<hbm>> -> memref<1x4x8x8x128xf32, #tpu.memory_space<hbm>>
    %dma_start3A_113 = tpu.memref_squeeze %dma_start3A_112 : memref<1x4x8x8x128xf32, #tpu.memory_space<hbm>> -> memref<4x8x8x128xf32, #tpu.memory_space<hbm>>
    %dma_start3A_114 = arith.constant 0 : i32
    %dma_start3A_115 = arith.constant 0 : i32
    %dma_start3A_116 = arith.constant 0 : i32
    %dma_start3A_117 = tpu.memref_slice %arg4[%dma_start3A_102, %min3A_3, %dma_start3A_114, %dma_start3A_115, %dma_start3A_116] : memref<20x125x8x8x128xf32, #tpu.memory_space<hbm>> -> memref<1x4x8x8x128xf32, #tpu.memory_space<hbm>>
    %dma_start3A_118 = tpu.memref_squeeze %dma_start3A_117 : memref<1x4x8x8x128xf32, #tpu.memory_space<hbm>> -> memref<4x8x8x128xf32, #tpu.memory_space<hbm>>
    %dma_start3A_119 = arith.constant 0 : i32
    %dma_start3A_120 = arith.constant 0 : i32
    %dma_start3A_121 = arith.constant 0 : i32
    %dma_start3A_122 = arith.constant 0 : i32
    %dma_start3A_123 = tpu.memref_slice %arg6[%dma_start3A_101, %dma_start3A_119, %dma_start3A_120, %dma_start3A_121, %dma_start3A_122] : memref<2x4x8x8x128xf32, #tpu.memory_space<vmem>> -> memref<1x4x8x8x128xf32, #tpu.memory_space<vmem>>
    %dma_start3A_124 = tpu.memref_squeeze %dma_start3A_123 : memref<1x4x8x8x128xf32, #tpu.memory_space<vmem>> -> memref<4x8x8x128xf32, #tpu.memory_space<vmem>>
    tpu.enqueue_dma source(%dma_start3A_124 : memref<4x8x8x128xf32, #tpu.memory_space<vmem>>) target(%dma_start3A_118 : memref<4x8x8x128xf32, #tpu.memory_space<hbm>>) target_semaphore(%arg8 : memref<!tpu.dma_semaphore, #tpu.memory_space<semaphore_mem>>)
    %dma_wait3A_125 = arith.constant 0 : i32
    %dma_wait3A_126 = arith.constant 0 : i32
    %dma_wait3A_127 = arith.constant 0 : i32
    %dma_wait3A_128 = arith.constant 0 : i32
    %dma_wait3A_129 = arith.constant 0 : i32
    %dma_wait3A_130 = arith.constant 0 : i32
    %dma_wait3A_131 = tpu.memref_slice %arg6[%dma_wait3A_125, %dma_wait3A_127, %dma_wait3A_128, %dma_wait3A_129, %dma_wait3A_130] : memref<2x4x8x8x128xf32, #tpu.memory_space<vmem>> -> memref<1x4x8x8x128xf32, #tpu.memory_space<vmem>>
    %dma_wait3A_132 = tpu.memref_squeeze %dma_wait3A_131 : memref<1x4x8x8x128xf32, #tpu.memory_space<vmem>> -> memref<4x8x8x128xf32, #tpu.memory_space<vmem>>
    %dma_wait3A_133 = arith.constant 0 : i32
    %dma_wait3A_134 = arith.constant 0 : i32
    %dma_wait3A_135 = arith.constant 0 : i32
    %dma_wait3A_136 = tpu.memref_slice %arg4[%dma_wait3A_126, %min3A_3, %dma_wait3A_133, %dma_wait3A_134, %dma_wait3A_135] : memref<20x125x8x8x128xf32, #tpu.memory_space<hbm>> -> memref<1x4x8x8x128xf32, #tpu.memory_space<hbm>>
    %dma_wait3A_137 = tpu.memref_squeeze %dma_wait3A_136 : memref<1x4x8x8x128xf32, #tpu.memory_space<hbm>> -> memref<4x8x8x128xf32, #tpu.memory_space<hbm>>
    %dma_wait3A_138 = arith.constant 0 : i32
    %dma_wait3A_139 = arith.constant 0 : i32
    %dma_wait3A_140 = arith.constant 0 : i32
    %dma_wait3A_141 = tpu.memref_slice %arg4[%dma_wait3A_126, %min3A_3, %dma_wait3A_138, %dma_wait3A_139, %dma_wait3A_140] : memref<20x125x8x8x128xf32, #tpu.memory_space<hbm>> -> memref<1x4x8x8x128xf32, #tpu.memory_space<hbm>>
    %dma_wait3A_142 = tpu.memref_squeeze %dma_wait3A_141 : memref<1x4x8x8x128xf32, #tpu.memory_space<hbm>> -> memref<4x8x8x128xf32, #tpu.memory_space<hbm>>
    %dma_wait3A_143 = arith.constant 0 : i32
    %dma_wait3A_144 = arith.constant 0 : i32
    %dma_wait3A_145 = arith.constant 0 : i32
    %dma_wait3A_146 = arith.constant 0 : i32
    %dma_wait3A_147 = tpu.memref_slice %arg6[%dma_wait3A_125, %dma_wait3A_143, %dma_wait3A_144, %dma_wait3A_145, %dma_wait3A_146] : memref<2x4x8x8x128xf32, #tpu.memory_space<vmem>> -> memref<1x4x8x8x128xf32, #tpu.memory_space<vmem>>
    %dma_wait3A_148 = tpu.memref_squeeze %dma_wait3A_147 : memref<1x4x8x8x128xf32, #tpu.memory_space<vmem>> -> memref<4x8x8x128xf32, #tpu.memory_space<vmem>>
    tpu.wait_dma2 semaphore(%arg7 : memref<!tpu.dma_semaphore, #tpu.memory_space<semaphore_mem>>) src(%dma_wait3A_148 : memref<4x8x8x128xf32, #tpu.memory_space<vmem>>) dst(%dma_wait3A_142 : memref<4x8x8x128xf32, #tpu.memory_space<hbm>>)
    %broadcast_in_dim3A_149 = arith.constant 0 : i32
    %broadcast_in_dim3A_150 = vector.broadcast %broadcast_in_dim3A_149 : i32 to vector<16xi32>
    %scan3A_151 = arith.constant 0 : i32
    %scan3A_152 = arith.constant 0 : i32
    %scan3A_153 = arith.constant 64 : i32
    %scan3A_154 = arith.addi %scan3A_152, %scan3A_153 : i32
    %scan3A_155 = arith.constant 1 : i32
    scf.for %scan3A_1325 = %scan3A_152 to %scan3A_154 step %scan3A_155  : i32 {
      %mul3A_1326 = arith.constant 16 : i32
      %mul3A_1327 = arith.muli %scan3A_1325, %mul3A_1326 : i32
      %mul3A_1328 = arith.constant 20 : i32
      %mul3A_1329 = arith.muli %mul3A_1327, %mul3A_1328 : i32
      %add3A_1330 = arith.constant 0 : i32
      %add3A_1331 = arith.addi %mul3A_1329, %add3A_1330 : i32
      %add3A_1332 = vector.broadcast %add3A_1331 : i32 to vector<16xi32>
      %add3A_1333 = arith.addi %mul3A_58, %add3A_1332 : vector<16xi32>
      %gather3A = tpu.vector_load_idx %arg5[%add3A_1333] : memref<20480xi32, #tpu.memory_space<vmem>>[vector<16xi32>], vector<16xi32>,
      %sub3A = vector.broadcast %mul3A_5 : i32 to vector<16xi32>
      %sub3A_1334 = arith.subi %gather3A, %sub3A : vector<16xi32>
      %bitcast3A = vector.bitcast %sub3A_1334 : vector<16xi32> to vector<16xi32>
      %lt3A = arith.constant 32 : i32
      %lt3A_1335 = vector.broadcast %lt3A : i32 to vector<16xi32>
      %lt3A_1336 = arith.cmpi ult, %bitcast3A, %lt3A_1335 : vector<16xi32>
      %shift_right_arithmetic3A = arith.constant 3 : i32
      %shift_right_arithmetic3A_1337 = vector.broadcast %shift_right_arithmetic3A : i32 to vector<16xi32>
      %shift_right_arithmetic3A_1338 = arith.shrsi %sub3A_1334, %shift_right_arithmetic3A_1337 : vector<16xi32>
      %and3A = arith.constant 7 : i32
      %and3A_1339 = vector.broadcast %and3A : i32 to vector<16xi32>
      %and3A_1340 = arith.andi %sub3A_1334, %and3A_1339 : vector<16xi32>
      %shift_right_logical3A = arith.constant 3 : i32
      %shift_right_logical3A_1341 = arith.shrui %scan3A_1325, %shift_right_logical3A : i32
      %broadcast_in_dim3A_1342 = vector.broadcast %shift_right_logical3A_1341 : i32 to vector<16xi32>
      %and3A_1343 = arith.constant 127 : i32
      %and3A_1344 = arith.andi %mul3A_1327, %and3A_1343 : i32
      %add3A_1345 = vector.broadcast %and3A_1344 : i32 to vector<16xi32>
      %add3A_1346 = arith.addi %iota3A, %add3A_1345 : vector<16xi32>
      tpu.vector_store_idx %arg6[%broadcast_in_dim3A_150, %shift_right_arithmetic3A_1338, %broadcast_in_dim3A_1342, %and3A_1340, %add3A_1346], %broadcast_in_dim3A_61 masked %lt3A_1336 : memref<2x4x8x8x128xf32, #tpu.memory_space<vmem>>[vector<16xi32>, vector<16xi32>, vector<16xi32>, vector<16xi32>, vector<16xi32>], vector<16xf32>, vector<16xi1>
    }
    %scan3A_156 = arith.constant 64 : i32
    %broadcast_in_dim3A_157 = arith.constant 0 : i32
    %broadcast_in_dim3A_158 = vector.broadcast %broadcast_in_dim3A_157 : i32 to vector<16xi32>
    %scan3A_159 = arith.constant 0 : i32
    %scan3A_160 = arith.constant 0 : i32
    %scan3A_161 = arith.constant 64 : i32
    %scan3A_162 = arith.addi %scan3A_160, %scan3A_161 : i32
    %scan3A_163 = arith.constant 1 : i32
    scf.for %scan3A_1325 = %scan3A_160 to %scan3A_162 step %scan3A_163  : i32 {
      %mul3A_1326 = arith.constant 16 : i32
      %mul3A_1327 = arith.muli %scan3A_1325, %mul3A_1326 : i32
      %mul3A_1328 = arith.constant 20 : i32
      %mul3A_1329 = arith.muli %mul3A_1327, %mul3A_1328 : i32
      %add3A_1330 = arith.constant 2 : i32
      %add3A_1331 = arith.addi %mul3A_1329, %add3A_1330 : i32
      %add3A_1332 = vector.broadcast %add3A_1331 : i32 to vector<16xi32>
      %add3A_1333 = arith.addi %mul3A_58, %add3A_1332 : vector<16xi32>
      %gather3A = tpu.vector_load_idx %arg5[%add3A_1333] : memref<20480xi32, #tpu.memory_space<vmem>>[vector<16xi32>], vector<16xi32>,
      %sub3A = vector.broadcast %mul3A_5 : i32 to vector<16xi32>
      %sub3A_1334 = arith.subi %gather3A, %sub3A : vector<16xi32>
      %bitcast3A = vector.bitcast %sub3A_1334 : vector<16xi32> to vector<16xi32>
      %lt3A = arith.constant 32 : i32
      %lt3A_1335 = vector.broadcast %lt3A : i32 to vector<16xi32>
      %lt3A_1336 = arith.cmpi ult, %bitcast3A, %lt3A_1335 : vector<16xi32>
      %shift_right_arithmetic3A = arith.constant 3 : i32
      %shift_right_arithmetic3A_1337 = vector.broadcast %shift_right_arithmetic3A : i32 to vector<16xi32>
      %shift_right_arithmetic3A_1338 = arith.shrsi %sub3A_1334, %shift_right_arithmetic3A_1337 : vector<16xi32>
      %and3A = arith.constant 7 : i32
      %and3A_1339 = vector.broadcast %and3A : i32 to vector<16xi32>
      %and3A_1340 = arith.andi %sub3A_1334, %and3A_1339 : vector<16xi32>
      %shift_right_logical3A = arith.constant 3 : i32
      %shift_right_logical3A_1341 = arith.shrui %scan3A_1325, %shift_right_logical3A : i32
      %broadcast_in_dim3A_1342 = vector.broadcast %shift_right_logical3A_1341 : i32 to vector<16xi32>
      %and3A_1343 = arith.constant 127 : i32
      %and3A_1344 = arith.andi %mul3A_1327, %and3A_1343 : i32
      %add3A_1345 = vector.broadcast %and3A_1344 : i32 to vector<16xi32>
      %add3A_1346 = arith.addi %iota3A, %add3A_1345 : vector<16xi32>
      tpu.vector_store_idx %arg6[%broadcast_in_dim3A_158, %shift_right_arithmetic3A_1338, %broadcast_in_dim3A_1342, %and3A_1340, %add3A_1346], %broadcast_in_dim3A_59 masked %lt3A_1336 : memref<2x4x8x8x128xf32, #tpu.memory_space<vmem>>[vector<16xi32>, vector<16xi32>, vector<16xi32>, vector<16xi32>, vector<16xi32>], vector<16xf32>, vector<16xi1>
    }
    %scan3A_164 = arith.constant 64 : i32
    %dma_start3A_165 = arith.constant 0 : i32
    %dma_start3A_166 = arith.constant 2 : i32
    %dma_start3A_167 = arith.constant 0 : i32
    %dma_start3A_168 = arith.constant 0 : i32
    %dma_start3A_169 = arith.constant 0 : i32
    %dma_start3A_170 = arith.constant 0 : i32
    %dma_start3A_171 = tpu.memref_slice %arg6[%dma_start3A_165, %dma_start3A_167, %dma_start3A_168, %dma_start3A_169, %dma_start3A_170] : memref<2x4x8x8x128xf32, #tpu.memory_space<vmem>> -> memref<1x4x8x8x128xf32, #tpu.memory_space<vmem>>
    %dma_start3A_172 = tpu.memref_squeeze %dma_start3A_171 : memref<1x4x8x8x128xf32, #tpu.memory_space<vmem>> -> memref<4x8x8x128xf32, #tpu.memory_space<vmem>>
    %dma_start3A_173 = arith.constant 0 : i32
    %dma_start3A_174 = arith.constant 0 : i32
    %dma_start3A_175 = arith.constant 0 : i32
    %dma_start3A_176 = tpu.memref_slice %arg4[%dma_start3A_166, %min3A_3, %dma_start3A_173, %dma_start3A_174, %dma_start3A_175] : memref<20x125x8x8x128xf32, #tpu.memory_space<hbm>> -> memref<1x4x8x8x128xf32, #tpu.memory_space<hbm>>
    %dma_start3A_177 = tpu.memref_squeeze %dma_start3A_176 : memref<1x4x8x8x128xf32, #tpu.memory_space<hbm>> -> memref<4x8x8x128xf32, #tpu.memory_space<hbm>>
    %dma_start3A_178 = arith.constant 0 : i32
    %dma_start3A_179 = arith.constant 0 : i32
    %dma_start3A_180 = arith.constant 0 : i32
    %dma_start3A_181 = tpu.memref_slice %arg4[%dma_start3A_166, %min3A_3, %dma_start3A_178, %dma_start3A_179, %dma_start3A_180] : memref<20x125x8x8x128xf32, #tpu.memory_space<hbm>> -> memref<1x4x8x8x128xf32, #tpu.memory_space<hbm>>
    %dma_start3A_182 = tpu.memref_squeeze %dma_start3A_181 : memref<1x4x8x8x128xf32, #tpu.memory_space<hbm>> -> memref<4x8x8x128xf32, #tpu.memory_space<hbm>>
    %dma_start3A_183 = arith.constant 0 : i32
    %dma_start3A_184 = arith.constant 0 : i32
    %dma_start3A_185 = arith.constant 0 : i32
    %dma_start3A_186 = arith.constant 0 : i32
    %dma_start3A_187 = tpu.memref_slice %arg6[%dma_start3A_165, %dma_start3A_183, %dma_start3A_184, %dma_start3A_185, %dma_start3A_186] : memref<2x4x8x8x128xf32, #tpu.memory_space<vmem>> -> memref<1x4x8x8x128xf32, #tpu.memory_space<vmem>>
    %dma_start3A_188 = tpu.memref_squeeze %dma_start3A_187 : memref<1x4x8x8x128xf32, #tpu.memory_space<vmem>> -> memref<4x8x8x128xf32, #tpu.memory_space<vmem>>
    tpu.enqueue_dma source(%dma_start3A_188 : memref<4x8x8x128xf32, #tpu.memory_space<vmem>>) target(%dma_start3A_182 : memref<4x8x8x128xf32, #tpu.memory_space<hbm>>) target_semaphore(%arg7 : memref<!tpu.dma_semaphore, #tpu.memory_space<semaphore_mem>>)
    %dma_wait3A_189 = arith.constant 1 : i32
    %dma_wait3A_190 = arith.constant 1 : i32
    %dma_wait3A_191 = arith.constant 0 : i32
    %dma_wait3A_192 = arith.constant 0 : i32
    %dma_wait3A_193 = arith.constant 0 : i32
    %dma_wait3A_194 = arith.constant 0 : i32
    %dma_wait3A_195 = tpu.memref_slice %arg6[%dma_wait3A_189, %dma_wait3A_191, %dma_wait3A_192, %dma_wait3A_193, %dma_wait3A_194] : memref<2x4x8x8x128xf32, #tpu.memory_space<vmem>> -> memref<1x4x8x8x128xf32, #tpu.memory_space<vmem>>
    %dma_wait3A_196 = tpu.memref_squeeze %dma_wait3A_195 : memref<1x4x8x8x128xf32, #tpu.memory_space<vmem>> -> memref<4x8x8x128xf32, #tpu.memory_space<vmem>>
    %dma_wait3A_197 = arith.constant 0 : i32
    %dma_wait3A_198 = arith.constant 0 : i32
    %dma_wait3A_199 = arith.constant 0 : i32
    %dma_wait3A_200 = tpu.memref_slice %arg4[%dma_wait3A_190, %min3A_3, %dma_wait3A_197, %dma_wait3A_198, %dma_wait3A_199] : memref<20x125x8x8x128xf32, #tpu.memory_space<hbm>> -> memref<1x4x8x8x128xf32, #tpu.memory_space<hbm>>
    %dma_wait3A_201 = tpu.memref_squeeze %dma_wait3A_200 : memref<1x4x8x8x128xf32, #tpu.memory_space<hbm>> -> memref<4x8x8x128xf32, #tpu.memory_space<hbm>>
    %dma_wait3A_202 = arith.constant 0 : i32
    %dma_wait3A_203 = arith.constant 0 : i32
    %dma_wait3A_204 = arith.constant 0 : i32
    %dma_wait3A_205 = tpu.memref_slice %arg4[%dma_wait3A_190, %min3A_3, %dma_wait3A_202, %dma_wait3A_203, %dma_wait3A_204] : memref<20x125x8x8x128xf32, #tpu.memory_space<hbm>> -> memref<1x4x8x8x128xf32, #tpu.memory_space<hbm>>
    %dma_wait3A_206 = tpu.memref_squeeze %dma_wait3A_205 : memref<1x4x8x8x128xf32, #tpu.memory_space<hbm>> -> memref<4x8x8x128xf32, #tpu.memory_space<hbm>>
    %dma_wait3A_207 = arith.constant 0 : i32
    %dma_wait3A_208 = arith.constant 0 : i32
    %dma_wait3A_209 = arith.constant 0 : i32
    %dma_wait3A_210 = arith.constant 0 : i32
    %dma_wait3A_211 = tpu.memref_slice %arg6[%dma_wait3A_189, %dma_wait3A_207, %dma_wait3A_208, %dma_wait3A_209, %dma_wait3A_210] : memref<2x4x8x8x128xf32, #tpu.memory_space<vmem>> -> memref<1x4x8x8x128xf32, #tpu.memory_space<vmem>>
    %dma_wait3A_212 = tpu.memref_squeeze %dma_wait3A_211 : memref<1x4x8x8x128xf32, #tpu.memory_space<vmem>> -> memref<4x8x8x128xf32, #tpu.memory_space<vmem>>
    tpu.wait_dma2 semaphore(%arg8 : memref<!tpu.dma_semaphore, #tpu.memory_space<semaphore_mem>>) src(%dma_wait3A_212 : memref<4x8x8x128xf32, #tpu.memory_space<vmem>>) dst(%dma_wait3A_206 : memref<4x8x8x128xf32, #tpu.memory_space<hbm>>)
    %broadcast_in_dim3A_213 = arith.constant 1 : i32
    %broadcast_in_dim3A_214 = vector.broadcast %broadcast_in_dim3A_213 : i32 to vector<16xi32>
    %scan3A_215 = arith.constant 0 : i32
    %scan3A_216 = arith.constant 0 : i32
    %scan3A_217 = arith.constant 64 : i32
    %scan3A_218 = arith.addi %scan3A_216, %scan3A_217 : i32
    %scan3A_219 = arith.constant 1 : i32
    scf.for %scan3A_1325 = %scan3A_216 to %scan3A_218 step %scan3A_219  : i32 {
      %mul3A_1326 = arith.constant 16 : i32
      %mul3A_1327 = arith.muli %scan3A_1325, %mul3A_1326 : i32
      %mul3A_1328 = arith.constant 20 : i32
      %mul3A_1329 = arith.muli %mul3A_1327, %mul3A_1328 : i32
      %add3A_1330 = arith.constant 1 : i32
      %add3A_1331 = arith.addi %mul3A_1329, %add3A_1330 : i32
      %add3A_1332 = vector.broadcast %add3A_1331 : i32 to vector<16xi32>
      %add3A_1333 = arith.addi %mul3A_58, %add3A_1332 : vector<16xi32>
      %gather3A = tpu.vector_load_idx %arg5[%add3A_1333] : memref<20480xi32, #tpu.memory_space<vmem>>[vector<16xi32>], vector<16xi32>,
      %sub3A = vector.broadcast %mul3A_5 : i32 to vector<16xi32>
      %sub3A_1334 = arith.subi %gather3A, %sub3A : vector<16xi32>
      %bitcast3A = vector.bitcast %sub3A_1334 : vector<16xi32> to vector<16xi32>
      %lt3A = arith.constant 32 : i32
      %lt3A_1335 = vector.broadcast %lt3A : i32 to vector<16xi32>
      %lt3A_1336 = arith.cmpi ult, %bitcast3A, %lt3A_1335 : vector<16xi32>
      %shift_right_arithmetic3A = arith.constant 3 : i32
      %shift_right_arithmetic3A_1337 = vector.broadcast %shift_right_arithmetic3A : i32 to vector<16xi32>
      %shift_right_arithmetic3A_1338 = arith.shrsi %sub3A_1334, %shift_right_arithmetic3A_1337 : vector<16xi32>
      %and3A = arith.constant 7 : i32
      %and3A_1339 = vector.broadcast %and3A : i32 to vector<16xi32>
      %and3A_1340 = arith.andi %sub3A_1334, %and3A_1339 : vector<16xi32>
      %shift_right_logical3A = arith.constant 3 : i32
      %shift_right_logical3A_1341 = arith.shrui %scan3A_1325, %shift_right_logical3A : i32
      %broadcast_in_dim3A_1342 = vector.broadcast %shift_right_logical3A_1341 : i32 to vector<16xi32>
      %and3A_1343 = arith.constant 127 : i32
      %and3A_1344 = arith.andi %mul3A_1327, %and3A_1343 : i32
      %add3A_1345 = vector.broadcast %and3A_1344 : i32 to vector<16xi32>
      %add3A_1346 = arith.addi %iota3A, %add3A_1345 : vector<16xi32>
      tpu.vector_store_idx %arg6[%broadcast_in_dim3A_214, %shift_right_arithmetic3A_1338, %broadcast_in_dim3A_1342, %and3A_1340, %add3A_1346], %broadcast_in_dim3A_61 masked %lt3A_1336 : memref<2x4x8x8x128xf32, #tpu.memory_space<vmem>>[vector<16xi32>, vector<16xi32>, vector<16xi32>, vector<16xi32>, vector<16xi32>], vector<16xf32>, vector<16xi1>
    }
    %scan3A_220 = arith.constant 64 : i32
    %broadcast_in_dim3A_221 = arith.constant 1 : i32
    %broadcast_in_dim3A_222 = vector.broadcast %broadcast_in_dim3A_221 : i32 to vector<16xi32>
    %scan3A_223 = arith.constant 0 : i32
    %scan3A_224 = arith.constant 0 : i32
    %scan3A_225 = arith.constant 64 : i32
    %scan3A_226 = arith.addi %scan3A_224, %scan3A_225 : i32
    %scan3A_227 = arith.constant 1 : i32
    scf.for %scan3A_1325 = %scan3A_224 to %scan3A_226 step %scan3A_227  : i32 {
      %mul3A_1326 = arith.constant 16 : i32
      %mul3A_1327 = arith.muli %scan3A_1325, %mul3A_1326 : i32
      %mul3A_1328 = arith.constant 20 : i32
      %mul3A_1329 = arith.muli %mul3A_1327, %mul3A_1328 : i32
      %add3A_1330 = arith.constant 3 : i32
      %add3A_1331 = arith.addi %mul3A_1329, %add3A_1330 : i32
      %add3A_1332 = vector.broadcast %add3A_1331 : i32 to vector<16xi32>
      %add3A_1333 = arith.addi %mul3A_58, %add3A_1332 : vector<16xi32>
      %gather3A = tpu.vector_load_idx %arg5[%add3A_1333] : memref<20480xi32, #tpu.memory_space<vmem>>[vector<16xi32>], vector<16xi32>,
      %sub3A = vector.broadcast %mul3A_5 : i32 to vector<16xi32>
      %sub3A_1334 = arith.subi %gather3A, %sub3A : vector<16xi32>
      %bitcast3A = vector.bitcast %sub3A_1334 : vector<16xi32> to vector<16xi32>
      %lt3A = arith.constant 32 : i32
      %lt3A_1335 = vector.broadcast %lt3A : i32 to vector<16xi32>
      %lt3A_1336 = arith.cmpi ult, %bitcast3A, %lt3A_1335 : vector<16xi32>
      %shift_right_arithmetic3A = arith.constant 3 : i32
      %shift_right_arithmetic3A_1337 = vector.broadcast %shift_right_arithmetic3A : i32 to vector<16xi32>
      %shift_right_arithmetic3A_1338 = arith.shrsi %sub3A_1334, %shift_right_arithmetic3A_1337 : vector<16xi32>
      %and3A = arith.constant 7 : i32
      %and3A_1339 = vector.broadcast %and3A : i32 to vector<16xi32>
      %and3A_1340 = arith.andi %sub3A_1334, %and3A_1339 : vector<16xi32>
      %shift_right_logical3A = arith.constant 3 : i32
      %shift_right_logical3A_1341 = arith.shrui %scan3A_1325, %shift_right_logical3A : i32
      %broadcast_in_dim3A_1342 = vector.broadcast %shift_right_logical3A_1341 : i32 to vector<16xi32>
      %and3A_1343 = arith.constant 127 : i32
      %and3A_1344 = arith.andi %mul3A_1327, %and3A_1343 : i32
      %add3A_1345 = vector.broadcast %and3A_1344 : i32 to vector<16xi32>
      %add3A_1346 = arith.addi %iota3A, %add3A_1345 : vector<16xi32>
      tpu.vector_store_idx %arg6[%broadcast_in_dim3A_222, %shift_right_arithmetic3A_1338, %broadcast_in_dim3A_1342, %and3A_1340, %add3A_1346], %broadcast_in_dim3A_59 masked %lt3A_1336 : memref<2x4x8x8x128xf32, #tpu.memory_space<vmem>>[vector<16xi32>, vector<16xi32>, vector<16xi32>, vector<16xi32>, vector<16xi32>], vector<16xf32>, vector<16xi1>
    }
    %scan3A_228 = arith.constant 64 : i32
    %dma_start3A_229 = arith.constant 1 : i32
    %dma_start3A_230 = arith.constant 3 : i32
    %dma_start3A_231 = arith.constant 0 : i32
    %dma_start3A_232 = arith.constant 0 : i32
    %dma_start3A_233 = arith.constant 0 : i32
    %dma_start3A_234 = arith.constant 0 : i32
    %dma_start3A_235 = tpu.memref_slice %arg6[%dma_start3A_229, %dma_start3A_231, %dma_start3A_232, %dma_start3A_233, %dma_start3A_234] : memref<2x4x8x8x128xf32, #tpu.memory_space<vmem>> -> memref<1x4x8x8x128xf32, #tpu.memory_space<vmem>>
    %dma_start3A_236 = tpu.memref_squeeze %dma_start3A_235 : memref<1x4x8x8x128xf32, #tpu.memory_space<vmem>> -> memref<4x8x8x128xf32, #tpu.memory_space<vmem>>
    %dma_start3A_237 = arith.constant 0 : i32
    %dma_start3A_238 = arith.constant 0 : i32
    %dma_start3A_239 = arith.constant 0 : i32
    %dma_start3A_240 = tpu.memref_slice %arg4[%dma_start3A_230, %min3A_3, %dma_start3A_237, %dma_start3A_238, %dma_start3A_239] : memref<20x125x8x8x128xf32, #tpu.memory_space<hbm>> -> memref<1x4x8x8x128xf32, #tpu.memory_space<hbm>>
    %dma_start3A_241 = tpu.memref_squeeze %dma_start3A_240 : memref<1x4x8x8x128xf32, #tpu.memory_space<hbm>> -> memref<4x8x8x128xf32, #tpu.memory_space<hbm>>
    %dma_start3A_242 = arith.constant 0 : i32
    %dma_start3A_243 = arith.constant 0 : i32
    %dma_start3A_244 = arith.constant 0 : i32
    %dma_start3A_245 = tpu.memref_slice %arg4[%dma_start3A_230, %min3A_3, %dma_start3A_242, %dma_start3A_243, %dma_start3A_244] : memref<20x125x8x8x128xf32, #tpu.memory_space<hbm>> -> memref<1x4x8x8x128xf32, #tpu.memory_space<hbm>>
    %dma_start3A_246 = tpu.memref_squeeze %dma_start3A_245 : memref<1x4x8x8x128xf32, #tpu.memory_space<hbm>> -> memref<4x8x8x128xf32, #tpu.memory_space<hbm>>
    %dma_start3A_247 = arith.constant 0 : i32
    %dma_start3A_248 = arith.constant 0 : i32
    %dma_start3A_249 = arith.constant 0 : i32
    %dma_start3A_250 = arith.constant 0 : i32
    %dma_start3A_251 = tpu.memref_slice %arg6[%dma_start3A_229, %dma_start3A_247, %dma_start3A_248, %dma_start3A_249, %dma_start3A_250] : memref<2x4x8x8x128xf32, #tpu.memory_space<vmem>> -> memref<1x4x8x8x128xf32, #tpu.memory_space<vmem>>
    %dma_start3A_252 = tpu.memref_squeeze %dma_start3A_251 : memref<1x4x8x8x128xf32, #tpu.memory_space<vmem>> -> memref<4x8x8x128xf32, #tpu.memory_space<vmem>>
    tpu.enqueue_dma source(%dma_start3A_252 : memref<4x8x8x128xf32, #tpu.memory_space<vmem>>) target(%dma_start3A_246 : memref<4x8x8x128xf32, #tpu.memory_space<hbm>>) target_semaphore(%arg8 : memref<!tpu.dma_semaphore, #tpu.memory_space<semaphore_mem>>)
    %dma_wait3A_253 = arith.constant 0 : i32
    %dma_wait3A_254 = arith.constant 2 : i32
    %dma_wait3A_255 = arith.constant 0 : i32
    %dma_wait3A_256 = arith.constant 0 : i32
    %dma_wait3A_257 = arith.constant 0 : i32
    %dma_wait3A_258 = arith.constant 0 : i32
    %dma_wait3A_259 = tpu.memref_slice %arg6[%dma_wait3A_253, %dma_wait3A_255, %dma_wait3A_256, %dma_wait3A_257, %dma_wait3A_258] : memref<2x4x8x8x128xf32, #tpu.memory_space<vmem>> -> memref<1x4x8x8x128xf32, #tpu.memory_space<vmem>>
    %dma_wait3A_260 = tpu.memref_squeeze %dma_wait3A_259 : memref<1x4x8x8x128xf32, #tpu.memory_space<vmem>> -> memref<4x8x8x128xf32, #tpu.memory_space<vmem>>
    %dma_wait3A_261 = arith.constant 0 : i32
    %dma_wait3A_262 = arith.constant 0 : i32
    %dma_wait3A_263 = arith.constant 0 : i32
    %dma_wait3A_264 = tpu.memref_slice %arg4[%dma_wait3A_254, %min3A_3, %dma_wait3A_261, %dma_wait3A_262, %dma_wait3A_263] : memref<20x125x8x8x128xf32, #tpu.memory_space<hbm>> -> memref<1x4x8x8x128xf32, #tpu.memory_space<hbm>>
    %dma_wait3A_265 = tpu.memref_squeeze %dma_wait3A_264 : memref<1x4x8x8x128xf32, #tpu.memory_space<hbm>> -> memref<4x8x8x128xf32, #tpu.memory_space<hbm>>
    %dma_wait3A_266 = arith.constant 0 : i32
    %dma_wait3A_267 = arith.constant 0 : i32
    %dma_wait3A_268 = arith.constant 0 : i32
    %dma_wait3A_269 = tpu.memref_slice %arg4[%dma_wait3A_254, %min3A_3, %dma_wait3A_266, %dma_wait3A_267, %dma_wait3A_268] : memref<20x125x8x8x128xf32, #tpu.memory_space<hbm>> -> memref<1x4x8x8x128xf32, #tpu.memory_space<hbm>>
    %dma_wait3A_270 = tpu.memref_squeeze %dma_wait3A_269 : memref<1x4x8x8x128xf32, #tpu.memory_space<hbm>> -> memref<4x8x8x128xf32, #tpu.memory_space<hbm>>
    %dma_wait3A_271 = arith.constant 0 : i32
    %dma_wait3A_272 = arith.constant 0 : i32
    %dma_wait3A_273 = arith.constant 0 : i32
    %dma_wait3A_274 = arith.constant 0 : i32
    %dma_wait3A_275 = tpu.memref_slice %arg6[%dma_wait3A_253, %dma_wait3A_271, %dma_wait3A_272, %dma_wait3A_273, %dma_wait3A_274] : memref<2x4x8x8x128xf32, #tpu.memory_space<vmem>> -> memref<1x4x8x8x128xf32, #tpu.memory_space<vmem>>
    %dma_wait3A_276 = tpu.memref_squeeze %dma_wait3A_275 : memref<1x4x8x8x128xf32, #tpu.memory_space<vmem>> -> memref<4x8x8x128xf32, #tpu.memory_space<vmem>>
    tpu.wait_dma2 semaphore(%arg7 : memref<!tpu.dma_semaphore, #tpu.memory_space<semaphore_mem>>) src(%dma_wait3A_276 : memref<4x8x8x128xf32, #tpu.memory_space<vmem>>) dst(%dma_wait3A_270 : memref<4x8x8x128xf32, #tpu.memory_space<hbm>>)
    %broadcast_in_dim3A_277 = arith.constant 0 : i32
    %broadcast_in_dim3A_278 = vector.broadcast %broadcast_in_dim3A_277 : i32 to vector<16xi32>
    %scan3A_279 = arith.constant 0 : i32
    %scan3A_280 = arith.constant 0 : i32
    %scan3A_281 = arith.constant 64 : i32
    %scan3A_282 = arith.addi %scan3A_280, %scan3A_281 : i32
    %scan3A_283 = arith.constant 1 : i32
    scf.for %scan3A_1325 = %scan3A_280 to %scan3A_282 step %scan3A_283  : i32 {
      %mul3A_1326 = arith.constant 16 : i32
      %mul3A_1327 = arith.muli %scan3A_1325, %mul3A_1326 : i32
      %mul3A_1328 = arith.constant 20 : i32
      %mul3A_1329 = arith.muli %mul3A_1327, %mul3A_1328 : i32
      %add3A_1330 = arith.constant 2 : i32
      %add3A_1331 = arith.addi %mul3A_1329, %add3A_1330 : i32
      %add3A_1332 = vector.broadcast %add3A_1331 : i32 to vector<16xi32>
      %add3A_1333 = arith.addi %mul3A_58, %add3A_1332 : vector<16xi32>
      %gather3A = tpu.vector_load_idx %arg5[%add3A_1333] : memref<20480xi32, #tpu.memory_space<vmem>>[vector<16xi32>], vector<16xi32>,
      %sub3A = vector.broadcast %mul3A_5 : i32 to vector<16xi32>
      %sub3A_1334 = arith.subi %gather3A, %sub3A : vector<16xi32>
      %bitcast3A = vector.bitcast %sub3A_1334 : vector<16xi32> to vector<16xi32>
      %lt3A = arith.constant 32 : i32
      %lt3A_1335 = vector.broadcast %lt3A : i32 to vector<16xi32>
      %lt3A_1336 = arith.cmpi ult, %bitcast3A, %lt3A_1335 : vector<16xi32>
      %shift_right_arithmetic3A = arith.constant 3 : i32
      %shift_right_arithmetic3A_1337 = vector.broadcast %shift_right_arithmetic3A : i32 to vector<16xi32>
      %shift_right_arithmetic3A_1338 = arith.shrsi %sub3A_1334, %shift_right_arithmetic3A_1337 : vector<16xi32>
      %and3A = arith.constant 7 : i32
      %and3A_1339 = vector.broadcast %and3A : i32 to vector<16xi32>
      %and3A_1340 = arith.andi %sub3A_1334, %and3A_1339 : vector<16xi32>
      %shift_right_logical3A = arith.constant 3 : i32
      %shift_right_logical3A_1341 = arith.shrui %scan3A_1325, %shift_right_logical3A : i32
      %broadcast_in_dim3A_1342 = vector.broadcast %shift_right_logical3A_1341 : i32 to vector<16xi32>
      %and3A_1343 = arith.constant 127 : i32
      %and3A_1344 = arith.andi %mul3A_1327, %and3A_1343 : i32
      %add3A_1345 = vector.broadcast %and3A_1344 : i32 to vector<16xi32>
      %add3A_1346 = arith.addi %iota3A, %add3A_1345 : vector<16xi32>
      tpu.vector_store_idx %arg6[%broadcast_in_dim3A_278, %shift_right_arithmetic3A_1338, %broadcast_in_dim3A_1342, %and3A_1340, %add3A_1346], %broadcast_in_dim3A_61 masked %lt3A_1336 : memref<2x4x8x8x128xf32, #tpu.memory_space<vmem>>[vector<16xi32>, vector<16xi32>, vector<16xi32>, vector<16xi32>, vector<16xi32>], vector<16xf32>, vector<16xi1>
    }
    %scan3A_284 = arith.constant 64 : i32
    %broadcast_in_dim3A_285 = arith.constant 0 : i32
    %broadcast_in_dim3A_286 = vector.broadcast %broadcast_in_dim3A_285 : i32 to vector<16xi32>
    %scan3A_287 = arith.constant 0 : i32
    %scan3A_288 = arith.constant 0 : i32
    %scan3A_289 = arith.constant 64 : i32
    %scan3A_290 = arith.addi %scan3A_288, %scan3A_289 : i32
    %scan3A_291 = arith.constant 1 : i32
    scf.for %scan3A_1325 = %scan3A_288 to %scan3A_290 step %scan3A_291  : i32 {
      %mul3A_1326 = arith.constant 16 : i32
      %mul3A_1327 = arith.muli %scan3A_1325, %mul3A_1326 : i32
      %mul3A_1328 = arith.constant 20 : i32
      %mul3A_1329 = arith.muli %mul3A_1327, %mul3A_1328 : i32
      %add3A_1330 = arith.constant 4 : i32
      %add3A_1331 = arith.addi %mul3A_1329, %add3A_1330 : i32
      %add3A_1332 = vector.broadcast %add3A_1331 : i32 to vector<16xi32>
      %add3A_1333 = arith.addi %mul3A_58, %add3A_1332 : vector<16xi32>
      %gather3A = tpu.vector_load_idx %arg5[%add3A_1333] : memref<20480xi32, #tpu.memory_space<vmem>>[vector<16xi32>], vector<16xi32>,
      %sub3A = vector.broadcast %mul3A_5 : i32 to vector<16xi32>
      %sub3A_1334 = arith.subi %gather3A, %sub3A : vector<16xi32>
      %bitcast3A = vector.bitcast %sub3A_1334 : vector<16xi32> to vector<16xi32>
      %lt3A = arith.constant 32 : i32
      %lt3A_1335 = vector.broadcast %lt3A : i32 to vector<16xi32>
      %lt3A_1336 = arith.cmpi ult, %bitcast3A, %lt3A_1335 : vector<16xi32>
      %shift_right_arithmetic3A = arith.constant 3 : i32
      %shift_right_arithmetic3A_1337 = vector.broadcast %shift_right_arithmetic3A : i32 to vector<16xi32>
      %shift_right_arithmetic3A_1338 = arith.shrsi %sub3A_1334, %shift_right_arithmetic3A_1337 : vector<16xi32>
      %and3A = arith.constant 7 : i32
      %and3A_1339 = vector.broadcast %and3A : i32 to vector<16xi32>
      %and3A_1340 = arith.andi %sub3A_1334, %and3A_1339 : vector<16xi32>
      %shift_right_logical3A = arith.constant 3 : i32
      %shift_right_logical3A_1341 = arith.shrui %scan3A_1325, %shift_right_logical3A : i32
      %broadcast_in_dim3A_1342 = vector.broadcast %shift_right_logical3A_1341 : i32 to vector<16xi32>
      %and3A_1343 = arith.constant 127 : i32
      %and3A_1344 = arith.andi %mul3A_1327, %and3A_1343 : i32
      %add3A_1345 = vector.broadcast %and3A_1344 : i32 to vector<16xi32>
      %add3A_1346 = arith.addi %iota3A, %add3A_1345 : vector<16xi32>
      tpu.vector_store_idx %arg6[%broadcast_in_dim3A_286, %shift_right_arithmetic3A_1338, %broadcast_in_dim3A_1342, %and3A_1340, %add3A_1346], %broadcast_in_dim3A_59 masked %lt3A_1336 : memref<2x4x8x8x128xf32, #tpu.memory_space<vmem>>[vector<16xi32>, vector<16xi32>, vector<16xi32>, vector<16xi32>, vector<16xi32>], vector<16xf32>, vector<16xi1>
    }
    %scan3A_292 = arith.constant 64 : i32
    %dma_start3A_293 = arith.constant 0 : i32
    %dma_start3A_294 = arith.constant 4 : i32
    %dma_start3A_295 = arith.constant 0 : i32
    %dma_start3A_296 = arith.constant 0 : i32
    %dma_start3A_297 = arith.constant 0 : i32
    %dma_start3A_298 = arith.constant 0 : i32
    %dma_start3A_299 = tpu.memref_slice %arg6[%dma_start3A_293, %dma_start3A_295, %dma_start3A_296, %dma_start3A_297, %dma_start3A_298] : memref<2x4x8x8x128xf32, #tpu.memory_space<vmem>> -> memref<1x4x8x8x128xf32, #tpu.memory_space<vmem>>
    %dma_start3A_300 = tpu.memref_squeeze %dma_start3A_299 : memref<1x4x8x8x128xf32, #tpu.memory_space<vmem>> -> memref<4x8x8x128xf32, #tpu.memory_space<vmem>>
    %dma_start3A_301 = arith.constant 0 : i32
    %dma_start3A_302 = arith.constant 0 : i32
    %dma_start3A_303 = arith.constant 0 : i32
    %dma_start3A_304 = tpu.memref_slice %arg4[%dma_start3A_294, %min3A_3, %dma_start3A_301, %dma_start3A_302, %dma_start3A_303] : memref<20x125x8x8x128xf32, #tpu.memory_space<hbm>> -> memref<1x4x8x8x128xf32, #tpu.memory_space<hbm>>
    %dma_start3A_305 = tpu.memref_squeeze %dma_start3A_304 : memref<1x4x8x8x128xf32, #tpu.memory_space<hbm>> -> memref<4x8x8x128xf32, #tpu.memory_space<hbm>>
    %dma_start3A_306 = arith.constant 0 : i32
    %dma_start3A_307 = arith.constant 0 : i32
    %dma_start3A_308 = arith.constant 0 : i32
    %dma_start3A_309 = tpu.memref_slice %arg4[%dma_start3A_294, %min3A_3, %dma_start3A_306, %dma_start3A_307, %dma_start3A_308] : memref<20x125x8x8x128xf32, #tpu.memory_space<hbm>> -> memref<1x4x8x8x128xf32, #tpu.memory_space<hbm>>
    %dma_start3A_310 = tpu.memref_squeeze %dma_start3A_309 : memref<1x4x8x8x128xf32, #tpu.memory_space<hbm>> -> memref<4x8x8x128xf32, #tpu.memory_space<hbm>>
    %dma_start3A_311 = arith.constant 0 : i32
    %dma_start3A_312 = arith.constant 0 : i32
    %dma_start3A_313 = arith.constant 0 : i32
    %dma_start3A_314 = arith.constant 0 : i32
    %dma_start3A_315 = tpu.memref_slice %arg6[%dma_start3A_293, %dma_start3A_311, %dma_start3A_312, %dma_start3A_313, %dma_start3A_314] : memref<2x4x8x8x128xf32, #tpu.memory_space<vmem>> -> memref<1x4x8x8x128xf32, #tpu.memory_space<vmem>>
    %dma_start3A_316 = tpu.memref_squeeze %dma_start3A_315 : memref<1x4x8x8x128xf32, #tpu.memory_space<vmem>> -> memref<4x8x8x128xf32, #tpu.memory_space<vmem>>
    tpu.enqueue_dma source(%dma_start3A_316 : memref<4x8x8x128xf32, #tpu.memory_space<vmem>>) target(%dma_start3A_310 : memref<4x8x8x128xf32, #tpu.memory_space<hbm>>) target_semaphore(%arg7 : memref<!tpu.dma_semaphore, #tpu.memory_space<semaphore_mem>>)
    %dma_wait3A_317 = arith.constant 1 : i32
    %dma_wait3A_318 = arith.constant 3 : i32
    %dma_wait3A_319 = arith.constant 0 : i32
    %dma_wait3A_320 = arith.constant 0 : i32
    %dma_wait3A_321 = arith.constant 0 : i32
    %dma_wait3A_322 = arith.constant 0 : i32
    %dma_wait3A_323 = tpu.memref_slice %arg6[%dma_wait3A_317, %dma_wait3A_319, %dma_wait3A_320, %dma_wait3A_321, %dma_wait3A_322] : memref<2x4x8x8x128xf32, #tpu.memory_space<vmem>> -> memref<1x4x8x8x128xf32, #tpu.memory_space<vmem>>
    %dma_wait3A_324 = tpu.memref_squeeze %dma_wait3A_323 : memref<1x4x8x8x128xf32, #tpu.memory_space<vmem>> -> memref<4x8x8x128xf32, #tpu.memory_space<vmem>>
    %dma_wait3A_325 = arith.constant 0 : i32
    %dma_wait3A_326 = arith.constant 0 : i32
    %dma_wait3A_327 = arith.constant 0 : i32
    %dma_wait3A_328 = tpu.memref_slice %arg4[%dma_wait3A_318, %min3A_3, %dma_wait3A_325, %dma_wait3A_326, %dma_wait3A_327] : memref<20x125x8x8x128xf32, #tpu.memory_space<hbm>> -> memref<1x4x8x8x128xf32, #tpu.memory_space<hbm>>
    %dma_wait3A_329 = tpu.memref_squeeze %dma_wait3A_328 : memref<1x4x8x8x128xf32, #tpu.memory_space<hbm>> -> memref<4x8x8x128xf32, #tpu.memory_space<hbm>>
    %dma_wait3A_330 = arith.constant 0 : i32
    %dma_wait3A_331 = arith.constant 0 : i32
    %dma_wait3A_332 = arith.constant 0 : i32
    %dma_wait3A_333 = tpu.memref_slice %arg4[%dma_wait3A_318, %min3A_3, %dma_wait3A_330, %dma_wait3A_331, %dma_wait3A_332] : memref<20x125x8x8x128xf32, #tpu.memory_space<hbm>> -> memref<1x4x8x8x128xf32, #tpu.memory_space<hbm>>
    %dma_wait3A_334 = tpu.memref_squeeze %dma_wait3A_333 : memref<1x4x8x8x128xf32, #tpu.memory_space<hbm>> -> memref<4x8x8x128xf32, #tpu.memory_space<hbm>>
    %dma_wait3A_335 = arith.constant 0 : i32
    %dma_wait3A_336 = arith.constant 0 : i32
    %dma_wait3A_337 = arith.constant 0 : i32
    %dma_wait3A_338 = arith.constant 0 : i32
    %dma_wait3A_339 = tpu.memref_slice %arg6[%dma_wait3A_317, %dma_wait3A_335, %dma_wait3A_336, %dma_wait3A_337, %dma_wait3A_338] : memref<2x4x8x8x128xf32, #tpu.memory_space<vmem>> -> memref<1x4x8x8x128xf32, #tpu.memory_space<vmem>>
    %dma_wait3A_340 = tpu.memref_squeeze %dma_wait3A_339 : memref<1x4x8x8x128xf32, #tpu.memory_space<vmem>> -> memref<4x8x8x128xf32, #tpu.memory_space<vmem>>
    tpu.wait_dma2 semaphore(%arg8 : memref<!tpu.dma_semaphore, #tpu.memory_space<semaphore_mem>>) src(%dma_wait3A_340 : memref<4x8x8x128xf32, #tpu.memory_space<vmem>>) dst(%dma_wait3A_334 : memref<4x8x8x128xf32, #tpu.memory_space<hbm>>)
    %broadcast_in_dim3A_341 = arith.constant 1 : i32
    %broadcast_in_dim3A_342 = vector.broadcast %broadcast_in_dim3A_341 : i32 to vector<16xi32>
    %scan3A_343 = arith.constant 0 : i32
    %scan3A_344 = arith.constant 0 : i32
    %scan3A_345 = arith.constant 64 : i32
    %scan3A_346 = arith.addi %scan3A_344, %scan3A_345 : i32
    %scan3A_347 = arith.constant 1 : i32
    scf.for %scan3A_1325 = %scan3A_344 to %scan3A_346 step %scan3A_347  : i32 {
      %mul3A_1326 = arith.constant 16 : i32
      %mul3A_1327 = arith.muli %scan3A_1325, %mul3A_1326 : i32
      %mul3A_1328 = arith.constant 20 : i32
      %mul3A_1329 = arith.muli %mul3A_1327, %mul3A_1328 : i32
      %add3A_1330 = arith.constant 3 : i32
      %add3A_1331 = arith.addi %mul3A_1329, %add3A_1330 : i32
      %add3A_1332 = vector.broadcast %add3A_1331 : i32 to vector<16xi32>
      %add3A_1333 = arith.addi %mul3A_58, %add3A_1332 : vector<16xi32>
      %gather3A = tpu.vector_load_idx %arg5[%add3A_1333] : memref<20480xi32, #tpu.memory_space<vmem>>[vector<16xi32>], vector<16xi32>,
      %sub3A = vector.broadcast %mul3A_5 : i32 to vector<16xi32>
      %sub3A_1334 = arith.subi %gather3A, %sub3A : vector<16xi32>
      %bitcast3A = vector.bitcast %sub3A_1334 : vector<16xi32> to vector<16xi32>
      %lt3A = arith.constant 32 : i32
      %lt3A_1335 = vector.broadcast %lt3A : i32 to vector<16xi32>
      %lt3A_1336 = arith.cmpi ult, %bitcast3A, %lt3A_1335 : vector<16xi32>
      %shift_right_arithmetic3A = arith.constant 3 : i32
      %shift_right_arithmetic3A_1337 = vector.broadcast %shift_right_arithmetic3A : i32 to vector<16xi32>
      %shift_right_arithmetic3A_1338 = arith.shrsi %sub3A_1334, %shift_right_arithmetic3A_1337 : vector<16xi32>
      %and3A = arith.constant 7 : i32
      %and3A_1339 = vector.broadcast %and3A : i32 to vector<16xi32>
      %and3A_1340 = arith.andi %sub3A_1334, %and3A_1339 : vector<16xi32>
      %shift_right_logical3A = arith.constant 3 : i32
      %shift_right_logical3A_1341 = arith.shrui %scan3A_1325, %shift_right_logical3A : i32
      %broadcast_in_dim3A_1342 = vector.broadcast %shift_right_logical3A_1341 : i32 to vector<16xi32>
      %and3A_1343 = arith.constant 127 : i32
      %and3A_1344 = arith.andi %mul3A_1327, %and3A_1343 : i32
      %add3A_1345 = vector.broadcast %and3A_1344 : i32 to vector<16xi32>
      %add3A_1346 = arith.addi %iota3A, %add3A_1345 : vector<16xi32>
      tpu.vector_store_idx %arg6[%broadcast_in_dim3A_342, %shift_right_arithmetic3A_1338, %broadcast_in_dim3A_1342, %and3A_1340, %add3A_1346], %broadcast_in_dim3A_61 masked %lt3A_1336 : memref<2x4x8x8x128xf32, #tpu.memory_space<vmem>>[vector<16xi32>, vector<16xi32>, vector<16xi32>, vector<16xi32>, vector<16xi32>], vector<16xf32>, vector<16xi1>
    }
    %scan3A_348 = arith.constant 64 : i32
    %broadcast_in_dim3A_349 = arith.constant 1 : i32
    %broadcast_in_dim3A_350 = vector.broadcast %broadcast_in_dim3A_349 : i32 to vector<16xi32>
    %scan3A_351 = arith.constant 0 : i32
    %scan3A_352 = arith.constant 0 : i32
    %scan3A_353 = arith.constant 64 : i32
    %scan3A_354 = arith.addi %scan3A_352, %scan3A_353 : i32
    %scan3A_355 = arith.constant 1 : i32
    scf.for %scan3A_1325 = %scan3A_352 to %scan3A_354 step %scan3A_355  : i32 {
      %mul3A_1326 = arith.constant 16 : i32
      %mul3A_1327 = arith.muli %scan3A_1325, %mul3A_1326 : i32
      %mul3A_1328 = arith.constant 20 : i32
      %mul3A_1329 = arith.muli %mul3A_1327, %mul3A_1328 : i32
      %add3A_1330 = arith.constant 5 : i32
      %add3A_1331 = arith.addi %mul3A_1329, %add3A_1330 : i32
      %add3A_1332 = vector.broadcast %add3A_1331 : i32 to vector<16xi32>
      %add3A_1333 = arith.addi %mul3A_58, %add3A_1332 : vector<16xi32>
      %gather3A = tpu.vector_load_idx %arg5[%add3A_1333] : memref<20480xi32, #tpu.memory_space<vmem>>[vector<16xi32>], vector<16xi32>,
      %sub3A = vector.broadcast %mul3A_5 : i32 to vector<16xi32>
      %sub3A_1334 = arith.subi %gather3A, %sub3A : vector<16xi32>
      %bitcast3A = vector.bitcast %sub3A_1334 : vector<16xi32> to vector<16xi32>
      %lt3A = arith.constant 32 : i32
      %lt3A_1335 = vector.broadcast %lt3A : i32 to vector<16xi32>
      %lt3A_1336 = arith.cmpi ult, %bitcast3A, %lt3A_1335 : vector<16xi32>
      %shift_right_arithmetic3A = arith.constant 3 : i32
      %shift_right_arithmetic3A_1337 = vector.broadcast %shift_right_arithmetic3A : i32 to vector<16xi32>
      %shift_right_arithmetic3A_1338 = arith.shrsi %sub3A_1334, %shift_right_arithmetic3A_1337 : vector<16xi32>
      %and3A = arith.constant 7 : i32
      %and3A_1339 = vector.broadcast %and3A : i32 to vector<16xi32>
      %and3A_1340 = arith.andi %sub3A_1334, %and3A_1339 : vector<16xi32>
      %shift_right_logical3A = arith.constant 3 : i32
      %shift_right_logical3A_1341 = arith.shrui %scan3A_1325, %shift_right_logical3A : i32
      %broadcast_in_dim3A_1342 = vector.broadcast %shift_right_logical3A_1341 : i32 to vector<16xi32>
      %and3A_1343 = arith.constant 127 : i32
      %and3A_1344 = arith.andi %mul3A_1327, %and3A_1343 : i32
      %add3A_1345 = vector.broadcast %and3A_1344 : i32 to vector<16xi32>
      %add3A_1346 = arith.addi %iota3A, %add3A_1345 : vector<16xi32>
      tpu.vector_store_idx %arg6[%broadcast_in_dim3A_350, %shift_right_arithmetic3A_1338, %broadcast_in_dim3A_1342, %and3A_1340, %add3A_1346], %broadcast_in_dim3A_59 masked %lt3A_1336 : memref<2x4x8x8x128xf32, #tpu.memory_space<vmem>>[vector<16xi32>, vector<16xi32>, vector<16xi32>, vector<16xi32>, vector<16xi32>], vector<16xf32>, vector<16xi1>
    }
    %scan3A_356 = arith.constant 64 : i32
    %dma_start3A_357 = arith.constant 1 : i32
    %dma_start3A_358 = arith.constant 5 : i32
    %dma_start3A_359 = arith.constant 0 : i32
    %dma_start3A_360 = arith.constant 0 : i32
    %dma_start3A_361 = arith.constant 0 : i32
    %dma_start3A_362 = arith.constant 0 : i32
    %dma_start3A_363 = tpu.memref_slice %arg6[%dma_start3A_357, %dma_start3A_359, %dma_start3A_360, %dma_start3A_361, %dma_start3A_362] : memref<2x4x8x8x128xf32, #tpu.memory_space<vmem>> -> memref<1x4x8x8x128xf32, #tpu.memory_space<vmem>>
    %dma_start3A_364 = tpu.memref_squeeze %dma_start3A_363 : memref<1x4x8x8x128xf32, #tpu.memory_space<vmem>> -> memref<4x8x8x128xf32, #tpu.memory_space<vmem>>
    %dma_start3A_365 = arith.constant 0 : i32
    %dma_start3A_366 = arith.constant 0 : i32
    %dma_start3A_367 = arith.constant 0 : i32
    %dma_start3A_368 = tpu.memref_slice %arg4[%dma_start3A_358, %min3A_3, %dma_start3A_365, %dma_start3A_366, %dma_start3A_367] : memref<20x125x8x8x128xf32, #tpu.memory_space<hbm>> -> memref<1x4x8x8x128xf32, #tpu.memory_space<hbm>>
    %dma_start3A_369 = tpu.memref_squeeze %dma_start3A_368 : memref<1x4x8x8x128xf32, #tpu.memory_space<hbm>> -> memref<4x8x8x128xf32, #tpu.memory_space<hbm>>
    %dma_start3A_370 = arith.constant 0 : i32
    %dma_start3A_371 = arith.constant 0 : i32
    %dma_start3A_372 = arith.constant 0 : i32
    %dma_start3A_373 = tpu.memref_slice %arg4[%dma_start3A_358, %min3A_3, %dma_start3A_370, %dma_start3A_371, %dma_start3A_372] : memref<20x125x8x8x128xf32, #tpu.memory_space<hbm>> -> memref<1x4x8x8x128xf32, #tpu.memory_space<hbm>>
    %dma_start3A_374 = tpu.memref_squeeze %dma_start3A_373 : memref<1x4x8x8x128xf32, #tpu.memory_space<hbm>> -> memref<4x8x8x128xf32, #tpu.memory_space<hbm>>
    %dma_start3A_375 = arith.constant 0 : i32
    %dma_start3A_376 = arith.constant 0 : i32
    %dma_start3A_377 = arith.constant 0 : i32
    %dma_start3A_378 = arith.constant 0 : i32
    %dma_start3A_379 = tpu.memref_slice %arg6[%dma_start3A_357, %dma_start3A_375, %dma_start3A_376, %dma_start3A_377, %dma_start3A_378] : memref<2x4x8x8x128xf32, #tpu.memory_space<vmem>> -> memref<1x4x8x8x128xf32, #tpu.memory_space<vmem>>
    %dma_start3A_380 = tpu.memref_squeeze %dma_start3A_379 : memref<1x4x8x8x128xf32, #tpu.memory_space<vmem>> -> memref<4x8x8x128xf32, #tpu.memory_space<vmem>>
    tpu.enqueue_dma source(%dma_start3A_380 : memref<4x8x8x128xf32, #tpu.memory_space<vmem>>) target(%dma_start3A_374 : memref<4x8x8x128xf32, #tpu.memory_space<hbm>>) target_semaphore(%arg8 : memref<!tpu.dma_semaphore, #tpu.memory_space<semaphore_mem>>)
    %dma_wait3A_381 = arith.constant 0 : i32
    %dma_wait3A_382 = arith.constant 4 : i32
    %dma_wait3A_383 = arith.constant 0 : i32
    %dma_wait3A_384 = arith.constant 0 : i32
    %dma_wait3A_385 = arith.constant 0 : i32
    %dma_wait3A_386 = arith.constant 0 : i32
    %dma_wait3A_387 = tpu.memref_slice %arg6[%dma_wait3A_381, %dma_wait3A_383, %dma_wait3A_384, %dma_wait3A_385, %dma_wait3A_386] : memref<2x4x8x8x128xf32, #tpu.memory_space<vmem>> -> memref<1x4x8x8x128xf32, #tpu.memory_space<vmem>>
    %dma_wait3A_388 = tpu.memref_squeeze %dma_wait3A_387 : memref<1x4x8x8x128xf32, #tpu.memory_space<vmem>> -> memref<4x8x8x128xf32, #tpu.memory_space<vmem>>
    %dma_wait3A_389 = arith.constant 0 : i32
    %dma_wait3A_390 = arith.constant 0 : i32
    %dma_wait3A_391 = arith.constant 0 : i32
    %dma_wait3A_392 = tpu.memref_slice %arg4[%dma_wait3A_382, %min3A_3, %dma_wait3A_389, %dma_wait3A_390, %dma_wait3A_391] : memref<20x125x8x8x128xf32, #tpu.memory_space<hbm>> -> memref<1x4x8x8x128xf32, #tpu.memory_space<hbm>>
    %dma_wait3A_393 = tpu.memref_squeeze %dma_wait3A_392 : memref<1x4x8x8x128xf32, #tpu.memory_space<hbm>> -> memref<4x8x8x128xf32, #tpu.memory_space<hbm>>
    %dma_wait3A_394 = arith.constant 0 : i32
    %dma_wait3A_395 = arith.constant 0 : i32
    %dma_wait3A_396 = arith.constant 0 : i32
    %dma_wait3A_397 = tpu.memref_slice %arg4[%dma_wait3A_382, %min3A_3, %dma_wait3A_394, %dma_wait3A_395, %dma_wait3A_396] : memref<20x125x8x8x128xf32, #tpu.memory_space<hbm>> -> memref<1x4x8x8x128xf32, #tpu.memory_space<hbm>>
    %dma_wait3A_398 = tpu.memref_squeeze %dma_wait3A_397 : memref<1x4x8x8x128xf32, #tpu.memory_space<hbm>> -> memref<4x8x8x128xf32, #tpu.memory_space<hbm>>
    %dma_wait3A_399 = arith.constant 0 : i32
    %dma_wait3A_400 = arith.constant 0 : i32
    %dma_wait3A_401 = arith.constant 0 : i32
    %dma_wait3A_402 = arith.constant 0 : i32
    %dma_wait3A_403 = tpu.memref_slice %arg6[%dma_wait3A_381, %dma_wait3A_399, %dma_wait3A_400, %dma_wait3A_401, %dma_wait3A_402] : memref<2x4x8x8x128xf32, #tpu.memory_space<vmem>> -> memref<1x4x8x8x128xf32, #tpu.memory_space<vmem>>
    %dma_wait3A_404 = tpu.memref_squeeze %dma_wait3A_403 : memref<1x4x8x8x128xf32, #tpu.memory_space<vmem>> -> memref<4x8x8x128xf32, #tpu.memory_space<vmem>>
    tpu.wait_dma2 semaphore(%arg7 : memref<!tpu.dma_semaphore, #tpu.memory_space<semaphore_mem>>) src(%dma_wait3A_404 : memref<4x8x8x128xf32, #tpu.memory_space<vmem>>) dst(%dma_wait3A_398 : memref<4x8x8x128xf32, #tpu.memory_space<hbm>>)
    %broadcast_in_dim3A_405 = arith.constant 0 : i32
    %broadcast_in_dim3A_406 = vector.broadcast %broadcast_in_dim3A_405 : i32 to vector<16xi32>
    %scan3A_407 = arith.constant 0 : i32
    %scan3A_408 = arith.constant 0 : i32
    %scan3A_409 = arith.constant 64 : i32
    %scan3A_410 = arith.addi %scan3A_408, %scan3A_409 : i32
    %scan3A_411 = arith.constant 1 : i32
    scf.for %scan3A_1325 = %scan3A_408 to %scan3A_410 step %scan3A_411  : i32 {
      %mul3A_1326 = arith.constant 16 : i32
      %mul3A_1327 = arith.muli %scan3A_1325, %mul3A_1326 : i32
      %mul3A_1328 = arith.constant 20 : i32
      %mul3A_1329 = arith.muli %mul3A_1327, %mul3A_1328 : i32
      %add3A_1330 = arith.constant 4 : i32
      %add3A_1331 = arith.addi %mul3A_1329, %add3A_1330 : i32
      %add3A_1332 = vector.broadcast %add3A_1331 : i32 to vector<16xi32>
      %add3A_1333 = arith.addi %mul3A_58, %add3A_1332 : vector<16xi32>
      %gather3A = tpu.vector_load_idx %arg5[%add3A_1333] : memref<20480xi32, #tpu.memory_space<vmem>>[vector<16xi32>], vector<16xi32>,
      %sub3A = vector.broadcast %mul3A_5 : i32 to vector<16xi32>
      %sub3A_1334 = arith.subi %gather3A, %sub3A : vector<16xi32>
      %bitcast3A = vector.bitcast %sub3A_1334 : vector<16xi32> to vector<16xi32>
      %lt3A = arith.constant 32 : i32
      %lt3A_1335 = vector.broadcast %lt3A : i32 to vector<16xi32>
      %lt3A_1336 = arith.cmpi ult, %bitcast3A, %lt3A_1335 : vector<16xi32>
      %shift_right_arithmetic3A = arith.constant 3 : i32
      %shift_right_arithmetic3A_1337 = vector.broadcast %shift_right_arithmetic3A : i32 to vector<16xi32>
      %shift_right_arithmetic3A_1338 = arith.shrsi %sub3A_1334, %shift_right_arithmetic3A_1337 : vector<16xi32>
      %and3A = arith.constant 7 : i32
      %and3A_1339 = vector.broadcast %and3A : i32 to vector<16xi32>
      %and3A_1340 = arith.andi %sub3A_1334, %and3A_1339 : vector<16xi32>
      %shift_right_logical3A = arith.constant 3 : i32
      %shift_right_logical3A_1341 = arith.shrui %scan3A_1325, %shift_right_logical3A : i32
      %broadcast_in_dim3A_1342 = vector.broadcast %shift_right_logical3A_1341 : i32 to vector<16xi32>
      %and3A_1343 = arith.constant 127 : i32
      %and3A_1344 = arith.andi %mul3A_1327, %and3A_1343 : i32
      %add3A_1345 = vector.broadcast %and3A_1344 : i32 to vector<16xi32>
      %add3A_1346 = arith.addi %iota3A, %add3A_1345 : vector<16xi32>
      tpu.vector_store_idx %arg6[%broadcast_in_dim3A_406, %shift_right_arithmetic3A_1338, %broadcast_in_dim3A_1342, %and3A_1340, %add3A_1346], %broadcast_in_dim3A_61 masked %lt3A_1336 : memref<2x4x8x8x128xf32, #tpu.memory_space<vmem>>[vector<16xi32>, vector<16xi32>, vector<16xi32>, vector<16xi32>, vector<16xi32>], vector<16xf32>, vector<16xi1>
    }
    %scan3A_412 = arith.constant 64 : i32
    %broadcast_in_dim3A_413 = arith.constant 0 : i32
    %broadcast_in_dim3A_414 = vector.broadcast %broadcast_in_dim3A_413 : i32 to vector<16xi32>
    %scan3A_415 = arith.constant 0 : i32
    %scan3A_416 = arith.constant 0 : i32
    %scan3A_417 = arith.constant 64 : i32
    %scan3A_418 = arith.addi %scan3A_416, %scan3A_417 : i32
    %scan3A_419 = arith.constant 1 : i32
    scf.for %scan3A_1325 = %scan3A_416 to %scan3A_418 step %scan3A_419  : i32 {
      %mul3A_1326 = arith.constant 16 : i32
      %mul3A_1327 = arith.muli %scan3A_1325, %mul3A_1326 : i32
      %mul3A_1328 = arith.constant 20 : i32
      %mul3A_1329 = arith.muli %mul3A_1327, %mul3A_1328 : i32
      %add3A_1330 = arith.constant 6 : i32
      %add3A_1331 = arith.addi %mul3A_1329, %add3A_1330 : i32
      %add3A_1332 = vector.broadcast %add3A_1331 : i32 to vector<16xi32>
      %add3A_1333 = arith.addi %mul3A_58, %add3A_1332 : vector<16xi32>
      %gather3A = tpu.vector_load_idx %arg5[%add3A_1333] : memref<20480xi32, #tpu.memory_space<vmem>>[vector<16xi32>], vector<16xi32>,
      %sub3A = vector.broadcast %mul3A_5 : i32 to vector<16xi32>
      %sub3A_1334 = arith.subi %gather3A, %sub3A : vector<16xi32>
      %bitcast3A = vector.bitcast %sub3A_1334 : vector<16xi32> to vector<16xi32>
      %lt3A = arith.constant 32 : i32
      %lt3A_1335 = vector.broadcast %lt3A : i32 to vector<16xi32>
      %lt3A_1336 = arith.cmpi ult, %bitcast3A, %lt3A_1335 : vector<16xi32>
      %shift_right_arithmetic3A = arith.constant 3 : i32
      %shift_right_arithmetic3A_1337 = vector.broadcast %shift_right_arithmetic3A : i32 to vector<16xi32>
      %shift_right_arithmetic3A_1338 = arith.shrsi %sub3A_1334, %shift_right_arithmetic3A_1337 : vector<16xi32>
      %and3A = arith.constant 7 : i32
      %and3A_1339 = vector.broadcast %and3A : i32 to vector<16xi32>
      %and3A_1340 = arith.andi %sub3A_1334, %and3A_1339 : vector<16xi32>
      %shift_right_logical3A = arith.constant 3 : i32
      %shift_right_logical3A_1341 = arith.shrui %scan3A_1325, %shift_right_logical3A : i32
      %broadcast_in_dim3A_1342 = vector.broadcast %shift_right_logical3A_1341 : i32 to vector<16xi32>
      %and3A_1343 = arith.constant 127 : i32
      %and3A_1344 = arith.andi %mul3A_1327, %and3A_1343 : i32
      %add3A_1345 = vector.broadcast %and3A_1344 : i32 to vector<16xi32>
      %add3A_1346 = arith.addi %iota3A, %add3A_1345 : vector<16xi32>
      tpu.vector_store_idx %arg6[%broadcast_in_dim3A_414, %shift_right_arithmetic3A_1338, %broadcast_in_dim3A_1342, %and3A_1340, %add3A_1346], %broadcast_in_dim3A_59 masked %lt3A_1336 : memref<2x4x8x8x128xf32, #tpu.memory_space<vmem>>[vector<16xi32>, vector<16xi32>, vector<16xi32>, vector<16xi32>, vector<16xi32>], vector<16xf32>, vector<16xi1>
    }
    %scan3A_420 = arith.constant 64 : i32
    %dma_start3A_421 = arith.constant 0 : i32
    %dma_start3A_422 = arith.constant 6 : i32
    %dma_start3A_423 = arith.constant 0 : i32
    %dma_start3A_424 = arith.constant 0 : i32
    %dma_start3A_425 = arith.constant 0 : i32
    %dma_start3A_426 = arith.constant 0 : i32
    %dma_start3A_427 = tpu.memref_slice %arg6[%dma_start3A_421, %dma_start3A_423, %dma_start3A_424, %dma_start3A_425, %dma_start3A_426] : memref<2x4x8x8x128xf32, #tpu.memory_space<vmem>> -> memref<1x4x8x8x128xf32, #tpu.memory_space<vmem>>
    %dma_start3A_428 = tpu.memref_squeeze %dma_start3A_427 : memref<1x4x8x8x128xf32, #tpu.memory_space<vmem>> -> memref<4x8x8x128xf32, #tpu.memory_space<vmem>>
    %dma_start3A_429 = arith.constant 0 : i32
    %dma_start3A_430 = arith.constant 0 : i32
    %dma_start3A_431 = arith.constant 0 : i32
    %dma_start3A_432 = tpu.memref_slice %arg4[%dma_start3A_422, %min3A_3, %dma_start3A_429, %dma_start3A_430, %dma_start3A_431] : memref<20x125x8x8x128xf32, #tpu.memory_space<hbm>> -> memref<1x4x8x8x128xf32, #tpu.memory_space<hbm>>
    %dma_start3A_433 = tpu.memref_squeeze %dma_start3A_432 : memref<1x4x8x8x128xf32, #tpu.memory_space<hbm>> -> memref<4x8x8x128xf32, #tpu.memory_space<hbm>>
    %dma_start3A_434 = arith.constant 0 : i32
    %dma_start3A_435 = arith.constant 0 : i32
    %dma_start3A_436 = arith.constant 0 : i32
    %dma_start3A_437 = tpu.memref_slice %arg4[%dma_start3A_422, %min3A_3, %dma_start3A_434, %dma_start3A_435, %dma_start3A_436] : memref<20x125x8x8x128xf32, #tpu.memory_space<hbm>> -> memref<1x4x8x8x128xf32, #tpu.memory_space<hbm>>
    %dma_start3A_438 = tpu.memref_squeeze %dma_start3A_437 : memref<1x4x8x8x128xf32, #tpu.memory_space<hbm>> -> memref<4x8x8x128xf32, #tpu.memory_space<hbm>>
    %dma_start3A_439 = arith.constant 0 : i32
    %dma_start3A_440 = arith.constant 0 : i32
    %dma_start3A_441 = arith.constant 0 : i32
    %dma_start3A_442 = arith.constant 0 : i32
    %dma_start3A_443 = tpu.memref_slice %arg6[%dma_start3A_421, %dma_start3A_439, %dma_start3A_440, %dma_start3A_441, %dma_start3A_442] : memref<2x4x8x8x128xf32, #tpu.memory_space<vmem>> -> memref<1x4x8x8x128xf32, #tpu.memory_space<vmem>>
    %dma_start3A_444 = tpu.memref_squeeze %dma_start3A_443 : memref<1x4x8x8x128xf32, #tpu.memory_space<vmem>> -> memref<4x8x8x128xf32, #tpu.memory_space<vmem>>
    tpu.enqueue_dma source(%dma_start3A_444 : memref<4x8x8x128xf32, #tpu.memory_space<vmem>>) target(%dma_start3A_438 : memref<4x8x8x128xf32, #tpu.memory_space<hbm>>) target_semaphore(%arg7 : memref<!tpu.dma_semaphore, #tpu.memory_space<semaphore_mem>>)
    %dma_wait3A_445 = arith.constant 1 : i32
    %dma_wait3A_446 = arith.constant 5 : i32
    %dma_wait3A_447 = arith.constant 0 : i32
    %dma_wait3A_448 = arith.constant 0 : i32
    %dma_wait3A_449 = arith.constant 0 : i32
    %dma_wait3A_450 = arith.constant 0 : i32
    %dma_wait3A_451 = tpu.memref_slice %arg6[%dma_wait3A_445, %dma_wait3A_447, %dma_wait3A_448, %dma_wait3A_449, %dma_wait3A_450] : memref<2x4x8x8x128xf32, #tpu.memory_space<vmem>> -> memref<1x4x8x8x128xf32, #tpu.memory_space<vmem>>
    %dma_wait3A_452 = tpu.memref_squeeze %dma_wait3A_451 : memref<1x4x8x8x128xf32, #tpu.memory_space<vmem>> -> memref<4x8x8x128xf32, #tpu.memory_space<vmem>>
    %dma_wait3A_453 = arith.constant 0 : i32
    %dma_wait3A_454 = arith.constant 0 : i32
    %dma_wait3A_455 = arith.constant 0 : i32
    %dma_wait3A_456 = tpu.memref_slice %arg4[%dma_wait3A_446, %min3A_3, %dma_wait3A_453, %dma_wait3A_454, %dma_wait3A_455] : memref<20x125x8x8x128xf32, #tpu.memory_space<hbm>> -> memref<1x4x8x8x128xf32, #tpu.memory_space<hbm>>
    %dma_wait3A_457 = tpu.memref_squeeze %dma_wait3A_456 : memref<1x4x8x8x128xf32, #tpu.memory_space<hbm>> -> memref<4x8x8x128xf32, #tpu.memory_space<hbm>>
    %dma_wait3A_458 = arith.constant 0 : i32
    %dma_wait3A_459 = arith.constant 0 : i32
    %dma_wait3A_460 = arith.constant 0 : i32
    %dma_wait3A_461 = tpu.memref_slice %arg4[%dma_wait3A_446, %min3A_3, %dma_wait3A_458, %dma_wait3A_459, %dma_wait3A_460] : memref<20x125x8x8x128xf32, #tpu.memory_space<hbm>> -> memref<1x4x8x8x128xf32, #tpu.memory_space<hbm>>
    %dma_wait3A_462 = tpu.memref_squeeze %dma_wait3A_461 : memref<1x4x8x8x128xf32, #tpu.memory_space<hbm>> -> memref<4x8x8x128xf32, #tpu.memory_space<hbm>>
    %dma_wait3A_463 = arith.constant 0 : i32
    %dma_wait3A_464 = arith.constant 0 : i32
    %dma_wait3A_465 = arith.constant 0 : i32
    %dma_wait3A_466 = arith.constant 0 : i32
    %dma_wait3A_467 = tpu.memref_slice %arg6[%dma_wait3A_445, %dma_wait3A_463, %dma_wait3A_464, %dma_wait3A_465, %dma_wait3A_466] : memref<2x4x8x8x128xf32, #tpu.memory_space<vmem>> -> memref<1x4x8x8x128xf32, #tpu.memory_space<vmem>>
    %dma_wait3A_468 = tpu.memref_squeeze %dma_wait3A_467 : memref<1x4x8x8x128xf32, #tpu.memory_space<vmem>> -> memref<4x8x8x128xf32, #tpu.memory_space<vmem>>
    tpu.wait_dma2 semaphore(%arg8 : memref<!tpu.dma_semaphore, #tpu.memory_space<semaphore_mem>>) src(%dma_wait3A_468 : memref<4x8x8x128xf32, #tpu.memory_space<vmem>>) dst(%dma_wait3A_462 : memref<4x8x8x128xf32, #tpu.memory_space<hbm>>)
    %broadcast_in_dim3A_469 = arith.constant 1 : i32
    %broadcast_in_dim3A_470 = vector.broadcast %broadcast_in_dim3A_469 : i32 to vector<16xi32>
    %scan3A_471 = arith.constant 0 : i32
    %scan3A_472 = arith.constant 0 : i32
    %scan3A_473 = arith.constant 64 : i32
    %scan3A_474 = arith.addi %scan3A_472, %scan3A_473 : i32
    %scan3A_475 = arith.constant 1 : i32
    scf.for %scan3A_1325 = %scan3A_472 to %scan3A_474 step %scan3A_475  : i32 {
      %mul3A_1326 = arith.constant 16 : i32
      %mul3A_1327 = arith.muli %scan3A_1325, %mul3A_1326 : i32
      %mul3A_1328 = arith.constant 20 : i32
      %mul3A_1329 = arith.muli %mul3A_1327, %mul3A_1328 : i32
      %add3A_1330 = arith.constant 5 : i32
      %add3A_1331 = arith.addi %mul3A_1329, %add3A_1330 : i32
      %add3A_1332 = vector.broadcast %add3A_1331 : i32 to vector<16xi32>
      %add3A_1333 = arith.addi %mul3A_58, %add3A_1332 : vector<16xi32>
      %gather3A = tpu.vector_load_idx %arg5[%add3A_1333] : memref<20480xi32, #tpu.memory_space<vmem>>[vector<16xi32>], vector<16xi32>,
      %sub3A = vector.broadcast %mul3A_5 : i32 to vector<16xi32>
      %sub3A_1334 = arith.subi %gather3A, %sub3A : vector<16xi32>
      %bitcast3A = vector.bitcast %sub3A_1334 : vector<16xi32> to vector<16xi32>
      %lt3A = arith.constant 32 : i32
      %lt3A_1335 = vector.broadcast %lt3A : i32 to vector<16xi32>
      %lt3A_1336 = arith.cmpi ult, %bitcast3A, %lt3A_1335 : vector<16xi32>
      %shift_right_arithmetic3A = arith.constant 3 : i32
      %shift_right_arithmetic3A_1337 = vector.broadcast %shift_right_arithmetic3A : i32 to vector<16xi32>
      %shift_right_arithmetic3A_1338 = arith.shrsi %sub3A_1334, %shift_right_arithmetic3A_1337 : vector<16xi32>
      %and3A = arith.constant 7 : i32
      %and3A_1339 = vector.broadcast %and3A : i32 to vector<16xi32>
      %and3A_1340 = arith.andi %sub3A_1334, %and3A_1339 : vector<16xi32>
      %shift_right_logical3A = arith.constant 3 : i32
      %shift_right_logical3A_1341 = arith.shrui %scan3A_1325, %shift_right_logical3A : i32
      %broadcast_in_dim3A_1342 = vector.broadcast %shift_right_logical3A_1341 : i32 to vector<16xi32>
      %and3A_1343 = arith.constant 127 : i32
      %and3A_1344 = arith.andi %mul3A_1327, %and3A_1343 : i32
      %add3A_1345 = vector.broadcast %and3A_1344 : i32 to vector<16xi32>
      %add3A_1346 = arith.addi %iota3A, %add3A_1345 : vector<16xi32>
      tpu.vector_store_idx %arg6[%broadcast_in_dim3A_470, %shift_right_arithmetic3A_1338, %broadcast_in_dim3A_1342, %and3A_1340, %add3A_1346], %broadcast_in_dim3A_61 masked %lt3A_1336 : memref<2x4x8x8x128xf32, #tpu.memory_space<vmem>>[vector<16xi32>, vector<16xi32>, vector<16xi32>, vector<16xi32>, vector<16xi32>], vector<16xf32>, vector<16xi1>
    }
    %scan3A_476 = arith.constant 64 : i32
    %broadcast_in_dim3A_477 = arith.constant 1 : i32
    %broadcast_in_dim3A_478 = vector.broadcast %broadcast_in_dim3A_477 : i32 to vector<16xi32>
    %scan3A_479 = arith.constant 0 : i32
    %scan3A_480 = arith.constant 0 : i32
    %scan3A_481 = arith.constant 64 : i32
    %scan3A_482 = arith.addi %scan3A_480, %scan3A_481 : i32
    %scan3A_483 = arith.constant 1 : i32
    scf.for %scan3A_1325 = %scan3A_480 to %scan3A_482 step %scan3A_483  : i32 {
      %mul3A_1326 = arith.constant 16 : i32
      %mul3A_1327 = arith.muli %scan3A_1325, %mul3A_1326 : i32
      %mul3A_1328 = arith.constant 20 : i32
      %mul3A_1329 = arith.muli %mul3A_1327, %mul3A_1328 : i32
      %add3A_1330 = arith.constant 7 : i32
      %add3A_1331 = arith.addi %mul3A_1329, %add3A_1330 : i32
      %add3A_1332 = vector.broadcast %add3A_1331 : i32 to vector<16xi32>
      %add3A_1333 = arith.addi %mul3A_58, %add3A_1332 : vector<16xi32>
      %gather3A = tpu.vector_load_idx %arg5[%add3A_1333] : memref<20480xi32, #tpu.memory_space<vmem>>[vector<16xi32>], vector<16xi32>,
      %sub3A = vector.broadcast %mul3A_5 : i32 to vector<16xi32>
      %sub3A_1334 = arith.subi %gather3A, %sub3A : vector<16xi32>
      %bitcast3A = vector.bitcast %sub3A_1334 : vector<16xi32> to vector<16xi32>
      %lt3A = arith.constant 32 : i32
      %lt3A_1335 = vector.broadcast %lt3A : i32 to vector<16xi32>
      %lt3A_1336 = arith.cmpi ult, %bitcast3A, %lt3A_1335 : vector<16xi32>
      %shift_right_arithmetic3A = arith.constant 3 : i32
      %shift_right_arithmetic3A_1337 = vector.broadcast %shift_right_arithmetic3A : i32 to vector<16xi32>
      %shift_right_arithmetic3A_1338 = arith.shrsi %sub3A_1334, %shift_right_arithmetic3A_1337 : vector<16xi32>
      %and3A = arith.constant 7 : i32
      %and3A_1339 = vector.broadcast %and3A : i32 to vector<16xi32>
      %and3A_1340 = arith.andi %sub3A_1334, %and3A_1339 : vector<16xi32>
      %shift_right_logical3A = arith.constant 3 : i32
      %shift_right_logical3A_1341 = arith.shrui %scan3A_1325, %shift_right_logical3A : i32
      %broadcast_in_dim3A_1342 = vector.broadcast %shift_right_logical3A_1341 : i32 to vector<16xi32>
      %and3A_1343 = arith.constant 127 : i32
      %and3A_1344 = arith.andi %mul3A_1327, %and3A_1343 : i32
      %add3A_1345 = vector.broadcast %and3A_1344 : i32 to vector<16xi32>
      %add3A_1346 = arith.addi %iota3A, %add3A_1345 : vector<16xi32>
      tpu.vector_store_idx %arg6[%broadcast_in_dim3A_478, %shift_right_arithmetic3A_1338, %broadcast_in_dim3A_1342, %and3A_1340, %add3A_1346], %broadcast_in_dim3A_59 masked %lt3A_1336 : memref<2x4x8x8x128xf32, #tpu.memory_space<vmem>>[vector<16xi32>, vector<16xi32>, vector<16xi32>, vector<16xi32>, vector<16xi32>], vector<16xf32>, vector<16xi1>
    }
    %scan3A_484 = arith.constant 64 : i32
    %dma_start3A_485 = arith.constant 1 : i32
    %dma_start3A_486 = arith.constant 7 : i32
    %dma_start3A_487 = arith.constant 0 : i32
    %dma_start3A_488 = arith.constant 0 : i32
    %dma_start3A_489 = arith.constant 0 : i32
    %dma_start3A_490 = arith.constant 0 : i32
    %dma_start3A_491 = tpu.memref_slice %arg6[%dma_start3A_485, %dma_start3A_487, %dma_start3A_488, %dma_start3A_489, %dma_start3A_490] : memref<2x4x8x8x128xf32, #tpu.memory_space<vmem>> -> memref<1x4x8x8x128xf32, #tpu.memory_space<vmem>>
    %dma_start3A_492 = tpu.memref_squeeze %dma_start3A_491 : memref<1x4x8x8x128xf32, #tpu.memory_space<vmem>> -> memref<4x8x8x128xf32, #tpu.memory_space<vmem>>
    %dma_start3A_493 = arith.constant 0 : i32
    %dma_start3A_494 = arith.constant 0 : i32
    %dma_start3A_495 = arith.constant 0 : i32
    %dma_start3A_496 = tpu.memref_slice %arg4[%dma_start3A_486, %min3A_3, %dma_start3A_493, %dma_start3A_494, %dma_start3A_495] : memref<20x125x8x8x128xf32, #tpu.memory_space<hbm>> -> memref<1x4x8x8x128xf32, #tpu.memory_space<hbm>>
    %dma_start3A_497 = tpu.memref_squeeze %dma_start3A_496 : memref<1x4x8x8x128xf32, #tpu.memory_space<hbm>> -> memref<4x8x8x128xf32, #tpu.memory_space<hbm>>
    %dma_start3A_498 = arith.constant 0 : i32
    %dma_start3A_499 = arith.constant 0 : i32
    %dma_start3A_500 = arith.constant 0 : i32
    %dma_start3A_501 = tpu.memref_slice %arg4[%dma_start3A_486, %min3A_3, %dma_start3A_498, %dma_start3A_499, %dma_start3A_500] : memref<20x125x8x8x128xf32, #tpu.memory_space<hbm>> -> memref<1x4x8x8x128xf32, #tpu.memory_space<hbm>>
    %dma_start3A_502 = tpu.memref_squeeze %dma_start3A_501 : memref<1x4x8x8x128xf32, #tpu.memory_space<hbm>> -> memref<4x8x8x128xf32, #tpu.memory_space<hbm>>
    %dma_start3A_503 = arith.constant 0 : i32
    %dma_start3A_504 = arith.constant 0 : i32
    %dma_start3A_505 = arith.constant 0 : i32
    %dma_start3A_506 = arith.constant 0 : i32
    %dma_start3A_507 = tpu.memref_slice %arg6[%dma_start3A_485, %dma_start3A_503, %dma_start3A_504, %dma_start3A_505, %dma_start3A_506] : memref<2x4x8x8x128xf32, #tpu.memory_space<vmem>> -> memref<1x4x8x8x128xf32, #tpu.memory_space<vmem>>
    %dma_start3A_508 = tpu.memref_squeeze %dma_start3A_507 : memref<1x4x8x8x128xf32, #tpu.memory_space<vmem>> -> memref<4x8x8x128xf32, #tpu.memory_space<vmem>>
    tpu.enqueue_dma source(%dma_start3A_508 : memref<4x8x8x128xf32, #tpu.memory_space<vmem>>) target(%dma_start3A_502 : memref<4x8x8x128xf32, #tpu.memory_space<hbm>>) target_semaphore(%arg8 : memref<!tpu.dma_semaphore, #tpu.memory_space<semaphore_mem>>)
    %dma_wait3A_509 = arith.constant 0 : i32
    %dma_wait3A_510 = arith.constant 6 : i32
    %dma_wait3A_511 = arith.constant 0 : i32
    %dma_wait3A_512 = arith.constant 0 : i32
    %dma_wait3A_513 = arith.constant 0 : i32
    %dma_wait3A_514 = arith.constant 0 : i32
    %dma_wait3A_515 = tpu.memref_slice %arg6[%dma_wait3A_509, %dma_wait3A_511, %dma_wait3A_512, %dma_wait3A_513, %dma_wait3A_514] : memref<2x4x8x8x128xf32, #tpu.memory_space<vmem>> -> memref<1x4x8x8x128xf32, #tpu.memory_space<vmem>>
    %dma_wait3A_516 = tpu.memref_squeeze %dma_wait3A_515 : memref<1x4x8x8x128xf32, #tpu.memory_space<vmem>> -> memref<4x8x8x128xf32, #tpu.memory_space<vmem>>
    %dma_wait3A_517 = arith.constant 0 : i32
    %dma_wait3A_518 = arith.constant 0 : i32
    %dma_wait3A_519 = arith.constant 0 : i32
    %dma_wait3A_520 = tpu.memref_slice %arg4[%dma_wait3A_510, %min3A_3, %dma_wait3A_517, %dma_wait3A_518, %dma_wait3A_519] : memref<20x125x8x8x128xf32, #tpu.memory_space<hbm>> -> memref<1x4x8x8x128xf32, #tpu.memory_space<hbm>>
    %dma_wait3A_521 = tpu.memref_squeeze %dma_wait3A_520 : memref<1x4x8x8x128xf32, #tpu.memory_space<hbm>> -> memref<4x8x8x128xf32, #tpu.memory_space<hbm>>
    %dma_wait3A_522 = arith.constant 0 : i32
    %dma_wait3A_523 = arith.constant 0 : i32
    %dma_wait3A_524 = arith.constant 0 : i32
    %dma_wait3A_525 = tpu.memref_slice %arg4[%dma_wait3A_510, %min3A_3, %dma_wait3A_522, %dma_wait3A_523, %dma_wait3A_524] : memref<20x125x8x8x128xf32, #tpu.memory_space<hbm>> -> memref<1x4x8x8x128xf32, #tpu.memory_space<hbm>>
    %dma_wait3A_526 = tpu.memref_squeeze %dma_wait3A_525 : memref<1x4x8x8x128xf32, #tpu.memory_space<hbm>> -> memref<4x8x8x128xf32, #tpu.memory_space<hbm>>
    %dma_wait3A_527 = arith.constant 0 : i32
    %dma_wait3A_528 = arith.constant 0 : i32
    %dma_wait3A_529 = arith.constant 0 : i32
    %dma_wait3A_530 = arith.constant 0 : i32
    %dma_wait3A_531 = tpu.memref_slice %arg6[%dma_wait3A_509, %dma_wait3A_527, %dma_wait3A_528, %dma_wait3A_529, %dma_wait3A_530] : memref<2x4x8x8x128xf32, #tpu.memory_space<vmem>> -> memref<1x4x8x8x128xf32, #tpu.memory_space<vmem>>
    %dma_wait3A_532 = tpu.memref_squeeze %dma_wait3A_531 : memref<1x4x8x8x128xf32, #tpu.memory_space<vmem>> -> memref<4x8x8x128xf32, #tpu.memory_space<vmem>>
    tpu.wait_dma2 semaphore(%arg7 : memref<!tpu.dma_semaphore, #tpu.memory_space<semaphore_mem>>) src(%dma_wait3A_532 : memref<4x8x8x128xf32, #tpu.memory_space<vmem>>) dst(%dma_wait3A_526 : memref<4x8x8x128xf32, #tpu.memory_space<hbm>>)
    %broadcast_in_dim3A_533 = arith.constant 0 : i32
    %broadcast_in_dim3A_534 = vector.broadcast %broadcast_in_dim3A_533 : i32 to vector<16xi32>
    %scan3A_535 = arith.constant 0 : i32
    %scan3A_536 = arith.constant 0 : i32
    %scan3A_537 = arith.constant 64 : i32
    %scan3A_538 = arith.addi %scan3A_536, %scan3A_537 : i32
    %scan3A_539 = arith.constant 1 : i32
    scf.for %scan3A_1325 = %scan3A_536 to %scan3A_538 step %scan3A_539  : i32 {
      %mul3A_1326 = arith.constant 16 : i32
      %mul3A_1327 = arith.muli %scan3A_1325, %mul3A_1326 : i32
      %mul3A_1328 = arith.constant 20 : i32
      %mul3A_1329 = arith.muli %mul3A_1327, %mul3A_1328 : i32
      %add3A_1330 = arith.constant 6 : i32
      %add3A_1331 = arith.addi %mul3A_1329, %add3A_1330 : i32
      %add3A_1332 = vector.broadcast %add3A_1331 : i32 to vector<16xi32>
      %add3A_1333 = arith.addi %mul3A_58, %add3A_1332 : vector<16xi32>
      %gather3A = tpu.vector_load_idx %arg5[%add3A_1333] : memref<20480xi32, #tpu.memory_space<vmem>>[vector<16xi32>], vector<16xi32>,
      %sub3A = vector.broadcast %mul3A_5 : i32 to vector<16xi32>
      %sub3A_1334 = arith.subi %gather3A, %sub3A : vector<16xi32>
      %bitcast3A = vector.bitcast %sub3A_1334 : vector<16xi32> to vector<16xi32>
      %lt3A = arith.constant 32 : i32
      %lt3A_1335 = vector.broadcast %lt3A : i32 to vector<16xi32>
      %lt3A_1336 = arith.cmpi ult, %bitcast3A, %lt3A_1335 : vector<16xi32>
      %shift_right_arithmetic3A = arith.constant 3 : i32
      %shift_right_arithmetic3A_1337 = vector.broadcast %shift_right_arithmetic3A : i32 to vector<16xi32>
      %shift_right_arithmetic3A_1338 = arith.shrsi %sub3A_1334, %shift_right_arithmetic3A_1337 : vector<16xi32>
      %and3A = arith.constant 7 : i32
      %and3A_1339 = vector.broadcast %and3A : i32 to vector<16xi32>
      %and3A_1340 = arith.andi %sub3A_1334, %and3A_1339 : vector<16xi32>
      %shift_right_logical3A = arith.constant 3 : i32
      %shift_right_logical3A_1341 = arith.shrui %scan3A_1325, %shift_right_logical3A : i32
      %broadcast_in_dim3A_1342 = vector.broadcast %shift_right_logical3A_1341 : i32 to vector<16xi32>
      %and3A_1343 = arith.constant 127 : i32
      %and3A_1344 = arith.andi %mul3A_1327, %and3A_1343 : i32
      %add3A_1345 = vector.broadcast %and3A_1344 : i32 to vector<16xi32>
      %add3A_1346 = arith.addi %iota3A, %add3A_1345 : vector<16xi32>
      tpu.vector_store_idx %arg6[%broadcast_in_dim3A_534, %shift_right_arithmetic3A_1338, %broadcast_in_dim3A_1342, %and3A_1340, %add3A_1346], %broadcast_in_dim3A_61 masked %lt3A_1336 : memref<2x4x8x8x128xf32, #tpu.memory_space<vmem>>[vector<16xi32>, vector<16xi32>, vector<16xi32>, vector<16xi32>, vector<16xi32>], vector<16xf32>, vector<16xi1>
    }
    %scan3A_540 = arith.constant 64 : i32
    %broadcast_in_dim3A_541 = arith.constant 0 : i32
    %broadcast_in_dim3A_542 = vector.broadcast %broadcast_in_dim3A_541 : i32 to vector<16xi32>
    %scan3A_543 = arith.constant 0 : i32
    %scan3A_544 = arith.constant 0 : i32
    %scan3A_545 = arith.constant 64 : i32
    %scan3A_546 = arith.addi %scan3A_544, %scan3A_545 : i32
    %scan3A_547 = arith.constant 1 : i32
    scf.for %scan3A_1325 = %scan3A_544 to %scan3A_546 step %scan3A_547  : i32 {
      %mul3A_1326 = arith.constant 16 : i32
      %mul3A_1327 = arith.muli %scan3A_1325, %mul3A_1326 : i32
      %mul3A_1328 = arith.constant 20 : i32
      %mul3A_1329 = arith.muli %mul3A_1327, %mul3A_1328 : i32
      %add3A_1330 = arith.constant 8 : i32
      %add3A_1331 = arith.addi %mul3A_1329, %add3A_1330 : i32
      %add3A_1332 = vector.broadcast %add3A_1331 : i32 to vector<16xi32>
      %add3A_1333 = arith.addi %mul3A_58, %add3A_1332 : vector<16xi32>
      %gather3A = tpu.vector_load_idx %arg5[%add3A_1333] : memref<20480xi32, #tpu.memory_space<vmem>>[vector<16xi32>], vector<16xi32>,
      %sub3A = vector.broadcast %mul3A_5 : i32 to vector<16xi32>
      %sub3A_1334 = arith.subi %gather3A, %sub3A : vector<16xi32>
      %bitcast3A = vector.bitcast %sub3A_1334 : vector<16xi32> to vector<16xi32>
      %lt3A = arith.constant 32 : i32
      %lt3A_1335 = vector.broadcast %lt3A : i32 to vector<16xi32>
      %lt3A_1336 = arith.cmpi ult, %bitcast3A, %lt3A_1335 : vector<16xi32>
      %shift_right_arithmetic3A = arith.constant 3 : i32
      %shift_right_arithmetic3A_1337 = vector.broadcast %shift_right_arithmetic3A : i32 to vector<16xi32>
      %shift_right_arithmetic3A_1338 = arith.shrsi %sub3A_1334, %shift_right_arithmetic3A_1337 : vector<16xi32>
      %and3A = arith.constant 7 : i32
      %and3A_1339 = vector.broadcast %and3A : i32 to vector<16xi32>
      %and3A_1340 = arith.andi %sub3A_1334, %and3A_1339 : vector<16xi32>
      %shift_right_logical3A = arith.constant 3 : i32
      %shift_right_logical3A_1341 = arith.shrui %scan3A_1325, %shift_right_logical3A : i32
      %broadcast_in_dim3A_1342 = vector.broadcast %shift_right_logical3A_1341 : i32 to vector<16xi32>
      %and3A_1343 = arith.constant 127 : i32
      %and3A_1344 = arith.andi %mul3A_1327, %and3A_1343 : i32
      %add3A_1345 = vector.broadcast %and3A_1344 : i32 to vector<16xi32>
      %add3A_1346 = arith.addi %iota3A, %add3A_1345 : vector<16xi32>
      tpu.vector_store_idx %arg6[%broadcast_in_dim3A_542, %shift_right_arithmetic3A_1338, %broadcast_in_dim3A_1342, %and3A_1340, %add3A_1346], %broadcast_in_dim3A_59 masked %lt3A_1336 : memref<2x4x8x8x128xf32, #tpu.memory_space<vmem>>[vector<16xi32>, vector<16xi32>, vector<16xi32>, vector<16xi32>, vector<16xi32>], vector<16xf32>, vector<16xi1>
    }
    %scan3A_548 = arith.constant 64 : i32
    %dma_start3A_549 = arith.constant 0 : i32
    %dma_start3A_550 = arith.constant 8 : i32
    %dma_start3A_551 = arith.constant 0 : i32
    %dma_start3A_552 = arith.constant 0 : i32
    %dma_start3A_553 = arith.constant 0 : i32
    %dma_start3A_554 = arith.constant 0 : i32
    %dma_start3A_555 = tpu.memref_slice %arg6[%dma_start3A_549, %dma_start3A_551, %dma_start3A_552, %dma_start3A_553, %dma_start3A_554] : memref<2x4x8x8x128xf32, #tpu.memory_space<vmem>> -> memref<1x4x8x8x128xf32, #tpu.memory_space<vmem>>
    %dma_start3A_556 = tpu.memref_squeeze %dma_start3A_555 : memref<1x4x8x8x128xf32, #tpu.memory_space<vmem>> -> memref<4x8x8x128xf32, #tpu.memory_space<vmem>>
    %dma_start3A_557 = arith.constant 0 : i32
    %dma_start3A_558 = arith.constant 0 : i32
    %dma_start3A_559 = arith.constant 0 : i32
    %dma_start3A_560 = tpu.memref_slice %arg4[%dma_start3A_550, %min3A_3, %dma_start3A_557, %dma_start3A_558, %dma_start3A_559] : memref<20x125x8x8x128xf32, #tpu.memory_space<hbm>> -> memref<1x4x8x8x128xf32, #tpu.memory_space<hbm>>
    %dma_start3A_561 = tpu.memref_squeeze %dma_start3A_560 : memref<1x4x8x8x128xf32, #tpu.memory_space<hbm>> -> memref<4x8x8x128xf32, #tpu.memory_space<hbm>>
    %dma_start3A_562 = arith.constant 0 : i32
    %dma_start3A_563 = arith.constant 0 : i32
    %dma_start3A_564 = arith.constant 0 : i32
    %dma_start3A_565 = tpu.memref_slice %arg4[%dma_start3A_550, %min3A_3, %dma_start3A_562, %dma_start3A_563, %dma_start3A_564] : memref<20x125x8x8x128xf32, #tpu.memory_space<hbm>> -> memref<1x4x8x8x128xf32, #tpu.memory_space<hbm>>
    %dma_start3A_566 = tpu.memref_squeeze %dma_start3A_565 : memref<1x4x8x8x128xf32, #tpu.memory_space<hbm>> -> memref<4x8x8x128xf32, #tpu.memory_space<hbm>>
    %dma_start3A_567 = arith.constant 0 : i32
    %dma_start3A_568 = arith.constant 0 : i32
    %dma_start3A_569 = arith.constant 0 : i32
    %dma_start3A_570 = arith.constant 0 : i32
    %dma_start3A_571 = tpu.memref_slice %arg6[%dma_start3A_549, %dma_start3A_567, %dma_start3A_568, %dma_start3A_569, %dma_start3A_570] : memref<2x4x8x8x128xf32, #tpu.memory_space<vmem>> -> memref<1x4x8x8x128xf32, #tpu.memory_space<vmem>>
    %dma_start3A_572 = tpu.memref_squeeze %dma_start3A_571 : memref<1x4x8x8x128xf32, #tpu.memory_space<vmem>> -> memref<4x8x8x128xf32, #tpu.memory_space<vmem>>
    tpu.enqueue_dma source(%dma_start3A_572 : memref<4x8x8x128xf32, #tpu.memory_space<vmem>>) target(%dma_start3A_566 : memref<4x8x8x128xf32, #tpu.memory_space<hbm>>) target_semaphore(%arg7 : memref<!tpu.dma_semaphore, #tpu.memory_space<semaphore_mem>>)
    %dma_wait3A_573 = arith.constant 1 : i32
    %dma_wait3A_574 = arith.constant 7 : i32
    %dma_wait3A_575 = arith.constant 0 : i32
    %dma_wait3A_576 = arith.constant 0 : i32
    %dma_wait3A_577 = arith.constant 0 : i32
    %dma_wait3A_578 = arith.constant 0 : i32
    %dma_wait3A_579 = tpu.memref_slice %arg6[%dma_wait3A_573, %dma_wait3A_575, %dma_wait3A_576, %dma_wait3A_577, %dma_wait3A_578] : memref<2x4x8x8x128xf32, #tpu.memory_space<vmem>> -> memref<1x4x8x8x128xf32, #tpu.memory_space<vmem>>
    %dma_wait3A_580 = tpu.memref_squeeze %dma_wait3A_579 : memref<1x4x8x8x128xf32, #tpu.memory_space<vmem>> -> memref<4x8x8x128xf32, #tpu.memory_space<vmem>>
    %dma_wait3A_581 = arith.constant 0 : i32
    %dma_wait3A_582 = arith.constant 0 : i32
    %dma_wait3A_583 = arith.constant 0 : i32
    %dma_wait3A_584 = tpu.memref_slice %arg4[%dma_wait3A_574, %min3A_3, %dma_wait3A_581, %dma_wait3A_582, %dma_wait3A_583] : memref<20x125x8x8x128xf32, #tpu.memory_space<hbm>> -> memref<1x4x8x8x128xf32, #tpu.memory_space<hbm>>
    %dma_wait3A_585 = tpu.memref_squeeze %dma_wait3A_584 : memref<1x4x8x8x128xf32, #tpu.memory_space<hbm>> -> memref<4x8x8x128xf32, #tpu.memory_space<hbm>>
    %dma_wait3A_586 = arith.constant 0 : i32
    %dma_wait3A_587 = arith.constant 0 : i32
    %dma_wait3A_588 = arith.constant 0 : i32
    %dma_wait3A_589 = tpu.memref_slice %arg4[%dma_wait3A_574, %min3A_3, %dma_wait3A_586, %dma_wait3A_587, %dma_wait3A_588] : memref<20x125x8x8x128xf32, #tpu.memory_space<hbm>> -> memref<1x4x8x8x128xf32, #tpu.memory_space<hbm>>
    %dma_wait3A_590 = tpu.memref_squeeze %dma_wait3A_589 : memref<1x4x8x8x128xf32, #tpu.memory_space<hbm>> -> memref<4x8x8x128xf32, #tpu.memory_space<hbm>>
    %dma_wait3A_591 = arith.constant 0 : i32
    %dma_wait3A_592 = arith.constant 0 : i32
    %dma_wait3A_593 = arith.constant 0 : i32
    %dma_wait3A_594 = arith.constant 0 : i32
    %dma_wait3A_595 = tpu.memref_slice %arg6[%dma_wait3A_573, %dma_wait3A_591, %dma_wait3A_592, %dma_wait3A_593, %dma_wait3A_594] : memref<2x4x8x8x128xf32, #tpu.memory_space<vmem>> -> memref<1x4x8x8x128xf32, #tpu.memory_space<vmem>>
    %dma_wait3A_596 = tpu.memref_squeeze %dma_wait3A_595 : memref<1x4x8x8x128xf32, #tpu.memory_space<vmem>> -> memref<4x8x8x128xf32, #tpu.memory_space<vmem>>
    tpu.wait_dma2 semaphore(%arg8 : memref<!tpu.dma_semaphore, #tpu.memory_space<semaphore_mem>>) src(%dma_wait3A_596 : memref<4x8x8x128xf32, #tpu.memory_space<vmem>>) dst(%dma_wait3A_590 : memref<4x8x8x128xf32, #tpu.memory_space<hbm>>)
    %broadcast_in_dim3A_597 = arith.constant 1 : i32
    %broadcast_in_dim3A_598 = vector.broadcast %broadcast_in_dim3A_597 : i32 to vector<16xi32>
    %scan3A_599 = arith.constant 0 : i32
    %scan3A_600 = arith.constant 0 : i32
    %scan3A_601 = arith.constant 64 : i32
    %scan3A_602 = arith.addi %scan3A_600, %scan3A_601 : i32
    %scan3A_603 = arith.constant 1 : i32
    scf.for %scan3A_1325 = %scan3A_600 to %scan3A_602 step %scan3A_603  : i32 {
      %mul3A_1326 = arith.constant 16 : i32
      %mul3A_1327 = arith.muli %scan3A_1325, %mul3A_1326 : i32
      %mul3A_1328 = arith.constant 20 : i32
      %mul3A_1329 = arith.muli %mul3A_1327, %mul3A_1328 : i32
      %add3A_1330 = arith.constant 7 : i32
      %add3A_1331 = arith.addi %mul3A_1329, %add3A_1330 : i32
      %add3A_1332 = vector.broadcast %add3A_1331 : i32 to vector<16xi32>
      %add3A_1333 = arith.addi %mul3A_58, %add3A_1332 : vector<16xi32>
      %gather3A = tpu.vector_load_idx %arg5[%add3A_1333] : memref<20480xi32, #tpu.memory_space<vmem>>[vector<16xi32>], vector<16xi32>,
      %sub3A = vector.broadcast %mul3A_5 : i32 to vector<16xi32>
      %sub3A_1334 = arith.subi %gather3A, %sub3A : vector<16xi32>
      %bitcast3A = vector.bitcast %sub3A_1334 : vector<16xi32> to vector<16xi32>
      %lt3A = arith.constant 32 : i32
      %lt3A_1335 = vector.broadcast %lt3A : i32 to vector<16xi32>
      %lt3A_1336 = arith.cmpi ult, %bitcast3A, %lt3A_1335 : vector<16xi32>
      %shift_right_arithmetic3A = arith.constant 3 : i32
      %shift_right_arithmetic3A_1337 = vector.broadcast %shift_right_arithmetic3A : i32 to vector<16xi32>
      %shift_right_arithmetic3A_1338 = arith.shrsi %sub3A_1334, %shift_right_arithmetic3A_1337 : vector<16xi32>
      %and3A = arith.constant 7 : i32
      %and3A_1339 = vector.broadcast %and3A : i32 to vector<16xi32>
      %and3A_1340 = arith.andi %sub3A_1334, %and3A_1339 : vector<16xi32>
      %shift_right_logical3A = arith.constant 3 : i32
      %shift_right_logical3A_1341 = arith.shrui %scan3A_1325, %shift_right_logical3A : i32
      %broadcast_in_dim3A_1342 = vector.broadcast %shift_right_logical3A_1341 : i32 to vector<16xi32>
      %and3A_1343 = arith.constant 127 : i32
      %and3A_1344 = arith.andi %mul3A_1327, %and3A_1343 : i32
      %add3A_1345 = vector.broadcast %and3A_1344 : i32 to vector<16xi32>
      %add3A_1346 = arith.addi %iota3A, %add3A_1345 : vector<16xi32>
      tpu.vector_store_idx %arg6[%broadcast_in_dim3A_598, %shift_right_arithmetic3A_1338, %broadcast_in_dim3A_1342, %and3A_1340, %add3A_1346], %broadcast_in_dim3A_61 masked %lt3A_1336 : memref<2x4x8x8x128xf32, #tpu.memory_space<vmem>>[vector<16xi32>, vector<16xi32>, vector<16xi32>, vector<16xi32>, vector<16xi32>], vector<16xf32>, vector<16xi1>
    }
    %scan3A_604 = arith.constant 64 : i32
    %broadcast_in_dim3A_605 = arith.constant 1 : i32
    %broadcast_in_dim3A_606 = vector.broadcast %broadcast_in_dim3A_605 : i32 to vector<16xi32>
    %scan3A_607 = arith.constant 0 : i32
    %scan3A_608 = arith.constant 0 : i32
    %scan3A_609 = arith.constant 64 : i32
    %scan3A_610 = arith.addi %scan3A_608, %scan3A_609 : i32
    %scan3A_611 = arith.constant 1 : i32
    scf.for %scan3A_1325 = %scan3A_608 to %scan3A_610 step %scan3A_611  : i32 {
      %mul3A_1326 = arith.constant 16 : i32
      %mul3A_1327 = arith.muli %scan3A_1325, %mul3A_1326 : i32
      %mul3A_1328 = arith.constant 20 : i32
      %mul3A_1329 = arith.muli %mul3A_1327, %mul3A_1328 : i32
      %add3A_1330 = arith.constant 9 : i32
      %add3A_1331 = arith.addi %mul3A_1329, %add3A_1330 : i32
      %add3A_1332 = vector.broadcast %add3A_1331 : i32 to vector<16xi32>
      %add3A_1333 = arith.addi %mul3A_58, %add3A_1332 : vector<16xi32>
      %gather3A = tpu.vector_load_idx %arg5[%add3A_1333] : memref<20480xi32, #tpu.memory_space<vmem>>[vector<16xi32>], vector<16xi32>,
      %sub3A = vector.broadcast %mul3A_5 : i32 to vector<16xi32>
      %sub3A_1334 = arith.subi %gather3A, %sub3A : vector<16xi32>
      %bitcast3A = vector.bitcast %sub3A_1334 : vector<16xi32> to vector<16xi32>
      %lt3A = arith.constant 32 : i32
      %lt3A_1335 = vector.broadcast %lt3A : i32 to vector<16xi32>
      %lt3A_1336 = arith.cmpi ult, %bitcast3A, %lt3A_1335 : vector<16xi32>
      %shift_right_arithmetic3A = arith.constant 3 : i32
      %shift_right_arithmetic3A_1337 = vector.broadcast %shift_right_arithmetic3A : i32 to vector<16xi32>
      %shift_right_arithmetic3A_1338 = arith.shrsi %sub3A_1334, %shift_right_arithmetic3A_1337 : vector<16xi32>
      %and3A = arith.constant 7 : i32
      %and3A_1339 = vector.broadcast %and3A : i32 to vector<16xi32>
      %and3A_1340 = arith.andi %sub3A_1334, %and3A_1339 : vector<16xi32>
      %shift_right_logical3A = arith.constant 3 : i32
      %shift_right_logical3A_1341 = arith.shrui %scan3A_1325, %shift_right_logical3A : i32
      %broadcast_in_dim3A_1342 = vector.broadcast %shift_right_logical3A_1341 : i32 to vector<16xi32>
      %and3A_1343 = arith.constant 127 : i32
      %and3A_1344 = arith.andi %mul3A_1327, %and3A_1343 : i32
      %add3A_1345 = vector.broadcast %and3A_1344 : i32 to vector<16xi32>
      %add3A_1346 = arith.addi %iota3A, %add3A_1345 : vector<16xi32>
      tpu.vector_store_idx %arg6[%broadcast_in_dim3A_606, %shift_right_arithmetic3A_1338, %broadcast_in_dim3A_1342, %and3A_1340, %add3A_1346], %broadcast_in_dim3A_59 masked %lt3A_1336 : memref<2x4x8x8x128xf32, #tpu.memory_space<vmem>>[vector<16xi32>, vector<16xi32>, vector<16xi32>, vector<16xi32>, vector<16xi32>], vector<16xf32>, vector<16xi1>
    }
    %scan3A_612 = arith.constant 64 : i32
    %dma_start3A_613 = arith.constant 1 : i32
    %dma_start3A_614 = arith.constant 9 : i32
    %dma_start3A_615 = arith.constant 0 : i32
    %dma_start3A_616 = arith.constant 0 : i32
    %dma_start3A_617 = arith.constant 0 : i32
    %dma_start3A_618 = arith.constant 0 : i32
    %dma_start3A_619 = tpu.memref_slice %arg6[%dma_start3A_613, %dma_start3A_615, %dma_start3A_616, %dma_start3A_617, %dma_start3A_618] : memref<2x4x8x8x128xf32, #tpu.memory_space<vmem>> -> memref<1x4x8x8x128xf32, #tpu.memory_space<vmem>>
    %dma_start3A_620 = tpu.memref_squeeze %dma_start3A_619 : memref<1x4x8x8x128xf32, #tpu.memory_space<vmem>> -> memref<4x8x8x128xf32, #tpu.memory_space<vmem>>
    %dma_start3A_621 = arith.constant 0 : i32
    %dma_start3A_622 = arith.constant 0 : i32
    %dma_start3A_623 = arith.constant 0 : i32
    %dma_start3A_624 = tpu.memref_slice %arg4[%dma_start3A_614, %min3A_3, %dma_start3A_621, %dma_start3A_622, %dma_start3A_623] : memref<20x125x8x8x128xf32, #tpu.memory_space<hbm>> -> memref<1x4x8x8x128xf32, #tpu.memory_space<hbm>>
    %dma_start3A_625 = tpu.memref_squeeze %dma_start3A_624 : memref<1x4x8x8x128xf32, #tpu.memory_space<hbm>> -> memref<4x8x8x128xf32, #tpu.memory_space<hbm>>
    %dma_start3A_626 = arith.constant 0 : i32
    %dma_start3A_627 = arith.constant 0 : i32
    %dma_start3A_628 = arith.constant 0 : i32
    %dma_start3A_629 = tpu.memref_slice %arg4[%dma_start3A_614, %min3A_3, %dma_start3A_626, %dma_start3A_627, %dma_start3A_628] : memref<20x125x8x8x128xf32, #tpu.memory_space<hbm>> -> memref<1x4x8x8x128xf32, #tpu.memory_space<hbm>>
    %dma_start3A_630 = tpu.memref_squeeze %dma_start3A_629 : memref<1x4x8x8x128xf32, #tpu.memory_space<hbm>> -> memref<4x8x8x128xf32, #tpu.memory_space<hbm>>
    %dma_start3A_631 = arith.constant 0 : i32
    %dma_start3A_632 = arith.constant 0 : i32
    %dma_start3A_633 = arith.constant 0 : i32
    %dma_start3A_634 = arith.constant 0 : i32
    %dma_start3A_635 = tpu.memref_slice %arg6[%dma_start3A_613, %dma_start3A_631, %dma_start3A_632, %dma_start3A_633, %dma_start3A_634] : memref<2x4x8x8x128xf32, #tpu.memory_space<vmem>> -> memref<1x4x8x8x128xf32, #tpu.memory_space<vmem>>
    %dma_start3A_636 = tpu.memref_squeeze %dma_start3A_635 : memref<1x4x8x8x128xf32, #tpu.memory_space<vmem>> -> memref<4x8x8x128xf32, #tpu.memory_space<vmem>>
    tpu.enqueue_dma source(%dma_start3A_636 : memref<4x8x8x128xf32, #tpu.memory_space<vmem>>) target(%dma_start3A_630 : memref<4x8x8x128xf32, #tpu.memory_space<hbm>>) target_semaphore(%arg8 : memref<!tpu.dma_semaphore, #tpu.memory_space<semaphore_mem>>)
    %dma_wait3A_637 = arith.constant 0 : i32
    %dma_wait3A_638 = arith.constant 8 : i32
    %dma_wait3A_639 = arith.constant 0 : i32
    %dma_wait3A_640 = arith.constant 0 : i32
    %dma_wait3A_641 = arith.constant 0 : i32
    %dma_wait3A_642 = arith.constant 0 : i32
    %dma_wait3A_643 = tpu.memref_slice %arg6[%dma_wait3A_637, %dma_wait3A_639, %dma_wait3A_640, %dma_wait3A_641, %dma_wait3A_642] : memref<2x4x8x8x128xf32, #tpu.memory_space<vmem>> -> memref<1x4x8x8x128xf32, #tpu.memory_space<vmem>>
    %dma_wait3A_644 = tpu.memref_squeeze %dma_wait3A_643 : memref<1x4x8x8x128xf32, #tpu.memory_space<vmem>> -> memref<4x8x8x128xf32, #tpu.memory_space<vmem>>
    %dma_wait3A_645 = arith.constant 0 : i32
    %dma_wait3A_646 = arith.constant 0 : i32
    %dma_wait3A_647 = arith.constant 0 : i32
    %dma_wait3A_648 = tpu.memref_slice %arg4[%dma_wait3A_638, %min3A_3, %dma_wait3A_645, %dma_wait3A_646, %dma_wait3A_647] : memref<20x125x8x8x128xf32, #tpu.memory_space<hbm>> -> memref<1x4x8x8x128xf32, #tpu.memory_space<hbm>>
    %dma_wait3A_649 = tpu.memref_squeeze %dma_wait3A_648 : memref<1x4x8x8x128xf32, #tpu.memory_space<hbm>> -> memref<4x8x8x128xf32, #tpu.memory_space<hbm>>
    %dma_wait3A_650 = arith.constant 0 : i32
    %dma_wait3A_651 = arith.constant 0 : i32
    %dma_wait3A_652 = arith.constant 0 : i32
    %dma_wait3A_653 = tpu.memref_slice %arg4[%dma_wait3A_638, %min3A_3, %dma_wait3A_650, %dma_wait3A_651, %dma_wait3A_652] : memref<20x125x8x8x128xf32, #tpu.memory_space<hbm>> -> memref<1x4x8x8x128xf32, #tpu.memory_space<hbm>>
    %dma_wait3A_654 = tpu.memref_squeeze %dma_wait3A_653 : memref<1x4x8x8x128xf32, #tpu.memory_space<hbm>> -> memref<4x8x8x128xf32, #tpu.memory_space<hbm>>
    %dma_wait3A_655 = arith.constant 0 : i32
    %dma_wait3A_656 = arith.constant 0 : i32
    %dma_wait3A_657 = arith.constant 0 : i32
    %dma_wait3A_658 = arith.constant 0 : i32
    %dma_wait3A_659 = tpu.memref_slice %arg6[%dma_wait3A_637, %dma_wait3A_655, %dma_wait3A_656, %dma_wait3A_657, %dma_wait3A_658] : memref<2x4x8x8x128xf32, #tpu.memory_space<vmem>> -> memref<1x4x8x8x128xf32, #tpu.memory_space<vmem>>
    %dma_wait3A_660 = tpu.memref_squeeze %dma_wait3A_659 : memref<1x4x8x8x128xf32, #tpu.memory_space<vmem>> -> memref<4x8x8x128xf32, #tpu.memory_space<vmem>>
    tpu.wait_dma2 semaphore(%arg7 : memref<!tpu.dma_semaphore, #tpu.memory_space<semaphore_mem>>) src(%dma_wait3A_660 : memref<4x8x8x128xf32, #tpu.memory_space<vmem>>) dst(%dma_wait3A_654 : memref<4x8x8x128xf32, #tpu.memory_space<hbm>>)
    %broadcast_in_dim3A_661 = arith.constant 0 : i32
    %broadcast_in_dim3A_662 = vector.broadcast %broadcast_in_dim3A_661 : i32 to vector<16xi32>
    %scan3A_663 = arith.constant 0 : i32
    %scan3A_664 = arith.constant 0 : i32
    %scan3A_665 = arith.constant 64 : i32
    %scan3A_666 = arith.addi %scan3A_664, %scan3A_665 : i32
    %scan3A_667 = arith.constant 1 : i32
    scf.for %scan3A_1325 = %scan3A_664 to %scan3A_666 step %scan3A_667  : i32 {
      %mul3A_1326 = arith.constant 16 : i32
      %mul3A_1327 = arith.muli %scan3A_1325, %mul3A_1326 : i32
      %mul3A_1328 = arith.constant 20 : i32
      %mul3A_1329 = arith.muli %mul3A_1327, %mul3A_1328 : i32
      %add3A_1330 = arith.constant 8 : i32
      %add3A_1331 = arith.addi %mul3A_1329, %add3A_1330 : i32
      %add3A_1332 = vector.broadcast %add3A_1331 : i32 to vector<16xi32>
      %add3A_1333 = arith.addi %mul3A_58, %add3A_1332 : vector<16xi32>
      %gather3A = tpu.vector_load_idx %arg5[%add3A_1333] : memref<20480xi32, #tpu.memory_space<vmem>>[vector<16xi32>], vector<16xi32>,
      %sub3A = vector.broadcast %mul3A_5 : i32 to vector<16xi32>
      %sub3A_1334 = arith.subi %gather3A, %sub3A : vector<16xi32>
      %bitcast3A = vector.bitcast %sub3A_1334 : vector<16xi32> to vector<16xi32>
      %lt3A = arith.constant 32 : i32
      %lt3A_1335 = vector.broadcast %lt3A : i32 to vector<16xi32>
      %lt3A_1336 = arith.cmpi ult, %bitcast3A, %lt3A_1335 : vector<16xi32>
      %shift_right_arithmetic3A = arith.constant 3 : i32
      %shift_right_arithmetic3A_1337 = vector.broadcast %shift_right_arithmetic3A : i32 to vector<16xi32>
      %shift_right_arithmetic3A_1338 = arith.shrsi %sub3A_1334, %shift_right_arithmetic3A_1337 : vector<16xi32>
      %and3A = arith.constant 7 : i32
      %and3A_1339 = vector.broadcast %and3A : i32 to vector<16xi32>
      %and3A_1340 = arith.andi %sub3A_1334, %and3A_1339 : vector<16xi32>
      %shift_right_logical3A = arith.constant 3 : i32
      %shift_right_logical3A_1341 = arith.shrui %scan3A_1325, %shift_right_logical3A : i32
      %broadcast_in_dim3A_1342 = vector.broadcast %shift_right_logical3A_1341 : i32 to vector<16xi32>
      %and3A_1343 = arith.constant 127 : i32
      %and3A_1344 = arith.andi %mul3A_1327, %and3A_1343 : i32
      %add3A_1345 = vector.broadcast %and3A_1344 : i32 to vector<16xi32>
      %add3A_1346 = arith.addi %iota3A, %add3A_1345 : vector<16xi32>
      tpu.vector_store_idx %arg6[%broadcast_in_dim3A_662, %shift_right_arithmetic3A_1338, %broadcast_in_dim3A_1342, %and3A_1340, %add3A_1346], %broadcast_in_dim3A_61 masked %lt3A_1336 : memref<2x4x8x8x128xf32, #tpu.memory_space<vmem>>[vector<16xi32>, vector<16xi32>, vector<16xi32>, vector<16xi32>, vector<16xi32>], vector<16xf32>, vector<16xi1>
    }
    %scan3A_668 = arith.constant 64 : i32
    %broadcast_in_dim3A_669 = arith.constant 0 : i32
    %broadcast_in_dim3A_670 = vector.broadcast %broadcast_in_dim3A_669 : i32 to vector<16xi32>
    %scan3A_671 = arith.constant 0 : i32
    %scan3A_672 = arith.constant 0 : i32
    %scan3A_673 = arith.constant 64 : i32
    %scan3A_674 = arith.addi %scan3A_672, %scan3A_673 : i32
    %scan3A_675 = arith.constant 1 : i32
    scf.for %scan3A_1325 = %scan3A_672 to %scan3A_674 step %scan3A_675  : i32 {
      %mul3A_1326 = arith.constant 16 : i32
      %mul3A_1327 = arith.muli %scan3A_1325, %mul3A_1326 : i32
      %mul3A_1328 = arith.constant 20 : i32
      %mul3A_1329 = arith.muli %mul3A_1327, %mul3A_1328 : i32
      %add3A_1330 = arith.constant 10 : i32
      %add3A_1331 = arith.addi %mul3A_1329, %add3A_1330 : i32
      %add3A_1332 = vector.broadcast %add3A_1331 : i32 to vector<16xi32>
      %add3A_1333 = arith.addi %mul3A_58, %add3A_1332 : vector<16xi32>
      %gather3A = tpu.vector_load_idx %arg5[%add3A_1333] : memref<20480xi32, #tpu.memory_space<vmem>>[vector<16xi32>], vector<16xi32>,
      %sub3A = vector.broadcast %mul3A_5 : i32 to vector<16xi32>
      %sub3A_1334 = arith.subi %gather3A, %sub3A : vector<16xi32>
      %bitcast3A = vector.bitcast %sub3A_1334 : vector<16xi32> to vector<16xi32>
      %lt3A = arith.constant 32 : i32
      %lt3A_1335 = vector.broadcast %lt3A : i32 to vector<16xi32>
      %lt3A_1336 = arith.cmpi ult, %bitcast3A, %lt3A_1335 : vector<16xi32>
      %shift_right_arithmetic3A = arith.constant 3 : i32
      %shift_right_arithmetic3A_1337 = vector.broadcast %shift_right_arithmetic3A : i32 to vector<16xi32>
      %shift_right_arithmetic3A_1338 = arith.shrsi %sub3A_1334, %shift_right_arithmetic3A_1337 : vector<16xi32>
      %and3A = arith.constant 7 : i32
      %and3A_1339 = vector.broadcast %and3A : i32 to vector<16xi32>
      %and3A_1340 = arith.andi %sub3A_1334, %and3A_1339 : vector<16xi32>
      %shift_right_logical3A = arith.constant 3 : i32
      %shift_right_logical3A_1341 = arith.shrui %scan3A_1325, %shift_right_logical3A : i32
      %broadcast_in_dim3A_1342 = vector.broadcast %shift_right_logical3A_1341 : i32 to vector<16xi32>
      %and3A_1343 = arith.constant 127 : i32
      %and3A_1344 = arith.andi %mul3A_1327, %and3A_1343 : i32
      %add3A_1345 = vector.broadcast %and3A_1344 : i32 to vector<16xi32>
      %add3A_1346 = arith.addi %iota3A, %add3A_1345 : vector<16xi32>
      tpu.vector_store_idx %arg6[%broadcast_in_dim3A_670, %shift_right_arithmetic3A_1338, %broadcast_in_dim3A_1342, %and3A_1340, %add3A_1346], %broadcast_in_dim3A_59 masked %lt3A_1336 : memref<2x4x8x8x128xf32, #tpu.memory_space<vmem>>[vector<16xi32>, vector<16xi32>, vector<16xi32>, vector<16xi32>, vector<16xi32>], vector<16xf32>, vector<16xi1>
    }
    %scan3A_676 = arith.constant 64 : i32
    %dma_start3A_677 = arith.constant 0 : i32
    %dma_start3A_678 = arith.constant 10 : i32
    %dma_start3A_679 = arith.constant 0 : i32
    %dma_start3A_680 = arith.constant 0 : i32
    %dma_start3A_681 = arith.constant 0 : i32
    %dma_start3A_682 = arith.constant 0 : i32
    %dma_start3A_683 = tpu.memref_slice %arg6[%dma_start3A_677, %dma_start3A_679, %dma_start3A_680, %dma_start3A_681, %dma_start3A_682] : memref<2x4x8x8x128xf32, #tpu.memory_space<vmem>> -> memref<1x4x8x8x128xf32, #tpu.memory_space<vmem>>
    %dma_start3A_684 = tpu.memref_squeeze %dma_start3A_683 : memref<1x4x8x8x128xf32, #tpu.memory_space<vmem>> -> memref<4x8x8x128xf32, #tpu.memory_space<vmem>>
    %dma_start3A_685 = arith.constant 0 : i32
    %dma_start3A_686 = arith.constant 0 : i32
    %dma_start3A_687 = arith.constant 0 : i32
    %dma_start3A_688 = tpu.memref_slice %arg4[%dma_start3A_678, %min3A_3, %dma_start3A_685, %dma_start3A_686, %dma_start3A_687] : memref<20x125x8x8x128xf32, #tpu.memory_space<hbm>> -> memref<1x4x8x8x128xf32, #tpu.memory_space<hbm>>
    %dma_start3A_689 = tpu.memref_squeeze %dma_start3A_688 : memref<1x4x8x8x128xf32, #tpu.memory_space<hbm>> -> memref<4x8x8x128xf32, #tpu.memory_space<hbm>>
    %dma_start3A_690 = arith.constant 0 : i32
    %dma_start3A_691 = arith.constant 0 : i32
    %dma_start3A_692 = arith.constant 0 : i32
    %dma_start3A_693 = tpu.memref_slice %arg4[%dma_start3A_678, %min3A_3, %dma_start3A_690, %dma_start3A_691, %dma_start3A_692] : memref<20x125x8x8x128xf32, #tpu.memory_space<hbm>> -> memref<1x4x8x8x128xf32, #tpu.memory_space<hbm>>
    %dma_start3A_694 = tpu.memref_squeeze %dma_start3A_693 : memref<1x4x8x8x128xf32, #tpu.memory_space<hbm>> -> memref<4x8x8x128xf32, #tpu.memory_space<hbm>>
    %dma_start3A_695 = arith.constant 0 : i32
    %dma_start3A_696 = arith.constant 0 : i32
    %dma_start3A_697 = arith.constant 0 : i32
    %dma_start3A_698 = arith.constant 0 : i32
    %dma_start3A_699 = tpu.memref_slice %arg6[%dma_start3A_677, %dma_start3A_695, %dma_start3A_696, %dma_start3A_697, %dma_start3A_698] : memref<2x4x8x8x128xf32, #tpu.memory_space<vmem>> -> memref<1x4x8x8x128xf32, #tpu.memory_space<vmem>>
    %dma_start3A_700 = tpu.memref_squeeze %dma_start3A_699 : memref<1x4x8x8x128xf32, #tpu.memory_space<vmem>> -> memref<4x8x8x128xf32, #tpu.memory_space<vmem>>
    tpu.enqueue_dma source(%dma_start3A_700 : memref<4x8x8x128xf32, #tpu.memory_space<vmem>>) target(%dma_start3A_694 : memref<4x8x8x128xf32, #tpu.memory_space<hbm>>) target_semaphore(%arg7 : memref<!tpu.dma_semaphore, #tpu.memory_space<semaphore_mem>>)
    %dma_wait3A_701 = arith.constant 1 : i32
    %dma_wait3A_702 = arith.constant 9 : i32
    %dma_wait3A_703 = arith.constant 0 : i32
    %dma_wait3A_704 = arith.constant 0 : i32
    %dma_wait3A_705 = arith.constant 0 : i32
    %dma_wait3A_706 = arith.constant 0 : i32
    %dma_wait3A_707 = tpu.memref_slice %arg6[%dma_wait3A_701, %dma_wait3A_703, %dma_wait3A_704, %dma_wait3A_705, %dma_wait3A_706] : memref<2x4x8x8x128xf32, #tpu.memory_space<vmem>> -> memref<1x4x8x8x128xf32, #tpu.memory_space<vmem>>
    %dma_wait3A_708 = tpu.memref_squeeze %dma_wait3A_707 : memref<1x4x8x8x128xf32, #tpu.memory_space<vmem>> -> memref<4x8x8x128xf32, #tpu.memory_space<vmem>>
    %dma_wait3A_709 = arith.constant 0 : i32
    %dma_wait3A_710 = arith.constant 0 : i32
    %dma_wait3A_711 = arith.constant 0 : i32
    %dma_wait3A_712 = tpu.memref_slice %arg4[%dma_wait3A_702, %min3A_3, %dma_wait3A_709, %dma_wait3A_710, %dma_wait3A_711] : memref<20x125x8x8x128xf32, #tpu.memory_space<hbm>> -> memref<1x4x8x8x128xf32, #tpu.memory_space<hbm>>
    %dma_wait3A_713 = tpu.memref_squeeze %dma_wait3A_712 : memref<1x4x8x8x128xf32, #tpu.memory_space<hbm>> -> memref<4x8x8x128xf32, #tpu.memory_space<hbm>>
    %dma_wait3A_714 = arith.constant 0 : i32
    %dma_wait3A_715 = arith.constant 0 : i32
    %dma_wait3A_716 = arith.constant 0 : i32
    %dma_wait3A_717 = tpu.memref_slice %arg4[%dma_wait3A_702, %min3A_3, %dma_wait3A_714, %dma_wait3A_715, %dma_wait3A_716] : memref<20x125x8x8x128xf32, #tpu.memory_space<hbm>> -> memref<1x4x8x8x128xf32, #tpu.memory_space<hbm>>
    %dma_wait3A_718 = tpu.memref_squeeze %dma_wait3A_717 : memref<1x4x8x8x128xf32, #tpu.memory_space<hbm>> -> memref<4x8x8x128xf32, #tpu.memory_space<hbm>>
    %dma_wait3A_719 = arith.constant 0 : i32
    %dma_wait3A_720 = arith.constant 0 : i32
    %dma_wait3A_721 = arith.constant 0 : i32
    %dma_wait3A_722 = arith.constant 0 : i32
    %dma_wait3A_723 = tpu.memref_slice %arg6[%dma_wait3A_701, %dma_wait3A_719, %dma_wait3A_720, %dma_wait3A_721, %dma_wait3A_722] : memref<2x4x8x8x128xf32, #tpu.memory_space<vmem>> -> memref<1x4x8x8x128xf32, #tpu.memory_space<vmem>>
    %dma_wait3A_724 = tpu.memref_squeeze %dma_wait3A_723 : memref<1x4x8x8x128xf32, #tpu.memory_space<vmem>> -> memref<4x8x8x128xf32, #tpu.memory_space<vmem>>
    tpu.wait_dma2 semaphore(%arg8 : memref<!tpu.dma_semaphore, #tpu.memory_space<semaphore_mem>>) src(%dma_wait3A_724 : memref<4x8x8x128xf32, #tpu.memory_space<vmem>>) dst(%dma_wait3A_718 : memref<4x8x8x128xf32, #tpu.memory_space<hbm>>)
    %broadcast_in_dim3A_725 = arith.constant 1 : i32
    %broadcast_in_dim3A_726 = vector.broadcast %broadcast_in_dim3A_725 : i32 to vector<16xi32>
    %scan3A_727 = arith.constant 0 : i32
    %scan3A_728 = arith.constant 0 : i32
    %scan3A_729 = arith.constant 64 : i32
    %scan3A_730 = arith.addi %scan3A_728, %scan3A_729 : i32
    %scan3A_731 = arith.constant 1 : i32
    scf.for %scan3A_1325 = %scan3A_728 to %scan3A_730 step %scan3A_731  : i32 {
      %mul3A_1326 = arith.constant 16 : i32
      %mul3A_1327 = arith.muli %scan3A_1325, %mul3A_1326 : i32
      %mul3A_1328 = arith.constant 20 : i32
      %mul3A_1329 = arith.muli %mul3A_1327, %mul3A_1328 : i32
      %add3A_1330 = arith.constant 9 : i32
      %add3A_1331 = arith.addi %mul3A_1329, %add3A_1330 : i32
      %add3A_1332 = vector.broadcast %add3A_1331 : i32 to vector<16xi32>
      %add3A_1333 = arith.addi %mul3A_58, %add3A_1332 : vector<16xi32>
      %gather3A = tpu.vector_load_idx %arg5[%add3A_1333] : memref<20480xi32, #tpu.memory_space<vmem>>[vector<16xi32>], vector<16xi32>,
      %sub3A = vector.broadcast %mul3A_5 : i32 to vector<16xi32>
      %sub3A_1334 = arith.subi %gather3A, %sub3A : vector<16xi32>
      %bitcast3A = vector.bitcast %sub3A_1334 : vector<16xi32> to vector<16xi32>
      %lt3A = arith.constant 32 : i32
      %lt3A_1335 = vector.broadcast %lt3A : i32 to vector<16xi32>
      %lt3A_1336 = arith.cmpi ult, %bitcast3A, %lt3A_1335 : vector<16xi32>
      %shift_right_arithmetic3A = arith.constant 3 : i32
      %shift_right_arithmetic3A_1337 = vector.broadcast %shift_right_arithmetic3A : i32 to vector<16xi32>
      %shift_right_arithmetic3A_1338 = arith.shrsi %sub3A_1334, %shift_right_arithmetic3A_1337 : vector<16xi32>
      %and3A = arith.constant 7 : i32
      %and3A_1339 = vector.broadcast %and3A : i32 to vector<16xi32>
      %and3A_1340 = arith.andi %sub3A_1334, %and3A_1339 : vector<16xi32>
      %shift_right_logical3A = arith.constant 3 : i32
      %shift_right_logical3A_1341 = arith.shrui %scan3A_1325, %shift_right_logical3A : i32
      %broadcast_in_dim3A_1342 = vector.broadcast %shift_right_logical3A_1341 : i32 to vector<16xi32>
      %and3A_1343 = arith.constant 127 : i32
      %and3A_1344 = arith.andi %mul3A_1327, %and3A_1343 : i32
      %add3A_1345 = vector.broadcast %and3A_1344 : i32 to vector<16xi32>
      %add3A_1346 = arith.addi %iota3A, %add3A_1345 : vector<16xi32>
      tpu.vector_store_idx %arg6[%broadcast_in_dim3A_726, %shift_right_arithmetic3A_1338, %broadcast_in_dim3A_1342, %and3A_1340, %add3A_1346], %broadcast_in_dim3A_61 masked %lt3A_1336 : memref<2x4x8x8x128xf32, #tpu.memory_space<vmem>>[vector<16xi32>, vector<16xi32>, vector<16xi32>, vector<16xi32>, vector<16xi32>], vector<16xf32>, vector<16xi1>
    }
    %scan3A_732 = arith.constant 64 : i32
    %broadcast_in_dim3A_733 = arith.constant 1 : i32
    %broadcast_in_dim3A_734 = vector.broadcast %broadcast_in_dim3A_733 : i32 to vector<16xi32>
    %scan3A_735 = arith.constant 0 : i32
    %scan3A_736 = arith.constant 0 : i32
    %scan3A_737 = arith.constant 64 : i32
    %scan3A_738 = arith.addi %scan3A_736, %scan3A_737 : i32
    %scan3A_739 = arith.constant 1 : i32
    scf.for %scan3A_1325 = %scan3A_736 to %scan3A_738 step %scan3A_739  : i32 {
      %mul3A_1326 = arith.constant 16 : i32
      %mul3A_1327 = arith.muli %scan3A_1325, %mul3A_1326 : i32
      %mul3A_1328 = arith.constant 20 : i32
      %mul3A_1329 = arith.muli %mul3A_1327, %mul3A_1328 : i32
      %add3A_1330 = arith.constant 11 : i32
      %add3A_1331 = arith.addi %mul3A_1329, %add3A_1330 : i32
      %add3A_1332 = vector.broadcast %add3A_1331 : i32 to vector<16xi32>
      %add3A_1333 = arith.addi %mul3A_58, %add3A_1332 : vector<16xi32>
      %gather3A = tpu.vector_load_idx %arg5[%add3A_1333] : memref<20480xi32, #tpu.memory_space<vmem>>[vector<16xi32>], vector<16xi32>,
      %sub3A = vector.broadcast %mul3A_5 : i32 to vector<16xi32>
      %sub3A_1334 = arith.subi %gather3A, %sub3A : vector<16xi32>
      %bitcast3A = vector.bitcast %sub3A_1334 : vector<16xi32> to vector<16xi32>
      %lt3A = arith.constant 32 : i32
      %lt3A_1335 = vector.broadcast %lt3A : i32 to vector<16xi32>
      %lt3A_1336 = arith.cmpi ult, %bitcast3A, %lt3A_1335 : vector<16xi32>
      %shift_right_arithmetic3A = arith.constant 3 : i32
      %shift_right_arithmetic3A_1337 = vector.broadcast %shift_right_arithmetic3A : i32 to vector<16xi32>
      %shift_right_arithmetic3A_1338 = arith.shrsi %sub3A_1334, %shift_right_arithmetic3A_1337 : vector<16xi32>
      %and3A = arith.constant 7 : i32
      %and3A_1339 = vector.broadcast %and3A : i32 to vector<16xi32>
      %and3A_1340 = arith.andi %sub3A_1334, %and3A_1339 : vector<16xi32>
      %shift_right_logical3A = arith.constant 3 : i32
      %shift_right_logical3A_1341 = arith.shrui %scan3A_1325, %shift_right_logical3A : i32
      %broadcast_in_dim3A_1342 = vector.broadcast %shift_right_logical3A_1341 : i32 to vector<16xi32>
      %and3A_1343 = arith.constant 127 : i32
      %and3A_1344 = arith.andi %mul3A_1327, %and3A_1343 : i32
      %add3A_1345 = vector.broadcast %and3A_1344 : i32 to vector<16xi32>
      %add3A_1346 = arith.addi %iota3A, %add3A_1345 : vector<16xi32>
      tpu.vector_store_idx %arg6[%broadcast_in_dim3A_734, %shift_right_arithmetic3A_1338, %broadcast_in_dim3A_1342, %and3A_1340, %add3A_1346], %broadcast_in_dim3A_59 masked %lt3A_1336 : memref<2x4x8x8x128xf32, #tpu.memory_space<vmem>>[vector<16xi32>, vector<16xi32>, vector<16xi32>, vector<16xi32>, vector<16xi32>], vector<16xf32>, vector<16xi1>
    }
    %scan3A_740 = arith.constant 64 : i32
    %dma_start3A_741 = arith.constant 1 : i32
    %dma_start3A_742 = arith.constant 11 : i32
    %dma_start3A_743 = arith.constant 0 : i32
    %dma_start3A_744 = arith.constant 0 : i32
    %dma_start3A_745 = arith.constant 0 : i32
    %dma_start3A_746 = arith.constant 0 : i32
    %dma_start3A_747 = tpu.memref_slice %arg6[%dma_start3A_741, %dma_start3A_743, %dma_start3A_744, %dma_start3A_745, %dma_start3A_746] : memref<2x4x8x8x128xf32, #tpu.memory_space<vmem>> -> memref<1x4x8x8x128xf32, #tpu.memory_space<vmem>>
    %dma_start3A_748 = tpu.memref_squeeze %dma_start3A_747 : memref<1x4x8x8x128xf32, #tpu.memory_space<vmem>> -> memref<4x8x8x128xf32, #tpu.memory_space<vmem>>
    %dma_start3A_749 = arith.constant 0 : i32
    %dma_start3A_750 = arith.constant 0 : i32
    %dma_start3A_751 = arith.constant 0 : i32
    %dma_start3A_752 = tpu.memref_slice %arg4[%dma_start3A_742, %min3A_3, %dma_start3A_749, %dma_start3A_750, %dma_start3A_751] : memref<20x125x8x8x128xf32, #tpu.memory_space<hbm>> -> memref<1x4x8x8x128xf32, #tpu.memory_space<hbm>>
    %dma_start3A_753 = tpu.memref_squeeze %dma_start3A_752 : memref<1x4x8x8x128xf32, #tpu.memory_space<hbm>> -> memref<4x8x8x128xf32, #tpu.memory_space<hbm>>
    %dma_start3A_754 = arith.constant 0 : i32
    %dma_start3A_755 = arith.constant 0 : i32
    %dma_start3A_756 = arith.constant 0 : i32
    %dma_start3A_757 = tpu.memref_slice %arg4[%dma_start3A_742, %min3A_3, %dma_start3A_754, %dma_start3A_755, %dma_start3A_756] : memref<20x125x8x8x128xf32, #tpu.memory_space<hbm>> -> memref<1x4x8x8x128xf32, #tpu.memory_space<hbm>>
    %dma_start3A_758 = tpu.memref_squeeze %dma_start3A_757 : memref<1x4x8x8x128xf32, #tpu.memory_space<hbm>> -> memref<4x8x8x128xf32, #tpu.memory_space<hbm>>
    %dma_start3A_759 = arith.constant 0 : i32
    %dma_start3A_760 = arith.constant 0 : i32
    %dma_start3A_761 = arith.constant 0 : i32
    %dma_start3A_762 = arith.constant 0 : i32
    %dma_start3A_763 = tpu.memref_slice %arg6[%dma_start3A_741, %dma_start3A_759, %dma_start3A_760, %dma_start3A_761, %dma_start3A_762] : memref<2x4x8x8x128xf32, #tpu.memory_space<vmem>> -> memref<1x4x8x8x128xf32, #tpu.memory_space<vmem>>
    %dma_start3A_764 = tpu.memref_squeeze %dma_start3A_763 : memref<1x4x8x8x128xf32, #tpu.memory_space<vmem>> -> memref<4x8x8x128xf32, #tpu.memory_space<vmem>>
    tpu.enqueue_dma source(%dma_start3A_764 : memref<4x8x8x128xf32, #tpu.memory_space<vmem>>) target(%dma_start3A_758 : memref<4x8x8x128xf32, #tpu.memory_space<hbm>>) target_semaphore(%arg8 : memref<!tpu.dma_semaphore, #tpu.memory_space<semaphore_mem>>)
    %dma_wait3A_765 = arith.constant 0 : i32
    %dma_wait3A_766 = arith.constant 10 : i32
    %dma_wait3A_767 = arith.constant 0 : i32
    %dma_wait3A_768 = arith.constant 0 : i32
    %dma_wait3A_769 = arith.constant 0 : i32
    %dma_wait3A_770 = arith.constant 0 : i32
    %dma_wait3A_771 = tpu.memref_slice %arg6[%dma_wait3A_765, %dma_wait3A_767, %dma_wait3A_768, %dma_wait3A_769, %dma_wait3A_770] : memref<2x4x8x8x128xf32, #tpu.memory_space<vmem>> -> memref<1x4x8x8x128xf32, #tpu.memory_space<vmem>>
    %dma_wait3A_772 = tpu.memref_squeeze %dma_wait3A_771 : memref<1x4x8x8x128xf32, #tpu.memory_space<vmem>> -> memref<4x8x8x128xf32, #tpu.memory_space<vmem>>
    %dma_wait3A_773 = arith.constant 0 : i32
    %dma_wait3A_774 = arith.constant 0 : i32
    %dma_wait3A_775 = arith.constant 0 : i32
    %dma_wait3A_776 = tpu.memref_slice %arg4[%dma_wait3A_766, %min3A_3, %dma_wait3A_773, %dma_wait3A_774, %dma_wait3A_775] : memref<20x125x8x8x128xf32, #tpu.memory_space<hbm>> -> memref<1x4x8x8x128xf32, #tpu.memory_space<hbm>>
    %dma_wait3A_777 = tpu.memref_squeeze %dma_wait3A_776 : memref<1x4x8x8x128xf32, #tpu.memory_space<hbm>> -> memref<4x8x8x128xf32, #tpu.memory_space<hbm>>
    %dma_wait3A_778 = arith.constant 0 : i32
    %dma_wait3A_779 = arith.constant 0 : i32
    %dma_wait3A_780 = arith.constant 0 : i32
    %dma_wait3A_781 = tpu.memref_slice %arg4[%dma_wait3A_766, %min3A_3, %dma_wait3A_778, %dma_wait3A_779, %dma_wait3A_780] : memref<20x125x8x8x128xf32, #tpu.memory_space<hbm>> -> memref<1x4x8x8x128xf32, #tpu.memory_space<hbm>>
    %dma_wait3A_782 = tpu.memref_squeeze %dma_wait3A_781 : memref<1x4x8x8x128xf32, #tpu.memory_space<hbm>> -> memref<4x8x8x128xf32, #tpu.memory_space<hbm>>
    %dma_wait3A_783 = arith.constant 0 : i32
    %dma_wait3A_784 = arith.constant 0 : i32
    %dma_wait3A_785 = arith.constant 0 : i32
    %dma_wait3A_786 = arith.constant 0 : i32
    %dma_wait3A_787 = tpu.memref_slice %arg6[%dma_wait3A_765, %dma_wait3A_783, %dma_wait3A_784, %dma_wait3A_785, %dma_wait3A_786] : memref<2x4x8x8x128xf32, #tpu.memory_space<vmem>> -> memref<1x4x8x8x128xf32, #tpu.memory_space<vmem>>
    %dma_wait3A_788 = tpu.memref_squeeze %dma_wait3A_787 : memref<1x4x8x8x128xf32, #tpu.memory_space<vmem>> -> memref<4x8x8x128xf32, #tpu.memory_space<vmem>>
    tpu.wait_dma2 semaphore(%arg7 : memref<!tpu.dma_semaphore, #tpu.memory_space<semaphore_mem>>) src(%dma_wait3A_788 : memref<4x8x8x128xf32, #tpu.memory_space<vmem>>) dst(%dma_wait3A_782 : memref<4x8x8x128xf32, #tpu.memory_space<hbm>>)
    %broadcast_in_dim3A_789 = arith.constant 0 : i32
    %broadcast_in_dim3A_790 = vector.broadcast %broadcast_in_dim3A_789 : i32 to vector<16xi32>
    %scan3A_791 = arith.constant 0 : i32
    %scan3A_792 = arith.constant 0 : i32
    %scan3A_793 = arith.constant 64 : i32
    %scan3A_794 = arith.addi %scan3A_792, %scan3A_793 : i32
    %scan3A_795 = arith.constant 1 : i32
    scf.for %scan3A_1325 = %scan3A_792 to %scan3A_794 step %scan3A_795  : i32 {
      %mul3A_1326 = arith.constant 16 : i32
      %mul3A_1327 = arith.muli %scan3A_1325, %mul3A_1326 : i32
      %mul3A_1328 = arith.constant 20 : i32
      %mul3A_1329 = arith.muli %mul3A_1327, %mul3A_1328 : i32
      %add3A_1330 = arith.constant 10 : i32
      %add3A_1331 = arith.addi %mul3A_1329, %add3A_1330 : i32
      %add3A_1332 = vector.broadcast %add3A_1331 : i32 to vector<16xi32>
      %add3A_1333 = arith.addi %mul3A_58, %add3A_1332 : vector<16xi32>
      %gather3A = tpu.vector_load_idx %arg5[%add3A_1333] : memref<20480xi32, #tpu.memory_space<vmem>>[vector<16xi32>], vector<16xi32>,
      %sub3A = vector.broadcast %mul3A_5 : i32 to vector<16xi32>
      %sub3A_1334 = arith.subi %gather3A, %sub3A : vector<16xi32>
      %bitcast3A = vector.bitcast %sub3A_1334 : vector<16xi32> to vector<16xi32>
      %lt3A = arith.constant 32 : i32
      %lt3A_1335 = vector.broadcast %lt3A : i32 to vector<16xi32>
      %lt3A_1336 = arith.cmpi ult, %bitcast3A, %lt3A_1335 : vector<16xi32>
      %shift_right_arithmetic3A = arith.constant 3 : i32
      %shift_right_arithmetic3A_1337 = vector.broadcast %shift_right_arithmetic3A : i32 to vector<16xi32>
      %shift_right_arithmetic3A_1338 = arith.shrsi %sub3A_1334, %shift_right_arithmetic3A_1337 : vector<16xi32>
      %and3A = arith.constant 7 : i32
      %and3A_1339 = vector.broadcast %and3A : i32 to vector<16xi32>
      %and3A_1340 = arith.andi %sub3A_1334, %and3A_1339 : vector<16xi32>
      %shift_right_logical3A = arith.constant 3 : i32
      %shift_right_logical3A_1341 = arith.shrui %scan3A_1325, %shift_right_logical3A : i32
      %broadcast_in_dim3A_1342 = vector.broadcast %shift_right_logical3A_1341 : i32 to vector<16xi32>
      %and3A_1343 = arith.constant 127 : i32
      %and3A_1344 = arith.andi %mul3A_1327, %and3A_1343 : i32
      %add3A_1345 = vector.broadcast %and3A_1344 : i32 to vector<16xi32>
      %add3A_1346 = arith.addi %iota3A, %add3A_1345 : vector<16xi32>
      tpu.vector_store_idx %arg6[%broadcast_in_dim3A_790, %shift_right_arithmetic3A_1338, %broadcast_in_dim3A_1342, %and3A_1340, %add3A_1346], %broadcast_in_dim3A_61 masked %lt3A_1336 : memref<2x4x8x8x128xf32, #tpu.memory_space<vmem>>[vector<16xi32>, vector<16xi32>, vector<16xi32>, vector<16xi32>, vector<16xi32>], vector<16xf32>, vector<16xi1>
    }
    %scan3A_796 = arith.constant 64 : i32
    %broadcast_in_dim3A_797 = arith.constant 0 : i32
    %broadcast_in_dim3A_798 = vector.broadcast %broadcast_in_dim3A_797 : i32 to vector<16xi32>
    %scan3A_799 = arith.constant 0 : i32
    %scan3A_800 = arith.constant 0 : i32
    %scan3A_801 = arith.constant 64 : i32
    %scan3A_802 = arith.addi %scan3A_800, %scan3A_801 : i32
    %scan3A_803 = arith.constant 1 : i32
    scf.for %scan3A_1325 = %scan3A_800 to %scan3A_802 step %scan3A_803  : i32 {
      %mul3A_1326 = arith.constant 16 : i32
      %mul3A_1327 = arith.muli %scan3A_1325, %mul3A_1326 : i32
      %mul3A_1328 = arith.constant 20 : i32
      %mul3A_1329 = arith.muli %mul3A_1327, %mul3A_1328 : i32
      %add3A_1330 = arith.constant 12 : i32
      %add3A_1331 = arith.addi %mul3A_1329, %add3A_1330 : i32
      %add3A_1332 = vector.broadcast %add3A_1331 : i32 to vector<16xi32>
      %add3A_1333 = arith.addi %mul3A_58, %add3A_1332 : vector<16xi32>
      %gather3A = tpu.vector_load_idx %arg5[%add3A_1333] : memref<20480xi32, #tpu.memory_space<vmem>>[vector<16xi32>], vector<16xi32>,
      %sub3A = vector.broadcast %mul3A_5 : i32 to vector<16xi32>
      %sub3A_1334 = arith.subi %gather3A, %sub3A : vector<16xi32>
      %bitcast3A = vector.bitcast %sub3A_1334 : vector<16xi32> to vector<16xi32>
      %lt3A = arith.constant 32 : i32
      %lt3A_1335 = vector.broadcast %lt3A : i32 to vector<16xi32>
      %lt3A_1336 = arith.cmpi ult, %bitcast3A, %lt3A_1335 : vector<16xi32>
      %shift_right_arithmetic3A = arith.constant 3 : i32
      %shift_right_arithmetic3A_1337 = vector.broadcast %shift_right_arithmetic3A : i32 to vector<16xi32>
      %shift_right_arithmetic3A_1338 = arith.shrsi %sub3A_1334, %shift_right_arithmetic3A_1337 : vector<16xi32>
      %and3A = arith.constant 7 : i32
      %and3A_1339 = vector.broadcast %and3A : i32 to vector<16xi32>
      %and3A_1340 = arith.andi %sub3A_1334, %and3A_1339 : vector<16xi32>
      %shift_right_logical3A = arith.constant 3 : i32
      %shift_right_logical3A_1341 = arith.shrui %scan3A_1325, %shift_right_logical3A : i32
      %broadcast_in_dim3A_1342 = vector.broadcast %shift_right_logical3A_1341 : i32 to vector<16xi32>
      %and3A_1343 = arith.constant 127 : i32
      %and3A_1344 = arith.andi %mul3A_1327, %and3A_1343 : i32
      %add3A_1345 = vector.broadcast %and3A_1344 : i32 to vector<16xi32>
      %add3A_1346 = arith.addi %iota3A, %add3A_1345 : vector<16xi32>
      tpu.vector_store_idx %arg6[%broadcast_in_dim3A_798, %shift_right_arithmetic3A_1338, %broadcast_in_dim3A_1342, %and3A_1340, %add3A_1346], %broadcast_in_dim3A_59 masked %lt3A_1336 : memref<2x4x8x8x128xf32, #tpu.memory_space<vmem>>[vector<16xi32>, vector<16xi32>, vector<16xi32>, vector<16xi32>, vector<16xi32>], vector<16xf32>, vector<16xi1>
    }
    %scan3A_804 = arith.constant 64 : i32
    %dma_start3A_805 = arith.constant 0 : i32
    %dma_start3A_806 = arith.constant 12 : i32
    %dma_start3A_807 = arith.constant 0 : i32
    %dma_start3A_808 = arith.constant 0 : i32
    %dma_start3A_809 = arith.constant 0 : i32
    %dma_start3A_810 = arith.constant 0 : i32
    %dma_start3A_811 = tpu.memref_slice %arg6[%dma_start3A_805, %dma_start3A_807, %dma_start3A_808, %dma_start3A_809, %dma_start3A_810] : memref<2x4x8x8x128xf32, #tpu.memory_space<vmem>> -> memref<1x4x8x8x128xf32, #tpu.memory_space<vmem>>
    %dma_start3A_812 = tpu.memref_squeeze %dma_start3A_811 : memref<1x4x8x8x128xf32, #tpu.memory_space<vmem>> -> memref<4x8x8x128xf32, #tpu.memory_space<vmem>>
    %dma_start3A_813 = arith.constant 0 : i32
    %dma_start3A_814 = arith.constant 0 : i32
    %dma_start3A_815 = arith.constant 0 : i32
    %dma_start3A_816 = tpu.memref_slice %arg4[%dma_start3A_806, %min3A_3, %dma_start3A_813, %dma_start3A_814, %dma_start3A_815] : memref<20x125x8x8x128xf32, #tpu.memory_space<hbm>> -> memref<1x4x8x8x128xf32, #tpu.memory_space<hbm>>
    %dma_start3A_817 = tpu.memref_squeeze %dma_start3A_816 : memref<1x4x8x8x128xf32, #tpu.memory_space<hbm>> -> memref<4x8x8x128xf32, #tpu.memory_space<hbm>>
    %dma_start3A_818 = arith.constant 0 : i32
    %dma_start3A_819 = arith.constant 0 : i32
    %dma_start3A_820 = arith.constant 0 : i32
    %dma_start3A_821 = tpu.memref_slice %arg4[%dma_start3A_806, %min3A_3, %dma_start3A_818, %dma_start3A_819, %dma_start3A_820] : memref<20x125x8x8x128xf32, #tpu.memory_space<hbm>> -> memref<1x4x8x8x128xf32, #tpu.memory_space<hbm>>
    %dma_start3A_822 = tpu.memref_squeeze %dma_start3A_821 : memref<1x4x8x8x128xf32, #tpu.memory_space<hbm>> -> memref<4x8x8x128xf32, #tpu.memory_space<hbm>>
    %dma_start3A_823 = arith.constant 0 : i32
    %dma_start3A_824 = arith.constant 0 : i32
    %dma_start3A_825 = arith.constant 0 : i32
    %dma_start3A_826 = arith.constant 0 : i32
    %dma_start3A_827 = tpu.memref_slice %arg6[%dma_start3A_805, %dma_start3A_823, %dma_start3A_824, %dma_start3A_825, %dma_start3A_826] : memref<2x4x8x8x128xf32, #tpu.memory_space<vmem>> -> memref<1x4x8x8x128xf32, #tpu.memory_space<vmem>>
    %dma_start3A_828 = tpu.memref_squeeze %dma_start3A_827 : memref<1x4x8x8x128xf32, #tpu.memory_space<vmem>> -> memref<4x8x8x128xf32, #tpu.memory_space<vmem>>
    tpu.enqueue_dma source(%dma_start3A_828 : memref<4x8x8x128xf32, #tpu.memory_space<vmem>>) target(%dma_start3A_822 : memref<4x8x8x128xf32, #tpu.memory_space<hbm>>) target_semaphore(%arg7 : memref<!tpu.dma_semaphore, #tpu.memory_space<semaphore_mem>>)
    %dma_wait3A_829 = arith.constant 1 : i32
    %dma_wait3A_830 = arith.constant 11 : i32
    %dma_wait3A_831 = arith.constant 0 : i32
    %dma_wait3A_832 = arith.constant 0 : i32
    %dma_wait3A_833 = arith.constant 0 : i32
    %dma_wait3A_834 = arith.constant 0 : i32
    %dma_wait3A_835 = tpu.memref_slice %arg6[%dma_wait3A_829, %dma_wait3A_831, %dma_wait3A_832, %dma_wait3A_833, %dma_wait3A_834] : memref<2x4x8x8x128xf32, #tpu.memory_space<vmem>> -> memref<1x4x8x8x128xf32, #tpu.memory_space<vmem>>
    %dma_wait3A_836 = tpu.memref_squeeze %dma_wait3A_835 : memref<1x4x8x8x128xf32, #tpu.memory_space<vmem>> -> memref<4x8x8x128xf32, #tpu.memory_space<vmem>>
    %dma_wait3A_837 = arith.constant 0 : i32
    %dma_wait3A_838 = arith.constant 0 : i32
    %dma_wait3A_839 = arith.constant 0 : i32
    %dma_wait3A_840 = tpu.memref_slice %arg4[%dma_wait3A_830, %min3A_3, %dma_wait3A_837, %dma_wait3A_838, %dma_wait3A_839] : memref<20x125x8x8x128xf32, #tpu.memory_space<hbm>> -> memref<1x4x8x8x128xf32, #tpu.memory_space<hbm>>
    %dma_wait3A_841 = tpu.memref_squeeze %dma_wait3A_840 : memref<1x4x8x8x128xf32, #tpu.memory_space<hbm>> -> memref<4x8x8x128xf32, #tpu.memory_space<hbm>>
    %dma_wait3A_842 = arith.constant 0 : i32
    %dma_wait3A_843 = arith.constant 0 : i32
    %dma_wait3A_844 = arith.constant 0 : i32
    %dma_wait3A_845 = tpu.memref_slice %arg4[%dma_wait3A_830, %min3A_3, %dma_wait3A_842, %dma_wait3A_843, %dma_wait3A_844] : memref<20x125x8x8x128xf32, #tpu.memory_space<hbm>> -> memref<1x4x8x8x128xf32, #tpu.memory_space<hbm>>
    %dma_wait3A_846 = tpu.memref_squeeze %dma_wait3A_845 : memref<1x4x8x8x128xf32, #tpu.memory_space<hbm>> -> memref<4x8x8x128xf32, #tpu.memory_space<hbm>>
    %dma_wait3A_847 = arith.constant 0 : i32
    %dma_wait3A_848 = arith.constant 0 : i32
    %dma_wait3A_849 = arith.constant 0 : i32
    %dma_wait3A_850 = arith.constant 0 : i32
    %dma_wait3A_851 = tpu.memref_slice %arg6[%dma_wait3A_829, %dma_wait3A_847, %dma_wait3A_848, %dma_wait3A_849, %dma_wait3A_850] : memref<2x4x8x8x128xf32, #tpu.memory_space<vmem>> -> memref<1x4x8x8x128xf32, #tpu.memory_space<vmem>>
    %dma_wait3A_852 = tpu.memref_squeeze %dma_wait3A_851 : memref<1x4x8x8x128xf32, #tpu.memory_space<vmem>> -> memref<4x8x8x128xf32, #tpu.memory_space<vmem>>
    tpu.wait_dma2 semaphore(%arg8 : memref<!tpu.dma_semaphore, #tpu.memory_space<semaphore_mem>>) src(%dma_wait3A_852 : memref<4x8x8x128xf32, #tpu.memory_space<vmem>>) dst(%dma_wait3A_846 : memref<4x8x8x128xf32, #tpu.memory_space<hbm>>)
    %broadcast_in_dim3A_853 = arith.constant 1 : i32
    %broadcast_in_dim3A_854 = vector.broadcast %broadcast_in_dim3A_853 : i32 to vector<16xi32>
    %scan3A_855 = arith.constant 0 : i32
    %scan3A_856 = arith.constant 0 : i32
    %scan3A_857 = arith.constant 64 : i32
    %scan3A_858 = arith.addi %scan3A_856, %scan3A_857 : i32
    %scan3A_859 = arith.constant 1 : i32
    scf.for %scan3A_1325 = %scan3A_856 to %scan3A_858 step %scan3A_859  : i32 {
      %mul3A_1326 = arith.constant 16 : i32
      %mul3A_1327 = arith.muli %scan3A_1325, %mul3A_1326 : i32
      %mul3A_1328 = arith.constant 20 : i32
      %mul3A_1329 = arith.muli %mul3A_1327, %mul3A_1328 : i32
      %add3A_1330 = arith.constant 11 : i32
      %add3A_1331 = arith.addi %mul3A_1329, %add3A_1330 : i32
      %add3A_1332 = vector.broadcast %add3A_1331 : i32 to vector<16xi32>
      %add3A_1333 = arith.addi %mul3A_58, %add3A_1332 : vector<16xi32>
      %gather3A = tpu.vector_load_idx %arg5[%add3A_1333] : memref<20480xi32, #tpu.memory_space<vmem>>[vector<16xi32>], vector<16xi32>,
      %sub3A = vector.broadcast %mul3A_5 : i32 to vector<16xi32>
      %sub3A_1334 = arith.subi %gather3A, %sub3A : vector<16xi32>
      %bitcast3A = vector.bitcast %sub3A_1334 : vector<16xi32> to vector<16xi32>
      %lt3A = arith.constant 32 : i32
      %lt3A_1335 = vector.broadcast %lt3A : i32 to vector<16xi32>
      %lt3A_1336 = arith.cmpi ult, %bitcast3A, %lt3A_1335 : vector<16xi32>
      %shift_right_arithmetic3A = arith.constant 3 : i32
      %shift_right_arithmetic3A_1337 = vector.broadcast %shift_right_arithmetic3A : i32 to vector<16xi32>
      %shift_right_arithmetic3A_1338 = arith.shrsi %sub3A_1334, %shift_right_arithmetic3A_1337 : vector<16xi32>
      %and3A = arith.constant 7 : i32
      %and3A_1339 = vector.broadcast %and3A : i32 to vector<16xi32>
      %and3A_1340 = arith.andi %sub3A_1334, %and3A_1339 : vector<16xi32>
      %shift_right_logical3A = arith.constant 3 : i32
      %shift_right_logical3A_1341 = arith.shrui %scan3A_1325, %shift_right_logical3A : i32
      %broadcast_in_dim3A_1342 = vector.broadcast %shift_right_logical3A_1341 : i32 to vector<16xi32>
      %and3A_1343 = arith.constant 127 : i32
      %and3A_1344 = arith.andi %mul3A_1327, %and3A_1343 : i32
      %add3A_1345 = vector.broadcast %and3A_1344 : i32 to vector<16xi32>
      %add3A_1346 = arith.addi %iota3A, %add3A_1345 : vector<16xi32>
      tpu.vector_store_idx %arg6[%broadcast_in_dim3A_854, %shift_right_arithmetic3A_1338, %broadcast_in_dim3A_1342, %and3A_1340, %add3A_1346], %broadcast_in_dim3A_61 masked %lt3A_1336 : memref<2x4x8x8x128xf32, #tpu.memory_space<vmem>>[vector<16xi32>, vector<16xi32>, vector<16xi32>, vector<16xi32>, vector<16xi32>], vector<16xf32>, vector<16xi1>
    }
    %scan3A_860 = arith.constant 64 : i32
    %broadcast_in_dim3A_861 = arith.constant 1 : i32
    %broadcast_in_dim3A_862 = vector.broadcast %broadcast_in_dim3A_861 : i32 to vector<16xi32>
    %scan3A_863 = arith.constant 0 : i32
    %scan3A_864 = arith.constant 0 : i32
    %scan3A_865 = arith.constant 64 : i32
    %scan3A_866 = arith.addi %scan3A_864, %scan3A_865 : i32
    %scan3A_867 = arith.constant 1 : i32
    scf.for %scan3A_1325 = %scan3A_864 to %scan3A_866 step %scan3A_867  : i32 {
      %mul3A_1326 = arith.constant 16 : i32
      %mul3A_1327 = arith.muli %scan3A_1325, %mul3A_1326 : i32
      %mul3A_1328 = arith.constant 20 : i32
      %mul3A_1329 = arith.muli %mul3A_1327, %mul3A_1328 : i32
      %add3A_1330 = arith.constant 13 : i32
      %add3A_1331 = arith.addi %mul3A_1329, %add3A_1330 : i32
      %add3A_1332 = vector.broadcast %add3A_1331 : i32 to vector<16xi32>
      %add3A_1333 = arith.addi %mul3A_58, %add3A_1332 : vector<16xi32>
      %gather3A = tpu.vector_load_idx %arg5[%add3A_1333] : memref<20480xi32, #tpu.memory_space<vmem>>[vector<16xi32>], vector<16xi32>,
      %sub3A = vector.broadcast %mul3A_5 : i32 to vector<16xi32>
      %sub3A_1334 = arith.subi %gather3A, %sub3A : vector<16xi32>
      %bitcast3A = vector.bitcast %sub3A_1334 : vector<16xi32> to vector<16xi32>
      %lt3A = arith.constant 32 : i32
      %lt3A_1335 = vector.broadcast %lt3A : i32 to vector<16xi32>
      %lt3A_1336 = arith.cmpi ult, %bitcast3A, %lt3A_1335 : vector<16xi32>
      %shift_right_arithmetic3A = arith.constant 3 : i32
      %shift_right_arithmetic3A_1337 = vector.broadcast %shift_right_arithmetic3A : i32 to vector<16xi32>
      %shift_right_arithmetic3A_1338 = arith.shrsi %sub3A_1334, %shift_right_arithmetic3A_1337 : vector<16xi32>
      %and3A = arith.constant 7 : i32
      %and3A_1339 = vector.broadcast %and3A : i32 to vector<16xi32>
      %and3A_1340 = arith.andi %sub3A_1334, %and3A_1339 : vector<16xi32>
      %shift_right_logical3A = arith.constant 3 : i32
      %shift_right_logical3A_1341 = arith.shrui %scan3A_1325, %shift_right_logical3A : i32
      %broadcast_in_dim3A_1342 = vector.broadcast %shift_right_logical3A_1341 : i32 to vector<16xi32>
      %and3A_1343 = arith.constant 127 : i32
      %and3A_1344 = arith.andi %mul3A_1327, %and3A_1343 : i32
      %add3A_1345 = vector.broadcast %and3A_1344 : i32 to vector<16xi32>
      %add3A_1346 = arith.addi %iota3A, %add3A_1345 : vector<16xi32>
      tpu.vector_store_idx %arg6[%broadcast_in_dim3A_862, %shift_right_arithmetic3A_1338, %broadcast_in_dim3A_1342, %and3A_1340, %add3A_1346], %broadcast_in_dim3A_59 masked %lt3A_1336 : memref<2x4x8x8x128xf32, #tpu.memory_space<vmem>>[vector<16xi32>, vector<16xi32>, vector<16xi32>, vector<16xi32>, vector<16xi32>], vector<16xf32>, vector<16xi1>
    }
    %scan3A_868 = arith.constant 64 : i32
    %dma_start3A_869 = arith.constant 1 : i32
    %dma_start3A_870 = arith.constant 13 : i32
    %dma_start3A_871 = arith.constant 0 : i32
    %dma_start3A_872 = arith.constant 0 : i32
    %dma_start3A_873 = arith.constant 0 : i32
    %dma_start3A_874 = arith.constant 0 : i32
    %dma_start3A_875 = tpu.memref_slice %arg6[%dma_start3A_869, %dma_start3A_871, %dma_start3A_872, %dma_start3A_873, %dma_start3A_874] : memref<2x4x8x8x128xf32, #tpu.memory_space<vmem>> -> memref<1x4x8x8x128xf32, #tpu.memory_space<vmem>>
    %dma_start3A_876 = tpu.memref_squeeze %dma_start3A_875 : memref<1x4x8x8x128xf32, #tpu.memory_space<vmem>> -> memref<4x8x8x128xf32, #tpu.memory_space<vmem>>
    %dma_start3A_877 = arith.constant 0 : i32
    %dma_start3A_878 = arith.constant 0 : i32
    %dma_start3A_879 = arith.constant 0 : i32
    %dma_start3A_880 = tpu.memref_slice %arg4[%dma_start3A_870, %min3A_3, %dma_start3A_877, %dma_start3A_878, %dma_start3A_879] : memref<20x125x8x8x128xf32, #tpu.memory_space<hbm>> -> memref<1x4x8x8x128xf32, #tpu.memory_space<hbm>>
    %dma_start3A_881 = tpu.memref_squeeze %dma_start3A_880 : memref<1x4x8x8x128xf32, #tpu.memory_space<hbm>> -> memref<4x8x8x128xf32, #tpu.memory_space<hbm>>
    %dma_start3A_882 = arith.constant 0 : i32
    %dma_start3A_883 = arith.constant 0 : i32
    %dma_start3A_884 = arith.constant 0 : i32
    %dma_start3A_885 = tpu.memref_slice %arg4[%dma_start3A_870, %min3A_3, %dma_start3A_882, %dma_start3A_883, %dma_start3A_884] : memref<20x125x8x8x128xf32, #tpu.memory_space<hbm>> -> memref<1x4x8x8x128xf32, #tpu.memory_space<hbm>>
    %dma_start3A_886 = tpu.memref_squeeze %dma_start3A_885 : memref<1x4x8x8x128xf32, #tpu.memory_space<hbm>> -> memref<4x8x8x128xf32, #tpu.memory_space<hbm>>
    %dma_start3A_887 = arith.constant 0 : i32
    %dma_start3A_888 = arith.constant 0 : i32
    %dma_start3A_889 = arith.constant 0 : i32
    %dma_start3A_890 = arith.constant 0 : i32
    %dma_start3A_891 = tpu.memref_slice %arg6[%dma_start3A_869, %dma_start3A_887, %dma_start3A_888, %dma_start3A_889, %dma_start3A_890] : memref<2x4x8x8x128xf32, #tpu.memory_space<vmem>> -> memref<1x4x8x8x128xf32, #tpu.memory_space<vmem>>
    %dma_start3A_892 = tpu.memref_squeeze %dma_start3A_891 : memref<1x4x8x8x128xf32, #tpu.memory_space<vmem>> -> memref<4x8x8x128xf32, #tpu.memory_space<vmem>>
    tpu.enqueue_dma source(%dma_start3A_892 : memref<4x8x8x128xf32, #tpu.memory_space<vmem>>) target(%dma_start3A_886 : memref<4x8x8x128xf32, #tpu.memory_space<hbm>>) target_semaphore(%arg8 : memref<!tpu.dma_semaphore, #tpu.memory_space<semaphore_mem>>)
    %dma_wait3A_893 = arith.constant 0 : i32
    %dma_wait3A_894 = arith.constant 12 : i32
    %dma_wait3A_895 = arith.constant 0 : i32
    %dma_wait3A_896 = arith.constant 0 : i32
    %dma_wait3A_897 = arith.constant 0 : i32
    %dma_wait3A_898 = arith.constant 0 : i32
    %dma_wait3A_899 = tpu.memref_slice %arg6[%dma_wait3A_893, %dma_wait3A_895, %dma_wait3A_896, %dma_wait3A_897, %dma_wait3A_898] : memref<2x4x8x8x128xf32, #tpu.memory_space<vmem>> -> memref<1x4x8x8x128xf32, #tpu.memory_space<vmem>>
    %dma_wait3A_900 = tpu.memref_squeeze %dma_wait3A_899 : memref<1x4x8x8x128xf32, #tpu.memory_space<vmem>> -> memref<4x8x8x128xf32, #tpu.memory_space<vmem>>
    %dma_wait3A_901 = arith.constant 0 : i32
    %dma_wait3A_902 = arith.constant 0 : i32
    %dma_wait3A_903 = arith.constant 0 : i32
    %dma_wait3A_904 = tpu.memref_slice %arg4[%dma_wait3A_894, %min3A_3, %dma_wait3A_901, %dma_wait3A_902, %dma_wait3A_903] : memref<20x125x8x8x128xf32, #tpu.memory_space<hbm>> -> memref<1x4x8x8x128xf32, #tpu.memory_space<hbm>>
    %dma_wait3A_905 = tpu.memref_squeeze %dma_wait3A_904 : memref<1x4x8x8x128xf32, #tpu.memory_space<hbm>> -> memref<4x8x8x128xf32, #tpu.memory_space<hbm>>
    %dma_wait3A_906 = arith.constant 0 : i32
    %dma_wait3A_907 = arith.constant 0 : i32
    %dma_wait3A_908 = arith.constant 0 : i32
    %dma_wait3A_909 = tpu.memref_slice %arg4[%dma_wait3A_894, %min3A_3, %dma_wait3A_906, %dma_wait3A_907, %dma_wait3A_908] : memref<20x125x8x8x128xf32, #tpu.memory_space<hbm>> -> memref<1x4x8x8x128xf32, #tpu.memory_space<hbm>>
    %dma_wait3A_910 = tpu.memref_squeeze %dma_wait3A_909 : memref<1x4x8x8x128xf32, #tpu.memory_space<hbm>> -> memref<4x8x8x128xf32, #tpu.memory_space<hbm>>
    %dma_wait3A_911 = arith.constant 0 : i32
    %dma_wait3A_912 = arith.constant 0 : i32
    %dma_wait3A_913 = arith.constant 0 : i32
    %dma_wait3A_914 = arith.constant 0 : i32
    %dma_wait3A_915 = tpu.memref_slice %arg6[%dma_wait3A_893, %dma_wait3A_911, %dma_wait3A_912, %dma_wait3A_913, %dma_wait3A_914] : memref<2x4x8x8x128xf32, #tpu.memory_space<vmem>> -> memref<1x4x8x8x128xf32, #tpu.memory_space<vmem>>
    %dma_wait3A_916 = tpu.memref_squeeze %dma_wait3A_915 : memref<1x4x8x8x128xf32, #tpu.memory_space<vmem>> -> memref<4x8x8x128xf32, #tpu.memory_space<vmem>>
    tpu.wait_dma2 semaphore(%arg7 : memref<!tpu.dma_semaphore, #tpu.memory_space<semaphore_mem>>) src(%dma_wait3A_916 : memref<4x8x8x128xf32, #tpu.memory_space<vmem>>) dst(%dma_wait3A_910 : memref<4x8x8x128xf32, #tpu.memory_space<hbm>>)
    %broadcast_in_dim3A_917 = arith.constant 0 : i32
    %broadcast_in_dim3A_918 = vector.broadcast %broadcast_in_dim3A_917 : i32 to vector<16xi32>
    %scan3A_919 = arith.constant 0 : i32
    %scan3A_920 = arith.constant 0 : i32
    %scan3A_921 = arith.constant 64 : i32
    %scan3A_922 = arith.addi %scan3A_920, %scan3A_921 : i32
    %scan3A_923 = arith.constant 1 : i32
    scf.for %scan3A_1325 = %scan3A_920 to %scan3A_922 step %scan3A_923  : i32 {
      %mul3A_1326 = arith.constant 16 : i32
      %mul3A_1327 = arith.muli %scan3A_1325, %mul3A_1326 : i32
      %mul3A_1328 = arith.constant 20 : i32
      %mul3A_1329 = arith.muli %mul3A_1327, %mul3A_1328 : i32
      %add3A_1330 = arith.constant 12 : i32
      %add3A_1331 = arith.addi %mul3A_1329, %add3A_1330 : i32
      %add3A_1332 = vector.broadcast %add3A_1331 : i32 to vector<16xi32>
      %add3A_1333 = arith.addi %mul3A_58, %add3A_1332 : vector<16xi32>
      %gather3A = tpu.vector_load_idx %arg5[%add3A_1333] : memref<20480xi32, #tpu.memory_space<vmem>>[vector<16xi32>], vector<16xi32>,
      %sub3A = vector.broadcast %mul3A_5 : i32 to vector<16xi32>
      %sub3A_1334 = arith.subi %gather3A, %sub3A : vector<16xi32>
      %bitcast3A = vector.bitcast %sub3A_1334 : vector<16xi32> to vector<16xi32>
      %lt3A = arith.constant 32 : i32
      %lt3A_1335 = vector.broadcast %lt3A : i32 to vector<16xi32>
      %lt3A_1336 = arith.cmpi ult, %bitcast3A, %lt3A_1335 : vector<16xi32>
      %shift_right_arithmetic3A = arith.constant 3 : i32
      %shift_right_arithmetic3A_1337 = vector.broadcast %shift_right_arithmetic3A : i32 to vector<16xi32>
      %shift_right_arithmetic3A_1338 = arith.shrsi %sub3A_1334, %shift_right_arithmetic3A_1337 : vector<16xi32>
      %and3A = arith.constant 7 : i32
      %and3A_1339 = vector.broadcast %and3A : i32 to vector<16xi32>
      %and3A_1340 = arith.andi %sub3A_1334, %and3A_1339 : vector<16xi32>
      %shift_right_logical3A = arith.constant 3 : i32
      %shift_right_logical3A_1341 = arith.shrui %scan3A_1325, %shift_right_logical3A : i32
      %broadcast_in_dim3A_1342 = vector.broadcast %shift_right_logical3A_1341 : i32 to vector<16xi32>
      %and3A_1343 = arith.constant 127 : i32
      %and3A_1344 = arith.andi %mul3A_1327, %and3A_1343 : i32
      %add3A_1345 = vector.broadcast %and3A_1344 : i32 to vector<16xi32>
      %add3A_1346 = arith.addi %iota3A, %add3A_1345 : vector<16xi32>
      tpu.vector_store_idx %arg6[%broadcast_in_dim3A_918, %shift_right_arithmetic3A_1338, %broadcast_in_dim3A_1342, %and3A_1340, %add3A_1346], %broadcast_in_dim3A_61 masked %lt3A_1336 : memref<2x4x8x8x128xf32, #tpu.memory_space<vmem>>[vector<16xi32>, vector<16xi32>, vector<16xi32>, vector<16xi32>, vector<16xi32>], vector<16xf32>, vector<16xi1>
    }
    %scan3A_924 = arith.constant 64 : i32
    %broadcast_in_dim3A_925 = arith.constant 0 : i32
    %broadcast_in_dim3A_926 = vector.broadcast %broadcast_in_dim3A_925 : i32 to vector<16xi32>
    %scan3A_927 = arith.constant 0 : i32
    %scan3A_928 = arith.constant 0 : i32
    %scan3A_929 = arith.constant 64 : i32
    %scan3A_930 = arith.addi %scan3A_928, %scan3A_929 : i32
    %scan3A_931 = arith.constant 1 : i32
    scf.for %scan3A_1325 = %scan3A_928 to %scan3A_930 step %scan3A_931  : i32 {
      %mul3A_1326 = arith.constant 16 : i32
      %mul3A_1327 = arith.muli %scan3A_1325, %mul3A_1326 : i32
      %mul3A_1328 = arith.constant 20 : i32
      %mul3A_1329 = arith.muli %mul3A_1327, %mul3A_1328 : i32
      %add3A_1330 = arith.constant 14 : i32
      %add3A_1331 = arith.addi %mul3A_1329, %add3A_1330 : i32
      %add3A_1332 = vector.broadcast %add3A_1331 : i32 to vector<16xi32>
      %add3A_1333 = arith.addi %mul3A_58, %add3A_1332 : vector<16xi32>
      %gather3A = tpu.vector_load_idx %arg5[%add3A_1333] : memref<20480xi32, #tpu.memory_space<vmem>>[vector<16xi32>], vector<16xi32>,
      %sub3A = vector.broadcast %mul3A_5 : i32 to vector<16xi32>
      %sub3A_1334 = arith.subi %gather3A, %sub3A : vector<16xi32>
      %bitcast3A = vector.bitcast %sub3A_1334 : vector<16xi32> to vector<16xi32>
      %lt3A = arith.constant 32 : i32
      %lt3A_1335 = vector.broadcast %lt3A : i32 to vector<16xi32>
      %lt3A_1336 = arith.cmpi ult, %bitcast3A, %lt3A_1335 : vector<16xi32>
      %shift_right_arithmetic3A = arith.constant 3 : i32
      %shift_right_arithmetic3A_1337 = vector.broadcast %shift_right_arithmetic3A : i32 to vector<16xi32>
      %shift_right_arithmetic3A_1338 = arith.shrsi %sub3A_1334, %shift_right_arithmetic3A_1337 : vector<16xi32>
      %and3A = arith.constant 7 : i32
      %and3A_1339 = vector.broadcast %and3A : i32 to vector<16xi32>
      %and3A_1340 = arith.andi %sub3A_1334, %and3A_1339 : vector<16xi32>
      %shift_right_logical3A = arith.constant 3 : i32
      %shift_right_logical3A_1341 = arith.shrui %scan3A_1325, %shift_right_logical3A : i32
      %broadcast_in_dim3A_1342 = vector.broadcast %shift_right_logical3A_1341 : i32 to vector<16xi32>
      %and3A_1343 = arith.constant 127 : i32
      %and3A_1344 = arith.andi %mul3A_1327, %and3A_1343 : i32
      %add3A_1345 = vector.broadcast %and3A_1344 : i32 to vector<16xi32>
      %add3A_1346 = arith.addi %iota3A, %add3A_1345 : vector<16xi32>
      tpu.vector_store_idx %arg6[%broadcast_in_dim3A_926, %shift_right_arithmetic3A_1338, %broadcast_in_dim3A_1342, %and3A_1340, %add3A_1346], %broadcast_in_dim3A_59 masked %lt3A_1336 : memref<2x4x8x8x128xf32, #tpu.memory_space<vmem>>[vector<16xi32>, vector<16xi32>, vector<16xi32>, vector<16xi32>, vector<16xi32>], vector<16xf32>, vector<16xi1>
    }
    %scan3A_932 = arith.constant 64 : i32
    %dma_start3A_933 = arith.constant 0 : i32
    %dma_start3A_934 = arith.constant 14 : i32
    %dma_start3A_935 = arith.constant 0 : i32
    %dma_start3A_936 = arith.constant 0 : i32
    %dma_start3A_937 = arith.constant 0 : i32
    %dma_start3A_938 = arith.constant 0 : i32
    %dma_start3A_939 = tpu.memref_slice %arg6[%dma_start3A_933, %dma_start3A_935, %dma_start3A_936, %dma_start3A_937, %dma_start3A_938] : memref<2x4x8x8x128xf32, #tpu.memory_space<vmem>> -> memref<1x4x8x8x128xf32, #tpu.memory_space<vmem>>
    %dma_start3A_940 = tpu.memref_squeeze %dma_start3A_939 : memref<1x4x8x8x128xf32, #tpu.memory_space<vmem>> -> memref<4x8x8x128xf32, #tpu.memory_space<vmem>>
    %dma_start3A_941 = arith.constant 0 : i32
    %dma_start3A_942 = arith.constant 0 : i32
    %dma_start3A_943 = arith.constant 0 : i32
    %dma_start3A_944 = tpu.memref_slice %arg4[%dma_start3A_934, %min3A_3, %dma_start3A_941, %dma_start3A_942, %dma_start3A_943] : memref<20x125x8x8x128xf32, #tpu.memory_space<hbm>> -> memref<1x4x8x8x128xf32, #tpu.memory_space<hbm>>
    %dma_start3A_945 = tpu.memref_squeeze %dma_start3A_944 : memref<1x4x8x8x128xf32, #tpu.memory_space<hbm>> -> memref<4x8x8x128xf32, #tpu.memory_space<hbm>>
    %dma_start3A_946 = arith.constant 0 : i32
    %dma_start3A_947 = arith.constant 0 : i32
    %dma_start3A_948 = arith.constant 0 : i32
    %dma_start3A_949 = tpu.memref_slice %arg4[%dma_start3A_934, %min3A_3, %dma_start3A_946, %dma_start3A_947, %dma_start3A_948] : memref<20x125x8x8x128xf32, #tpu.memory_space<hbm>> -> memref<1x4x8x8x128xf32, #tpu.memory_space<hbm>>
    %dma_start3A_950 = tpu.memref_squeeze %dma_start3A_949 : memref<1x4x8x8x128xf32, #tpu.memory_space<hbm>> -> memref<4x8x8x128xf32, #tpu.memory_space<hbm>>
    %dma_start3A_951 = arith.constant 0 : i32
    %dma_start3A_952 = arith.constant 0 : i32
    %dma_start3A_953 = arith.constant 0 : i32
    %dma_start3A_954 = arith.constant 0 : i32
    %dma_start3A_955 = tpu.memref_slice %arg6[%dma_start3A_933, %dma_start3A_951, %dma_start3A_952, %dma_start3A_953, %dma_start3A_954] : memref<2x4x8x8x128xf32, #tpu.memory_space<vmem>> -> memref<1x4x8x8x128xf32, #tpu.memory_space<vmem>>
    %dma_start3A_956 = tpu.memref_squeeze %dma_start3A_955 : memref<1x4x8x8x128xf32, #tpu.memory_space<vmem>> -> memref<4x8x8x128xf32, #tpu.memory_space<vmem>>
    tpu.enqueue_dma source(%dma_start3A_956 : memref<4x8x8x128xf32, #tpu.memory_space<vmem>>) target(%dma_start3A_950 : memref<4x8x8x128xf32, #tpu.memory_space<hbm>>) target_semaphore(%arg7 : memref<!tpu.dma_semaphore, #tpu.memory_space<semaphore_mem>>)
    %dma_wait3A_957 = arith.constant 1 : i32
    %dma_wait3A_958 = arith.constant 13 : i32
    %dma_wait3A_959 = arith.constant 0 : i32
    %dma_wait3A_960 = arith.constant 0 : i32
    %dma_wait3A_961 = arith.constant 0 : i32
    %dma_wait3A_962 = arith.constant 0 : i32
    %dma_wait3A_963 = tpu.memref_slice %arg6[%dma_wait3A_957, %dma_wait3A_959, %dma_wait3A_960, %dma_wait3A_961, %dma_wait3A_962] : memref<2x4x8x8x128xf32, #tpu.memory_space<vmem>> -> memref<1x4x8x8x128xf32, #tpu.memory_space<vmem>>
    %dma_wait3A_964 = tpu.memref_squeeze %dma_wait3A_963 : memref<1x4x8x8x128xf32, #tpu.memory_space<vmem>> -> memref<4x8x8x128xf32, #tpu.memory_space<vmem>>
    %dma_wait3A_965 = arith.constant 0 : i32
    %dma_wait3A_966 = arith.constant 0 : i32
    %dma_wait3A_967 = arith.constant 0 : i32
    %dma_wait3A_968 = tpu.memref_slice %arg4[%dma_wait3A_958, %min3A_3, %dma_wait3A_965, %dma_wait3A_966, %dma_wait3A_967] : memref<20x125x8x8x128xf32, #tpu.memory_space<hbm>> -> memref<1x4x8x8x128xf32, #tpu.memory_space<hbm>>
    %dma_wait3A_969 = tpu.memref_squeeze %dma_wait3A_968 : memref<1x4x8x8x128xf32, #tpu.memory_space<hbm>> -> memref<4x8x8x128xf32, #tpu.memory_space<hbm>>
    %dma_wait3A_970 = arith.constant 0 : i32
    %dma_wait3A_971 = arith.constant 0 : i32
    %dma_wait3A_972 = arith.constant 0 : i32
    %dma_wait3A_973 = tpu.memref_slice %arg4[%dma_wait3A_958, %min3A_3, %dma_wait3A_970, %dma_wait3A_971, %dma_wait3A_972] : memref<20x125x8x8x128xf32, #tpu.memory_space<hbm>> -> memref<1x4x8x8x128xf32, #tpu.memory_space<hbm>>
    %dma_wait3A_974 = tpu.memref_squeeze %dma_wait3A_973 : memref<1x4x8x8x128xf32, #tpu.memory_space<hbm>> -> memref<4x8x8x128xf32, #tpu.memory_space<hbm>>
    %dma_wait3A_975 = arith.constant 0 : i32
    %dma_wait3A_976 = arith.constant 0 : i32
    %dma_wait3A_977 = arith.constant 0 : i32
    %dma_wait3A_978 = arith.constant 0 : i32
    %dma_wait3A_979 = tpu.memref_slice %arg6[%dma_wait3A_957, %dma_wait3A_975, %dma_wait3A_976, %dma_wait3A_977, %dma_wait3A_978] : memref<2x4x8x8x128xf32, #tpu.memory_space<vmem>> -> memref<1x4x8x8x128xf32, #tpu.memory_space<vmem>>
    %dma_wait3A_980 = tpu.memref_squeeze %dma_wait3A_979 : memref<1x4x8x8x128xf32, #tpu.memory_space<vmem>> -> memref<4x8x8x128xf32, #tpu.memory_space<vmem>>
    tpu.wait_dma2 semaphore(%arg8 : memref<!tpu.dma_semaphore, #tpu.memory_space<semaphore_mem>>) src(%dma_wait3A_980 : memref<4x8x8x128xf32, #tpu.memory_space<vmem>>) dst(%dma_wait3A_974 : memref<4x8x8x128xf32, #tpu.memory_space<hbm>>)
    %broadcast_in_dim3A_981 = arith.constant 1 : i32
    %broadcast_in_dim3A_982 = vector.broadcast %broadcast_in_dim3A_981 : i32 to vector<16xi32>
    %scan3A_983 = arith.constant 0 : i32
    %scan3A_984 = arith.constant 0 : i32
    %scan3A_985 = arith.constant 64 : i32
    %scan3A_986 = arith.addi %scan3A_984, %scan3A_985 : i32
    %scan3A_987 = arith.constant 1 : i32
    scf.for %scan3A_1325 = %scan3A_984 to %scan3A_986 step %scan3A_987  : i32 {
      %mul3A_1326 = arith.constant 16 : i32
      %mul3A_1327 = arith.muli %scan3A_1325, %mul3A_1326 : i32
      %mul3A_1328 = arith.constant 20 : i32
      %mul3A_1329 = arith.muli %mul3A_1327, %mul3A_1328 : i32
      %add3A_1330 = arith.constant 13 : i32
      %add3A_1331 = arith.addi %mul3A_1329, %add3A_1330 : i32
      %add3A_1332 = vector.broadcast %add3A_1331 : i32 to vector<16xi32>
      %add3A_1333 = arith.addi %mul3A_58, %add3A_1332 : vector<16xi32>
      %gather3A = tpu.vector_load_idx %arg5[%add3A_1333] : memref<20480xi32, #tpu.memory_space<vmem>>[vector<16xi32>], vector<16xi32>,
      %sub3A = vector.broadcast %mul3A_5 : i32 to vector<16xi32>
      %sub3A_1334 = arith.subi %gather3A, %sub3A : vector<16xi32>
      %bitcast3A = vector.bitcast %sub3A_1334 : vector<16xi32> to vector<16xi32>
      %lt3A = arith.constant 32 : i32
      %lt3A_1335 = vector.broadcast %lt3A : i32 to vector<16xi32>
      %lt3A_1336 = arith.cmpi ult, %bitcast3A, %lt3A_1335 : vector<16xi32>
      %shift_right_arithmetic3A = arith.constant 3 : i32
      %shift_right_arithmetic3A_1337 = vector.broadcast %shift_right_arithmetic3A : i32 to vector<16xi32>
      %shift_right_arithmetic3A_1338 = arith.shrsi %sub3A_1334, %shift_right_arithmetic3A_1337 : vector<16xi32>
      %and3A = arith.constant 7 : i32
      %and3A_1339 = vector.broadcast %and3A : i32 to vector<16xi32>
      %and3A_1340 = arith.andi %sub3A_1334, %and3A_1339 : vector<16xi32>
      %shift_right_logical3A = arith.constant 3 : i32
      %shift_right_logical3A_1341 = arith.shrui %scan3A_1325, %shift_right_logical3A : i32
      %broadcast_in_dim3A_1342 = vector.broadcast %shift_right_logical3A_1341 : i32 to vector<16xi32>
      %and3A_1343 = arith.constant 127 : i32
      %and3A_1344 = arith.andi %mul3A_1327, %and3A_1343 : i32
      %add3A_1345 = vector.broadcast %and3A_1344 : i32 to vector<16xi32>
      %add3A_1346 = arith.addi %iota3A, %add3A_1345 : vector<16xi32>
      tpu.vector_store_idx %arg6[%broadcast_in_dim3A_982, %shift_right_arithmetic3A_1338, %broadcast_in_dim3A_1342, %and3A_1340, %add3A_1346], %broadcast_in_dim3A_61 masked %lt3A_1336 : memref<2x4x8x8x128xf32, #tpu.memory_space<vmem>>[vector<16xi32>, vector<16xi32>, vector<16xi32>, vector<16xi32>, vector<16xi32>], vector<16xf32>, vector<16xi1>
    }
    %scan3A_988 = arith.constant 64 : i32
    %broadcast_in_dim3A_989 = arith.constant 1 : i32
    %broadcast_in_dim3A_990 = vector.broadcast %broadcast_in_dim3A_989 : i32 to vector<16xi32>
    %scan3A_991 = arith.constant 0 : i32
    %scan3A_992 = arith.constant 0 : i32
    %scan3A_993 = arith.constant 64 : i32
    %scan3A_994 = arith.addi %scan3A_992, %scan3A_993 : i32
    %scan3A_995 = arith.constant 1 : i32
    scf.for %scan3A_1325 = %scan3A_992 to %scan3A_994 step %scan3A_995  : i32 {
      %mul3A_1326 = arith.constant 16 : i32
      %mul3A_1327 = arith.muli %scan3A_1325, %mul3A_1326 : i32
      %mul3A_1328 = arith.constant 20 : i32
      %mul3A_1329 = arith.muli %mul3A_1327, %mul3A_1328 : i32
      %add3A_1330 = arith.constant 15 : i32
      %add3A_1331 = arith.addi %mul3A_1329, %add3A_1330 : i32
      %add3A_1332 = vector.broadcast %add3A_1331 : i32 to vector<16xi32>
      %add3A_1333 = arith.addi %mul3A_58, %add3A_1332 : vector<16xi32>
      %gather3A = tpu.vector_load_idx %arg5[%add3A_1333] : memref<20480xi32, #tpu.memory_space<vmem>>[vector<16xi32>], vector<16xi32>,
      %sub3A = vector.broadcast %mul3A_5 : i32 to vector<16xi32>
      %sub3A_1334 = arith.subi %gather3A, %sub3A : vector<16xi32>
      %bitcast3A = vector.bitcast %sub3A_1334 : vector<16xi32> to vector<16xi32>
      %lt3A = arith.constant 32 : i32
      %lt3A_1335 = vector.broadcast %lt3A : i32 to vector<16xi32>
      %lt3A_1336 = arith.cmpi ult, %bitcast3A, %lt3A_1335 : vector<16xi32>
      %shift_right_arithmetic3A = arith.constant 3 : i32
      %shift_right_arithmetic3A_1337 = vector.broadcast %shift_right_arithmetic3A : i32 to vector<16xi32>
      %shift_right_arithmetic3A_1338 = arith.shrsi %sub3A_1334, %shift_right_arithmetic3A_1337 : vector<16xi32>
      %and3A = arith.constant 7 : i32
      %and3A_1339 = vector.broadcast %and3A : i32 to vector<16xi32>
      %and3A_1340 = arith.andi %sub3A_1334, %and3A_1339 : vector<16xi32>
      %shift_right_logical3A = arith.constant 3 : i32
      %shift_right_logical3A_1341 = arith.shrui %scan3A_1325, %shift_right_logical3A : i32
      %broadcast_in_dim3A_1342 = vector.broadcast %shift_right_logical3A_1341 : i32 to vector<16xi32>
      %and3A_1343 = arith.constant 127 : i32
      %and3A_1344 = arith.andi %mul3A_1327, %and3A_1343 : i32
      %add3A_1345 = vector.broadcast %and3A_1344 : i32 to vector<16xi32>
      %add3A_1346 = arith.addi %iota3A, %add3A_1345 : vector<16xi32>
      tpu.vector_store_idx %arg6[%broadcast_in_dim3A_990, %shift_right_arithmetic3A_1338, %broadcast_in_dim3A_1342, %and3A_1340, %add3A_1346], %broadcast_in_dim3A_59 masked %lt3A_1336 : memref<2x4x8x8x128xf32, #tpu.memory_space<vmem>>[vector<16xi32>, vector<16xi32>, vector<16xi32>, vector<16xi32>, vector<16xi32>], vector<16xf32>, vector<16xi1>
    }
    %scan3A_996 = arith.constant 64 : i32
    %dma_start3A_997 = arith.constant 1 : i32
    %dma_start3A_998 = arith.constant 15 : i32
    %dma_start3A_999 = arith.constant 0 : i32
    %dma_start3A_1000 = arith.constant 0 : i32
    %dma_start3A_1001 = arith.constant 0 : i32
    %dma_start3A_1002 = arith.constant 0 : i32
    %dma_start3A_1003 = tpu.memref_slice %arg6[%dma_start3A_997, %dma_start3A_999, %dma_start3A_1000, %dma_start3A_1001, %dma_start3A_1002] : memref<2x4x8x8x128xf32, #tpu.memory_space<vmem>> -> memref<1x4x8x8x128xf32, #tpu.memory_space<vmem>>
    %dma_start3A_1004 = tpu.memref_squeeze %dma_start3A_1003 : memref<1x4x8x8x128xf32, #tpu.memory_space<vmem>> -> memref<4x8x8x128xf32, #tpu.memory_space<vmem>>
    %dma_start3A_1005 = arith.constant 0 : i32
    %dma_start3A_1006 = arith.constant 0 : i32
    %dma_start3A_1007 = arith.constant 0 : i32
    %dma_start3A_1008 = tpu.memref_slice %arg4[%dma_start3A_998, %min3A_3, %dma_start3A_1005, %dma_start3A_1006, %dma_start3A_1007] : memref<20x125x8x8x128xf32, #tpu.memory_space<hbm>> -> memref<1x4x8x8x128xf32, #tpu.memory_space<hbm>>
    %dma_start3A_1009 = tpu.memref_squeeze %dma_start3A_1008 : memref<1x4x8x8x128xf32, #tpu.memory_space<hbm>> -> memref<4x8x8x128xf32, #tpu.memory_space<hbm>>
    %dma_start3A_1010 = arith.constant 0 : i32
    %dma_start3A_1011 = arith.constant 0 : i32
    %dma_start3A_1012 = arith.constant 0 : i32
    %dma_start3A_1013 = tpu.memref_slice %arg4[%dma_start3A_998, %min3A_3, %dma_start3A_1010, %dma_start3A_1011, %dma_start3A_1012] : memref<20x125x8x8x128xf32, #tpu.memory_space<hbm>> -> memref<1x4x8x8x128xf32, #tpu.memory_space<hbm>>
    %dma_start3A_1014 = tpu.memref_squeeze %dma_start3A_1013 : memref<1x4x8x8x128xf32, #tpu.memory_space<hbm>> -> memref<4x8x8x128xf32, #tpu.memory_space<hbm>>
    %dma_start3A_1015 = arith.constant 0 : i32
    %dma_start3A_1016 = arith.constant 0 : i32
    %dma_start3A_1017 = arith.constant 0 : i32
    %dma_start3A_1018 = arith.constant 0 : i32
    %dma_start3A_1019 = tpu.memref_slice %arg6[%dma_start3A_997, %dma_start3A_1015, %dma_start3A_1016, %dma_start3A_1017, %dma_start3A_1018] : memref<2x4x8x8x128xf32, #tpu.memory_space<vmem>> -> memref<1x4x8x8x128xf32, #tpu.memory_space<vmem>>
    %dma_start3A_1020 = tpu.memref_squeeze %dma_start3A_1019 : memref<1x4x8x8x128xf32, #tpu.memory_space<vmem>> -> memref<4x8x8x128xf32, #tpu.memory_space<vmem>>
    tpu.enqueue_dma source(%dma_start3A_1020 : memref<4x8x8x128xf32, #tpu.memory_space<vmem>>) target(%dma_start3A_1014 : memref<4x8x8x128xf32, #tpu.memory_space<hbm>>) target_semaphore(%arg8 : memref<!tpu.dma_semaphore, #tpu.memory_space<semaphore_mem>>)
    %dma_wait3A_1021 = arith.constant 0 : i32
    %dma_wait3A_1022 = arith.constant 14 : i32
    %dma_wait3A_1023 = arith.constant 0 : i32
    %dma_wait3A_1024 = arith.constant 0 : i32
    %dma_wait3A_1025 = arith.constant 0 : i32
    %dma_wait3A_1026 = arith.constant 0 : i32
    %dma_wait3A_1027 = tpu.memref_slice %arg6[%dma_wait3A_1021, %dma_wait3A_1023, %dma_wait3A_1024, %dma_wait3A_1025, %dma_wait3A_1026] : memref<2x4x8x8x128xf32, #tpu.memory_space<vmem>> -> memref<1x4x8x8x128xf32, #tpu.memory_space<vmem>>
    %dma_wait3A_1028 = tpu.memref_squeeze %dma_wait3A_1027 : memref<1x4x8x8x128xf32, #tpu.memory_space<vmem>> -> memref<4x8x8x128xf32, #tpu.memory_space<vmem>>
    %dma_wait3A_1029 = arith.constant 0 : i32
    %dma_wait3A_1030 = arith.constant 0 : i32
    %dma_wait3A_1031 = arith.constant 0 : i32
    %dma_wait3A_1032 = tpu.memref_slice %arg4[%dma_wait3A_1022, %min3A_3, %dma_wait3A_1029, %dma_wait3A_1030, %dma_wait3A_1031] : memref<20x125x8x8x128xf32, #tpu.memory_space<hbm>> -> memref<1x4x8x8x128xf32, #tpu.memory_space<hbm>>
    %dma_wait3A_1033 = tpu.memref_squeeze %dma_wait3A_1032 : memref<1x4x8x8x128xf32, #tpu.memory_space<hbm>> -> memref<4x8x8x128xf32, #tpu.memory_space<hbm>>
    %dma_wait3A_1034 = arith.constant 0 : i32
    %dma_wait3A_1035 = arith.constant 0 : i32
    %dma_wait3A_1036 = arith.constant 0 : i32
    %dma_wait3A_1037 = tpu.memref_slice %arg4[%dma_wait3A_1022, %min3A_3, %dma_wait3A_1034, %dma_wait3A_1035, %dma_wait3A_1036] : memref<20x125x8x8x128xf32, #tpu.memory_space<hbm>> -> memref<1x4x8x8x128xf32, #tpu.memory_space<hbm>>
    %dma_wait3A_1038 = tpu.memref_squeeze %dma_wait3A_1037 : memref<1x4x8x8x128xf32, #tpu.memory_space<hbm>> -> memref<4x8x8x128xf32, #tpu.memory_space<hbm>>
    %dma_wait3A_1039 = arith.constant 0 : i32
    %dma_wait3A_1040 = arith.constant 0 : i32
    %dma_wait3A_1041 = arith.constant 0 : i32
    %dma_wait3A_1042 = arith.constant 0 : i32
    %dma_wait3A_1043 = tpu.memref_slice %arg6[%dma_wait3A_1021, %dma_wait3A_1039, %dma_wait3A_1040, %dma_wait3A_1041, %dma_wait3A_1042] : memref<2x4x8x8x128xf32, #tpu.memory_space<vmem>> -> memref<1x4x8x8x128xf32, #tpu.memory_space<vmem>>
    %dma_wait3A_1044 = tpu.memref_squeeze %dma_wait3A_1043 : memref<1x4x8x8x128xf32, #tpu.memory_space<vmem>> -> memref<4x8x8x128xf32, #tpu.memory_space<vmem>>
    tpu.wait_dma2 semaphore(%arg7 : memref<!tpu.dma_semaphore, #tpu.memory_space<semaphore_mem>>) src(%dma_wait3A_1044 : memref<4x8x8x128xf32, #tpu.memory_space<vmem>>) dst(%dma_wait3A_1038 : memref<4x8x8x128xf32, #tpu.memory_space<hbm>>)
    %broadcast_in_dim3A_1045 = arith.constant 0 : i32
    %broadcast_in_dim3A_1046 = vector.broadcast %broadcast_in_dim3A_1045 : i32 to vector<16xi32>
    %scan3A_1047 = arith.constant 0 : i32
    %scan3A_1048 = arith.constant 0 : i32
    %scan3A_1049 = arith.constant 64 : i32
    %scan3A_1050 = arith.addi %scan3A_1048, %scan3A_1049 : i32
    %scan3A_1051 = arith.constant 1 : i32
    scf.for %scan3A_1325 = %scan3A_1048 to %scan3A_1050 step %scan3A_1051  : i32 {
      %mul3A_1326 = arith.constant 16 : i32
      %mul3A_1327 = arith.muli %scan3A_1325, %mul3A_1326 : i32
      %mul3A_1328 = arith.constant 20 : i32
      %mul3A_1329 = arith.muli %mul3A_1327, %mul3A_1328 : i32
      %add3A_1330 = arith.constant 14 : i32
      %add3A_1331 = arith.addi %mul3A_1329, %add3A_1330 : i32
      %add3A_1332 = vector.broadcast %add3A_1331 : i32 to vector<16xi32>
      %add3A_1333 = arith.addi %mul3A_58, %add3A_1332 : vector<16xi32>
      %gather3A = tpu.vector_load_idx %arg5[%add3A_1333] : memref<20480xi32, #tpu.memory_space<vmem>>[vector<16xi32>], vector<16xi32>,
      %sub3A = vector.broadcast %mul3A_5 : i32 to vector<16xi32>
      %sub3A_1334 = arith.subi %gather3A, %sub3A : vector<16xi32>
      %bitcast3A = vector.bitcast %sub3A_1334 : vector<16xi32> to vector<16xi32>
      %lt3A = arith.constant 32 : i32
      %lt3A_1335 = vector.broadcast %lt3A : i32 to vector<16xi32>
      %lt3A_1336 = arith.cmpi ult, %bitcast3A, %lt3A_1335 : vector<16xi32>
      %shift_right_arithmetic3A = arith.constant 3 : i32
      %shift_right_arithmetic3A_1337 = vector.broadcast %shift_right_arithmetic3A : i32 to vector<16xi32>
      %shift_right_arithmetic3A_1338 = arith.shrsi %sub3A_1334, %shift_right_arithmetic3A_1337 : vector<16xi32>
      %and3A = arith.constant 7 : i32
      %and3A_1339 = vector.broadcast %and3A : i32 to vector<16xi32>
      %and3A_1340 = arith.andi %sub3A_1334, %and3A_1339 : vector<16xi32>
      %shift_right_logical3A = arith.constant 3 : i32
      %shift_right_logical3A_1341 = arith.shrui %scan3A_1325, %shift_right_logical3A : i32
      %broadcast_in_dim3A_1342 = vector.broadcast %shift_right_logical3A_1341 : i32 to vector<16xi32>
      %and3A_1343 = arith.constant 127 : i32
      %and3A_1344 = arith.andi %mul3A_1327, %and3A_1343 : i32
      %add3A_1345 = vector.broadcast %and3A_1344 : i32 to vector<16xi32>
      %add3A_1346 = arith.addi %iota3A, %add3A_1345 : vector<16xi32>
      tpu.vector_store_idx %arg6[%broadcast_in_dim3A_1046, %shift_right_arithmetic3A_1338, %broadcast_in_dim3A_1342, %and3A_1340, %add3A_1346], %broadcast_in_dim3A_61 masked %lt3A_1336 : memref<2x4x8x8x128xf32, #tpu.memory_space<vmem>>[vector<16xi32>, vector<16xi32>, vector<16xi32>, vector<16xi32>, vector<16xi32>], vector<16xf32>, vector<16xi1>
    }
    %scan3A_1052 = arith.constant 64 : i32
    %broadcast_in_dim3A_1053 = arith.constant 0 : i32
    %broadcast_in_dim3A_1054 = vector.broadcast %broadcast_in_dim3A_1053 : i32 to vector<16xi32>
    %scan3A_1055 = arith.constant 0 : i32
    %scan3A_1056 = arith.constant 0 : i32
    %scan3A_1057 = arith.constant 64 : i32
    %scan3A_1058 = arith.addi %scan3A_1056, %scan3A_1057 : i32
    %scan3A_1059 = arith.constant 1 : i32
    scf.for %scan3A_1325 = %scan3A_1056 to %scan3A_1058 step %scan3A_1059  : i32 {
      %mul3A_1326 = arith.constant 16 : i32
      %mul3A_1327 = arith.muli %scan3A_1325, %mul3A_1326 : i32
      %mul3A_1328 = arith.constant 20 : i32
      %mul3A_1329 = arith.muli %mul3A_1327, %mul3A_1328 : i32
      %add3A_1330 = arith.constant 16 : i32
      %add3A_1331 = arith.addi %mul3A_1329, %add3A_1330 : i32
      %add3A_1332 = vector.broadcast %add3A_1331 : i32 to vector<16xi32>
      %add3A_1333 = arith.addi %mul3A_58, %add3A_1332 : vector<16xi32>
      %gather3A = tpu.vector_load_idx %arg5[%add3A_1333] : memref<20480xi32, #tpu.memory_space<vmem>>[vector<16xi32>], vector<16xi32>,
      %sub3A = vector.broadcast %mul3A_5 : i32 to vector<16xi32>
      %sub3A_1334 = arith.subi %gather3A, %sub3A : vector<16xi32>
      %bitcast3A = vector.bitcast %sub3A_1334 : vector<16xi32> to vector<16xi32>
      %lt3A = arith.constant 32 : i32
      %lt3A_1335 = vector.broadcast %lt3A : i32 to vector<16xi32>
      %lt3A_1336 = arith.cmpi ult, %bitcast3A, %lt3A_1335 : vector<16xi32>
      %shift_right_arithmetic3A = arith.constant 3 : i32
      %shift_right_arithmetic3A_1337 = vector.broadcast %shift_right_arithmetic3A : i32 to vector<16xi32>
      %shift_right_arithmetic3A_1338 = arith.shrsi %sub3A_1334, %shift_right_arithmetic3A_1337 : vector<16xi32>
      %and3A = arith.constant 7 : i32
      %and3A_1339 = vector.broadcast %and3A : i32 to vector<16xi32>
      %and3A_1340 = arith.andi %sub3A_1334, %and3A_1339 : vector<16xi32>
      %shift_right_logical3A = arith.constant 3 : i32
      %shift_right_logical3A_1341 = arith.shrui %scan3A_1325, %shift_right_logical3A : i32
      %broadcast_in_dim3A_1342 = vector.broadcast %shift_right_logical3A_1341 : i32 to vector<16xi32>
      %and3A_1343 = arith.constant 127 : i32
      %and3A_1344 = arith.andi %mul3A_1327, %and3A_1343 : i32
      %add3A_1345 = vector.broadcast %and3A_1344 : i32 to vector<16xi32>
      %add3A_1346 = arith.addi %iota3A, %add3A_1345 : vector<16xi32>
      tpu.vector_store_idx %arg6[%broadcast_in_dim3A_1054, %shift_right_arithmetic3A_1338, %broadcast_in_dim3A_1342, %and3A_1340, %add3A_1346], %broadcast_in_dim3A_59 masked %lt3A_1336 : memref<2x4x8x8x128xf32, #tpu.memory_space<vmem>>[vector<16xi32>, vector<16xi32>, vector<16xi32>, vector<16xi32>, vector<16xi32>], vector<16xf32>, vector<16xi1>
    }
    %scan3A_1060 = arith.constant 64 : i32
    %dma_start3A_1061 = arith.constant 0 : i32
    %dma_start3A_1062 = arith.constant 16 : i32
    %dma_start3A_1063 = arith.constant 0 : i32
    %dma_start3A_1064 = arith.constant 0 : i32
    %dma_start3A_1065 = arith.constant 0 : i32
    %dma_start3A_1066 = arith.constant 0 : i32
    %dma_start3A_1067 = tpu.memref_slice %arg6[%dma_start3A_1061, %dma_start3A_1063, %dma_start3A_1064, %dma_start3A_1065, %dma_start3A_1066] : memref<2x4x8x8x128xf32, #tpu.memory_space<vmem>> -> memref<1x4x8x8x128xf32, #tpu.memory_space<vmem>>
    %dma_start3A_1068 = tpu.memref_squeeze %dma_start3A_1067 : memref<1x4x8x8x128xf32, #tpu.memory_space<vmem>> -> memref<4x8x8x128xf32, #tpu.memory_space<vmem>>
    %dma_start3A_1069 = arith.constant 0 : i32
    %dma_start3A_1070 = arith.constant 0 : i32
    %dma_start3A_1071 = arith.constant 0 : i32
    %dma_start3A_1072 = tpu.memref_slice %arg4[%dma_start3A_1062, %min3A_3, %dma_start3A_1069, %dma_start3A_1070, %dma_start3A_1071] : memref<20x125x8x8x128xf32, #tpu.memory_space<hbm>> -> memref<1x4x8x8x128xf32, #tpu.memory_space<hbm>>
    %dma_start3A_1073 = tpu.memref_squeeze %dma_start3A_1072 : memref<1x4x8x8x128xf32, #tpu.memory_space<hbm>> -> memref<4x8x8x128xf32, #tpu.memory_space<hbm>>
    %dma_start3A_1074 = arith.constant 0 : i32
    %dma_start3A_1075 = arith.constant 0 : i32
    %dma_start3A_1076 = arith.constant 0 : i32
    %dma_start3A_1077 = tpu.memref_slice %arg4[%dma_start3A_1062, %min3A_3, %dma_start3A_1074, %dma_start3A_1075, %dma_start3A_1076] : memref<20x125x8x8x128xf32, #tpu.memory_space<hbm>> -> memref<1x4x8x8x128xf32, #tpu.memory_space<hbm>>
    %dma_start3A_1078 = tpu.memref_squeeze %dma_start3A_1077 : memref<1x4x8x8x128xf32, #tpu.memory_space<hbm>> -> memref<4x8x8x128xf32, #tpu.memory_space<hbm>>
    %dma_start3A_1079 = arith.constant 0 : i32
    %dma_start3A_1080 = arith.constant 0 : i32
    %dma_start3A_1081 = arith.constant 0 : i32
    %dma_start3A_1082 = arith.constant 0 : i32
    %dma_start3A_1083 = tpu.memref_slice %arg6[%dma_start3A_1061, %dma_start3A_1079, %dma_start3A_1080, %dma_start3A_1081, %dma_start3A_1082] : memref<2x4x8x8x128xf32, #tpu.memory_space<vmem>> -> memref<1x4x8x8x128xf32, #tpu.memory_space<vmem>>
    %dma_start3A_1084 = tpu.memref_squeeze %dma_start3A_1083 : memref<1x4x8x8x128xf32, #tpu.memory_space<vmem>> -> memref<4x8x8x128xf32, #tpu.memory_space<vmem>>
    tpu.enqueue_dma source(%dma_start3A_1084 : memref<4x8x8x128xf32, #tpu.memory_space<vmem>>) target(%dma_start3A_1078 : memref<4x8x8x128xf32, #tpu.memory_space<hbm>>) target_semaphore(%arg7 : memref<!tpu.dma_semaphore, #tpu.memory_space<semaphore_mem>>)
    %dma_wait3A_1085 = arith.constant 1 : i32
    %dma_wait3A_1086 = arith.constant 15 : i32
    %dma_wait3A_1087 = arith.constant 0 : i32
    %dma_wait3A_1088 = arith.constant 0 : i32
    %dma_wait3A_1089 = arith.constant 0 : i32
    %dma_wait3A_1090 = arith.constant 0 : i32
    %dma_wait3A_1091 = tpu.memref_slice %arg6[%dma_wait3A_1085, %dma_wait3A_1087, %dma_wait3A_1088, %dma_wait3A_1089, %dma_wait3A_1090] : memref<2x4x8x8x128xf32, #tpu.memory_space<vmem>> -> memref<1x4x8x8x128xf32, #tpu.memory_space<vmem>>
    %dma_wait3A_1092 = tpu.memref_squeeze %dma_wait3A_1091 : memref<1x4x8x8x128xf32, #tpu.memory_space<vmem>> -> memref<4x8x8x128xf32, #tpu.memory_space<vmem>>
    %dma_wait3A_1093 = arith.constant 0 : i32
    %dma_wait3A_1094 = arith.constant 0 : i32
    %dma_wait3A_1095 = arith.constant 0 : i32
    %dma_wait3A_1096 = tpu.memref_slice %arg4[%dma_wait3A_1086, %min3A_3, %dma_wait3A_1093, %dma_wait3A_1094, %dma_wait3A_1095] : memref<20x125x8x8x128xf32, #tpu.memory_space<hbm>> -> memref<1x4x8x8x128xf32, #tpu.memory_space<hbm>>
    %dma_wait3A_1097 = tpu.memref_squeeze %dma_wait3A_1096 : memref<1x4x8x8x128xf32, #tpu.memory_space<hbm>> -> memref<4x8x8x128xf32, #tpu.memory_space<hbm>>
    %dma_wait3A_1098 = arith.constant 0 : i32
    %dma_wait3A_1099 = arith.constant 0 : i32
    %dma_wait3A_1100 = arith.constant 0 : i32
    %dma_wait3A_1101 = tpu.memref_slice %arg4[%dma_wait3A_1086, %min3A_3, %dma_wait3A_1098, %dma_wait3A_1099, %dma_wait3A_1100] : memref<20x125x8x8x128xf32, #tpu.memory_space<hbm>> -> memref<1x4x8x8x128xf32, #tpu.memory_space<hbm>>
    %dma_wait3A_1102 = tpu.memref_squeeze %dma_wait3A_1101 : memref<1x4x8x8x128xf32, #tpu.memory_space<hbm>> -> memref<4x8x8x128xf32, #tpu.memory_space<hbm>>
    %dma_wait3A_1103 = arith.constant 0 : i32
    %dma_wait3A_1104 = arith.constant 0 : i32
    %dma_wait3A_1105 = arith.constant 0 : i32
    %dma_wait3A_1106 = arith.constant 0 : i32
    %dma_wait3A_1107 = tpu.memref_slice %arg6[%dma_wait3A_1085, %dma_wait3A_1103, %dma_wait3A_1104, %dma_wait3A_1105, %dma_wait3A_1106] : memref<2x4x8x8x128xf32, #tpu.memory_space<vmem>> -> memref<1x4x8x8x128xf32, #tpu.memory_space<vmem>>
    %dma_wait3A_1108 = tpu.memref_squeeze %dma_wait3A_1107 : memref<1x4x8x8x128xf32, #tpu.memory_space<vmem>> -> memref<4x8x8x128xf32, #tpu.memory_space<vmem>>
    tpu.wait_dma2 semaphore(%arg8 : memref<!tpu.dma_semaphore, #tpu.memory_space<semaphore_mem>>) src(%dma_wait3A_1108 : memref<4x8x8x128xf32, #tpu.memory_space<vmem>>) dst(%dma_wait3A_1102 : memref<4x8x8x128xf32, #tpu.memory_space<hbm>>)
    %broadcast_in_dim3A_1109 = arith.constant 1 : i32
    %broadcast_in_dim3A_1110 = vector.broadcast %broadcast_in_dim3A_1109 : i32 to vector<16xi32>
    %scan3A_1111 = arith.constant 0 : i32
    %scan3A_1112 = arith.constant 0 : i32
    %scan3A_1113 = arith.constant 64 : i32
    %scan3A_1114 = arith.addi %scan3A_1112, %scan3A_1113 : i32
    %scan3A_1115 = arith.constant 1 : i32
    scf.for %scan3A_1325 = %scan3A_1112 to %scan3A_1114 step %scan3A_1115  : i32 {
      %mul3A_1326 = arith.constant 16 : i32
      %mul3A_1327 = arith.muli %scan3A_1325, %mul3A_1326 : i32
      %mul3A_1328 = arith.constant 20 : i32
      %mul3A_1329 = arith.muli %mul3A_1327, %mul3A_1328 : i32
      %add3A_1330 = arith.constant 15 : i32
      %add3A_1331 = arith.addi %mul3A_1329, %add3A_1330 : i32
      %add3A_1332 = vector.broadcast %add3A_1331 : i32 to vector<16xi32>
      %add3A_1333 = arith.addi %mul3A_58, %add3A_1332 : vector<16xi32>
      %gather3A = tpu.vector_load_idx %arg5[%add3A_1333] : memref<20480xi32, #tpu.memory_space<vmem>>[vector<16xi32>], vector<16xi32>,
      %sub3A = vector.broadcast %mul3A_5 : i32 to vector<16xi32>
      %sub3A_1334 = arith.subi %gather3A, %sub3A : vector<16xi32>
      %bitcast3A = vector.bitcast %sub3A_1334 : vector<16xi32> to vector<16xi32>
      %lt3A = arith.constant 32 : i32
      %lt3A_1335 = vector.broadcast %lt3A : i32 to vector<16xi32>
      %lt3A_1336 = arith.cmpi ult, %bitcast3A, %lt3A_1335 : vector<16xi32>
      %shift_right_arithmetic3A = arith.constant 3 : i32
      %shift_right_arithmetic3A_1337 = vector.broadcast %shift_right_arithmetic3A : i32 to vector<16xi32>
      %shift_right_arithmetic3A_1338 = arith.shrsi %sub3A_1334, %shift_right_arithmetic3A_1337 : vector<16xi32>
      %and3A = arith.constant 7 : i32
      %and3A_1339 = vector.broadcast %and3A : i32 to vector<16xi32>
      %and3A_1340 = arith.andi %sub3A_1334, %and3A_1339 : vector<16xi32>
      %shift_right_logical3A = arith.constant 3 : i32
      %shift_right_logical3A_1341 = arith.shrui %scan3A_1325, %shift_right_logical3A : i32
      %broadcast_in_dim3A_1342 = vector.broadcast %shift_right_logical3A_1341 : i32 to vector<16xi32>
      %and3A_1343 = arith.constant 127 : i32
      %and3A_1344 = arith.andi %mul3A_1327, %and3A_1343 : i32
      %add3A_1345 = vector.broadcast %and3A_1344 : i32 to vector<16xi32>
      %add3A_1346 = arith.addi %iota3A, %add3A_1345 : vector<16xi32>
      tpu.vector_store_idx %arg6[%broadcast_in_dim3A_1110, %shift_right_arithmetic3A_1338, %broadcast_in_dim3A_1342, %and3A_1340, %add3A_1346], %broadcast_in_dim3A_61 masked %lt3A_1336 : memref<2x4x8x8x128xf32, #tpu.memory_space<vmem>>[vector<16xi32>, vector<16xi32>, vector<16xi32>, vector<16xi32>, vector<16xi32>], vector<16xf32>, vector<16xi1>
    }
    %scan3A_1116 = arith.constant 64 : i32
    %broadcast_in_dim3A_1117 = arith.constant 1 : i32
    %broadcast_in_dim3A_1118 = vector.broadcast %broadcast_in_dim3A_1117 : i32 to vector<16xi32>
    %scan3A_1119 = arith.constant 0 : i32
    %scan3A_1120 = arith.constant 0 : i32
    %scan3A_1121 = arith.constant 64 : i32
    %scan3A_1122 = arith.addi %scan3A_1120, %scan3A_1121 : i32
    %scan3A_1123 = arith.constant 1 : i32
    scf.for %scan3A_1325 = %scan3A_1120 to %scan3A_1122 step %scan3A_1123  : i32 {
      %mul3A_1326 = arith.constant 16 : i32
      %mul3A_1327 = arith.muli %scan3A_1325, %mul3A_1326 : i32
      %mul3A_1328 = arith.constant 20 : i32
      %mul3A_1329 = arith.muli %mul3A_1327, %mul3A_1328 : i32
      %add3A_1330 = arith.constant 17 : i32
      %add3A_1331 = arith.addi %mul3A_1329, %add3A_1330 : i32
      %add3A_1332 = vector.broadcast %add3A_1331 : i32 to vector<16xi32>
      %add3A_1333 = arith.addi %mul3A_58, %add3A_1332 : vector<16xi32>
      %gather3A = tpu.vector_load_idx %arg5[%add3A_1333] : memref<20480xi32, #tpu.memory_space<vmem>>[vector<16xi32>], vector<16xi32>,
      %sub3A = vector.broadcast %mul3A_5 : i32 to vector<16xi32>
      %sub3A_1334 = arith.subi %gather3A, %sub3A : vector<16xi32>
      %bitcast3A = vector.bitcast %sub3A_1334 : vector<16xi32> to vector<16xi32>
      %lt3A = arith.constant 32 : i32
      %lt3A_1335 = vector.broadcast %lt3A : i32 to vector<16xi32>
      %lt3A_1336 = arith.cmpi ult, %bitcast3A, %lt3A_1335 : vector<16xi32>
      %shift_right_arithmetic3A = arith.constant 3 : i32
      %shift_right_arithmetic3A_1337 = vector.broadcast %shift_right_arithmetic3A : i32 to vector<16xi32>
      %shift_right_arithmetic3A_1338 = arith.shrsi %sub3A_1334, %shift_right_arithmetic3A_1337 : vector<16xi32>
      %and3A = arith.constant 7 : i32
      %and3A_1339 = vector.broadcast %and3A : i32 to vector<16xi32>
      %and3A_1340 = arith.andi %sub3A_1334, %and3A_1339 : vector<16xi32>
      %shift_right_logical3A = arith.constant 3 : i32
      %shift_right_logical3A_1341 = arith.shrui %scan3A_1325, %shift_right_logical3A : i32
      %broadcast_in_dim3A_1342 = vector.broadcast %shift_right_logical3A_1341 : i32 to vector<16xi32>
      %and3A_1343 = arith.constant 127 : i32
      %and3A_1344 = arith.andi %mul3A_1327, %and3A_1343 : i32
      %add3A_1345 = vector.broadcast %and3A_1344 : i32 to vector<16xi32>
      %add3A_1346 = arith.addi %iota3A, %add3A_1345 : vector<16xi32>
      tpu.vector_store_idx %arg6[%broadcast_in_dim3A_1118, %shift_right_arithmetic3A_1338, %broadcast_in_dim3A_1342, %and3A_1340, %add3A_1346], %broadcast_in_dim3A_59 masked %lt3A_1336 : memref<2x4x8x8x128xf32, #tpu.memory_space<vmem>>[vector<16xi32>, vector<16xi32>, vector<16xi32>, vector<16xi32>, vector<16xi32>], vector<16xf32>, vector<16xi1>
    }
    %scan3A_1124 = arith.constant 64 : i32
    %dma_start3A_1125 = arith.constant 1 : i32
    %dma_start3A_1126 = arith.constant 17 : i32
    %dma_start3A_1127 = arith.constant 0 : i32
    %dma_start3A_1128 = arith.constant 0 : i32
    %dma_start3A_1129 = arith.constant 0 : i32
    %dma_start3A_1130 = arith.constant 0 : i32
    %dma_start3A_1131 = tpu.memref_slice %arg6[%dma_start3A_1125, %dma_start3A_1127, %dma_start3A_1128, %dma_start3A_1129, %dma_start3A_1130] : memref<2x4x8x8x128xf32, #tpu.memory_space<vmem>> -> memref<1x4x8x8x128xf32, #tpu.memory_space<vmem>>
    %dma_start3A_1132 = tpu.memref_squeeze %dma_start3A_1131 : memref<1x4x8x8x128xf32, #tpu.memory_space<vmem>> -> memref<4x8x8x128xf32, #tpu.memory_space<vmem>>
    %dma_start3A_1133 = arith.constant 0 : i32
    %dma_start3A_1134 = arith.constant 0 : i32
    %dma_start3A_1135 = arith.constant 0 : i32
    %dma_start3A_1136 = tpu.memref_slice %arg4[%dma_start3A_1126, %min3A_3, %dma_start3A_1133, %dma_start3A_1134, %dma_start3A_1135] : memref<20x125x8x8x128xf32, #tpu.memory_space<hbm>> -> memref<1x4x8x8x128xf32, #tpu.memory_space<hbm>>
    %dma_start3A_1137 = tpu.memref_squeeze %dma_start3A_1136 : memref<1x4x8x8x128xf32, #tpu.memory_space<hbm>> -> memref<4x8x8x128xf32, #tpu.memory_space<hbm>>
    %dma_start3A_1138 = arith.constant 0 : i32
    %dma_start3A_1139 = arith.constant 0 : i32
    %dma_start3A_1140 = arith.constant 0 : i32
    %dma_start3A_1141 = tpu.memref_slice %arg4[%dma_start3A_1126, %min3A_3, %dma_start3A_1138, %dma_start3A_1139, %dma_start3A_1140] : memref<20x125x8x8x128xf32, #tpu.memory_space<hbm>> -> memref<1x4x8x8x128xf32, #tpu.memory_space<hbm>>
    %dma_start3A_1142 = tpu.memref_squeeze %dma_start3A_1141 : memref<1x4x8x8x128xf32, #tpu.memory_space<hbm>> -> memref<4x8x8x128xf32, #tpu.memory_space<hbm>>
    %dma_start3A_1143 = arith.constant 0 : i32
    %dma_start3A_1144 = arith.constant 0 : i32
    %dma_start3A_1145 = arith.constant 0 : i32
    %dma_start3A_1146 = arith.constant 0 : i32
    %dma_start3A_1147 = tpu.memref_slice %arg6[%dma_start3A_1125, %dma_start3A_1143, %dma_start3A_1144, %dma_start3A_1145, %dma_start3A_1146] : memref<2x4x8x8x128xf32, #tpu.memory_space<vmem>> -> memref<1x4x8x8x128xf32, #tpu.memory_space<vmem>>
    %dma_start3A_1148 = tpu.memref_squeeze %dma_start3A_1147 : memref<1x4x8x8x128xf32, #tpu.memory_space<vmem>> -> memref<4x8x8x128xf32, #tpu.memory_space<vmem>>
    tpu.enqueue_dma source(%dma_start3A_1148 : memref<4x8x8x128xf32, #tpu.memory_space<vmem>>) target(%dma_start3A_1142 : memref<4x8x8x128xf32, #tpu.memory_space<hbm>>) target_semaphore(%arg8 : memref<!tpu.dma_semaphore, #tpu.memory_space<semaphore_mem>>)
    %dma_wait3A_1149 = arith.constant 0 : i32
    %dma_wait3A_1150 = arith.constant 16 : i32
    %dma_wait3A_1151 = arith.constant 0 : i32
    %dma_wait3A_1152 = arith.constant 0 : i32
    %dma_wait3A_1153 = arith.constant 0 : i32
    %dma_wait3A_1154 = arith.constant 0 : i32
    %dma_wait3A_1155 = tpu.memref_slice %arg6[%dma_wait3A_1149, %dma_wait3A_1151, %dma_wait3A_1152, %dma_wait3A_1153, %dma_wait3A_1154] : memref<2x4x8x8x128xf32, #tpu.memory_space<vmem>> -> memref<1x4x8x8x128xf32, #tpu.memory_space<vmem>>
    %dma_wait3A_1156 = tpu.memref_squeeze %dma_wait3A_1155 : memref<1x4x8x8x128xf32, #tpu.memory_space<vmem>> -> memref<4x8x8x128xf32, #tpu.memory_space<vmem>>
    %dma_wait3A_1157 = arith.constant 0 : i32
    %dma_wait3A_1158 = arith.constant 0 : i32
    %dma_wait3A_1159 = arith.constant 0 : i32
    %dma_wait3A_1160 = tpu.memref_slice %arg4[%dma_wait3A_1150, %min3A_3, %dma_wait3A_1157, %dma_wait3A_1158, %dma_wait3A_1159] : memref<20x125x8x8x128xf32, #tpu.memory_space<hbm>> -> memref<1x4x8x8x128xf32, #tpu.memory_space<hbm>>
    %dma_wait3A_1161 = tpu.memref_squeeze %dma_wait3A_1160 : memref<1x4x8x8x128xf32, #tpu.memory_space<hbm>> -> memref<4x8x8x128xf32, #tpu.memory_space<hbm>>
    %dma_wait3A_1162 = arith.constant 0 : i32
    %dma_wait3A_1163 = arith.constant 0 : i32
    %dma_wait3A_1164 = arith.constant 0 : i32
    %dma_wait3A_1165 = tpu.memref_slice %arg4[%dma_wait3A_1150, %min3A_3, %dma_wait3A_1162, %dma_wait3A_1163, %dma_wait3A_1164] : memref<20x125x8x8x128xf32, #tpu.memory_space<hbm>> -> memref<1x4x8x8x128xf32, #tpu.memory_space<hbm>>
    %dma_wait3A_1166 = tpu.memref_squeeze %dma_wait3A_1165 : memref<1x4x8x8x128xf32, #tpu.memory_space<hbm>> -> memref<4x8x8x128xf32, #tpu.memory_space<hbm>>
    %dma_wait3A_1167 = arith.constant 0 : i32
    %dma_wait3A_1168 = arith.constant 0 : i32
    %dma_wait3A_1169 = arith.constant 0 : i32
    %dma_wait3A_1170 = arith.constant 0 : i32
    %dma_wait3A_1171 = tpu.memref_slice %arg6[%dma_wait3A_1149, %dma_wait3A_1167, %dma_wait3A_1168, %dma_wait3A_1169, %dma_wait3A_1170] : memref<2x4x8x8x128xf32, #tpu.memory_space<vmem>> -> memref<1x4x8x8x128xf32, #tpu.memory_space<vmem>>
    %dma_wait3A_1172 = tpu.memref_squeeze %dma_wait3A_1171 : memref<1x4x8x8x128xf32, #tpu.memory_space<vmem>> -> memref<4x8x8x128xf32, #tpu.memory_space<vmem>>
    tpu.wait_dma2 semaphore(%arg7 : memref<!tpu.dma_semaphore, #tpu.memory_space<semaphore_mem>>) src(%dma_wait3A_1172 : memref<4x8x8x128xf32, #tpu.memory_space<vmem>>) dst(%dma_wait3A_1166 : memref<4x8x8x128xf32, #tpu.memory_space<hbm>>)
    %broadcast_in_dim3A_1173 = arith.constant 0 : i32
    %broadcast_in_dim3A_1174 = vector.broadcast %broadcast_in_dim3A_1173 : i32 to vector<16xi32>
    %scan3A_1175 = arith.constant 0 : i32
    %scan3A_1176 = arith.constant 0 : i32
    %scan3A_1177 = arith.constant 64 : i32
    %scan3A_1178 = arith.addi %scan3A_1176, %scan3A_1177 : i32
    %scan3A_1179 = arith.constant 1 : i32
    scf.for %scan3A_1325 = %scan3A_1176 to %scan3A_1178 step %scan3A_1179  : i32 {
      %mul3A_1326 = arith.constant 16 : i32
      %mul3A_1327 = arith.muli %scan3A_1325, %mul3A_1326 : i32
      %mul3A_1328 = arith.constant 20 : i32
      %mul3A_1329 = arith.muli %mul3A_1327, %mul3A_1328 : i32
      %add3A_1330 = arith.constant 16 : i32
      %add3A_1331 = arith.addi %mul3A_1329, %add3A_1330 : i32
      %add3A_1332 = vector.broadcast %add3A_1331 : i32 to vector<16xi32>
      %add3A_1333 = arith.addi %mul3A_58, %add3A_1332 : vector<16xi32>
      %gather3A = tpu.vector_load_idx %arg5[%add3A_1333] : memref<20480xi32, #tpu.memory_space<vmem>>[vector<16xi32>], vector<16xi32>,
      %sub3A = vector.broadcast %mul3A_5 : i32 to vector<16xi32>
      %sub3A_1334 = arith.subi %gather3A, %sub3A : vector<16xi32>
      %bitcast3A = vector.bitcast %sub3A_1334 : vector<16xi32> to vector<16xi32>
      %lt3A = arith.constant 32 : i32
      %lt3A_1335 = vector.broadcast %lt3A : i32 to vector<16xi32>
      %lt3A_1336 = arith.cmpi ult, %bitcast3A, %lt3A_1335 : vector<16xi32>
      %shift_right_arithmetic3A = arith.constant 3 : i32
      %shift_right_arithmetic3A_1337 = vector.broadcast %shift_right_arithmetic3A : i32 to vector<16xi32>
      %shift_right_arithmetic3A_1338 = arith.shrsi %sub3A_1334, %shift_right_arithmetic3A_1337 : vector<16xi32>
      %and3A = arith.constant 7 : i32
      %and3A_1339 = vector.broadcast %and3A : i32 to vector<16xi32>
      %and3A_1340 = arith.andi %sub3A_1334, %and3A_1339 : vector<16xi32>
      %shift_right_logical3A = arith.constant 3 : i32
      %shift_right_logical3A_1341 = arith.shrui %scan3A_1325, %shift_right_logical3A : i32
      %broadcast_in_dim3A_1342 = vector.broadcast %shift_right_logical3A_1341 : i32 to vector<16xi32>
      %and3A_1343 = arith.constant 127 : i32
      %and3A_1344 = arith.andi %mul3A_1327, %and3A_1343 : i32
      %add3A_1345 = vector.broadcast %and3A_1344 : i32 to vector<16xi32>
      %add3A_1346 = arith.addi %iota3A, %add3A_1345 : vector<16xi32>
      tpu.vector_store_idx %arg6[%broadcast_in_dim3A_1174, %shift_right_arithmetic3A_1338, %broadcast_in_dim3A_1342, %and3A_1340, %add3A_1346], %broadcast_in_dim3A_61 masked %lt3A_1336 : memref<2x4x8x8x128xf32, #tpu.memory_space<vmem>>[vector<16xi32>, vector<16xi32>, vector<16xi32>, vector<16xi32>, vector<16xi32>], vector<16xf32>, vector<16xi1>
    }
    %scan3A_1180 = arith.constant 64 : i32
    %broadcast_in_dim3A_1181 = arith.constant 0 : i32
    %broadcast_in_dim3A_1182 = vector.broadcast %broadcast_in_dim3A_1181 : i32 to vector<16xi32>
    %scan3A_1183 = arith.constant 0 : i32
    %scan3A_1184 = arith.constant 0 : i32
    %scan3A_1185 = arith.constant 64 : i32
    %scan3A_1186 = arith.addi %scan3A_1184, %scan3A_1185 : i32
    %scan3A_1187 = arith.constant 1 : i32
    scf.for %scan3A_1325 = %scan3A_1184 to %scan3A_1186 step %scan3A_1187  : i32 {
      %mul3A_1326 = arith.constant 16 : i32
      %mul3A_1327 = arith.muli %scan3A_1325, %mul3A_1326 : i32
      %mul3A_1328 = arith.constant 20 : i32
      %mul3A_1329 = arith.muli %mul3A_1327, %mul3A_1328 : i32
      %add3A_1330 = arith.constant 18 : i32
      %add3A_1331 = arith.addi %mul3A_1329, %add3A_1330 : i32
      %add3A_1332 = vector.broadcast %add3A_1331 : i32 to vector<16xi32>
      %add3A_1333 = arith.addi %mul3A_58, %add3A_1332 : vector<16xi32>
      %gather3A = tpu.vector_load_idx %arg5[%add3A_1333] : memref<20480xi32, #tpu.memory_space<vmem>>[vector<16xi32>], vector<16xi32>,
      %sub3A = vector.broadcast %mul3A_5 : i32 to vector<16xi32>
      %sub3A_1334 = arith.subi %gather3A, %sub3A : vector<16xi32>
      %bitcast3A = vector.bitcast %sub3A_1334 : vector<16xi32> to vector<16xi32>
      %lt3A = arith.constant 32 : i32
      %lt3A_1335 = vector.broadcast %lt3A : i32 to vector<16xi32>
      %lt3A_1336 = arith.cmpi ult, %bitcast3A, %lt3A_1335 : vector<16xi32>
      %shift_right_arithmetic3A = arith.constant 3 : i32
      %shift_right_arithmetic3A_1337 = vector.broadcast %shift_right_arithmetic3A : i32 to vector<16xi32>
      %shift_right_arithmetic3A_1338 = arith.shrsi %sub3A_1334, %shift_right_arithmetic3A_1337 : vector<16xi32>
      %and3A = arith.constant 7 : i32
      %and3A_1339 = vector.broadcast %and3A : i32 to vector<16xi32>
      %and3A_1340 = arith.andi %sub3A_1334, %and3A_1339 : vector<16xi32>
      %shift_right_logical3A = arith.constant 3 : i32
      %shift_right_logical3A_1341 = arith.shrui %scan3A_1325, %shift_right_logical3A : i32
      %broadcast_in_dim3A_1342 = vector.broadcast %shift_right_logical3A_1341 : i32 to vector<16xi32>
      %and3A_1343 = arith.constant 127 : i32
      %and3A_1344 = arith.andi %mul3A_1327, %and3A_1343 : i32
      %add3A_1345 = vector.broadcast %and3A_1344 : i32 to vector<16xi32>
      %add3A_1346 = arith.addi %iota3A, %add3A_1345 : vector<16xi32>
      tpu.vector_store_idx %arg6[%broadcast_in_dim3A_1182, %shift_right_arithmetic3A_1338, %broadcast_in_dim3A_1342, %and3A_1340, %add3A_1346], %broadcast_in_dim3A_59 masked %lt3A_1336 : memref<2x4x8x8x128xf32, #tpu.memory_space<vmem>>[vector<16xi32>, vector<16xi32>, vector<16xi32>, vector<16xi32>, vector<16xi32>], vector<16xf32>, vector<16xi1>
    }
    %scan3A_1188 = arith.constant 64 : i32
    %dma_start3A_1189 = arith.constant 0 : i32
    %dma_start3A_1190 = arith.constant 18 : i32
    %dma_start3A_1191 = arith.constant 0 : i32
    %dma_start3A_1192 = arith.constant 0 : i32
    %dma_start3A_1193 = arith.constant 0 : i32
    %dma_start3A_1194 = arith.constant 0 : i32
    %dma_start3A_1195 = tpu.memref_slice %arg6[%dma_start3A_1189, %dma_start3A_1191, %dma_start3A_1192, %dma_start3A_1193, %dma_start3A_1194] : memref<2x4x8x8x128xf32, #tpu.memory_space<vmem>> -> memref<1x4x8x8x128xf32, #tpu.memory_space<vmem>>
    %dma_start3A_1196 = tpu.memref_squeeze %dma_start3A_1195 : memref<1x4x8x8x128xf32, #tpu.memory_space<vmem>> -> memref<4x8x8x128xf32, #tpu.memory_space<vmem>>
    %dma_start3A_1197 = arith.constant 0 : i32
    %dma_start3A_1198 = arith.constant 0 : i32
    %dma_start3A_1199 = arith.constant 0 : i32
    %dma_start3A_1200 = tpu.memref_slice %arg4[%dma_start3A_1190, %min3A_3, %dma_start3A_1197, %dma_start3A_1198, %dma_start3A_1199] : memref<20x125x8x8x128xf32, #tpu.memory_space<hbm>> -> memref<1x4x8x8x128xf32, #tpu.memory_space<hbm>>
    %dma_start3A_1201 = tpu.memref_squeeze %dma_start3A_1200 : memref<1x4x8x8x128xf32, #tpu.memory_space<hbm>> -> memref<4x8x8x128xf32, #tpu.memory_space<hbm>>
    %dma_start3A_1202 = arith.constant 0 : i32
    %dma_start3A_1203 = arith.constant 0 : i32
    %dma_start3A_1204 = arith.constant 0 : i32
    %dma_start3A_1205 = tpu.memref_slice %arg4[%dma_start3A_1190, %min3A_3, %dma_start3A_1202, %dma_start3A_1203, %dma_start3A_1204] : memref<20x125x8x8x128xf32, #tpu.memory_space<hbm>> -> memref<1x4x8x8x128xf32, #tpu.memory_space<hbm>>
    %dma_start3A_1206 = tpu.memref_squeeze %dma_start3A_1205 : memref<1x4x8x8x128xf32, #tpu.memory_space<hbm>> -> memref<4x8x8x128xf32, #tpu.memory_space<hbm>>
    %dma_start3A_1207 = arith.constant 0 : i32
    %dma_start3A_1208 = arith.constant 0 : i32
    %dma_start3A_1209 = arith.constant 0 : i32
    %dma_start3A_1210 = arith.constant 0 : i32
    %dma_start3A_1211 = tpu.memref_slice %arg6[%dma_start3A_1189, %dma_start3A_1207, %dma_start3A_1208, %dma_start3A_1209, %dma_start3A_1210] : memref<2x4x8x8x128xf32, #tpu.memory_space<vmem>> -> memref<1x4x8x8x128xf32, #tpu.memory_space<vmem>>
    %dma_start3A_1212 = tpu.memref_squeeze %dma_start3A_1211 : memref<1x4x8x8x128xf32, #tpu.memory_space<vmem>> -> memref<4x8x8x128xf32, #tpu.memory_space<vmem>>
    tpu.enqueue_dma source(%dma_start3A_1212 : memref<4x8x8x128xf32, #tpu.memory_space<vmem>>) target(%dma_start3A_1206 : memref<4x8x8x128xf32, #tpu.memory_space<hbm>>) target_semaphore(%arg7 : memref<!tpu.dma_semaphore, #tpu.memory_space<semaphore_mem>>)
    %dma_wait3A_1213 = arith.constant 1 : i32
    %dma_wait3A_1214 = arith.constant 17 : i32
    %dma_wait3A_1215 = arith.constant 0 : i32
    %dma_wait3A_1216 = arith.constant 0 : i32
    %dma_wait3A_1217 = arith.constant 0 : i32
    %dma_wait3A_1218 = arith.constant 0 : i32
    %dma_wait3A_1219 = tpu.memref_slice %arg6[%dma_wait3A_1213, %dma_wait3A_1215, %dma_wait3A_1216, %dma_wait3A_1217, %dma_wait3A_1218] : memref<2x4x8x8x128xf32, #tpu.memory_space<vmem>> -> memref<1x4x8x8x128xf32, #tpu.memory_space<vmem>>
    %dma_wait3A_1220 = tpu.memref_squeeze %dma_wait3A_1219 : memref<1x4x8x8x128xf32, #tpu.memory_space<vmem>> -> memref<4x8x8x128xf32, #tpu.memory_space<vmem>>
    %dma_wait3A_1221 = arith.constant 0 : i32
    %dma_wait3A_1222 = arith.constant 0 : i32
    %dma_wait3A_1223 = arith.constant 0 : i32
    %dma_wait3A_1224 = tpu.memref_slice %arg4[%dma_wait3A_1214, %min3A_3, %dma_wait3A_1221, %dma_wait3A_1222, %dma_wait3A_1223] : memref<20x125x8x8x128xf32, #tpu.memory_space<hbm>> -> memref<1x4x8x8x128xf32, #tpu.memory_space<hbm>>
    %dma_wait3A_1225 = tpu.memref_squeeze %dma_wait3A_1224 : memref<1x4x8x8x128xf32, #tpu.memory_space<hbm>> -> memref<4x8x8x128xf32, #tpu.memory_space<hbm>>
    %dma_wait3A_1226 = arith.constant 0 : i32
    %dma_wait3A_1227 = arith.constant 0 : i32
    %dma_wait3A_1228 = arith.constant 0 : i32
    %dma_wait3A_1229 = tpu.memref_slice %arg4[%dma_wait3A_1214, %min3A_3, %dma_wait3A_1226, %dma_wait3A_1227, %dma_wait3A_1228] : memref<20x125x8x8x128xf32, #tpu.memory_space<hbm>> -> memref<1x4x8x8x128xf32, #tpu.memory_space<hbm>>
    %dma_wait3A_1230 = tpu.memref_squeeze %dma_wait3A_1229 : memref<1x4x8x8x128xf32, #tpu.memory_space<hbm>> -> memref<4x8x8x128xf32, #tpu.memory_space<hbm>>
    %dma_wait3A_1231 = arith.constant 0 : i32
    %dma_wait3A_1232 = arith.constant 0 : i32
    %dma_wait3A_1233 = arith.constant 0 : i32
    %dma_wait3A_1234 = arith.constant 0 : i32
    %dma_wait3A_1235 = tpu.memref_slice %arg6[%dma_wait3A_1213, %dma_wait3A_1231, %dma_wait3A_1232, %dma_wait3A_1233, %dma_wait3A_1234] : memref<2x4x8x8x128xf32, #tpu.memory_space<vmem>> -> memref<1x4x8x8x128xf32, #tpu.memory_space<vmem>>
    %dma_wait3A_1236 = tpu.memref_squeeze %dma_wait3A_1235 : memref<1x4x8x8x128xf32, #tpu.memory_space<vmem>> -> memref<4x8x8x128xf32, #tpu.memory_space<vmem>>
    tpu.wait_dma2 semaphore(%arg8 : memref<!tpu.dma_semaphore, #tpu.memory_space<semaphore_mem>>) src(%dma_wait3A_1236 : memref<4x8x8x128xf32, #tpu.memory_space<vmem>>) dst(%dma_wait3A_1230 : memref<4x8x8x128xf32, #tpu.memory_space<hbm>>)
    %broadcast_in_dim3A_1237 = arith.constant 1 : i32
    %broadcast_in_dim3A_1238 = vector.broadcast %broadcast_in_dim3A_1237 : i32 to vector<16xi32>
    %scan3A_1239 = arith.constant 0 : i32
    %scan3A_1240 = arith.constant 0 : i32
    %scan3A_1241 = arith.constant 64 : i32
    %scan3A_1242 = arith.addi %scan3A_1240, %scan3A_1241 : i32
    %scan3A_1243 = arith.constant 1 : i32
    scf.for %scan3A_1325 = %scan3A_1240 to %scan3A_1242 step %scan3A_1243  : i32 {
      %mul3A_1326 = arith.constant 16 : i32
      %mul3A_1327 = arith.muli %scan3A_1325, %mul3A_1326 : i32
      %mul3A_1328 = arith.constant 20 : i32
      %mul3A_1329 = arith.muli %mul3A_1327, %mul3A_1328 : i32
      %add3A_1330 = arith.constant 17 : i32
      %add3A_1331 = arith.addi %mul3A_1329, %add3A_1330 : i32
      %add3A_1332 = vector.broadcast %add3A_1331 : i32 to vector<16xi32>
      %add3A_1333 = arith.addi %mul3A_58, %add3A_1332 : vector<16xi32>
      %gather3A = tpu.vector_load_idx %arg5[%add3A_1333] : memref<20480xi32, #tpu.memory_space<vmem>>[vector<16xi32>], vector<16xi32>,
      %sub3A = vector.broadcast %mul3A_5 : i32 to vector<16xi32>
      %sub3A_1334 = arith.subi %gather3A, %sub3A : vector<16xi32>
      %bitcast3A = vector.bitcast %sub3A_1334 : vector<16xi32> to vector<16xi32>
      %lt3A = arith.constant 32 : i32
      %lt3A_1335 = vector.broadcast %lt3A : i32 to vector<16xi32>
      %lt3A_1336 = arith.cmpi ult, %bitcast3A, %lt3A_1335 : vector<16xi32>
      %shift_right_arithmetic3A = arith.constant 3 : i32
      %shift_right_arithmetic3A_1337 = vector.broadcast %shift_right_arithmetic3A : i32 to vector<16xi32>
      %shift_right_arithmetic3A_1338 = arith.shrsi %sub3A_1334, %shift_right_arithmetic3A_1337 : vector<16xi32>
      %and3A = arith.constant 7 : i32
      %and3A_1339 = vector.broadcast %and3A : i32 to vector<16xi32>
      %and3A_1340 = arith.andi %sub3A_1334, %and3A_1339 : vector<16xi32>
      %shift_right_logical3A = arith.constant 3 : i32
      %shift_right_logical3A_1341 = arith.shrui %scan3A_1325, %shift_right_logical3A : i32
      %broadcast_in_dim3A_1342 = vector.broadcast %shift_right_logical3A_1341 : i32 to vector<16xi32>
      %and3A_1343 = arith.constant 127 : i32
      %and3A_1344 = arith.andi %mul3A_1327, %and3A_1343 : i32
      %add3A_1345 = vector.broadcast %and3A_1344 : i32 to vector<16xi32>
      %add3A_1346 = arith.addi %iota3A, %add3A_1345 : vector<16xi32>
      tpu.vector_store_idx %arg6[%broadcast_in_dim3A_1238, %shift_right_arithmetic3A_1338, %broadcast_in_dim3A_1342, %and3A_1340, %add3A_1346], %broadcast_in_dim3A_61 masked %lt3A_1336 : memref<2x4x8x8x128xf32, #tpu.memory_space<vmem>>[vector<16xi32>, vector<16xi32>, vector<16xi32>, vector<16xi32>, vector<16xi32>], vector<16xf32>, vector<16xi1>
    }
    %scan3A_1244 = arith.constant 64 : i32
    %broadcast_in_dim3A_1245 = arith.constant 1 : i32
    %broadcast_in_dim3A_1246 = vector.broadcast %broadcast_in_dim3A_1245 : i32 to vector<16xi32>
    %scan3A_1247 = arith.constant 0 : i32
    %scan3A_1248 = arith.constant 0 : i32
    %scan3A_1249 = arith.constant 64 : i32
    %scan3A_1250 = arith.addi %scan3A_1248, %scan3A_1249 : i32
    %scan3A_1251 = arith.constant 1 : i32
    scf.for %scan3A_1325 = %scan3A_1248 to %scan3A_1250 step %scan3A_1251  : i32 {
      %mul3A_1326 = arith.constant 16 : i32
      %mul3A_1327 = arith.muli %scan3A_1325, %mul3A_1326 : i32
      %mul3A_1328 = arith.constant 20 : i32
      %mul3A_1329 = arith.muli %mul3A_1327, %mul3A_1328 : i32
      %add3A_1330 = arith.constant 19 : i32
      %add3A_1331 = arith.addi %mul3A_1329, %add3A_1330 : i32
      %add3A_1332 = vector.broadcast %add3A_1331 : i32 to vector<16xi32>
      %add3A_1333 = arith.addi %mul3A_58, %add3A_1332 : vector<16xi32>
      %gather3A = tpu.vector_load_idx %arg5[%add3A_1333] : memref<20480xi32, #tpu.memory_space<vmem>>[vector<16xi32>], vector<16xi32>,
      %sub3A = vector.broadcast %mul3A_5 : i32 to vector<16xi32>
      %sub3A_1334 = arith.subi %gather3A, %sub3A : vector<16xi32>
      %bitcast3A = vector.bitcast %sub3A_1334 : vector<16xi32> to vector<16xi32>
      %lt3A = arith.constant 32 : i32
      %lt3A_1335 = vector.broadcast %lt3A : i32 to vector<16xi32>
      %lt3A_1336 = arith.cmpi ult, %bitcast3A, %lt3A_1335 : vector<16xi32>
      %shift_right_arithmetic3A = arith.constant 3 : i32
      %shift_right_arithmetic3A_1337 = vector.broadcast %shift_right_arithmetic3A : i32 to vector<16xi32>
      %shift_right_arithmetic3A_1338 = arith.shrsi %sub3A_1334, %shift_right_arithmetic3A_1337 : vector<16xi32>
      %and3A = arith.constant 7 : i32
      %and3A_1339 = vector.broadcast %and3A : i32 to vector<16xi32>
      %and3A_1340 = arith.andi %sub3A_1334, %and3A_1339 : vector<16xi32>
      %shift_right_logical3A = arith.constant 3 : i32
      %shift_right_logical3A_1341 = arith.shrui %scan3A_1325, %shift_right_logical3A : i32
      %broadcast_in_dim3A_1342 = vector.broadcast %shift_right_logical3A_1341 : i32 to vector<16xi32>
      %and3A_1343 = arith.constant 127 : i32
      %and3A_1344 = arith.andi %mul3A_1327, %and3A_1343 : i32
      %add3A_1345 = vector.broadcast %and3A_1344 : i32 to vector<16xi32>
      %add3A_1346 = arith.addi %iota3A, %add3A_1345 : vector<16xi32>
      tpu.vector_store_idx %arg6[%broadcast_in_dim3A_1246, %shift_right_arithmetic3A_1338, %broadcast_in_dim3A_1342, %and3A_1340, %add3A_1346], %broadcast_in_dim3A_59 masked %lt3A_1336 : memref<2x4x8x8x128xf32, #tpu.memory_space<vmem>>[vector<16xi32>, vector<16xi32>, vector<16xi32>, vector<16xi32>, vector<16xi32>], vector<16xf32>, vector<16xi1>
    }
    %scan3A_1252 = arith.constant 64 : i32
    %dma_start3A_1253 = arith.constant 1 : i32
    %dma_start3A_1254 = arith.constant 19 : i32
    %dma_start3A_1255 = arith.constant 0 : i32
    %dma_start3A_1256 = arith.constant 0 : i32
    %dma_start3A_1257 = arith.constant 0 : i32
    %dma_start3A_1258 = arith.constant 0 : i32
    %dma_start3A_1259 = tpu.memref_slice %arg6[%dma_start3A_1253, %dma_start3A_1255, %dma_start3A_1256, %dma_start3A_1257, %dma_start3A_1258] : memref<2x4x8x8x128xf32, #tpu.memory_space<vmem>> -> memref<1x4x8x8x128xf32, #tpu.memory_space<vmem>>
    %dma_start3A_1260 = tpu.memref_squeeze %dma_start3A_1259 : memref<1x4x8x8x128xf32, #tpu.memory_space<vmem>> -> memref<4x8x8x128xf32, #tpu.memory_space<vmem>>
    %dma_start3A_1261 = arith.constant 0 : i32
    %dma_start3A_1262 = arith.constant 0 : i32
    %dma_start3A_1263 = arith.constant 0 : i32
    %dma_start3A_1264 = tpu.memref_slice %arg4[%dma_start3A_1254, %min3A_3, %dma_start3A_1261, %dma_start3A_1262, %dma_start3A_1263] : memref<20x125x8x8x128xf32, #tpu.memory_space<hbm>> -> memref<1x4x8x8x128xf32, #tpu.memory_space<hbm>>
    %dma_start3A_1265 = tpu.memref_squeeze %dma_start3A_1264 : memref<1x4x8x8x128xf32, #tpu.memory_space<hbm>> -> memref<4x8x8x128xf32, #tpu.memory_space<hbm>>
    %dma_start3A_1266 = arith.constant 0 : i32
    %dma_start3A_1267 = arith.constant 0 : i32
    %dma_start3A_1268 = arith.constant 0 : i32
    %dma_start3A_1269 = tpu.memref_slice %arg4[%dma_start3A_1254, %min3A_3, %dma_start3A_1266, %dma_start3A_1267, %dma_start3A_1268] : memref<20x125x8x8x128xf32, #tpu.memory_space<hbm>> -> memref<1x4x8x8x128xf32, #tpu.memory_space<hbm>>
    %dma_start3A_1270 = tpu.memref_squeeze %dma_start3A_1269 : memref<1x4x8x8x128xf32, #tpu.memory_space<hbm>> -> memref<4x8x8x128xf32, #tpu.memory_space<hbm>>
    %dma_start3A_1271 = arith.constant 0 : i32
    %dma_start3A_1272 = arith.constant 0 : i32
    %dma_start3A_1273 = arith.constant 0 : i32
    %dma_start3A_1274 = arith.constant 0 : i32
    %dma_start3A_1275 = tpu.memref_slice %arg6[%dma_start3A_1253, %dma_start3A_1271, %dma_start3A_1272, %dma_start3A_1273, %dma_start3A_1274] : memref<2x4x8x8x128xf32, #tpu.memory_space<vmem>> -> memref<1x4x8x8x128xf32, #tpu.memory_space<vmem>>
    %dma_start3A_1276 = tpu.memref_squeeze %dma_start3A_1275 : memref<1x4x8x8x128xf32, #tpu.memory_space<vmem>> -> memref<4x8x8x128xf32, #tpu.memory_space<vmem>>
    tpu.enqueue_dma source(%dma_start3A_1276 : memref<4x8x8x128xf32, #tpu.memory_space<vmem>>) target(%dma_start3A_1270 : memref<4x8x8x128xf32, #tpu.memory_space<hbm>>) target_semaphore(%arg8 : memref<!tpu.dma_semaphore, #tpu.memory_space<semaphore_mem>>)
    %dma_wait3A_1277 = arith.constant 0 : i32
    %dma_wait3A_1278 = arith.constant 18 : i32
    %dma_wait3A_1279 = arith.constant 0 : i32
    %dma_wait3A_1280 = arith.constant 0 : i32
    %dma_wait3A_1281 = arith.constant 0 : i32
    %dma_wait3A_1282 = arith.constant 0 : i32
    %dma_wait3A_1283 = tpu.memref_slice %arg6[%dma_wait3A_1277, %dma_wait3A_1279, %dma_wait3A_1280, %dma_wait3A_1281, %dma_wait3A_1282] : memref<2x4x8x8x128xf32, #tpu.memory_space<vmem>> -> memref<1x4x8x8x128xf32, #tpu.memory_space<vmem>>
    %dma_wait3A_1284 = tpu.memref_squeeze %dma_wait3A_1283 : memref<1x4x8x8x128xf32, #tpu.memory_space<vmem>> -> memref<4x8x8x128xf32, #tpu.memory_space<vmem>>
    %dma_wait3A_1285 = arith.constant 0 : i32
    %dma_wait3A_1286 = arith.constant 0 : i32
    %dma_wait3A_1287 = arith.constant 0 : i32
    %dma_wait3A_1288 = tpu.memref_slice %arg4[%dma_wait3A_1278, %min3A_3, %dma_wait3A_1285, %dma_wait3A_1286, %dma_wait3A_1287] : memref<20x125x8x8x128xf32, #tpu.memory_space<hbm>> -> memref<1x4x8x8x128xf32, #tpu.memory_space<hbm>>
    %dma_wait3A_1289 = tpu.memref_squeeze %dma_wait3A_1288 : memref<1x4x8x8x128xf32, #tpu.memory_space<hbm>> -> memref<4x8x8x128xf32, #tpu.memory_space<hbm>>
    %dma_wait3A_1290 = arith.constant 0 : i32
    %dma_wait3A_1291 = arith.constant 0 : i32
    %dma_wait3A_1292 = arith.constant 0 : i32
    %dma_wait3A_1293 = tpu.memref_slice %arg4[%dma_wait3A_1278, %min3A_3, %dma_wait3A_1290, %dma_wait3A_1291, %dma_wait3A_1292] : memref<20x125x8x8x128xf32, #tpu.memory_space<hbm>> -> memref<1x4x8x8x128xf32, #tpu.memory_space<hbm>>
    %dma_wait3A_1294 = tpu.memref_squeeze %dma_wait3A_1293 : memref<1x4x8x8x128xf32, #tpu.memory_space<hbm>> -> memref<4x8x8x128xf32, #tpu.memory_space<hbm>>
    %dma_wait3A_1295 = arith.constant 0 : i32
    %dma_wait3A_1296 = arith.constant 0 : i32
    %dma_wait3A_1297 = arith.constant 0 : i32
    %dma_wait3A_1298 = arith.constant 0 : i32
    %dma_wait3A_1299 = tpu.memref_slice %arg6[%dma_wait3A_1277, %dma_wait3A_1295, %dma_wait3A_1296, %dma_wait3A_1297, %dma_wait3A_1298] : memref<2x4x8x8x128xf32, #tpu.memory_space<vmem>> -> memref<1x4x8x8x128xf32, #tpu.memory_space<vmem>>
    %dma_wait3A_1300 = tpu.memref_squeeze %dma_wait3A_1299 : memref<1x4x8x8x128xf32, #tpu.memory_space<vmem>> -> memref<4x8x8x128xf32, #tpu.memory_space<vmem>>
    tpu.wait_dma2 semaphore(%arg7 : memref<!tpu.dma_semaphore, #tpu.memory_space<semaphore_mem>>) src(%dma_wait3A_1300 : memref<4x8x8x128xf32, #tpu.memory_space<vmem>>) dst(%dma_wait3A_1294 : memref<4x8x8x128xf32, #tpu.memory_space<hbm>>)
    %dma_wait3A_1301 = arith.constant 1 : i32
    %dma_wait3A_1302 = arith.constant 19 : i32
    %dma_wait3A_1303 = arith.constant 0 : i32
    %dma_wait3A_1304 = arith.constant 0 : i32
    %dma_wait3A_1305 = arith.constant 0 : i32
    %dma_wait3A_1306 = arith.constant 0 : i32
    %dma_wait3A_1307 = tpu.memref_slice %arg6[%dma_wait3A_1301, %dma_wait3A_1303, %dma_wait3A_1304, %dma_wait3A_1305, %dma_wait3A_1306] : memref<2x4x8x8x128xf32, #tpu.memory_space<vmem>> -> memref<1x4x8x8x128xf32, #tpu.memory_space<vmem>>
    %dma_wait3A_1308 = tpu.memref_squeeze %dma_wait3A_1307 : memref<1x4x8x8x128xf32, #tpu.memory_space<vmem>> -> memref<4x8x8x128xf32, #tpu.memory_space<vmem>>
    %dma_wait3A_1309 = arith.constant 0 : i32
    %dma_wait3A_1310 = arith.constant 0 : i32
    %dma_wait3A_1311 = arith.constant 0 : i32
    %dma_wait3A_1312 = tpu.memref_slice %arg4[%dma_wait3A_1302, %min3A_3, %dma_wait3A_1309, %dma_wait3A_1310, %dma_wait3A_1311] : memref<20x125x8x8x128xf32, #tpu.memory_space<hbm>> -> memref<1x4x8x8x128xf32, #tpu.memory_space<hbm>>
    %dma_wait3A_1313 = tpu.memref_squeeze %dma_wait3A_1312 : memref<1x4x8x8x128xf32, #tpu.memory_space<hbm>> -> memref<4x8x8x128xf32, #tpu.memory_space<hbm>>
    %dma_wait3A_1314 = arith.constant 0 : i32
    %dma_wait3A_1315 = arith.constant 0 : i32
    %dma_wait3A_1316 = arith.constant 0 : i32
    %dma_wait3A_1317 = tpu.memref_slice %arg4[%dma_wait3A_1302, %min3A_3, %dma_wait3A_1314, %dma_wait3A_1315, %dma_wait3A_1316] : memref<20x125x8x8x128xf32, #tpu.memory_space<hbm>> -> memref<1x4x8x8x128xf32, #tpu.memory_space<hbm>>
    %dma_wait3A_1318 = tpu.memref_squeeze %dma_wait3A_1317 : memref<1x4x8x8x128xf32, #tpu.memory_space<hbm>> -> memref<4x8x8x128xf32, #tpu.memory_space<hbm>>
    %dma_wait3A_1319 = arith.constant 0 : i32
    %dma_wait3A_1320 = arith.constant 0 : i32
    %dma_wait3A_1321 = arith.constant 0 : i32
    %dma_wait3A_1322 = arith.constant 0 : i32
    %dma_wait3A_1323 = tpu.memref_slice %arg6[%dma_wait3A_1301, %dma_wait3A_1319, %dma_wait3A_1320, %dma_wait3A_1321, %dma_wait3A_1322] : memref<2x4x8x8x128xf32, #tpu.memory_space<vmem>> -> memref<1x4x8x8x128xf32, #tpu.memory_space<vmem>>
    %dma_wait3A_1324 = tpu.memref_squeeze %dma_wait3A_1323 : memref<1x4x8x8x128xf32, #tpu.memory_space<vmem>> -> memref<4x8x8x128xf32, #tpu.memory_space<vmem>>
    tpu.wait_dma2 semaphore(%arg8 : memref<!tpu.dma_semaphore, #tpu.memory_space<semaphore_mem>>) src(%dma_wait3A_1324 : memref<4x8x8x128xf32, #tpu.memory_space<vmem>>) dst(%dma_wait3A_1318 : memref<4x8x8x128xf32, #tpu.memory_space<hbm>>)
    return
  }
}

</mosaic_0001>

<sc_bundles>
// kernel: _one_hot.3.cloned.1.call-start
scs
__scs_entry_jumppad:
0x0: {  	(pc) =	sbr.rel $0x88, $3  }
0x1: {  	(tag) =	ssettag $0x0;
	lr =	simm.s32 $0x1  }
0x2: {  	[smem:$0x3FA0] =	sst lr;
	_ =	strace $0xD0000000  }
0x3: {  	_ = 	snop  }
0x4: {  	_ = 	snop  }
0x5: {  	_ = 	snop  }
0x6: {  	_ = 	snop  }
0x7: {  	_ = 	snop  }
__scs_overlays_trampoline_lowered:
0x8: {  	[smem:$0x3FAF] =	sst s0  }
0x9: {  	[smem:$0x3FB0] =	sst s1  }
0xa: {  	[smem:$0x3FB1] =	sst s2  }
0xb: {  	[smem:$0x3FB2] =	sst s3  }
0xc: {  	[smem:$0x3FB3] =	sst s4  }
0xd: {  	[smem:$0x3FB4] =	sst s5  }
0xe: {  	[smem:$0x3FB5] =	sst s6  }
0xf: {  	[smem:$0x3FB6] =	sst s7  }
0x10: {  	[smem:$0x3FB7] =	sst s8  }
0x11: {  	[smem:$0x3FB8] =	sst s9;
	s0 =	simm.s32 @!p0 $0x0  }
0x12: {  	s1 =	sld [smem:$0x3F9E];
	s0 =	simm.s32 @p0 $0x1  }
0x13: {  	[smem:$0x3FB9] =	sst s0;
	s0 =	simm.s32 @!p1 $0x0  }
0x14: {  	s2 =	sld [smem:$0x3F9D];
	s0 =	simm.s32 @p1 $0x1  }
0x15: {  	[smem:$0x3FBA] =	sst s0;
	s0 =	simm.s32 @!p2 $0x0  }
0x16: {  	s3 =	sld [smem:$0x3FDB];
	s0 =	simm.s32 @p2 $0x1  }
0x17: {  	s4 =	simm.s32 $0x1BF5;
	[smem:$0x3FBC] =	sst s0  }
0x18: {  	s0 =	sld [smem:$0x3F9F];
	_ =	swait.ge [sflag:s4], $0x0  }
0x19: {  	s7 =	sld [smem:$0x3FA0]  }
0x1a: {  	s8 =	sadd.s32 $0xFFFFE003, lr  }
0x1b: {  	s9 =	sadd.s32 $0xFFFFFEF7, lr;
	s5 =	simm.s32 $0xFFFFFFFF;
	p2 =	slt.u32 s8, $0xFFFFF086  }
0x1c: {  	p1 =	slt.u32 s9, $0xF7A;
	s5 =	simm.s32 @!p2 $0x0  }
0x1d: {  	s5 =	simm.s32 @p1 $0x1;
	p0 =	seq.s32 s7, s2  }
0x1e: {  	s7 =	smul.u32 @!p0 $0xF7A, s2;
	p2 =	seq.s32 @!p0 s5, $0x0  }
0x1f: {  	s9 =	smul.u32 $0xF7A, s1;
	s8 =	simm.s32 @!p0 $0x1BF5;
	p2 =	por !p2, p0  }
0x20: {  	[sflag:s8] =	ssyncset.s32 @!p0 $0xFFFFF086;
	s6 =	sadd.s32 @!p0 s3, s7;
	s7 =	simm.s32 @!p0 $0x108  }
0x21: {  	s3 =	sadd.s32 s3, s9;
	s6 =	sadd.s32 @!p0 $0x88, s6;
	s7 =	simm.s32 @p2 $0x1082  }
0x22: {  	[simem:s7], [sflag:s8] =	dma.local @!p0 [hbm:s6], $0xF7A  }
0x23: {  	s9 =	sor.u32 $0xD0000000, s2;
	s6 =	simm.s32 $0x108;
	_ =	swait.ge @!p0 [sflag:s8], $0x0  }
0x24: {  	s3 =	sadd.s32 $0x88, s3;
	s6 =	simm.s32 @!p1 $0x1082;
	[sflag:s4] =	ssyncset.s32 $0xFFFFF086  }
0x25: {  	[simem:s6], [sflag:s4] =	dma.local [hbm:s3], $0xF7A  }
0x26: {  	[smem:$0x3FA0] =	sst s1;
	(tag) =	ssettag s2;
	_ =	strace s9  }
0x27: {  	s1 =	sld [smem:$0x3FB0]  }
0x28: {  	s2 =	sld [smem:$0x3FB1]  }
0x29: {  	s4 =	sld [smem:$0x3FB3]  }
0x2a: {  	p0 =	seq.s32 s5, $0x0;
	s5 =	sld [smem:$0x3FB4]  }
0x2b: {  	s6 =	sld [smem:$0x3FB5]  }
0x2c: {  	s7 =	sld [smem:$0x3FB6]  }
0x2d: {  	s3 =	simm.s32 $0x108;
	s8 =	sld [smem:$0x3FB7]  }
0x2e: {  	s3 =	simm.s32 @!p0 $0x1082;
	s9 =	sld [smem:$0x3FB8]  }
0x2f: {  	lr =	sadd.s32 s0, s3;
	s0 =	sld [smem:$0x3FAF]  }
0x30: {  	s3 =	sld [smem:$0x3FB2]  }
0x31: {  	[smem:$0x3FBB] =	sst s10  }
0x32: {  	s10 =	sld [smem:$0x3FB9];
	_ =	sdelay $0x3  }
0x33: {  	p0 =	seq.s32 s10, $0x1;
	s10 =	sld [smem:$0x3FBB];
	_ =	sdelay $0x3  }
0x34: {  	[smem:$0x3FBB] =	sst s10  }
0x35: {  	s10 =	sld [smem:$0x3FBA];
	_ =	sdelay $0x3  }
0x36: {  	p1 =	seq.s32 s10, $0x1;
	s10 =	sld [smem:$0x3FBB];
	_ =	sdelay $0x3  }
0x37: {  	[smem:$0x3FBB] =	sst s10  }
0x38: {  	s10 =	sld [smem:$0x3FBC]  }
0x39: {  	_ = 	snop;
	(pc) =	sbr.ind lr, $3  }
0x3a: {  	_ = 	snop  }
0x3b: {  	_ = 	snop  }
0x3c: {  	p2 =	seq.s32 s10, $0x1;
	s10 =	sld [smem:$0x3FBB]  }
0x3d: {  	_ =	shalt  }
0x3e: {  	_ =	shalt  }
0x3f: {  	_ =	shalt  }
0x40: {  	_ =	shalt  }
0x41: {  	_ =	shalt  }
0x42: {  	_ =	shalt  }
0x43: {  	_ =	shalt  }
0x44: {  	_ =	shalt  }
0x45: {  	_ =	shalt  }
0x46: {  	_ =	shalt  }
0x47: {  	_ =	shalt  }
0x48: {  	_ =	shalt  }
0x49: {  	_ =	shalt  }
0x4a: {  	_ =	shalt  }
0x4b: {  	_ =	shalt  }
0x4c: {  	_ =	shalt  }
0x4d: {  	_ =	shalt  }
0x4e: {  	_ =	shalt  }
0x4f: {  	_ =	shalt  }
0x50: {  	_ =	shalt  }
0x51: {  	_ =	shalt  }
0x52: {  	_ =	shalt  }
0x53: {  	_ =	shalt  }
0x54: {  	_ =	shalt  }
0x55: {  	_ =	shalt  }
0x56: {  	_ =	shalt  }
0x57: {  	_ =	shalt  }
0x58: {  	_ =	shalt  }
0x59: {  	_ =	shalt  }
0x5a: {  	_ =	shalt  }
0x5b: {  	_ =	shalt  }
0x5c: {  	_ =	shalt  }
0x5d: {  	_ =	shalt  }
0x5e: {  	_ =	shalt  }
0x5f: {  	_ =	shalt  }
0x60: {  	_ =	shalt  }
0x61: {  	_ =	shalt  }
0x62: {  	_ =	shalt  }
0x63: {  	_ =	shalt  }
0x64: {  	_ =	shalt  }
0x65: {  	_ =	shalt  }
0x66: {  	_ =	shalt  }
0x67: {  	_ =	shalt  }
0x68: {  	_ =	shalt  }
0x69: {  	_ =	shalt  }
0x6a: {  	_ =	shalt  }
0x6b: {  	_ =	shalt  }
0x6c: {  	_ =	shalt  }
0x6d: {  	_ =	shalt  }
0x6e: {  	_ =	shalt  }
0x6f: {  	_ =	shalt  }
0x70: {  	_ =	shalt  }
0x71: {  	_ =	shalt  }
0x72: {  	_ =	shalt  }
0x73: {  	_ =	shalt  }
0x74: {  	_ =	shalt  }
0x75: {  	_ =	shalt  }
0x76: {  	_ =	shalt  }
0x77: {  	_ =	shalt  }
0x78: {  	_ =	shalt  }
0x79: {  	_ =	shalt  }
0x7a: {  	_ =	shalt  }
0x7b: {  	_ =	shalt  }
0x7c: {  	_ =	shalt  }
0x7d: {  	_ =	shalt  }
0x7e: {  	_ =	shalt  }
0x7f: {  	_ =	shalt  }
0x80: {  	_ =	shalt  }
0x81: {  	_ =	shalt  }
0x82: {  	_ =	shalt  }
0x83: {  	_ =	shalt  }
0x84: {  	_ =	shalt  }
0x85: {  	_ =	shalt  }
0x86: {  	_ =	shalt  }
0x87: {  	_ =	shalt  }
.Lfunc_end0:
.L_simem_size_0:
called_computation_lowered:
.L_overlay_start_0:
0x88: {  	s2 =	sld [smem:$0x3FD9]  }
0x89: {  	s3 =	sld [smem:$0x3FFE];
	_ =	sdelay $0x1  }
0x8a: {  	s1 =	srdreg.scid  }
0x8b: {  	s0 =	sand.u32 $0x1, s1  }
0x8c: {  	s17 =	sshll.u32 s0, $0xA;
	s2 =	sadd.s32 s3, s2  }
0x8d: {  	s2 =	sadd.s32 s2, s17  }
0x8e: {  	[smem:$0x3FC7] =	sst s2  }
0x8f: {  	_ = 	snop  }
0x90: {  	s2 =	sld [smem:$0x3FD0];
	(tm) =	ssettm $0x1  }
0x91: {  	s18 =	sld [smem:$0x3FFB];
	_ =	sdelay $0x3  }
0x92: {  	_ =	strace s18  }
0x93: {  	s3 =	sld [smem:$0x3FFC];
	_ =	sdelay $0x3  }
0x94: {  	_ =	strace s3  }
0x95: {  	s3 =	sld [smem:$0x3FFD];
	_ =	sdelay $0x3  }
0x96: {  	_ =	strace s3  }
0x97: {  	_ =	strace $0x8FFFFFFF  }
0x98: {  	s19 =	sld [smem:$0x3FDB];
	_ =	sdelay $0x1  }
0x99: {  	s4 =	simm.s32 $_scs_section_size  }
0x9a: {  	s5 =	simm.s32 $_size__tile_overlayer_lowered;
	s6 =	simm.s32 $_tile_overlayer_lowered  }
0x9b: {  	s22 =	simm.s32 $0x1BFF;
	s21 =	sshll.u32 s6, $0x1;
	s3 =	sadd.s32 s4, s19  }
0x9c: {  	s7 =	simm.s32 $0x0;
	s20 =	sshll.u32 s5, $0x1;
	s5 =	sadd.s32 s21, s3  }
0x9d: {  	[timem:s7], [sflag:s22] =	dma.local [hbm:s5], s20  }
0x9e: {  	_ =	swait.ge [sflag:s22], s20  }
0x9f: {  	s4 =	ssub.s32 $0x0, s20;
	[sflag:s22] =	ssyncset.done $0x0  }
0xa0: {  	[sflag:s22] =	ssyncadd.s32 s4;
	_ =	sdelay $0x1  }
0xa1: {  	s23 =	simm.s32 $0x1B8B  }
0xa2: {  	_ =	swait.ge [sflag:s23], $0x1  }
0xa3: {  	[sflag:s23] =	ssyncset.done $0x0  }
0xa4: {  	s25 =	simm.s32 $0x1B8E;
	s24 =	sld [smem:$0x3FFE];
	[sflag:s23] =	ssyncadd.s32 $0xFFFFFFFF  }
0xa5: {  	s26 =	simm.s32 $execute0_lowered;
	[smem:$0x3FD2] =	sst s25  }
0xa6: {  	s5 =	sshll.u32 s26, $0x1;
	_ =	strace $0x80000046;
	[dreg:$0x1] =	wrdreg $0xFFFFFFFF  }
0xa7: {  	s28 =	simm.s32 $_size_execute0_lowered;
	s3 =	sadd.s32 s3, s5;
	[dreg:$0x0] =	wrdreg $0x0  }
0xa8: {  	s5 =	sshll.u32 s28, $0x1;
	[dreg:$0x2] =	wrdreg s3  }
0xa9: {  	[dreg:$0x3] =	wrdreg s5  }
0xaa: {  	[dreg:$0x4] =	wrdreg $0xC0  }
0xab: {  	_ =	task [dreg:s7], $0x5FFFF  }
0xac: {  	[dreg:$0x1] =	wrdreg $0xFFFFFFFF  }
0xad: {  	[dreg:$0x0] =	wrdreg $0x60  }
0xae: {  	[dreg:$0x2] =	wrdreg s24  }
0xaf: {  	[dreg:$0x3] =	wrdreg s2  }
0xb0: {  	[dreg:$0x4] =	wrdreg $0x9  }
0xb1: {  	_ =	task.clear_ibuf [dreg:s7], $0x5FFFF;
	_ =	strace $0x90000046  }
0xb2: {  	s29 =	simm.s32 $0x9;
	_ =	strace $0x80000048  }
0xb3: {  	_ =	swait.ge [sflag:s29], $0x1  }
0xb4: {  	[sflag:s29] =	ssyncadd.s32 $0xFFFFFFFF  }
0xb5: {  	_ =	strace $0x90000048  }
0xb6: {  	_ =	sfence  }
0xb7: {  	s30 =	sld [smem:$0x0];
	_ =	sdelay $0x2  }
0xb8: {  	s31 =	sshll.u32 s1, $0xD;
	s1 =	sshrl.u32 s1, $0x2  }
0xb9: {  	s3 =	sand.u32 $0x4000, s31;
	s1 =	sadd.s32 s1, s30  }
0xba: {  	s0 =	sor.u32 s3, s0;
	s1 =	sshll.u32 s1, $0x11  }
0xbb: {  	s0 =	sor.u32 s1, s0  }
0xbc: {  	s0 =	sadd.s32 $0x8F2B, s0  }
0xbd: {  	[sflag:s0] =	ssyncadd.remote.s32 $0x1  }
0xbe: {  	_ =	sfence.sel $0xFFFF  }
0xbf: {  	[dreg:$0x0] =	wrdreg $0xFFFFFFFF;
	(pc) =	sbr.abs _section_cstart, $3  }
0xc0: {  	[dreg:$0x1] =	wrdreg $0xFFFFFFFF  }
0xc1: {  	_ =	task.clear_ibuf [dreg:s7], $0x2FFFF;
	_ =	strace $0x9FFFFFFF  }
0xc2: {  	(tm) =	ssettm $0x7FFFFFFF  }
0xc3: {  	_ =	shalt  }
tec
execute0_lowered:
.L_overlay_start_1:
0x0: {  	(tag) =	ssettag $0x1  }
0x1: {  	s0 =	srdreg.scid  }
0x2: {  	s1 =	rddreg [dreg:$0x0];
	s2 =	stileid.u32  }
0x3: {  	s3 =	rddreg [dreg:$0x1];
	s28 =	simm.s32 $0xD000;
	s29 =	simm.s32 $0x3  }
0x4: {  	s30 =	simm.s32 $0x1;
	s31 =	simm.s32 $0x2;
	s0 =	sand.u32 $0x1, s0  }
0x5: {  	s4 =	sshll.u32 s2, $0x3;
	s2 =	simm.s32 $0x0;
	s20 =	sadd.s32 $0x400, s1  }
0x6: {  	s5 =	sshll.u32 s0, $0x2;
	[smem:$0x7FF] =	sst s2;
	s0 =	ssub.s32 $0x2, s0  }
0x7: {  	s4 =	sor.u32 s5, s4;
	_ =	strace $0x80000047;
	[dreg:$0x3] =	wrdreg s20  }
0x8: {  	s25 =	sshrl.u32 s0, $0x1;
	s6 =	smin.u32 s4, $0x79;
	s4 =	sadd.s32 $0xE00, s1  }
0x9: {  	s0 =	ssub.s32 s0, s25;
	s19 =	sshll.u32 s6, $0xA;
	s26 =	sshll.u32 s6, $0x3  }
0xa: {  	s1 =	simm.s32 $0x0;
	s5 =	sadd.s32 s3, s19;
	v0 =	vmov s26;
	s26 =	simm.s32 $0x5000  }
0xb: {  	s21 =	sadd.s32 $0x1F400, s5;
	s22 =	sadd.s32 $0x3E800, s5;
	s23 =	sadd.s32 $0x5DC00, s5  }
0xc: {  	s24 =	sadd.s32 $0x7D000, s5;
	s10 =	sadd.s32 $0x9C400, s5;
	s11 =	sadd.s32 $0xBB800, s5  }
0xd: {  	s12 =	sadd.s32 $0xDAC00, s5;
	s13 =	sadd.s32 $0xFA000, s5;
	s14 =	sadd.s32 $0x119400, s5  }
0xe: {  	s15 =	sadd.s32 $0x138800, s5;
	s16 =	sadd.s32 $0x157C00, s5;
	[dreg:$0x4] =	wrdreg s21  }
0xf: {  	s17 =	sadd.s32 $0x196400, s5;
	s18 =	sadd.s32 $0x1B5800, s5;
	[dreg:$0x5] =	wrdreg s22  }
0x10: {  	v1 =	vlaneseq.u32;
	s19 =	sadd.s32 $0x1D4C00, s5;
	s20 =	sadd.s32 $0x177000, s5;
	[dreg:$0x6] =	wrdreg s23  }
0x11: {  	v2 =	vmul.u32 $0x14, v1;
	s25 =	sadd.s32 $0x251C00, s5;
	[dreg:$0x7] =	wrdreg s24;
	s21 =	sadd.s32 $0x1F4000, s5  }
0x12: {  	v3 =	vimm.f32 $1.000000000e+00;
	v4 =	vimm.f32 $0.0e+00;
	s22 =	sadd.s32 $0x213400, s5;
	s23 =	sadd.s32 $0x232800, s5;
	s24 =	smax.u32 s0, $0x1  }
.LBB2_1:
0x13: {  	[tilespmem:s26], [sflag:$0x1] =	stream.linear.gather [hbm4b:s4+s2], $0x8000, $0x38;
	[tilespmem:$0x15000] =	vst v63  }
0x14: {  	_ = 	snop  }
0x15: {  	[tilespmem:s28], [sflag:$0x2] =	stream.linear.gather [hbm4b:s4+s2], $0x8000, $0x38;
	[tilespmem:$0x15000] =	vst v63  }
0x16: {  	s0 =	rddreg [dreg:$0x3]  }
0x17: {  	[tilespmem:s2], [sflag:$0x3] =	stream.linear.gather [hbm4b:s0+s2], $0x5000, $0x38;
	[tilespmem:$0x15000] =	vst v63  }
0x18: {  	_ =	swait.ge [sflag:s29], $0x5000  }
0x19: {  	[sflag:s29] =	ssyncset.done $0x0  }
0x1a: {  	[sflag:s29] =	ssyncadd.s32 $0xFFFFB000  }
0x1b: {  	_ =	swait.ge [sflag:s30], $0x8000  }
0x1c: {  	v5 =	vadd.s32 s2, v2;
	[sflag:s30] =	ssyncset.done $0x0  }
0x1d: {  	[sflag:s30] =	ssyncadd.s32 $0xFFFF8000  }
0x1e: {  	_ =	swait.ge [sflag:s31], $0x8000  }
0x1f: {  	[sflag:s31] =	ssyncset.done $0x0  }
0x20: {  	[sflag:s31] =	ssyncadd.s32 $0xFFFF8000  }
0x21: {  	v5 =	vld.idx.msk [tilespmem:v5+s2+$0x0], $0xffff;
	_ =	sdelay $0x3  }
0x22: {  	s9 =	simm.s32 $0x0  }
0x23: {  	s3 =	sand.u32 $0x70, s2;
	s0 =	sand.u32 $0xFFFFFC00, s9;
	v6 =	vsub.s32 v5, v0;
	v5 =	vshll.u32 v5, $0x7  }
0x24: {  	s0 =	sor.u32 s3, s0;
	v7 =	vshll.u32 v6, $0xA;
	v5 =	vand.u32 $0x380, v5  }
0x25: {  	v7 =	vand.u32 $0xFFFFE000, v7;
	v5 =	vor.u32 s0, v5  }
0x26: {  	vm0 =	vlt.u32 v6, $0x20;
	v5 =	vor.u32 v7, v5  }
0x27: {  	s3 =	simm.s32 $0x140;
	v5 =	vor.u32 v1, v5  }
0x28: {  	s7 =	simm.s32 $0x2;
	s6 =	simm.s32 $0x0;
	v6 =	vadd.s32 s3, v2;
	s0 =	simm.s32 $0x1  }
.LBB2_2:
0x29: {  	p0 =	sne.s32 s7, $0x3F;
	_ =	sdelay $0x2  }
0x2a: {  	[tilespmem:v5+s26+$0x0] =	vst.idx.msk vm0, v3  }
0x2b: {  	v5 =	vld.idx.msk [tilespmem:v6+s2+$0x0], $0xffff;
	_ =	sdelay $0x4  }
0x2c: {  	s8 =	sshll.u32 s0, $0x7;
	s6 =	sadd.s32 $0x10, s6;
	s0 =	smov.u32 s7  }
0x2d: {  	s9 =	sand.u32 $0x70, s6;
	s8 =	sand.u32 $0xFFFFFC00, s8;
	v6 =	vsub.s32 v5, v0;
	v5 =	vshll.u32 v5, $0x7  }
.Ltmp0:
0x2e: {  	s8 =	sor.u32 s9, s8;
	v7 =	vshll.u32 v6, $0xA;
	v5 =	vand.u32 $0x380, v5;
	(pc) =	sbr.rel @p0 .LBB2_2-.Ltmp0, $4  }
0x2f: {  	v7 =	vand.u32 $0xFFFFE000, v7;
	v5 =	vor.u32 s8, v5  }
0x30: {  	vm0 =	vlt.u32 v6, $0x20;
	v5 =	vor.u32 v7, v5  }
0x31: {  	s3 =	sadd.s32 $0x140, s3;
	v5 =	vor.u32 v1, v5  }
0x32: {  	s7 =	sadd.s32 $0x1, s7;
	v6 =	vadd.s32 s3, v2  }
0x33: {  	_ =	sdelay $0x4  }
0x34: {  	[tilespmem:v5+s26+$0x0] =	vst.idx.msk vm0, v3  }
0x35: {  	v5 =	vld.idx.msk [tilespmem:v6+s2+$0x0], $0xffff;
	_ =	sdelay $0x3  }
0x36: {  	s0 =	sshll.u32 s0, $0x7;
	s3 =	sadd.s32 $0x10, s6  }
0x37: {  	s3 =	sand.u32 $0x70, s3;
	s0 =	sand.u32 $0xFFFFFC00, s0;
	v6 =	vsub.s32 v5, v0;
	v5 =	vshll.u32 v5, $0x7  }
0x38: {  	s0 =	sor.u32 s3, s0;
	v7 =	vshll.u32 v6, $0xA;
	v5 =	vand.u32 $0x380, v5  }
0x39: {  	v7 =	vand.u32 $0xFFFFE000, v7;
	v5 =	vor.u32 s0, v5  }
0x3a: {  	vm0 =	vlt.u32 v6, $0x20;
	v5 =	vor.u32 v7, v5  }
0x3b: {  	v5 =	vor.u32 v1, v5  }
0x3c: {  	s6 =	simm.s32 $0x1  }
0x3d: {  	v6 =	vadd.s32 s6, v2;
	_ =	sdelay $0x2  }
0x3e: {  	s0 =	simm.s32 $0x0;
	[tilespmem:v5+s26+$0x0] =	vst.idx.msk vm0, v3  }
0x3f: {  	[hbm4b:s5+s0] =	stream.linear.scatter [tilespmem:s26], [sflag:$0x1], $0x8000, $0x38;
	[tilespmem:$0x15000] =	vst v63  }
0x40: {  	v5 =	vld.idx.msk [tilespmem:v6+s2+$0x0], $0xffff;
	_ =	sdelay $0x1  }
0x41: {  	s7 =	simm.s32 $0x0  }
0x42: {  	s3 =	sand.u32 $0xFFFFFC00, s7  }
0x43: {  	v6 =	vmov s3  }
0x44: {  	v6 =	vadd.s32 $0x8000, v6;
	v7 =	vsub.s32 v5, v0  }
0x45: {  	v6 =	vbroadcast v6, $0x0;
	v8 =	vshll.u32 v7, $0xA  }
0x46: {  	v5 =	vshll.u32 v5, $0x7;
	v8 =	vand.u32 $0xFFFFE000, v8  }
0x47: {  	v5 =	vand.u32 $0x380, v5;
	v6 =	vadd.s32 v6, v8  }
0x48: {  	s8 =	sand.u32 $0x70, s0;
	v5 =	vor.u32 v5, v6  }
0x49: {  	vm0 =	vlt.u32 v7, $0x20;
	v5 =	vor.u32 s8, v5  }
0x4a: {  	s9 =	simm.s32 $0x141;
	v5 =	vor.u32 v1, v5  }
0x4b: {  	s6 =	simm.s32 $0x281;
	s3 =	simm.s32 $0x0;
	v6 =	vadd.s32 s9, v2  }
.LBB2_4:
0x4c: {  	p0 =	sne.s32 s6, $0x4EC1;
	_ =	sdelay $0x2  }
0x4d: {  	[tilespmem:v5+s26+$0x0] =	vst.idx.msk vm0, v3  }
0x4e: {  	v5 =	vld.idx.msk [tilespmem:v6+s2+$0x0], $0xffff;
	_ =	sdelay $0x1  }
0x4f: {  	s0 =	sadd.s32 $0x1, s0  }
0x50: {  	s7 =	sshll.u32 s0, $0x7  }
0x51: {  	s7 =	sand.u32 $0xFFFFFC00, s7  }
0x52: {  	v6 =	vmov s7  }
0x53: {  	v6 =	vadd.s32 $0x8000, v6;
	v7 =	vsub.s32 v5, v0  }
0x54: {  	v6 =	vbroadcast v6, $0x0;
	v8 =	vshll.u32 v7, $0xA  }
0x55: {  	v5 =	vshll.u32 v5, $0x7;
	v8 =	vand.u32 $0xFFFFE000, v8  }
.Ltmp1:
0x56: {  	s3 =	sadd.s32 $0x10, s3;
	v5 =	vand.u32 $0x380, v5;
	v6 =	vadd.s32 v6, v8;
	(pc) =	sbr.rel @p0 .LBB2_4-.Ltmp1, $4  }
0x57: {  	s7 =	sand.u32 $0x70, s3;
	v5 =	vor.u32 v5, v6  }
0x58: {  	vm0 =	vlt.u32 v7, $0x20;
	v5 =	vor.u32 s7, v5  }
0x59: {  	v5 =	vor.u32 v1, v5  }
0x5a: {  	v6 =	vadd.s32 s6, v2;
	s6 =	sadd.s32 $0x140, s6  }
0x5b: {  	_ =	sdelay $0x4  }
0x5c: {  	[tilespmem:v5+s26+$0x0] =	vst.idx.msk vm0, v3  }
0x5d: {  	v5 =	vld.idx.msk [tilespmem:v6+s2+$0x0], $0xffff  }
0x5e: {  	s0 =	sadd.s32 $0x1, s0  }
0x5f: {  	s0 =	sshll.u32 s0, $0x7  }
0x60: {  	s0 =	sand.u32 $0xFFFFFC00, s0  }
0x61: {  	v6 =	vmov s0  }
0x62: {  	v6 =	vadd.s32 $0x8000, v6;
	v7 =	vsub.s32 v5, v0  }
0x63: {  	v6 =	vbroadcast v6, $0x0;
	v8 =	vshll.u32 v7, $0xA  }
0x64: {  	v5 =	vshll.u32 v5, $0x7;
	v8 =	vand.u32 $0xFFFFE000, v8  }
0x65: {  	s8 =	sadd.s32 $0x10, s3;
	v5 =	vand.u32 $0x380, v5;
	v6 =	vadd.s32 v6, v8  }
0x66: {  	s0 =	sand.u32 $0x70, s8;
	v5 =	vor.u32 v5, v6  }
0x67: {  	vm15 =	vlt.u32 v7, $0x20;
	v5 =	vor.u32 s0, v5  }
0x68: {  	v5 =	vor.u32 v1, v5;
	_ =	sdelay $0x4  }
0x69: {  	s9 =	rddreg [dreg:$0x4];
	s0 =	simm.s32 $0x0;
	[tilespmem:v5+s26+$0x0] =	vst.idx.msk vm15, v3  }
0x6a: {  	[hbm4b:s9+s0] =	stream.linear.scatter [tilespmem:s28], [sflag:$0x2], $0x8000, $0x38;
	[tilespmem:$0x15000] =	vst v63  }
0x6b: {  	_ =	swait.ge [sflag:s30], $0x8000  }
0x6c: {  	s3 =	simm.s32 $0x0;
	[sflag:s30] =	ssyncset.done $0x0  }
0x6d: {  	s6 =	simm.s32 $0x0;
	s7 =	simm.s32 $0x0;
	[sflag:s30] =	ssyncadd.s32 $0xFFFF8000  }
.LBB2_6:
0x6e: {  	v5 =	vadd.s32 s6, v2;
	_ =	sdelay $0x4  }
0x6f: {  	v5 =	vld.idx.msk [tilespmem:v5+s0+$0x0], $0xffff;
	_ =	sdelay $0x3  }
0x70: {  	s8 =	sshll.u32 s7, $0x7  }
0x71: {  	s9 =	sand.u32 $0x70, s3;
	s8 =	sand.u32 $0xFFFFFC00, s8;
	v6 =	vsub.s32 v5, v0;
	v5 =	vshll.u32 v5, $0x7  }
0x72: {  	s8 =	sor.u32 s9, s8;
	v7 =	vshll.u32 v6, $0xA;
	v5 =	vand.u32 $0x380, v5  }
0x73: {  	v7 =	vand.u32 $0xFFFFE000, v7;
	v5 =	vor.u32 s8, v5  }
0x74: {  	vm0 =	vlt.u32 v6, $0x20;
	v5 =	vor.u32 v7, v5  }
0x75: {  	p0 =	sne.s32 s7, $0x3F;
	v5 =	vor.u32 v1, v5  }
.Ltmp2:
0x76: {  	_ = 	snop;
	(pc) =	sbr.rel @p0 .LBB2_6-.Ltmp2, $2  }
0x77: {  	_ =	sdelay $0x2  }
0x78: {  	s6 =	sadd.s32 $0x140, s6;
	s3 =	sadd.s32 $0x10, s3;
	s7 =	sadd.s32 $0x1, s7;
	[tilespmem:v5+s26+$0x0] =	vst.idx.msk vm0, v4  }
0x79: {  	s3 =	simm.s32 $0x2  }
0x7a: {  	v5 =	vadd.s32 s3, v2;
	_ =	sdelay $0x4  }
0x7b: {  	v5 =	vld.idx.msk [tilespmem:v5+s2+$0x0], $0xffff;
	_ =	sdelay $0x3  }
0x7c: {  	s8 =	simm.s32 $0x0  }
0x7d: {  	s6 =	sand.u32 $0x70, s0;
	s3 =	sand.u32 $0xFFFFFC00, s8;
	v6 =	vsub.s32 v5, v0;
	v5 =	vshll.u32 v5, $0x7  }
0x7e: {  	s3 =	sor.u32 s6, s3;
	v7 =	vshll.u32 v6, $0xA;
	v5 =	vand.u32 $0x380, v5  }
0x7f: {  	v7 =	vand.u32 $0xFFFFE000, v7;
	v5 =	vor.u32 s3, v5  }
0x80: {  	vm0 =	vlt.u32 v6, $0x20;
	v5 =	vor.u32 v7, v5  }
0x81: {  	s9 =	simm.s32 $0x142;
	v5 =	vor.u32 v1, v5  }
0x82: {  	s6 =	simm.s32 $0x282;
	v6 =	vadd.s32 s9, v2;
	s3 =	simm.s32 $0x0  }
.LBB2_8:
0x83: {  	p0 =	sne.s32 s6, $0x4EC2;
	_ =	sdelay $0x2  }
0x84: {  	[tilespmem:v5+s26+$0x0] =	vst.idx.msk vm0, v3  }
0x85: {  	v5 =	vld.idx.msk [tilespmem:v6+s2+$0x0], $0xffff;
	_ =	sdelay $0x3  }
0x86: {  	s0 =	sadd.s32 $0x1, s0  }
0x87: {  	s3 =	sadd.s32 $0x10, s3;
	s7 =	sshll.u32 s0, $0x7  }
0x88: {  	s8 =	sand.u32 $0x70, s3;
	s7 =	sand.u32 $0xFFFFFC00, s7;
	v6 =	vsub.s32 v5, v0;
	v5 =	vshll.u32 v5, $0x7  }
.Ltmp3:
0x89: {  	s7 =	sor.u32 s8, s7;
	v7 =	vshll.u32 v6, $0xA;
	v5 =	vand.u32 $0x380, v5;
	(pc) =	sbr.rel @p0 .LBB2_8-.Ltmp3, $4  }
0x8a: {  	v7 =	vand.u32 $0xFFFFE000, v7;
	v5 =	vor.u32 s7, v5  }
0x8b: {  	vm0 =	vlt.u32 v6, $0x20;
	v5 =	vor.u32 v7, v5  }
0x8c: {  	v5 =	vor.u32 v1, v5  }
0x8d: {  	v6 =	vadd.s32 s6, v2;
	s6 =	sadd.s32 $0x140, s6  }
0x8e: {  	_ =	sdelay $0x4  }
0x8f: {  	[tilespmem:v5+s26+$0x0] =	vst.idx.msk vm0, v3  }
0x90: {  	v5 =	vld.idx.msk [tilespmem:v6+s2+$0x0], $0xffff;
	_ =	sdelay $0x2  }
0x91: {  	s0 =	sadd.s32 $0x1, s0  }
0x92: {  	s3 =	sadd.s32 $0x10, s3;
	s0 =	sshll.u32 s0, $0x7  }
0x93: {  	s3 =	sand.u32 $0x70, s3;
	s0 =	sand.u32 $0xFFFFFC00, s0;
	v6 =	vsub.s32 v5, v0;
	v5 =	vshll.u32 v5, $0x7  }
0x94: {  	s0 =	sor.u32 s3, s0;
	v7 =	vshll.u32 v6, $0xA;
	v5 =	vand.u32 $0x380, v5  }
0x95: {  	v7 =	vand.u32 $0xFFFFE000, v7;
	v5 =	vor.u32 s0, v5  }
0x96: {  	vm15 =	vlt.u32 v6, $0x20;
	v5 =	vor.u32 v7, v5  }
0x97: {  	v5 =	vor.u32 v1, v5;
	_ =	sdelay $0x4  }
0x98: {  	s9 =	rddreg [dreg:$0x5];
	s0 =	simm.s32 $0x0;
	[tilespmem:v5+s26+$0x0] =	vst.idx.msk vm15, v3  }
0x99: {  	[hbm4b:s9+s0] =	stream.linear.scatter [tilespmem:s26], [sflag:$0x1], $0x8000, $0x38;
	[tilespmem:$0x15000] =	vst v63  }
0x9a: {  	_ =	swait.ge [sflag:s31], $0x8000  }
0x9b: {  	s6 =	simm.s32 $0x0;
	[sflag:s31] =	ssyncset.done $0x0  }
0x9c: {  	s7 =	simm.s32 $0x0;
	s3 =	simm.s32 $0x1;
	[sflag:s31] =	ssyncadd.s32 $0xFFFF8000  }
.LBB2_10:
0x9d: {  	v5 =	vadd.s32 s3, v2;
	_ =	sdelay $0x4  }
0x9e: {  	v5 =	vld.idx.msk [tilespmem:v5+s0+$0x0], $0xffff;
	_ =	sdelay $0x1  }
0x9f: {  	s8 =	sshll.u32 s7, $0x7  }
0xa0: {  	s8 =	sand.u32 $0xFFFFFC00, s8  }
0xa1: {  	v6 =	vmov s8  }
0xa2: {  	v6 =	vadd.s32 $0x8000, v6;
	v7 =	vsub.s32 v5, v0  }
0xa3: {  	v6 =	vbroadcast v6, $0x0;
	v8 =	vshll.u32 v7, $0xA  }
0xa4: {  	v5 =	vshll.u32 v5, $0x7;
	v8 =	vand.u32 $0xFFFFE000, v8  }
0xa5: {  	v5 =	vand.u32 $0x380, v5;
	v6 =	vadd.s32 v6, v8  }
0xa6: {  	s9 =	sand.u32 $0x70, s6;
	v5 =	vor.u32 v5, v6  }
0xa7: {  	vm0 =	vlt.u32 v7, $0x20;
	v5 =	vor.u32 s9, v5  }
0xa8: {  	p0 =	sne.s32 s3, $0x4EC1;
	v5 =	vor.u32 v1, v5  }
.Ltmp4:
0xa9: {  	_ = 	snop;
	(pc) =	sbr.rel @p0 .LBB2_10-.Ltmp4, $2  }
0xaa: {  	_ =	sdelay $0x2  }
0xab: {  	s7 =	sadd.s32 $0x1, s7;
	s6 =	sadd.s32 $0x10, s6;
	s3 =	sadd.s32 $0x140, s3;
	[tilespmem:v5+s26+$0x0] =	vst.idx.msk vm0, v4  }
0xac: {  	s3 =	simm.s32 $0x3  }
0xad: {  	v5 =	vadd.s32 s3, v2;
	_ =	sdelay $0x4  }
0xae: {  	v5 =	vld.idx.msk [tilespmem:v5+s2+$0x0], $0xffff;
	_ =	sdelay $0x1  }
0xaf: {  	s8 =	simm.s32 $0x0  }
0xb0: {  	s3 =	sand.u32 $0xFFFFFC00, s8  }
0xb1: {  	v6 =	vmov s3  }
0xb2: {  	v6 =	vadd.s32 $0x8000, v6;
	v7 =	vsub.s32 v5, v0  }
0xb3: {  	v6 =	vbroadcast v6, $0x0;
	v8 =	vshll.u32 v7, $0xA  }
0xb4: {  	v5 =	vshll.u32 v5, $0x7;
	v8 =	vand.u32 $0xFFFFE000, v8  }
0xb5: {  	v5 =	vand.u32 $0x380, v5;
	v6 =	vadd.s32 v6, v8  }
0xb6: {  	s9 =	sand.u32 $0x70, s0;
	v5 =	vor.u32 v5, v6  }
0xb7: {  	vm0 =	vlt.u32 v7, $0x20;
	v5 =	vor.u32 s9, v5  }
0xb8: {  	s6 =	simm.s32 $0x143;
	v5 =	vor.u32 v1, v5  }
0xb9: {  	s3 =	simm.s32 $0x0;
	v6 =	vadd.s32 s6, v2;
	s6 =	simm.s32 $0x283  }
.LBB2_12:
0xba: {  	p0 =	sne.s32 s6, $0x4EC3;
	_ =	sdelay $0x2  }
0xbb: {  	[tilespmem:v5+s26+$0x0] =	vst.idx.msk vm0, v3  }
0xbc: {  	v5 =	vld.idx.msk [tilespmem:v6+s2+$0x0], $0xffff;
	_ =	sdelay $0x1  }
0xbd: {  	s0 =	sadd.s32 $0x1, s0  }
0xbe: {  	s7 =	sshll.u32 s0, $0x7  }
0xbf: {  	s7 =	sand.u32 $0xFFFFFC00, s7  }
0xc0: {  	v6 =	vmov s7  }
0xc1: {  	v6 =	vadd.s32 $0x8000, v6;
	v7 =	vsub.s32 v5, v0  }
0xc2: {  	v6 =	vbroadcast v6, $0x0;
	v8 =	vshll.u32 v7, $0xA  }
0xc3: {  	v5 =	vshll.u32 v5, $0x7;
	v8 =	vand.u32 $0xFFFFE000, v8  }
.Ltmp5:
0xc4: {  	s3 =	sadd.s32 $0x10, s3;
	v5 =	vand.u32 $0x380, v5;
	v6 =	vadd.s32 v6, v8;
	(pc) =	sbr.rel @p0 .LBB2_12-.Ltmp5, $4  }
0xc5: {  	s7 =	sand.u32 $0x70, s3;
	v5 =	vor.u32 v5, v6  }
0xc6: {  	vm0 =	vlt.u32 v7, $0x20;
	v5 =	vor.u32 s7, v5  }
0xc7: {  	v5 =	vor.u32 v1, v5  }
0xc8: {  	v6 =	vadd.s32 s6, v2;
	s6 =	sadd.s32 $0x140, s6  }
0xc9: {  	_ =	sdelay $0x4  }
0xca: {  	[tilespmem:v5+s26+$0x0] =	vst.idx.msk vm0, v3  }
0xcb: {  	v5 =	vld.idx.msk [tilespmem:v6+s2+$0x0], $0xffff  }
0xcc: {  	s0 =	sadd.s32 $0x1, s0  }
0xcd: {  	s0 =	sshll.u32 s0, $0x7  }
0xce: {  	s0 =	sand.u32 $0xFFFFFC00, s0  }
0xcf: {  	v6 =	vmov s0  }
0xd0: {  	v6 =	vadd.s32 $0x8000, v6;
	v7 =	vsub.s32 v5, v0  }
0xd1: {  	v6 =	vbroadcast v6, $0x0;
	v8 =	vshll.u32 v7, $0xA  }
0xd2: {  	v5 =	vshll.u32 v5, $0x7;
	v8 =	vand.u32 $0xFFFFE000, v8  }
0xd3: {  	s8 =	sadd.s32 $0x10, s3;
	v5 =	vand.u32 $0x380, v5;
	v6 =	vadd.s32 v6, v8  }
0xd4: {  	s0 =	sand.u32 $0x70, s8;
	v5 =	vor.u32 v5, v6  }
0xd5: {  	vm15 =	vlt.u32 v7, $0x20;
	v5 =	vor.u32 s0, v5  }
0xd6: {  	v5 =	vor.u32 v1, v5;
	_ =	sdelay $0x4  }
0xd7: {  	s9 =	rddreg [dreg:$0x6];
	s0 =	simm.s32 $0x0;
	[tilespmem:v5+s26+$0x0] =	vst.idx.msk vm15, v3  }
0xd8: {  	[hbm4b:s9+s0] =	stream.linear.scatter [tilespmem:s28], [sflag:$0x2], $0x8000, $0x38;
	[tilespmem:$0x15000] =	vst v63  }
0xd9: {  	_ =	swait.ge [sflag:s30], $0x8000  }
0xda: {  	s3 =	simm.s32 $0x2;
	[sflag:s30] =	ssyncset.done $0x0  }
0xdb: {  	s6 =	simm.s32 $0x0;
	s7 =	simm.s32 $0x0;
	[sflag:s30] =	ssyncadd.s32 $0xFFFF8000  }
.LBB2_14:
0xdc: {  	v5 =	vadd.s32 s3, v2;
	_ =	sdelay $0x4  }
0xdd: {  	v5 =	vld.idx.msk [tilespmem:v5+s0+$0x0], $0xffff;
	_ =	sdelay $0x3  }
0xde: {  	s8 =	sshll.u32 s7, $0x7  }
0xdf: {  	s9 =	sand.u32 $0x70, s6;
	s8 =	sand.u32 $0xFFFFFC00, s8;
	v6 =	vsub.s32 v5, v0;
	v5 =	vshll.u32 v5, $0x7  }
0xe0: {  	s8 =	sor.u32 s9, s8;
	v7 =	vshll.u32 v6, $0xA;
	v5 =	vand.u32 $0x380, v5  }
0xe1: {  	v7 =	vand.u32 $0xFFFFE000, v7;
	v5 =	vor.u32 s8, v5  }
0xe2: {  	vm0 =	vlt.u32 v6, $0x20;
	v5 =	vor.u32 v7, v5  }
0xe3: {  	p0 =	sne.s32 s3, $0x4EC2;
	v5 =	vor.u32 v1, v5  }
.Ltmp6:
0xe4: {  	_ = 	snop;
	(pc) =	sbr.rel @p0 .LBB2_14-.Ltmp6, $2  }
0xe5: {  	_ =	sdelay $0x2  }
0xe6: {  	s7 =	sadd.s32 $0x1, s7;
	s6 =	sadd.s32 $0x10, s6;
	s3 =	sadd.s32 $0x140, s3;
	[tilespmem:v5+s26+$0x0] =	vst.idx.msk vm0, v4  }
0xe7: {  	s3 =	simm.s32 $0x4  }
0xe8: {  	v5 =	vadd.s32 s3, v2;
	_ =	sdelay $0x4  }
0xe9: {  	v5 =	vld.idx.msk [tilespmem:v5+s2+$0x0], $0xffff;
	_ =	sdelay $0x3  }
0xea: {  	s8 =	simm.s32 $0x0  }
0xeb: {  	s6 =	sand.u32 $0x70, s0;
	s3 =	sand.u32 $0xFFFFFC00, s8;
	v6 =	vsub.s32 v5, v0;
	v5 =	vshll.u32 v5, $0x7  }
0xec: {  	s3 =	sor.u32 s6, s3;
	v7 =	vshll.u32 v6, $0xA;
	v5 =	vand.u32 $0x380, v5  }
0xed: {  	v7 =	vand.u32 $0xFFFFE000, v7;
	v5 =	vor.u32 s3, v5  }
0xee: {  	vm0 =	vlt.u32 v6, $0x20;
	v5 =	vor.u32 v7, v5  }
0xef: {  	s9 =	simm.s32 $0x144;
	v5 =	vor.u32 v1, v5  }
0xf0: {  	s6 =	simm.s32 $0x284;
	v6 =	vadd.s32 s9, v2;
	s3 =	simm.s32 $0x0  }
.LBB2_16:
0xf1: {  	p0 =	sne.s32 s6, $0x4EC4;
	_ =	sdelay $0x2  }
0xf2: {  	[tilespmem:v5+s26+$0x0] =	vst.idx.msk vm0, v3  }
0xf3: {  	v5 =	vld.idx.msk [tilespmem:v6+s2+$0x0], $0xffff;
	_ =	sdelay $0x3  }
0xf4: {  	s0 =	sadd.s32 $0x1, s0  }
0xf5: {  	s3 =	sadd.s32 $0x10, s3;
	s7 =	sshll.u32 s0, $0x7  }
0xf6: {  	s8 =	sand.u32 $0x70, s3;
	s7 =	sand.u32 $0xFFFFFC00, s7;
	v6 =	vsub.s32 v5, v0;
	v5 =	vshll.u32 v5, $0x7  }
.Ltmp7:
0xf7: {  	s7 =	sor.u32 s8, s7;
	v7 =	vshll.u32 v6, $0xA;
	v5 =	vand.u32 $0x380, v5;
	(pc) =	sbr.rel @p0 .LBB2_16-.Ltmp7, $4  }
0xf8: {  	v7 =	vand.u32 $0xFFFFE000, v7;
	v5 =	vor.u32 s7, v5  }
0xf9: {  	vm0 =	vlt.u32 v6, $0x20;
	v5 =	vor.u32 v7, v5  }
0xfa: {  	v5 =	vor.u32 v1, v5  }
0xfb: {  	v6 =	vadd.s32 s6, v2;
	s6 =	sadd.s32 $0x140, s6  }
0xfc: {  	_ =	sdelay $0x4  }
0xfd: {  	[tilespmem:v5+s26+$0x0] =	vst.idx.msk vm0, v3  }
0xfe: {  	v5 =	vld.idx.msk [tilespmem:v6+s2+$0x0], $0xffff;
	_ =	sdelay $0x2  }
0xff: {  	s0 =	sadd.s32 $0x1, s0  }
0x100: {  	s3 =	sadd.s32 $0x10, s3;
	s0 =	sshll.u32 s0, $0x7  }
0x101: {  	s3 =	sand.u32 $0x70, s3;
	s0 =	sand.u32 $0xFFFFFC00, s0;
	v6 =	vsub.s32 v5, v0;
	v5 =	vshll.u32 v5, $0x7  }
0x102: {  	s0 =	sor.u32 s3, s0;
	v7 =	vshll.u32 v6, $0xA;
	v5 =	vand.u32 $0x380, v5  }
0x103: {  	v7 =	vand.u32 $0xFFFFE000, v7;
	v5 =	vor.u32 s0, v5  }
0x104: {  	vm15 =	vlt.u32 v6, $0x20;
	v5 =	vor.u32 v7, v5  }
0x105: {  	v5 =	vor.u32 v1, v5;
	_ =	sdelay $0x4  }
0x106: {  	s9 =	rddreg [dreg:$0x7];
	s0 =	simm.s32 $0x0;
	[tilespmem:v5+s26+$0x0] =	vst.idx.msk vm15, v3  }
0x107: {  	[hbm4b:s9+s0] =	stream.linear.scatter [tilespmem:s26], [sflag:$0x1], $0x8000, $0x38;
	[tilespmem:$0x15000] =	vst v63  }
0x108: {  	_ =	swait.ge [sflag:s31], $0x8000  }
0x109: {  	s6 =	simm.s32 $0x0;
	[sflag:s31] =	ssyncset.done $0x0  }
0x10a: {  	s7 =	simm.s32 $0x0;
	s3 =	simm.s32 $0x3;
	[sflag:s31] =	ssyncadd.s32 $0xFFFF8000  }
.LBB2_18:
0x10b: {  	v5 =	vadd.s32 s3, v2;
	_ =	sdelay $0x4  }
0x10c: {  	v5 =	vld.idx.msk [tilespmem:v5+s0+$0x0], $0xffff;
	_ =	sdelay $0x1  }
0x10d: {  	s8 =	sshll.u32 s7, $0x7  }
0x10e: {  	s8 =	sand.u32 $0xFFFFFC00, s8  }
0x10f: {  	v6 =	vmov s8  }
0x110: {  	v6 =	vadd.s32 $0x8000, v6;
	v7 =	vsub.s32 v5, v0  }
0x111: {  	v6 =	vbroadcast v6, $0x0;
	v8 =	vshll.u32 v7, $0xA  }
0x112: {  	v5 =	vshll.u32 v5, $0x7;
	v8 =	vand.u32 $0xFFFFE000, v8  }
0x113: {  	v5 =	vand.u32 $0x380, v5;
	v6 =	vadd.s32 v6, v8  }
0x114: {  	s9 =	sand.u32 $0x70, s6;
	v5 =	vor.u32 v5, v6  }
0x115: {  	vm0 =	vlt.u32 v7, $0x20;
	v5 =	vor.u32 s9, v5  }
0x116: {  	p0 =	sne.s32 s3, $0x4EC3;
	v5 =	vor.u32 v1, v5  }
.Ltmp8:
0x117: {  	_ = 	snop;
	(pc) =	sbr.rel @p0 .LBB2_18-.Ltmp8, $2  }
0x118: {  	_ =	sdelay $0x2  }
0x119: {  	s7 =	sadd.s32 $0x1, s7;
	s6 =	sadd.s32 $0x10, s6;
	s3 =	sadd.s32 $0x140, s3;
	[tilespmem:v5+s26+$0x0] =	vst.idx.msk vm0, v4  }
0x11a: {  	s3 =	simm.s32 $0x5  }
0x11b: {  	v5 =	vadd.s32 s3, v2;
	_ =	sdelay $0x4  }
0x11c: {  	v5 =	vld.idx.msk [tilespmem:v5+s2+$0x0], $0xffff;
	_ =	sdelay $0x1  }
0x11d: {  	s8 =	simm.s32 $0x0  }
0x11e: {  	s3 =	sand.u32 $0xFFFFFC00, s8  }
0x11f: {  	v6 =	vmov s3  }
0x120: {  	v6 =	vadd.s32 $0x8000, v6;
	v7 =	vsub.s32 v5, v0  }
0x121: {  	v6 =	vbroadcast v6, $0x0;
	v8 =	vshll.u32 v7, $0xA  }
0x122: {  	v5 =	vshll.u32 v5, $0x7;
	v8 =	vand.u32 $0xFFFFE000, v8  }
0x123: {  	v5 =	vand.u32 $0x380, v5;
	v6 =	vadd.s32 v6, v8  }
0x124: {  	s9 =	sand.u32 $0x70, s0;
	v5 =	vor.u32 v5, v6  }
0x125: {  	vm0 =	vlt.u32 v7, $0x20;
	v5 =	vor.u32 s9, v5  }
0x126: {  	s6 =	simm.s32 $0x145;
	v5 =	vor.u32 v1, v5  }
0x127: {  	s3 =	simm.s32 $0x0;
	v6 =	vadd.s32 s6, v2;
	s6 =	simm.s32 $0x285  }
.LBB2_20:
0x128: {  	p0 =	sne.s32 s6, $0x4EC5;
	_ =	sdelay $0x2  }
0x129: {  	[tilespmem:v5+s26+$0x0] =	vst.idx.msk vm0, v3  }
0x12a: {  	v5 =	vld.idx.msk [tilespmem:v6+s2+$0x0], $0xffff;
	_ =	sdelay $0x1  }
0x12b: {  	s0 =	sadd.s32 $0x1, s0  }
0x12c: {  	s7 =	sshll.u32 s0, $0x7  }
0x12d: {  	s7 =	sand.u32 $0xFFFFFC00, s7  }
0x12e: {  	v6 =	vmov s7  }
0x12f: {  	v6 =	vadd.s32 $0x8000, v6;
	v7 =	vsub.s32 v5, v0  }
0x130: {  	v6 =	vbroadcast v6, $0x0;
	v8 =	vshll.u32 v7, $0xA  }
0x131: {  	v5 =	vshll.u32 v5, $0x7;
	v8 =	vand.u32 $0xFFFFE000, v8  }
.Ltmp9:
0x132: {  	s3 =	sadd.s32 $0x10, s3;
	v5 =	vand.u32 $0x380, v5;
	v6 =	vadd.s32 v6, v8;
	(pc) =	sbr.rel @p0 .LBB2_20-.Ltmp9, $4  }
0x133: {  	s7 =	sand.u32 $0x70, s3;
	v5 =	vor.u32 v5, v6  }
0x134: {  	vm0 =	vlt.u32 v7, $0x20;
	v5 =	vor.u32 s7, v5  }
0x135: {  	v5 =	vor.u32 v1, v5  }
0x136: {  	v6 =	vadd.s32 s6, v2;
	s6 =	sadd.s32 $0x140, s6  }
0x137: {  	_ =	sdelay $0x4  }
0x138: {  	[tilespmem:v5+s26+$0x0] =	vst.idx.msk vm0, v3  }
0x139: {  	v5 =	vld.idx.msk [tilespmem:v6+s2+$0x0], $0xffff  }
0x13a: {  	s0 =	sadd.s32 $0x1, s0  }
0x13b: {  	s0 =	sshll.u32 s0, $0x7  }
0x13c: {  	s0 =	sand.u32 $0xFFFFFC00, s0  }
0x13d: {  	v6 =	vmov s0  }
0x13e: {  	v6 =	vadd.s32 $0x8000, v6;
	v7 =	vsub.s32 v5, v0  }
0x13f: {  	v6 =	vbroadcast v6, $0x0;
	v8 =	vshll.u32 v7, $0xA  }
0x140: {  	v5 =	vshll.u32 v5, $0x7;
	v8 =	vand.u32 $0xFFFFE000, v8  }
0x141: {  	s9 =	sadd.s32 $0x10, s3;
	v5 =	vand.u32 $0x380, v5;
	v6 =	vadd.s32 v6, v8  }
0x142: {  	s0 =	sand.u32 $0x70, s9;
	v5 =	vor.u32 v5, v6  }
0x143: {  	vm15 =	vlt.u32 v7, $0x20;
	v5 =	vor.u32 s0, v5  }
0x144: {  	v5 =	vor.u32 v1, v5;
	_ =	sdelay $0x4  }
0x145: {  	s0 =	simm.s32 $0x0;
	[tilespmem:v5+s26+$0x0] =	vst.idx.msk vm15, v3  }
0x146: {  	[hbm4b:s10+s0] =	stream.linear.scatter [tilespmem:s28], [sflag:$0x2], $0x8000, $0x38;
	[tilespmem:$0x15000] =	vst v63  }
0x147: {  	_ =	swait.ge [sflag:s30], $0x8000  }
0x148: {  	s3 =	simm.s32 $0x4;
	[sflag:s30] =	ssyncset.done $0x0  }
0x149: {  	s6 =	simm.s32 $0x0;
	s7 =	simm.s32 $0x0;
	[sflag:s30] =	ssyncadd.s32 $0xFFFF8000  }
.LBB2_22:
0x14a: {  	v5 =	vadd.s32 s3, v2;
	_ =	sdelay $0x4  }
0x14b: {  	v5 =	vld.idx.msk [tilespmem:v5+s0+$0x0], $0xffff;
	_ =	sdelay $0x3  }
0x14c: {  	s8 =	sshll.u32 s7, $0x7  }
0x14d: {  	s9 =	sand.u32 $0x70, s6;
	s8 =	sand.u32 $0xFFFFFC00, s8;
	v6 =	vsub.s32 v5, v0;
	v5 =	vshll.u32 v5, $0x7  }
0x14e: {  	s8 =	sor.u32 s9, s8;
	v7 =	vshll.u32 v6, $0xA;
	v5 =	vand.u32 $0x380, v5  }
0x14f: {  	v7 =	vand.u32 $0xFFFFE000, v7;
	v5 =	vor.u32 s8, v5  }
0x150: {  	vm0 =	vlt.u32 v6, $0x20;
	v5 =	vor.u32 v7, v5  }
0x151: {  	p0 =	sne.s32 s3, $0x4EC4;
	v5 =	vor.u32 v1, v5  }
.Ltmp10:
0x152: {  	_ = 	snop;
	(pc) =	sbr.rel @p0 .LBB2_22-.Ltmp10, $2  }
0x153: {  	_ =	sdelay $0x2  }
0x154: {  	s7 =	sadd.s32 $0x1, s7;
	s6 =	sadd.s32 $0x10, s6;
	s3 =	sadd.s32 $0x140, s3;
	[tilespmem:v5+s26+$0x0] =	vst.idx.msk vm0, v4  }
0x155: {  	s3 =	simm.s32 $0x6  }
0x156: {  	v5 =	vadd.s32 s3, v2;
	_ =	sdelay $0x4  }
0x157: {  	v5 =	vld.idx.msk [tilespmem:v5+s2+$0x0], $0xffff;
	_ =	sdelay $0x3  }
0x158: {  	s8 =	simm.s32 $0x0  }
0x159: {  	s6 =	sand.u32 $0x70, s0;
	s3 =	sand.u32 $0xFFFFFC00, s8;
	v6 =	vsub.s32 v5, v0;
	v5 =	vshll.u32 v5, $0x7  }
0x15a: {  	s3 =	sor.u32 s6, s3;
	v7 =	vshll.u32 v6, $0xA;
	v5 =	vand.u32 $0x380, v5  }
0x15b: {  	v7 =	vand.u32 $0xFFFFE000, v7;
	v5 =	vor.u32 s3, v5  }
0x15c: {  	vm0 =	vlt.u32 v6, $0x20;
	v5 =	vor.u32 v7, v5  }
0x15d: {  	s9 =	simm.s32 $0x146;
	v5 =	vor.u32 v1, v5  }
0x15e: {  	s6 =	simm.s32 $0x286;
	v6 =	vadd.s32 s9, v2;
	s3 =	simm.s32 $0x0  }
.LBB2_24:
0x15f: {  	p0 =	sne.s32 s6, $0x4EC6;
	_ =	sdelay $0x2  }
0x160: {  	[tilespmem:v5+s26+$0x0] =	vst.idx.msk vm0, v3  }
0x161: {  	v5 =	vld.idx.msk [tilespmem:v6+s2+$0x0], $0xffff;
	_ =	sdelay $0x3  }
0x162: {  	s0 =	sadd.s32 $0x1, s0  }
0x163: {  	s3 =	sadd.s32 $0x10, s3;
	s7 =	sshll.u32 s0, $0x7  }
0x164: {  	s8 =	sand.u32 $0x70, s3;
	s7 =	sand.u32 $0xFFFFFC00, s7;
	v6 =	vsub.s32 v5, v0;
	v5 =	vshll.u32 v5, $0x7  }
.Ltmp11:
0x165: {  	s7 =	sor.u32 s8, s7;
	v7 =	vshll.u32 v6, $0xA;
	v5 =	vand.u32 $0x380, v5;
	(pc) =	sbr.rel @p0 .LBB2_24-.Ltmp11, $4  }
0x166: {  	v7 =	vand.u32 $0xFFFFE000, v7;
	v5 =	vor.u32 s7, v5  }
0x167: {  	vm0 =	vlt.u32 v6, $0x20;
	v5 =	vor.u32 v7, v5  }
0x168: {  	v5 =	vor.u32 v1, v5  }
0x169: {  	v6 =	vadd.s32 s6, v2;
	s6 =	sadd.s32 $0x140, s6  }
0x16a: {  	_ =	sdelay $0x4  }
0x16b: {  	[tilespmem:v5+s26+$0x0] =	vst.idx.msk vm0, v3  }
0x16c: {  	v5 =	vld.idx.msk [tilespmem:v6+s2+$0x0], $0xffff;
	_ =	sdelay $0x2  }
0x16d: {  	s0 =	sadd.s32 $0x1, s0  }
0x16e: {  	s3 =	sadd.s32 $0x10, s3;
	s0 =	sshll.u32 s0, $0x7  }
0x16f: {  	s3 =	sand.u32 $0x70, s3;
	s0 =	sand.u32 $0xFFFFFC00, s0;
	v6 =	vsub.s32 v5, v0;
	v5 =	vshll.u32 v5, $0x7  }
0x170: {  	s0 =	sor.u32 s3, s0;
	v7 =	vshll.u32 v6, $0xA;
	v5 =	vand.u32 $0x380, v5  }
0x171: {  	v7 =	vand.u32 $0xFFFFE000, v7;
	v5 =	vor.u32 s0, v5  }
0x172: {  	vm15 =	vlt.u32 v6, $0x20;
	v5 =	vor.u32 v7, v5  }
0x173: {  	v5 =	vor.u32 v1, v5;
	_ =	sdelay $0x4  }
0x174: {  	s0 =	simm.s32 $0x0;
	[tilespmem:v5+s26+$0x0] =	vst.idx.msk vm15, v3  }
0x175: {  	[hbm4b:s11+s0] =	stream.linear.scatter [tilespmem:s26], [sflag:$0x1], $0x8000, $0x38;
	[tilespmem:$0x15000] =	vst v63  }
0x176: {  	_ =	swait.ge [sflag:s31], $0x8000  }
0x177: {  	s6 =	simm.s32 $0x0;
	[sflag:s31] =	ssyncset.done $0x0  }
0x178: {  	s7 =	simm.s32 $0x0;
	s3 =	simm.s32 $0x5;
	[sflag:s31] =	ssyncadd.s32 $0xFFFF8000  }
.LBB2_26:
0x179: {  	v5 =	vadd.s32 s3, v2;
	_ =	sdelay $0x4  }
0x17a: {  	v5 =	vld.idx.msk [tilespmem:v5+s0+$0x0], $0xffff;
	_ =	sdelay $0x1  }
0x17b: {  	s8 =	sshll.u32 s7, $0x7  }
0x17c: {  	s8 =	sand.u32 $0xFFFFFC00, s8  }
0x17d: {  	v6 =	vmov s8  }
0x17e: {  	v6 =	vadd.s32 $0x8000, v6;
	v7 =	vsub.s32 v5, v0  }
0x17f: {  	v6 =	vbroadcast v6, $0x0;
	v8 =	vshll.u32 v7, $0xA  }
0x180: {  	v5 =	vshll.u32 v5, $0x7;
	v8 =	vand.u32 $0xFFFFE000, v8  }
0x181: {  	v5 =	vand.u32 $0x380, v5;
	v6 =	vadd.s32 v6, v8  }
0x182: {  	s9 =	sand.u32 $0x70, s6;
	v5 =	vor.u32 v5, v6  }
0x183: {  	vm0 =	vlt.u32 v7, $0x20;
	v5 =	vor.u32 s9, v5  }
0x184: {  	p0 =	sne.s32 s3, $0x4EC5;
	v5 =	vor.u32 v1, v5  }
.Ltmp12:
0x185: {  	_ = 	snop;
	(pc) =	sbr.rel @p0 .LBB2_26-.Ltmp12, $2  }
0x186: {  	_ =	sdelay $0x2  }
0x187: {  	s7 =	sadd.s32 $0x1, s7;
	s6 =	sadd.s32 $0x10, s6;
	s3 =	sadd.s32 $0x140, s3;
	[tilespmem:v5+s26+$0x0] =	vst.idx.msk vm0, v4  }
0x188: {  	s3 =	simm.s32 $0x7  }
0x189: {  	v5 =	vadd.s32 s3, v2;
	_ =	sdelay $0x4  }
0x18a: {  	v5 =	vld.idx.msk [tilespmem:v5+s2+$0x0], $0xffff;
	_ =	sdelay $0x1  }
0x18b: {  	s8 =	simm.s32 $0x0  }
0x18c: {  	s3 =	sand.u32 $0xFFFFFC00, s8  }
0x18d: {  	v6 =	vmov s3  }
0x18e: {  	v6 =	vadd.s32 $0x8000, v6;
	v7 =	vsub.s32 v5, v0  }
0x18f: {  	v6 =	vbroadcast v6, $0x0;
	v8 =	vshll.u32 v7, $0xA  }
0x190: {  	v5 =	vshll.u32 v5, $0x7;
	v8 =	vand.u32 $0xFFFFE000, v8  }
0x191: {  	v5 =	vand.u32 $0x380, v5;
	v6 =	vadd.s32 v6, v8  }
0x192: {  	s9 =	sand.u32 $0x70, s0;
	v5 =	vor.u32 v5, v6  }
0x193: {  	vm0 =	vlt.u32 v7, $0x20;
	v5 =	vor.u32 s9, v5  }
0x194: {  	s6 =	simm.s32 $0x147;
	v5 =	vor.u32 v1, v5  }
0x195: {  	s3 =	simm.s32 $0x0;
	v6 =	vadd.s32 s6, v2;
	s6 =	simm.s32 $0x287  }
.LBB2_28:
0x196: {  	p0 =	sne.s32 s6, $0x4EC7;
	_ =	sdelay $0x2  }
0x197: {  	[tilespmem:v5+s26+$0x0] =	vst.idx.msk vm0, v3  }
0x198: {  	v5 =	vld.idx.msk [tilespmem:v6+s2+$0x0], $0xffff;
	_ =	sdelay $0x1  }
0x199: {  	s0 =	sadd.s32 $0x1, s0  }
0x19a: {  	s7 =	sshll.u32 s0, $0x7  }
0x19b: {  	s7 =	sand.u32 $0xFFFFFC00, s7  }
0x19c: {  	v6 =	vmov s7  }
0x19d: {  	v6 =	vadd.s32 $0x8000, v6;
	v7 =	vsub.s32 v5, v0  }
0x19e: {  	v6 =	vbroadcast v6, $0x0;
	v8 =	vshll.u32 v7, $0xA  }
0x19f: {  	v5 =	vshll.u32 v5, $0x7;
	v8 =	vand.u32 $0xFFFFE000, v8  }
.Ltmp13:
0x1a0: {  	s3 =	sadd.s32 $0x10, s3;
	v5 =	vand.u32 $0x380, v5;
	v6 =	vadd.s32 v6, v8;
	(pc) =	sbr.rel @p0 .LBB2_28-.Ltmp13, $4  }
0x1a1: {  	s7 =	sand.u32 $0x70, s3;
	v5 =	vor.u32 v5, v6  }
0x1a2: {  	vm0 =	vlt.u32 v7, $0x20;
	v5 =	vor.u32 s7, v5  }
0x1a3: {  	v5 =	vor.u32 v1, v5  }
0x1a4: {  	v6 =	vadd.s32 s6, v2;
	s6 =	sadd.s32 $0x140, s6  }
0x1a5: {  	_ =	sdelay $0x4  }
0x1a6: {  	[tilespmem:v5+s26+$0x0] =	vst.idx.msk vm0, v3  }
0x1a7: {  	v5 =	vld.idx.msk [tilespmem:v6+s2+$0x0], $0xffff  }
0x1a8: {  	s0 =	sadd.s32 $0x1, s0  }
0x1a9: {  	s0 =	sshll.u32 s0, $0x7  }
0x1aa: {  	s0 =	sand.u32 $0xFFFFFC00, s0  }
0x1ab: {  	v6 =	vmov s0  }
0x1ac: {  	v6 =	vadd.s32 $0x8000, v6;
	v7 =	vsub.s32 v5, v0  }
0x1ad: {  	v6 =	vbroadcast v6, $0x0;
	v8 =	vshll.u32 v7, $0xA  }
0x1ae: {  	v5 =	vshll.u32 v5, $0x7;
	v8 =	vand.u32 $0xFFFFE000, v8  }
0x1af: {  	s9 =	sadd.s32 $0x10, s3;
	v5 =	vand.u32 $0x380, v5;
	v6 =	vadd.s32 v6, v8  }
0x1b0: {  	s0 =	sand.u32 $0x70, s9;
	v5 =	vor.u32 v5, v6  }
0x1b1: {  	vm15 =	vlt.u32 v7, $0x20;
	v5 =	vor.u32 s0, v5  }
0x1b2: {  	v5 =	vor.u32 v1, v5;
	_ =	sdelay $0x4  }
0x1b3: {  	s0 =	simm.s32 $0x0;
	[tilespmem:v5+s26+$0x0] =	vst.idx.msk vm15, v3  }
0x1b4: {  	[hbm4b:s12+s0] =	stream.linear.scatter [tilespmem:s28], [sflag:$0x2], $0x8000, $0x38;
	[tilespmem:$0x15000] =	vst v63  }
0x1b5: {  	_ =	swait.ge [sflag:s30], $0x8000  }
0x1b6: {  	s3 =	simm.s32 $0x6;
	[sflag:s30] =	ssyncset.done $0x0  }
0x1b7: {  	s6 =	simm.s32 $0x0;
	s7 =	simm.s32 $0x0;
	[sflag:s30] =	ssyncadd.s32 $0xFFFF8000  }
.LBB2_30:
0x1b8: {  	v5 =	vadd.s32 s3, v2;
	_ =	sdelay $0x4  }
0x1b9: {  	v5 =	vld.idx.msk [tilespmem:v5+s0+$0x0], $0xffff;
	_ =	sdelay $0x3  }
0x1ba: {  	s8 =	sshll.u32 s7, $0x7  }
0x1bb: {  	s9 =	sand.u32 $0x70, s6;
	s8 =	sand.u32 $0xFFFFFC00, s8;
	v6 =	vsub.s32 v5, v0;
	v5 =	vshll.u32 v5, $0x7  }
0x1bc: {  	s8 =	sor.u32 s9, s8;
	v7 =	vshll.u32 v6, $0xA;
	v5 =	vand.u32 $0x380, v5  }
0x1bd: {  	v7 =	vand.u32 $0xFFFFE000, v7;
	v5 =	vor.u32 s8, v5  }
0x1be: {  	vm0 =	vlt.u32 v6, $0x20;
	v5 =	vor.u32 v7, v5  }
0x1bf: {  	p0 =	sne.s32 s3, $0x4EC6;
	v5 =	vor.u32 v1, v5  }
.Ltmp14:
0x1c0: {  	_ = 	snop;
	(pc) =	sbr.rel @p0 .LBB2_30-.Ltmp14, $2  }
0x1c1: {  	_ =	sdelay $0x2  }
0x1c2: {  	s7 =	sadd.s32 $0x1, s7;
	s6 =	sadd.s32 $0x10, s6;
	s3 =	sadd.s32 $0x140, s3;
	[tilespmem:v5+s26+$0x0] =	vst.idx.msk vm0, v4  }
0x1c3: {  	s3 =	simm.s32 $0x8  }
0x1c4: {  	v5 =	vadd.s32 s3, v2;
	_ =	sdelay $0x4  }
0x1c5: {  	v5 =	vld.idx.msk [tilespmem:v5+s2+$0x0], $0xffff;
	_ =	sdelay $0x3  }
0x1c6: {  	s8 =	simm.s32 $0x0  }
0x1c7: {  	s6 =	sand.u32 $0x70, s0;
	s3 =	sand.u32 $0xFFFFFC00, s8;
	v6 =	vsub.s32 v5, v0;
	v5 =	vshll.u32 v5, $0x7  }
0x1c8: {  	s3 =	sor.u32 s6, s3;
	v7 =	vshll.u32 v6, $0xA;
	v5 =	vand.u32 $0x380, v5  }
0x1c9: {  	v7 =	vand.u32 $0xFFFFE000, v7;
	v5 =	vor.u32 s3, v5  }
0x1ca: {  	vm0 =	vlt.u32 v6, $0x20;
	v5 =	vor.u32 v7, v5  }
0x1cb: {  	s9 =	simm.s32 $0x148;
	v5 =	vor.u32 v1, v5  }
0x1cc: {  	s6 =	simm.s32 $0x288;
	v6 =	vadd.s32 s9, v2;
	s3 =	simm.s32 $0x0  }
.LBB2_32:
0x1cd: {  	p0 =	sne.s32 s6, $0x4EC8;
	_ =	sdelay $0x2  }
0x1ce: {  	[tilespmem:v5+s26+$0x0] =	vst.idx.msk vm0, v3  }
0x1cf: {  	v5 =	vld.idx.msk [tilespmem:v6+s2+$0x0], $0xffff;
	_ =	sdelay $0x3  }
0x1d0: {  	s0 =	sadd.s32 $0x1, s0  }
0x1d1: {  	s3 =	sadd.s32 $0x10, s3;
	s7 =	sshll.u32 s0, $0x7  }
0x1d2: {  	s8 =	sand.u32 $0x70, s3;
	s7 =	sand.u32 $0xFFFFFC00, s7;
	v6 =	vsub.s32 v5, v0;
	v5 =	vshll.u32 v5, $0x7  }
.Ltmp15:
0x1d3: {  	s7 =	sor.u32 s8, s7;
	v7 =	vshll.u32 v6, $0xA;
	v5 =	vand.u32 $0x380, v5;
	(pc) =	sbr.rel @p0 .LBB2_32-.Ltmp15, $4  }
0x1d4: {  	v7 =	vand.u32 $0xFFFFE000, v7;
	v5 =	vor.u32 s7, v5  }
0x1d5: {  	vm0 =	vlt.u32 v6, $0x20;
	v5 =	vor.u32 v7, v5  }
0x1d6: {  	v5 =	vor.u32 v1, v5  }
0x1d7: {  	v6 =	vadd.s32 s6, v2;
	s6 =	sadd.s32 $0x140, s6  }
0x1d8: {  	_ =	sdelay $0x4  }
0x1d9: {  	[tilespmem:v5+s26+$0x0] =	vst.idx.msk vm0, v3  }
0x1da: {  	v5 =	vld.idx.msk [tilespmem:v6+s2+$0x0], $0xffff;
	_ =	sdelay $0x2  }
0x1db: {  	s0 =	sadd.s32 $0x1, s0  }
0x1dc: {  	s3 =	sadd.s32 $0x10, s3;
	s0 =	sshll.u32 s0, $0x7  }
0x1dd: {  	s3 =	sand.u32 $0x70, s3;
	s0 =	sand.u32 $0xFFFFFC00, s0;
	v6 =	vsub.s32 v5, v0;
	v5 =	vshll.u32 v5, $0x7  }
0x1de: {  	s0 =	sor.u32 s3, s0;
	v7 =	vshll.u32 v6, $0xA;
	v5 =	vand.u32 $0x380, v5  }
0x1df: {  	v7 =	vand.u32 $0xFFFFE000, v7;
	v5 =	vor.u32 s0, v5  }
0x1e0: {  	vm15 =	vlt.u32 v6, $0x20;
	v5 =	vor.u32 v7, v5  }
0x1e1: {  	v5 =	vor.u32 v1, v5;
	_ =	sdelay $0x4  }
0x1e2: {  	s0 =	simm.s32 $0x0;
	[tilespmem:v5+s26+$0x0] =	vst.idx.msk vm15, v3  }
0x1e3: {  	[hbm4b:s13+s0] =	stream.linear.scatter [tilespmem:s26], [sflag:$0x1], $0x8000, $0x38;
	[tilespmem:$0x15000] =	vst v63  }
0x1e4: {  	_ =	swait.ge [sflag:s31], $0x8000  }
0x1e5: {  	s6 =	simm.s32 $0x0;
	[sflag:s31] =	ssyncset.done $0x0  }
0x1e6: {  	s7 =	simm.s32 $0x0;
	s3 =	simm.s32 $0x7;
	[sflag:s31] =	ssyncadd.s32 $0xFFFF8000  }
.LBB2_34:
0x1e7: {  	v5 =	vadd.s32 s3, v2;
	_ =	sdelay $0x4  }
0x1e8: {  	v5 =	vld.idx.msk [tilespmem:v5+s0+$0x0], $0xffff;
	_ =	sdelay $0x1  }
0x1e9: {  	s8 =	sshll.u32 s7, $0x7  }
0x1ea: {  	s8 =	sand.u32 $0xFFFFFC00, s8  }
0x1eb: {  	v6 =	vmov s8  }
0x1ec: {  	v6 =	vadd.s32 $0x8000, v6;
	v7 =	vsub.s32 v5, v0  }
0x1ed: {  	v6 =	vbroadcast v6, $0x0;
	v8 =	vshll.u32 v7, $0xA  }
0x1ee: {  	v5 =	vshll.u32 v5, $0x7;
	v8 =	vand.u32 $0xFFFFE000, v8  }
0x1ef: {  	v5 =	vand.u32 $0x380, v5;
	v6 =	vadd.s32 v6, v8  }
0x1f0: {  	s9 =	sand.u32 $0x70, s6;
	v5 =	vor.u32 v5, v6  }
0x1f1: {  	vm0 =	vlt.u32 v7, $0x20;
	v5 =	vor.u32 s9, v5  }
0x1f2: {  	p0 =	sne.s32 s3, $0x4EC7;
	v5 =	vor.u32 v1, v5  }
.Ltmp16:
0x1f3: {  	_ = 	snop;
	(pc) =	sbr.rel @p0 .LBB2_34-.Ltmp16, $2  }
0x1f4: {  	_ =	sdelay $0x2  }
0x1f5: {  	s7 =	sadd.s32 $0x1, s7;
	s6 =	sadd.s32 $0x10, s6;
	s3 =	sadd.s32 $0x140, s3;
	[tilespmem:v5+s26+$0x0] =	vst.idx.msk vm0, v4  }
0x1f6: {  	s3 =	simm.s32 $0x9  }
0x1f7: {  	v5 =	vadd.s32 s3, v2;
	_ =	sdelay $0x4  }
0x1f8: {  	v5 =	vld.idx.msk [tilespmem:v5+s2+$0x0], $0xffff;
	_ =	sdelay $0x1  }
0x1f9: {  	s8 =	simm.s32 $0x0  }
0x1fa: {  	s3 =	sand.u32 $0xFFFFFC00, s8  }
0x1fb: {  	v6 =	vmov s3  }
0x1fc: {  	v6 =	vadd.s32 $0x8000, v6;
	v7 =	vsub.s32 v5, v0  }
0x1fd: {  	v6 =	vbroadcast v6, $0x0;
	v8 =	vshll.u32 v7, $0xA  }
0x1fe: {  	v5 =	vshll.u32 v5, $0x7;
	v8 =	vand.u32 $0xFFFFE000, v8  }
0x1ff: {  	v5 =	vand.u32 $0x380, v5;
	v6 =	vadd.s32 v6, v8  }
0x200: {  	s9 =	sand.u32 $0x70, s0;
	v5 =	vor.u32 v5, v6  }
0x201: {  	vm0 =	vlt.u32 v7, $0x20;
	v5 =	vor.u32 s9, v5  }
0x202: {  	s6 =	simm.s32 $0x149;
	v5 =	vor.u32 v1, v5  }
0x203: {  	s3 =	simm.s32 $0x0;
	v6 =	vadd.s32 s6, v2;
	s6 =	simm.s32 $0x289  }
.LBB2_36:
0x204: {  	p0 =	sne.s32 s6, $0x4EC9;
	_ =	sdelay $0x2  }
0x205: {  	[tilespmem:v5+s26+$0x0] =	vst.idx.msk vm0, v3  }
0x206: {  	v5 =	vld.idx.msk [tilespmem:v6+s2+$0x0], $0xffff;
	_ =	sdelay $0x1  }
0x207: {  	s0 =	sadd.s32 $0x1, s0  }
0x208: {  	s7 =	sshll.u32 s0, $0x7  }
0x209: {  	s7 =	sand.u32 $0xFFFFFC00, s7  }
0x20a: {  	v6 =	vmov s7  }
0x20b: {  	v6 =	vadd.s32 $0x8000, v6;
	v7 =	vsub.s32 v5, v0  }
0x20c: {  	v6 =	vbroadcast v6, $0x0;
	v8 =	vshll.u32 v7, $0xA  }
0x20d: {  	v5 =	vshll.u32 v5, $0x7;
	v8 =	vand.u32 $0xFFFFE000, v8  }
.Ltmp17:
0x20e: {  	s3 =	sadd.s32 $0x10, s3;
	v5 =	vand.u32 $0x380, v5;
	v6 =	vadd.s32 v6, v8;
	(pc) =	sbr.rel @p0 .LBB2_36-.Ltmp17, $4  }
0x20f: {  	s7 =	sand.u32 $0x70, s3;
	v5 =	vor.u32 v5, v6  }
0x210: {  	vm0 =	vlt.u32 v7, $0x20;
	v5 =	vor.u32 s7, v5  }
0x211: {  	v5 =	vor.u32 v1, v5  }
0x212: {  	v6 =	vadd.s32 s6, v2;
	s6 =	sadd.s32 $0x140, s6  }
0x213: {  	_ =	sdelay $0x4  }
0x214: {  	[tilespmem:v5+s26+$0x0] =	vst.idx.msk vm0, v3  }
0x215: {  	v5 =	vld.idx.msk [tilespmem:v6+s2+$0x0], $0xffff  }
0x216: {  	s0 =	sadd.s32 $0x1, s0  }
0x217: {  	s0 =	sshll.u32 s0, $0x7  }
0x218: {  	s0 =	sand.u32 $0xFFFFFC00, s0  }
0x219: {  	v6 =	vmov s0  }
0x21a: {  	v6 =	vadd.s32 $0x8000, v6;
	v7 =	vsub.s32 v5, v0  }
0x21b: {  	v6 =	vbroadcast v6, $0x0;
	v8 =	vshll.u32 v7, $0xA  }
0x21c: {  	v5 =	vshll.u32 v5, $0x7;
	v8 =	vand.u32 $0xFFFFE000, v8  }
0x21d: {  	s9 =	sadd.s32 $0x10, s3;
	v5 =	vand.u32 $0x380, v5;
	v6 =	vadd.s32 v6, v8  }
0x21e: {  	s0 =	sand.u32 $0x70, s9;
	v5 =	vor.u32 v5, v6  }
0x21f: {  	vm15 =	vlt.u32 v7, $0x20;
	v5 =	vor.u32 s0, v5  }
0x220: {  	v5 =	vor.u32 v1, v5;
	_ =	sdelay $0x4  }
0x221: {  	s0 =	simm.s32 $0x0;
	[tilespmem:v5+s26+$0x0] =	vst.idx.msk vm15, v3  }
0x222: {  	[hbm4b:s14+s0] =	stream.linear.scatter [tilespmem:s28], [sflag:$0x2], $0x8000, $0x38;
	[tilespmem:$0x15000] =	vst v63  }
0x223: {  	_ =	swait.ge [sflag:s30], $0x8000  }
0x224: {  	s3 =	simm.s32 $0x8;
	[sflag:s30] =	ssyncset.done $0x0  }
0x225: {  	s6 =	simm.s32 $0x0;
	s7 =	simm.s32 $0x0;
	[sflag:s30] =	ssyncadd.s32 $0xFFFF8000  }
.LBB2_38:
0x226: {  	v5 =	vadd.s32 s3, v2;
	_ =	sdelay $0x4  }
0x227: {  	v5 =	vld.idx.msk [tilespmem:v5+s0+$0x0], $0xffff;
	_ =	sdelay $0x3  }
0x228: {  	s8 =	sshll.u32 s7, $0x7  }
0x229: {  	s9 =	sand.u32 $0x70, s6;
	s8 =	sand.u32 $0xFFFFFC00, s8;
	v6 =	vsub.s32 v5, v0;
	v5 =	vshll.u32 v5, $0x7  }
0x22a: {  	s8 =	sor.u32 s9, s8;
	v7 =	vshll.u32 v6, $0xA;
	v5 =	vand.u32 $0x380, v5  }
0x22b: {  	v7 =	vand.u32 $0xFFFFE000, v7;
	v5 =	vor.u32 s8, v5  }
0x22c: {  	vm0 =	vlt.u32 v6, $0x20;
	v5 =	vor.u32 v7, v5  }
0x22d: {  	p0 =	sne.s32 s3, $0x4EC8;
	v5 =	vor.u32 v1, v5  }
.Ltmp18:
0x22e: {  	_ = 	snop;
	(pc) =	sbr.rel @p0 .LBB2_38-.Ltmp18, $2  }
0x22f: {  	_ =	sdelay $0x2  }
0x230: {  	s7 =	sadd.s32 $0x1, s7;
	s6 =	sadd.s32 $0x10, s6;
	s3 =	sadd.s32 $0x140, s3;
	[tilespmem:v5+s26+$0x0] =	vst.idx.msk vm0, v4  }
0x231: {  	s3 =	simm.s32 $0xA  }
0x232: {  	v5 =	vadd.s32 s3, v2;
	_ =	sdelay $0x4  }
0x233: {  	v5 =	vld.idx.msk [tilespmem:v5+s2+$0x0], $0xffff;
	_ =	sdelay $0x3  }
0x234: {  	s8 =	simm.s32 $0x0  }
0x235: {  	s6 =	sand.u32 $0x70, s0;
	s3 =	sand.u32 $0xFFFFFC00, s8;
	v6 =	vsub.s32 v5, v0;
	v5 =	vshll.u32 v5, $0x7  }
0x236: {  	s3 =	sor.u32 s6, s3;
	v7 =	vshll.u32 v6, $0xA;
	v5 =	vand.u32 $0x380, v5  }
0x237: {  	v7 =	vand.u32 $0xFFFFE000, v7;
	v5 =	vor.u32 s3, v5  }
0x238: {  	vm0 =	vlt.u32 v6, $0x20;
	v5 =	vor.u32 v7, v5  }
0x239: {  	s9 =	simm.s32 $0x14A;
	v5 =	vor.u32 v1, v5  }
0x23a: {  	s6 =	simm.s32 $0x28A;
	v6 =	vadd.s32 s9, v2;
	s3 =	simm.s32 $0x0  }
.LBB2_40:
0x23b: {  	p0 =	sne.s32 s6, $0x4ECA;
	_ =	sdelay $0x2  }
0x23c: {  	[tilespmem:v5+s26+$0x0] =	vst.idx.msk vm0, v3  }
0x23d: {  	v5 =	vld.idx.msk [tilespmem:v6+s2+$0x0], $0xffff;
	_ =	sdelay $0x3  }
0x23e: {  	s0 =	sadd.s32 $0x1, s0  }
0x23f: {  	s3 =	sadd.s32 $0x10, s3;
	s7 =	sshll.u32 s0, $0x7  }
0x240: {  	s8 =	sand.u32 $0x70, s3;
	s7 =	sand.u32 $0xFFFFFC00, s7;
	v6 =	vsub.s32 v5, v0;
	v5 =	vshll.u32 v5, $0x7  }
.Ltmp19:
0x241: {  	s7 =	sor.u32 s8, s7;
	v7 =	vshll.u32 v6, $0xA;
	v5 =	vand.u32 $0x380, v5;
	(pc) =	sbr.rel @p0 .LBB2_40-.Ltmp19, $4  }
0x242: {  	v7 =	vand.u32 $0xFFFFE000, v7;
	v5 =	vor.u32 s7, v5  }
0x243: {  	vm0 =	vlt.u32 v6, $0x20;
	v5 =	vor.u32 v7, v5  }
0x244: {  	v5 =	vor.u32 v1, v5  }
0x245: {  	v6 =	vadd.s32 s6, v2;
	s6 =	sadd.s32 $0x140, s6  }
0x246: {  	_ =	sdelay $0x4  }
0x247: {  	[tilespmem:v5+s26+$0x0] =	vst.idx.msk vm0, v3  }
0x248: {  	v5 =	vld.idx.msk [tilespmem:v6+s2+$0x0], $0xffff;
	_ =	sdelay $0x2  }
0x249: {  	s0 =	sadd.s32 $0x1, s0  }
0x24a: {  	s3 =	sadd.s32 $0x10, s3;
	s0 =	sshll.u32 s0, $0x7  }
0x24b: {  	s3 =	sand.u32 $0x70, s3;
	s0 =	sand.u32 $0xFFFFFC00, s0;
	v6 =	vsub.s32 v5, v0;
	v5 =	vshll.u32 v5, $0x7  }
0x24c: {  	s0 =	sor.u32 s3, s0;
	v7 =	vshll.u32 v6, $0xA;
	v5 =	vand.u32 $0x380, v5  }
0x24d: {  	v7 =	vand.u32 $0xFFFFE000, v7;
	v5 =	vor.u32 s0, v5  }
0x24e: {  	vm15 =	vlt.u32 v6, $0x20;
	v5 =	vor.u32 v7, v5  }
0x24f: {  	v5 =	vor.u32 v1, v5;
	_ =	sdelay $0x4  }
0x250: {  	s0 =	simm.s32 $0x0;
	[tilespmem:v5+s26+$0x0] =	vst.idx.msk vm15, v3  }
0x251: {  	[hbm4b:s15+s0] =	stream.linear.scatter [tilespmem:s26], [sflag:$0x1], $0x8000, $0x38;
	[tilespmem:$0x15000] =	vst v63  }
0x252: {  	_ =	swait.ge [sflag:s31], $0x8000  }
0x253: {  	s6 =	simm.s32 $0x0;
	[sflag:s31] =	ssyncset.done $0x0  }
0x254: {  	s7 =	simm.s32 $0x0;
	s3 =	simm.s32 $0x9;
	[sflag:s31] =	ssyncadd.s32 $0xFFFF8000  }
.LBB2_42:
0x255: {  	v5 =	vadd.s32 s3, v2;
	_ =	sdelay $0x4  }
0x256: {  	v5 =	vld.idx.msk [tilespmem:v5+s0+$0x0], $0xffff;
	_ =	sdelay $0x1  }
0x257: {  	s8 =	sshll.u32 s7, $0x7  }
0x258: {  	s8 =	sand.u32 $0xFFFFFC00, s8  }
0x259: {  	v6 =	vmov s8  }
0x25a: {  	v6 =	vadd.s32 $0x8000, v6;
	v7 =	vsub.s32 v5, v0  }
0x25b: {  	v6 =	vbroadcast v6, $0x0;
	v8 =	vshll.u32 v7, $0xA  }
0x25c: {  	v5 =	vshll.u32 v5, $0x7;
	v8 =	vand.u32 $0xFFFFE000, v8  }
0x25d: {  	v5 =	vand.u32 $0x380, v5;
	v6 =	vadd.s32 v6, v8  }
0x25e: {  	s9 =	sand.u32 $0x70, s6;
	v5 =	vor.u32 v5, v6  }
0x25f: {  	vm0 =	vlt.u32 v7, $0x20;
	v5 =	vor.u32 s9, v5  }
0x260: {  	p0 =	sne.s32 s3, $0x4EC9;
	v5 =	vor.u32 v1, v5  }
.Ltmp20:
0x261: {  	_ = 	snop;
	(pc) =	sbr.rel @p0 .LBB2_42-.Ltmp20, $2  }
0x262: {  	_ =	sdelay $0x2  }
0x263: {  	s7 =	sadd.s32 $0x1, s7;
	s6 =	sadd.s32 $0x10, s6;
	s3 =	sadd.s32 $0x140, s3;
	[tilespmem:v5+s26+$0x0] =	vst.idx.msk vm0, v4  }
0x264: {  	s3 =	simm.s32 $0xB  }
0x265: {  	v5 =	vadd.s32 s3, v2;
	_ =	sdelay $0x4  }
0x266: {  	v5 =	vld.idx.msk [tilespmem:v5+s2+$0x0], $0xffff;
	_ =	sdelay $0x1  }
0x267: {  	s8 =	simm.s32 $0x0  }
0x268: {  	s3 =	sand.u32 $0xFFFFFC00, s8  }
0x269: {  	v6 =	vmov s3  }
0x26a: {  	v6 =	vadd.s32 $0x8000, v6;
	v7 =	vsub.s32 v5, v0  }
0x26b: {  	v6 =	vbroadcast v6, $0x0;
	v8 =	vshll.u32 v7, $0xA  }
0x26c: {  	v5 =	vshll.u32 v5, $0x7;
	v8 =	vand.u32 $0xFFFFE000, v8  }
0x26d: {  	v5 =	vand.u32 $0x380, v5;
	v6 =	vadd.s32 v6, v8  }
0x26e: {  	s9 =	sand.u32 $0x70, s0;
	v5 =	vor.u32 v5, v6  }
0x26f: {  	vm0 =	vlt.u32 v7, $0x20;
	v5 =	vor.u32 s9, v5  }
0x270: {  	s6 =	simm.s32 $0x14B;
	v5 =	vor.u32 v1, v5  }
0x271: {  	s3 =	simm.s32 $0x0;
	v6 =	vadd.s32 s6, v2;
	s6 =	simm.s32 $0x28B  }
.LBB2_44:
0x272: {  	p0 =	sne.s32 s6, $0x4ECB;
	_ =	sdelay $0x2  }
0x273: {  	[tilespmem:v5+s26+$0x0] =	vst.idx.msk vm0, v3  }
0x274: {  	v5 =	vld.idx.msk [tilespmem:v6+s2+$0x0], $0xffff;
	_ =	sdelay $0x1  }
0x275: {  	s0 =	sadd.s32 $0x1, s0  }
0x276: {  	s7 =	sshll.u32 s0, $0x7  }
0x277: {  	s7 =	sand.u32 $0xFFFFFC00, s7  }
0x278: {  	v6 =	vmov s7  }
0x279: {  	v6 =	vadd.s32 $0x8000, v6;
	v7 =	vsub.s32 v5, v0  }
0x27a: {  	v6 =	vbroadcast v6, $0x0;
	v8 =	vshll.u32 v7, $0xA  }
0x27b: {  	v5 =	vshll.u32 v5, $0x7;
	v8 =	vand.u32 $0xFFFFE000, v8  }
.Ltmp21:
0x27c: {  	s3 =	sadd.s32 $0x10, s3;
	v5 =	vand.u32 $0x380, v5;
	v6 =	vadd.s32 v6, v8;
	(pc) =	sbr.rel @p0 .LBB2_44-.Ltmp21, $4  }
0x27d: {  	s7 =	sand.u32 $0x70, s3;
	v5 =	vor.u32 v5, v6  }
0x27e: {  	vm0 =	vlt.u32 v7, $0x20;
	v5 =	vor.u32 s7, v5  }
0x27f: {  	v5 =	vor.u32 v1, v5  }
0x280: {  	v6 =	vadd.s32 s6, v2;
	s6 =	sadd.s32 $0x140, s6  }
0x281: {  	_ =	sdelay $0x4  }
0x282: {  	[tilespmem:v5+s26+$0x0] =	vst.idx.msk vm0, v3  }
0x283: {  	v5 =	vld.idx.msk [tilespmem:v6+s2+$0x0], $0xffff  }
0x284: {  	s0 =	sadd.s32 $0x1, s0  }
0x285: {  	s0 =	sshll.u32 s0, $0x7  }
0x286: {  	s0 =	sand.u32 $0xFFFFFC00, s0  }
0x287: {  	v6 =	vmov s0  }
0x288: {  	v6 =	vadd.s32 $0x8000, v6;
	v7 =	vsub.s32 v5, v0  }
0x289: {  	v6 =	vbroadcast v6, $0x0;
	v8 =	vshll.u32 v7, $0xA  }
0x28a: {  	v5 =	vshll.u32 v5, $0x7;
	v8 =	vand.u32 $0xFFFFE000, v8  }
0x28b: {  	s9 =	sadd.s32 $0x10, s3;
	v5 =	vand.u32 $0x380, v5;
	v6 =	vadd.s32 v6, v8  }
0x28c: {  	s0 =	sand.u32 $0x70, s9;
	v5 =	vor.u32 v5, v6  }
0x28d: {  	vm15 =	vlt.u32 v7, $0x20;
	v5 =	vor.u32 s0, v5  }
0x28e: {  	v5 =	vor.u32 v1, v5;
	_ =	sdelay $0x4  }
0x28f: {  	s0 =	simm.s32 $0x0;
	[tilespmem:v5+s26+$0x0] =	vst.idx.msk vm15, v3  }
0x290: {  	[hbm4b:s16+s0] =	stream.linear.scatter [tilespmem:s28], [sflag:$0x2], $0x8000, $0x38;
	[tilespmem:$0x15000] =	vst v63  }
0x291: {  	_ =	swait.ge [sflag:s30], $0x8000  }
0x292: {  	s3 =	simm.s32 $0xA;
	[sflag:s30] =	ssyncset.done $0x0  }
0x293: {  	s6 =	simm.s32 $0x0;
	s7 =	simm.s32 $0x0;
	[sflag:s30] =	ssyncadd.s32 $0xFFFF8000  }
.LBB2_46:
0x294: {  	v5 =	vadd.s32 s3, v2;
	_ =	sdelay $0x4  }
0x295: {  	v5 =	vld.idx.msk [tilespmem:v5+s0+$0x0], $0xffff;
	_ =	sdelay $0x3  }
0x296: {  	s8 =	sshll.u32 s7, $0x7  }
0x297: {  	s9 =	sand.u32 $0x70, s6;
	s8 =	sand.u32 $0xFFFFFC00, s8;
	v6 =	vsub.s32 v5, v0;
	v5 =	vshll.u32 v5, $0x7  }
0x298: {  	s8 =	sor.u32 s9, s8;
	v7 =	vshll.u32 v6, $0xA;
	v5 =	vand.u32 $0x380, v5  }
0x299: {  	v7 =	vand.u32 $0xFFFFE000, v7;
	v5 =	vor.u32 s8, v5  }
0x29a: {  	vm0 =	vlt.u32 v6, $0x20;
	v5 =	vor.u32 v7, v5  }
0x29b: {  	p0 =	sne.s32 s3, $0x4ECA;
	v5 =	vor.u32 v1, v5  }
.Ltmp22:
0x29c: {  	_ = 	snop;
	(pc) =	sbr.rel @p0 .LBB2_46-.Ltmp22, $2  }
0x29d: {  	_ =	sdelay $0x2  }
0x29e: {  	s7 =	sadd.s32 $0x1, s7;
	s6 =	sadd.s32 $0x10, s6;
	s3 =	sadd.s32 $0x140, s3;
	[tilespmem:v5+s26+$0x0] =	vst.idx.msk vm0, v4  }
0x29f: {  	s3 =	simm.s32 $0xC  }
0x2a0: {  	v5 =	vadd.s32 s3, v2;
	_ =	sdelay $0x4  }
0x2a1: {  	v5 =	vld.idx.msk [tilespmem:v5+s2+$0x0], $0xffff;
	_ =	sdelay $0x3  }
0x2a2: {  	s8 =	simm.s32 $0x0  }
0x2a3: {  	s6 =	sand.u32 $0x70, s0;
	s3 =	sand.u32 $0xFFFFFC00, s8;
	v6 =	vsub.s32 v5, v0;
	v5 =	vshll.u32 v5, $0x7  }
0x2a4: {  	s3 =	sor.u32 s6, s3;
	v7 =	vshll.u32 v6, $0xA;
	v5 =	vand.u32 $0x380, v5  }
0x2a5: {  	v7 =	vand.u32 $0xFFFFE000, v7;
	v5 =	vor.u32 s3, v5  }
0x2a6: {  	vm0 =	vlt.u32 v6, $0x20;
	v5 =	vor.u32 v7, v5  }
0x2a7: {  	s9 =	simm.s32 $0x14C;
	v5 =	vor.u32 v1, v5  }
0x2a8: {  	s6 =	simm.s32 $0x28C;
	v6 =	vadd.s32 s9, v2;
	s3 =	simm.s32 $0x0  }
.LBB2_48:
0x2a9: {  	p0 =	sne.s32 s6, $0x4ECC;
	_ =	sdelay $0x2  }
0x2aa: {  	[tilespmem:v5+s26+$0x0] =	vst.idx.msk vm0, v3  }
0x2ab: {  	v5 =	vld.idx.msk [tilespmem:v6+s2+$0x0], $0xffff;
	_ =	sdelay $0x3  }
0x2ac: {  	s0 =	sadd.s32 $0x1, s0  }
0x2ad: {  	s3 =	sadd.s32 $0x10, s3;
	s7 =	sshll.u32 s0, $0x7  }
0x2ae: {  	s8 =	sand.u32 $0x70, s3;
	s7 =	sand.u32 $0xFFFFFC00, s7;
	v6 =	vsub.s32 v5, v0;
	v5 =	vshll.u32 v5, $0x7  }
.Ltmp23:
0x2af: {  	s7 =	sor.u32 s8, s7;
	v7 =	vshll.u32 v6, $0xA;
	v5 =	vand.u32 $0x380, v5;
	(pc) =	sbr.rel @p0 .LBB2_48-.Ltmp23, $4  }
0x2b0: {  	v7 =	vand.u32 $0xFFFFE000, v7;
	v5 =	vor.u32 s7, v5  }
0x2b1: {  	vm0 =	vlt.u32 v6, $0x20;
	v5 =	vor.u32 v7, v5  }
0x2b2: {  	v5 =	vor.u32 v1, v5  }
0x2b3: {  	v6 =	vadd.s32 s6, v2;
	s6 =	sadd.s32 $0x140, s6  }
0x2b4: {  	_ =	sdelay $0x4  }
0x2b5: {  	[tilespmem:v5+s26+$0x0] =	vst.idx.msk vm0, v3  }
0x2b6: {  	v5 =	vld.idx.msk [tilespmem:v6+s2+$0x0], $0xffff;
	_ =	sdelay $0x2  }
0x2b7: {  	s0 =	sadd.s32 $0x1, s0  }
0x2b8: {  	s3 =	sadd.s32 $0x10, s3;
	s0 =	sshll.u32 s0, $0x7  }
0x2b9: {  	s3 =	sand.u32 $0x70, s3;
	s0 =	sand.u32 $0xFFFFFC00, s0;
	v6 =	vsub.s32 v5, v0;
	v5 =	vshll.u32 v5, $0x7  }
0x2ba: {  	s0 =	sor.u32 s3, s0;
	v7 =	vshll.u32 v6, $0xA;
	v5 =	vand.u32 $0x380, v5  }
0x2bb: {  	v7 =	vand.u32 $0xFFFFE000, v7;
	v5 =	vor.u32 s0, v5  }
0x2bc: {  	vm15 =	vlt.u32 v6, $0x20;
	v5 =	vor.u32 v7, v5  }
0x2bd: {  	v5 =	vor.u32 v1, v5;
	_ =	sdelay $0x4  }
0x2be: {  	s0 =	simm.s32 $0x0;
	[tilespmem:v5+s26+$0x0] =	vst.idx.msk vm15, v3  }
0x2bf: {  	[hbm4b:s20+s0] =	stream.linear.scatter [tilespmem:s26], [sflag:$0x1], $0x8000, $0x38;
	[tilespmem:$0x15000] =	vst v63  }
0x2c0: {  	_ =	swait.ge [sflag:s31], $0x8000  }
0x2c1: {  	s6 =	simm.s32 $0x0;
	[sflag:s31] =	ssyncset.done $0x0  }
0x2c2: {  	s7 =	simm.s32 $0x0;
	s3 =	simm.s32 $0xB;
	[sflag:s31] =	ssyncadd.s32 $0xFFFF8000  }
.LBB2_50:
0x2c3: {  	v5 =	vadd.s32 s3, v2;
	_ =	sdelay $0x4  }
0x2c4: {  	v5 =	vld.idx.msk [tilespmem:v5+s0+$0x0], $0xffff;
	_ =	sdelay $0x1  }
0x2c5: {  	s8 =	sshll.u32 s7, $0x7  }
0x2c6: {  	s8 =	sand.u32 $0xFFFFFC00, s8  }
0x2c7: {  	v6 =	vmov s8  }
0x2c8: {  	v6 =	vadd.s32 $0x8000, v6;
	v7 =	vsub.s32 v5, v0  }
0x2c9: {  	v6 =	vbroadcast v6, $0x0;
	v8 =	vshll.u32 v7, $0xA  }
0x2ca: {  	v5 =	vshll.u32 v5, $0x7;
	v8 =	vand.u32 $0xFFFFE000, v8  }
0x2cb: {  	v5 =	vand.u32 $0x380, v5;
	v6 =	vadd.s32 v6, v8  }
0x2cc: {  	s9 =	sand.u32 $0x70, s6;
	v5 =	vor.u32 v5, v6  }
0x2cd: {  	vm0 =	vlt.u32 v7, $0x20;
	v5 =	vor.u32 s9, v5  }
0x2ce: {  	p0 =	sne.s32 s3, $0x4ECB;
	v5 =	vor.u32 v1, v5  }
.Ltmp24:
0x2cf: {  	_ = 	snop;
	(pc) =	sbr.rel @p0 .LBB2_50-.Ltmp24, $2  }
0x2d0: {  	_ =	sdelay $0x2  }
0x2d1: {  	s7 =	sadd.s32 $0x1, s7;
	s6 =	sadd.s32 $0x10, s6;
	s3 =	sadd.s32 $0x140, s3;
	[tilespmem:v5+s26+$0x0] =	vst.idx.msk vm0, v4  }
0x2d2: {  	s3 =	simm.s32 $0xD  }
0x2d3: {  	v5 =	vadd.s32 s3, v2;
	_ =	sdelay $0x4  }
0x2d4: {  	v5 =	vld.idx.msk [tilespmem:v5+s2+$0x0], $0xffff;
	_ =	sdelay $0x1  }
0x2d5: {  	s8 =	simm.s32 $0x0  }
0x2d6: {  	s3 =	sand.u32 $0xFFFFFC00, s8  }
0x2d7: {  	v6 =	vmov s3  }
0x2d8: {  	v6 =	vadd.s32 $0x8000, v6;
	v7 =	vsub.s32 v5, v0  }
0x2d9: {  	v6 =	vbroadcast v6, $0x0;
	v8 =	vshll.u32 v7, $0xA  }
0x2da: {  	v5 =	vshll.u32 v5, $0x7;
	v8 =	vand.u32 $0xFFFFE000, v8  }
0x2db: {  	v5 =	vand.u32 $0x380, v5;
	v6 =	vadd.s32 v6, v8  }
0x2dc: {  	s9 =	sand.u32 $0x70, s0;
	v5 =	vor.u32 v5, v6  }
0x2dd: {  	vm0 =	vlt.u32 v7, $0x20;
	v5 =	vor.u32 s9, v5  }
0x2de: {  	s6 =	simm.s32 $0x14D;
	v5 =	vor.u32 v1, v5  }
0x2df: {  	s3 =	simm.s32 $0x0;
	v6 =	vadd.s32 s6, v2;
	s6 =	simm.s32 $0x28D  }
.LBB2_52:
0x2e0: {  	p0 =	sne.s32 s6, $0x4ECD;
	_ =	sdelay $0x2  }
0x2e1: {  	[tilespmem:v5+s26+$0x0] =	vst.idx.msk vm0, v3  }
0x2e2: {  	v5 =	vld.idx.msk [tilespmem:v6+s2+$0x0], $0xffff;
	_ =	sdelay $0x1  }
0x2e3: {  	s0 =	sadd.s32 $0x1, s0  }
0x2e4: {  	s7 =	sshll.u32 s0, $0x7  }
0x2e5: {  	s7 =	sand.u32 $0xFFFFFC00, s7  }
0x2e6: {  	v6 =	vmov s7  }
0x2e7: {  	v6 =	vadd.s32 $0x8000, v6;
	v7 =	vsub.s32 v5, v0  }
0x2e8: {  	v6 =	vbroadcast v6, $0x0;
	v8 =	vshll.u32 v7, $0xA  }
0x2e9: {  	v5 =	vshll.u32 v5, $0x7;
	v8 =	vand.u32 $0xFFFFE000, v8  }
.Ltmp25:
0x2ea: {  	s3 =	sadd.s32 $0x10, s3;
	v5 =	vand.u32 $0x380, v5;
	v6 =	vadd.s32 v6, v8;
	(pc) =	sbr.rel @p0 .LBB2_52-.Ltmp25, $4  }
0x2eb: {  	s7 =	sand.u32 $0x70, s3;
	v5 =	vor.u32 v5, v6  }
0x2ec: {  	vm0 =	vlt.u32 v7, $0x20;
	v5 =	vor.u32 s7, v5  }
0x2ed: {  	v5 =	vor.u32 v1, v5  }
0x2ee: {  	v6 =	vadd.s32 s6, v2;
	s6 =	sadd.s32 $0x140, s6  }
0x2ef: {  	_ =	sdelay $0x4  }
0x2f0: {  	[tilespmem:v5+s26+$0x0] =	vst.idx.msk vm0, v3  }
0x2f1: {  	v5 =	vld.idx.msk [tilespmem:v6+s2+$0x0], $0xffff  }
0x2f2: {  	s0 =	sadd.s32 $0x1, s0  }
0x2f3: {  	s0 =	sshll.u32 s0, $0x7  }
0x2f4: {  	s0 =	sand.u32 $0xFFFFFC00, s0  }
0x2f5: {  	v6 =	vmov s0  }
0x2f6: {  	v6 =	vadd.s32 $0x8000, v6;
	v7 =	vsub.s32 v5, v0  }
0x2f7: {  	v6 =	vbroadcast v6, $0x0;
	v8 =	vshll.u32 v7, $0xA  }
0x2f8: {  	v5 =	vshll.u32 v5, $0x7;
	v8 =	vand.u32 $0xFFFFE000, v8  }
0x2f9: {  	s9 =	sadd.s32 $0x10, s3;
	v5 =	vand.u32 $0x380, v5;
	v6 =	vadd.s32 v6, v8  }
0x2fa: {  	s0 =	sand.u32 $0x70, s9;
	v5 =	vor.u32 v5, v6  }
0x2fb: {  	vm15 =	vlt.u32 v7, $0x20;
	v5 =	vor.u32 s0, v5  }
0x2fc: {  	v5 =	vor.u32 v1, v5;
	_ =	sdelay $0x4  }
0x2fd: {  	s0 =	simm.s32 $0x0;
	[tilespmem:v5+s26+$0x0] =	vst.idx.msk vm15, v3  }
0x2fe: {  	[hbm4b:s17+s0] =	stream.linear.scatter [tilespmem:s28], [sflag:$0x2], $0x8000, $0x38;
	[tilespmem:$0x15000] =	vst v63  }
0x2ff: {  	_ =	swait.ge [sflag:s30], $0x8000  }
0x300: {  	s3 =	simm.s32 $0xC;
	[sflag:s30] =	ssyncset.done $0x0  }
0x301: {  	s6 =	simm.s32 $0x0;
	s7 =	simm.s32 $0x0;
	[sflag:s30] =	ssyncadd.s32 $0xFFFF8000  }
.LBB2_54:
0x302: {  	v5 =	vadd.s32 s3, v2;
	_ =	sdelay $0x4  }
0x303: {  	v5 =	vld.idx.msk [tilespmem:v5+s0+$0x0], $0xffff;
	_ =	sdelay $0x3  }
0x304: {  	s8 =	sshll.u32 s7, $0x7  }
0x305: {  	s9 =	sand.u32 $0x70, s6;
	s8 =	sand.u32 $0xFFFFFC00, s8;
	v6 =	vsub.s32 v5, v0;
	v5 =	vshll.u32 v5, $0x7  }
0x306: {  	s8 =	sor.u32 s9, s8;
	v7 =	vshll.u32 v6, $0xA;
	v5 =	vand.u32 $0x380, v5  }
0x307: {  	v7 =	vand.u32 $0xFFFFE000, v7;
	v5 =	vor.u32 s8, v5  }
0x308: {  	vm0 =	vlt.u32 v6, $0x20;
	v5 =	vor.u32 v7, v5  }
0x309: {  	p0 =	sne.s32 s3, $0x4ECC;
	v5 =	vor.u32 v1, v5  }
.Ltmp26:
0x30a: {  	_ = 	snop;
	(pc) =	sbr.rel @p0 .LBB2_54-.Ltmp26, $2  }
0x30b: {  	_ =	sdelay $0x2  }
0x30c: {  	s7 =	sadd.s32 $0x1, s7;
	s6 =	sadd.s32 $0x10, s6;
	s3 =	sadd.s32 $0x140, s3;
	[tilespmem:v5+s26+$0x0] =	vst.idx.msk vm0, v4  }
0x30d: {  	s3 =	simm.s32 $0xE  }
0x30e: {  	v5 =	vadd.s32 s3, v2;
	_ =	sdelay $0x4  }
0x30f: {  	v5 =	vld.idx.msk [tilespmem:v5+s2+$0x0], $0xffff;
	_ =	sdelay $0x3  }
0x310: {  	s8 =	simm.s32 $0x0  }
0x311: {  	s6 =	sand.u32 $0x70, s0;
	s3 =	sand.u32 $0xFFFFFC00, s8;
	v6 =	vsub.s32 v5, v0;
	v5 =	vshll.u32 v5, $0x7  }
0x312: {  	s3 =	sor.u32 s6, s3;
	v7 =	vshll.u32 v6, $0xA;
	v5 =	vand.u32 $0x380, v5  }
0x313: {  	v7 =	vand.u32 $0xFFFFE000, v7;
	v5 =	vor.u32 s3, v5  }
0x314: {  	vm0 =	vlt.u32 v6, $0x20;
	v5 =	vor.u32 v7, v5  }
0x315: {  	s9 =	simm.s32 $0x14E;
	v5 =	vor.u32 v1, v5  }
0x316: {  	s6 =	simm.s32 $0x28E;
	v6 =	vadd.s32 s9, v2;
	s3 =	simm.s32 $0x0  }
.LBB2_56:
0x317: {  	p0 =	sne.s32 s6, $0x4ECE;
	_ =	sdelay $0x2  }
0x318: {  	[tilespmem:v5+s26+$0x0] =	vst.idx.msk vm0, v3  }
0x319: {  	v5 =	vld.idx.msk [tilespmem:v6+s2+$0x0], $0xffff;
	_ =	sdelay $0x3  }
0x31a: {  	s0 =	sadd.s32 $0x1, s0  }
0x31b: {  	s3 =	sadd.s32 $0x10, s3;
	s7 =	sshll.u32 s0, $0x7  }
0x31c: {  	s8 =	sand.u32 $0x70, s3;
	s7 =	sand.u32 $0xFFFFFC00, s7;
	v6 =	vsub.s32 v5, v0;
	v5 =	vshll.u32 v5, $0x7  }
.Ltmp27:
0x31d: {  	s7 =	sor.u32 s8, s7;
	v7 =	vshll.u32 v6, $0xA;
	v5 =	vand.u32 $0x380, v5;
	(pc) =	sbr.rel @p0 .LBB2_56-.Ltmp27, $4  }
0x31e: {  	v7 =	vand.u32 $0xFFFFE000, v7;
	v5 =	vor.u32 s7, v5  }
0x31f: {  	vm0 =	vlt.u32 v6, $0x20;
	v5 =	vor.u32 v7, v5  }
0x320: {  	v5 =	vor.u32 v1, v5  }
0x321: {  	v6 =	vadd.s32 s6, v2;
	s6 =	sadd.s32 $0x140, s6  }
0x322: {  	_ =	sdelay $0x4  }
0x323: {  	[tilespmem:v5+s26+$0x0] =	vst.idx.msk vm0, v3  }
0x324: {  	v5 =	vld.idx.msk [tilespmem:v6+s2+$0x0], $0xffff;
	_ =	sdelay $0x2  }
0x325: {  	s0 =	sadd.s32 $0x1, s0  }
0x326: {  	s3 =	sadd.s32 $0x10, s3;
	s0 =	sshll.u32 s0, $0x7  }
0x327: {  	s3 =	sand.u32 $0x70, s3;
	s0 =	sand.u32 $0xFFFFFC00, s0;
	v6 =	vsub.s32 v5, v0;
	v5 =	vshll.u32 v5, $0x7  }
0x328: {  	s0 =	sor.u32 s3, s0;
	v7 =	vshll.u32 v6, $0xA;
	v5 =	vand.u32 $0x380, v5  }
0x329: {  	v7 =	vand.u32 $0xFFFFE000, v7;
	v5 =	vor.u32 s0, v5  }
0x32a: {  	vm15 =	vlt.u32 v6, $0x20;
	v5 =	vor.u32 v7, v5  }
0x32b: {  	v5 =	vor.u32 v1, v5;
	_ =	sdelay $0x4  }
0x32c: {  	s0 =	simm.s32 $0x0;
	[tilespmem:v5+s26+$0x0] =	vst.idx.msk vm15, v3  }
0x32d: {  	[hbm4b:s18+s0] =	stream.linear.scatter [tilespmem:s26], [sflag:$0x1], $0x8000, $0x38;
	[tilespmem:$0x15000] =	vst v63  }
0x32e: {  	_ =	swait.ge [sflag:s31], $0x8000  }
0x32f: {  	s6 =	simm.s32 $0x0;
	[sflag:s31] =	ssyncset.done $0x0  }
0x330: {  	s7 =	simm.s32 $0x0;
	s3 =	simm.s32 $0xD;
	[sflag:s31] =	ssyncadd.s32 $0xFFFF8000  }
.LBB2_58:
0x331: {  	v5 =	vadd.s32 s3, v2;
	_ =	sdelay $0x4  }
0x332: {  	v5 =	vld.idx.msk [tilespmem:v5+s0+$0x0], $0xffff;
	_ =	sdelay $0x1  }
0x333: {  	s8 =	sshll.u32 s7, $0x7  }
0x334: {  	s8 =	sand.u32 $0xFFFFFC00, s8  }
0x335: {  	v6 =	vmov s8  }
0x336: {  	v6 =	vadd.s32 $0x8000, v6;
	v7 =	vsub.s32 v5, v0  }
0x337: {  	v6 =	vbroadcast v6, $0x0;
	v8 =	vshll.u32 v7, $0xA  }
0x338: {  	v5 =	vshll.u32 v5, $0x7;
	v8 =	vand.u32 $0xFFFFE000, v8  }
0x339: {  	v5 =	vand.u32 $0x380, v5;
	v6 =	vadd.s32 v6, v8  }
0x33a: {  	s9 =	sand.u32 $0x70, s6;
	v5 =	vor.u32 v5, v6  }
0x33b: {  	vm0 =	vlt.u32 v7, $0x20;
	v5 =	vor.u32 s9, v5  }
0x33c: {  	p0 =	sne.s32 s3, $0x4ECD;
	v5 =	vor.u32 v1, v5  }
.Ltmp28:
0x33d: {  	_ = 	snop;
	(pc) =	sbr.rel @p0 .LBB2_58-.Ltmp28, $2  }
0x33e: {  	_ =	sdelay $0x2  }
0x33f: {  	s7 =	sadd.s32 $0x1, s7;
	s6 =	sadd.s32 $0x10, s6;
	s3 =	sadd.s32 $0x140, s3;
	[tilespmem:v5+s26+$0x0] =	vst.idx.msk vm0, v4  }
0x340: {  	s3 =	simm.s32 $0xF  }
0x341: {  	v5 =	vadd.s32 s3, v2;
	_ =	sdelay $0x4  }
0x342: {  	v5 =	vld.idx.msk [tilespmem:v5+s2+$0x0], $0xffff;
	_ =	sdelay $0x1  }
0x343: {  	s8 =	simm.s32 $0x0  }
0x344: {  	s3 =	sand.u32 $0xFFFFFC00, s8  }
0x345: {  	v6 =	vmov s3  }
0x346: {  	v6 =	vadd.s32 $0x8000, v6;
	v7 =	vsub.s32 v5, v0  }
0x347: {  	v6 =	vbroadcast v6, $0x0;
	v8 =	vshll.u32 v7, $0xA  }
0x348: {  	v5 =	vshll.u32 v5, $0x7;
	v8 =	vand.u32 $0xFFFFE000, v8  }
0x349: {  	v5 =	vand.u32 $0x380, v5;
	v6 =	vadd.s32 v6, v8  }
0x34a: {  	s9 =	sand.u32 $0x70, s0;
	v5 =	vor.u32 v5, v6  }
0x34b: {  	vm0 =	vlt.u32 v7, $0x20;
	v5 =	vor.u32 s9, v5  }
0x34c: {  	s6 =	simm.s32 $0x14F;
	v5 =	vor.u32 v1, v5  }
0x34d: {  	s3 =	simm.s32 $0x0;
	v6 =	vadd.s32 s6, v2;
	s6 =	simm.s32 $0x28F  }
.LBB2_60:
0x34e: {  	p0 =	sne.s32 s6, $0x4ECF;
	_ =	sdelay $0x2  }
0x34f: {  	[tilespmem:v5+s26+$0x0] =	vst.idx.msk vm0, v3  }
0x350: {  	v5 =	vld.idx.msk [tilespmem:v6+s2+$0x0], $0xffff;
	_ =	sdelay $0x1  }
0x351: {  	s0 =	sadd.s32 $0x1, s0  }
0x352: {  	s7 =	sshll.u32 s0, $0x7  }
0x353: {  	s7 =	sand.u32 $0xFFFFFC00, s7  }
0x354: {  	v6 =	vmov s7  }
0x355: {  	v6 =	vadd.s32 $0x8000, v6;
	v7 =	vsub.s32 v5, v0  }
0x356: {  	v6 =	vbroadcast v6, $0x0;
	v8 =	vshll.u32 v7, $0xA  }
0x357: {  	v5 =	vshll.u32 v5, $0x7;
	v8 =	vand.u32 $0xFFFFE000, v8  }
.Ltmp29:
0x358: {  	s3 =	sadd.s32 $0x10, s3;
	v5 =	vand.u32 $0x380, v5;
	v6 =	vadd.s32 v6, v8;
	(pc) =	sbr.rel @p0 .LBB2_60-.Ltmp29, $4  }
0x359: {  	s7 =	sand.u32 $0x70, s3;
	v5 =	vor.u32 v5, v6  }
0x35a: {  	vm0 =	vlt.u32 v7, $0x20;
	v5 =	vor.u32 s7, v5  }
0x35b: {  	v5 =	vor.u32 v1, v5  }
0x35c: {  	v6 =	vadd.s32 s6, v2;
	s6 =	sadd.s32 $0x140, s6  }
0x35d: {  	_ =	sdelay $0x4  }
0x35e: {  	[tilespmem:v5+s26+$0x0] =	vst.idx.msk vm0, v3  }
0x35f: {  	v5 =	vld.idx.msk [tilespmem:v6+s2+$0x0], $0xffff  }
0x360: {  	s0 =	sadd.s32 $0x1, s0  }
0x361: {  	s0 =	sshll.u32 s0, $0x7  }
0x362: {  	s0 =	sand.u32 $0xFFFFFC00, s0  }
0x363: {  	v6 =	vmov s0  }
0x364: {  	v6 =	vadd.s32 $0x8000, v6;
	v7 =	vsub.s32 v5, v0  }
0x365: {  	v6 =	vbroadcast v6, $0x0;
	v8 =	vshll.u32 v7, $0xA  }
0x366: {  	v5 =	vshll.u32 v5, $0x7;
	v8 =	vand.u32 $0xFFFFE000, v8  }
0x367: {  	s9 =	sadd.s32 $0x10, s3;
	v5 =	vand.u32 $0x380, v5;
	v6 =	vadd.s32 v6, v8  }
0x368: {  	s0 =	sand.u32 $0x70, s9;
	v5 =	vor.u32 v5, v6  }
0x369: {  	vm15 =	vlt.u32 v7, $0x20;
	v5 =	vor.u32 s0, v5  }
0x36a: {  	v5 =	vor.u32 v1, v5;
	_ =	sdelay $0x4  }
0x36b: {  	s0 =	simm.s32 $0x0;
	[tilespmem:v5+s26+$0x0] =	vst.idx.msk vm15, v3  }
0x36c: {  	[hbm4b:s19+s0] =	stream.linear.scatter [tilespmem:s28], [sflag:$0x2], $0x8000, $0x38;
	[tilespmem:$0x15000] =	vst v63  }
0x36d: {  	_ =	swait.ge [sflag:s30], $0x8000  }
0x36e: {  	s3 =	simm.s32 $0xE;
	[sflag:s30] =	ssyncset.done $0x0  }
0x36f: {  	s6 =	simm.s32 $0x0;
	s7 =	simm.s32 $0x0;
	[sflag:s30] =	ssyncadd.s32 $0xFFFF8000  }
.LBB2_62:
0x370: {  	v5 =	vadd.s32 s3, v2;
	_ =	sdelay $0x4  }
0x371: {  	v5 =	vld.idx.msk [tilespmem:v5+s0+$0x0], $0xffff;
	_ =	sdelay $0x3  }
0x372: {  	s8 =	sshll.u32 s7, $0x7  }
0x373: {  	s9 =	sand.u32 $0x70, s6;
	s8 =	sand.u32 $0xFFFFFC00, s8;
	v6 =	vsub.s32 v5, v0;
	v5 =	vshll.u32 v5, $0x7  }
0x374: {  	s8 =	sor.u32 s9, s8;
	v7 =	vshll.u32 v6, $0xA;
	v5 =	vand.u32 $0x380, v5  }
0x375: {  	v7 =	vand.u32 $0xFFFFE000, v7;
	v5 =	vor.u32 s8, v5  }
0x376: {  	vm0 =	vlt.u32 v6, $0x20;
	v5 =	vor.u32 v7, v5  }
0x377: {  	p0 =	sne.s32 s3, $0x4ECE;
	v5 =	vor.u32 v1, v5  }
.Ltmp30:
0x378: {  	_ = 	snop;
	(pc) =	sbr.rel @p0 .LBB2_62-.Ltmp30, $2  }
0x379: {  	_ =	sdelay $0x2  }
0x37a: {  	s7 =	sadd.s32 $0x1, s7;
	s6 =	sadd.s32 $0x10, s6;
	s3 =	sadd.s32 $0x140, s3;
	[tilespmem:v5+s26+$0x0] =	vst.idx.msk vm0, v4  }
0x37b: {  	s3 =	simm.s32 $0x10  }
0x37c: {  	v5 =	vadd.s32 s3, v2;
	_ =	sdelay $0x4  }
0x37d: {  	v5 =	vld.idx.msk [tilespmem:v5+s2+$0x0], $0xffff;
	_ =	sdelay $0x3  }
0x37e: {  	s8 =	simm.s32 $0x0  }
0x37f: {  	s6 =	sand.u32 $0x70, s0;
	s3 =	sand.u32 $0xFFFFFC00, s8;
	v6 =	vsub.s32 v5, v0;
	v5 =	vshll.u32 v5, $0x7  }
0x380: {  	s3 =	sor.u32 s6, s3;
	v7 =	vshll.u32 v6, $0xA;
	v5 =	vand.u32 $0x380, v5  }
0x381: {  	v7 =	vand.u32 $0xFFFFE000, v7;
	v5 =	vor.u32 s3, v5  }
0x382: {  	vm0 =	vlt.u32 v6, $0x20;
	v5 =	vor.u32 v7, v5  }
0x383: {  	s9 =	simm.s32 $0x150;
	v5 =	vor.u32 v1, v5  }
0x384: {  	s6 =	simm.s32 $0x290;
	v6 =	vadd.s32 s9, v2;
	s3 =	simm.s32 $0x0  }
.LBB2_64:
0x385: {  	p0 =	sne.s32 s6, $0x4ED0;
	_ =	sdelay $0x2  }
0x386: {  	[tilespmem:v5+s26+$0x0] =	vst.idx.msk vm0, v3  }
0x387: {  	v5 =	vld.idx.msk [tilespmem:v6+s2+$0x0], $0xffff;
	_ =	sdelay $0x3  }
0x388: {  	s0 =	sadd.s32 $0x1, s0  }
0x389: {  	s3 =	sadd.s32 $0x10, s3;
	s7 =	sshll.u32 s0, $0x7  }
0x38a: {  	s8 =	sand.u32 $0x70, s3;
	s7 =	sand.u32 $0xFFFFFC00, s7;
	v6 =	vsub.s32 v5, v0;
	v5 =	vshll.u32 v5, $0x7  }
.Ltmp31:
0x38b: {  	s7 =	sor.u32 s8, s7;
	v7 =	vshll.u32 v6, $0xA;
	v5 =	vand.u32 $0x380, v5;
	(pc) =	sbr.rel @p0 .LBB2_64-.Ltmp31, $4  }
0x38c: {  	v7 =	vand.u32 $0xFFFFE000, v7;
	v5 =	vor.u32 s7, v5  }
0x38d: {  	vm0 =	vlt.u32 v6, $0x20;
	v5 =	vor.u32 v7, v5  }
0x38e: {  	v5 =	vor.u32 v1, v5  }
0x38f: {  	v6 =	vadd.s32 s6, v2;
	s6 =	sadd.s32 $0x140, s6  }
0x390: {  	_ =	sdelay $0x4  }
0x391: {  	[tilespmem:v5+s26+$0x0] =	vst.idx.msk vm0, v3  }
0x392: {  	v5 =	vld.idx.msk [tilespmem:v6+s2+$0x0], $0xffff;
	_ =	sdelay $0x2  }
0x393: {  	s0 =	sadd.s32 $0x1, s0  }
0x394: {  	s3 =	sadd.s32 $0x10, s3;
	s0 =	sshll.u32 s0, $0x7  }
0x395: {  	s3 =	sand.u32 $0x70, s3;
	s0 =	sand.u32 $0xFFFFFC00, s0;
	v6 =	vsub.s32 v5, v0;
	v5 =	vshll.u32 v5, $0x7  }
0x396: {  	s0 =	sor.u32 s3, s0;
	v7 =	vshll.u32 v6, $0xA;
	v5 =	vand.u32 $0x380, v5  }
0x397: {  	v7 =	vand.u32 $0xFFFFE000, v7;
	v5 =	vor.u32 s0, v5  }
0x398: {  	vm15 =	vlt.u32 v6, $0x20;
	v5 =	vor.u32 v7, v5  }
0x399: {  	v5 =	vor.u32 v1, v5;
	_ =	sdelay $0x4  }
0x39a: {  	s0 =	simm.s32 $0x0;
	[tilespmem:v5+s26+$0x0] =	vst.idx.msk vm15, v3  }
0x39b: {  	[hbm4b:s21+s0] =	stream.linear.scatter [tilespmem:s26], [sflag:$0x1], $0x8000, $0x38;
	[tilespmem:$0x15000] =	vst v63  }
0x39c: {  	_ =	swait.ge [sflag:s31], $0x8000  }
0x39d: {  	s6 =	simm.s32 $0x0;
	[sflag:s31] =	ssyncset.done $0x0  }
0x39e: {  	s7 =	simm.s32 $0x0;
	s3 =	simm.s32 $0xF;
	[sflag:s31] =	ssyncadd.s32 $0xFFFF8000  }
.LBB2_66:
0x39f: {  	v5 =	vadd.s32 s3, v2;
	_ =	sdelay $0x4  }
0x3a0: {  	v5 =	vld.idx.msk [tilespmem:v5+s0+$0x0], $0xffff;
	_ =	sdelay $0x1  }
0x3a1: {  	s8 =	sshll.u32 s7, $0x7  }
0x3a2: {  	s8 =	sand.u32 $0xFFFFFC00, s8  }
0x3a3: {  	v6 =	vmov s8  }
0x3a4: {  	v6 =	vadd.s32 $0x8000, v6;
	v7 =	vsub.s32 v5, v0  }
0x3a5: {  	v6 =	vbroadcast v6, $0x0;
	v8 =	vshll.u32 v7, $0xA  }
0x3a6: {  	v5 =	vshll.u32 v5, $0x7;
	v8 =	vand.u32 $0xFFFFE000, v8  }
0x3a7: {  	v5 =	vand.u32 $0x380, v5;
	v6 =	vadd.s32 v6, v8  }
0x3a8: {  	s9 =	sand.u32 $0x70, s6;
	v5 =	vor.u32 v5, v6  }
0x3a9: {  	vm0 =	vlt.u32 v7, $0x20;
	v5 =	vor.u32 s9, v5  }
0x3aa: {  	p0 =	sne.s32 s3, $0x4ECF;
	v5 =	vor.u32 v1, v5  }
.Ltmp32:
0x3ab: {  	_ = 	snop;
	(pc) =	sbr.rel @p0 .LBB2_66-.Ltmp32, $2  }
0x3ac: {  	_ =	sdelay $0x2  }
0x3ad: {  	s7 =	sadd.s32 $0x1, s7;
	s6 =	sadd.s32 $0x10, s6;
	s3 =	sadd.s32 $0x140, s3;
	[tilespmem:v5+s26+$0x0] =	vst.idx.msk vm0, v4  }
0x3ae: {  	s3 =	simm.s32 $0x11  }
0x3af: {  	v5 =	vadd.s32 s3, v2;
	_ =	sdelay $0x4  }
0x3b0: {  	v5 =	vld.idx.msk [tilespmem:v5+s2+$0x0], $0xffff;
	_ =	sdelay $0x1  }
0x3b1: {  	s8 =	simm.s32 $0x0  }
0x3b2: {  	s3 =	sand.u32 $0xFFFFFC00, s8  }
0x3b3: {  	v6 =	vmov s3  }
0x3b4: {  	v6 =	vadd.s32 $0x8000, v6;
	v7 =	vsub.s32 v5, v0  }
0x3b5: {  	v6 =	vbroadcast v6, $0x0;
	v8 =	vshll.u32 v7, $0xA  }
0x3b6: {  	v5 =	vshll.u32 v5, $0x7;
	v8 =	vand.u32 $0xFFFFE000, v8  }
0x3b7: {  	v5 =	vand.u32 $0x380, v5;
	v6 =	vadd.s32 v6, v8  }
0x3b8: {  	s9 =	sand.u32 $0x70, s0;
	v5 =	vor.u32 v5, v6  }
0x3b9: {  	vm0 =	vlt.u32 v7, $0x20;
	v5 =	vor.u32 s9, v5  }
0x3ba: {  	s6 =	simm.s32 $0x151;
	v5 =	vor.u32 v1, v5  }
0x3bb: {  	s3 =	simm.s32 $0x0;
	v6 =	vadd.s32 s6, v2;
	s6 =	simm.s32 $0x291  }
.LBB2_68:
0x3bc: {  	p0 =	sne.s32 s6, $0x4ED1;
	_ =	sdelay $0x2  }
0x3bd: {  	[tilespmem:v5+s26+$0x0] =	vst.idx.msk vm0, v3  }
0x3be: {  	v5 =	vld.idx.msk [tilespmem:v6+s2+$0x0], $0xffff;
	_ =	sdelay $0x1  }
0x3bf: {  	s0 =	sadd.s32 $0x1, s0  }
0x3c0: {  	s7 =	sshll.u32 s0, $0x7  }
0x3c1: {  	s7 =	sand.u32 $0xFFFFFC00, s7  }
0x3c2: {  	v6 =	vmov s7  }
0x3c3: {  	v6 =	vadd.s32 $0x8000, v6;
	v7 =	vsub.s32 v5, v0  }
0x3c4: {  	v6 =	vbroadcast v6, $0x0;
	v8 =	vshll.u32 v7, $0xA  }
0x3c5: {  	v5 =	vshll.u32 v5, $0x7;
	v8 =	vand.u32 $0xFFFFE000, v8  }
.Ltmp33:
0x3c6: {  	s3 =	sadd.s32 $0x10, s3;
	v5 =	vand.u32 $0x380, v5;
	v6 =	vadd.s32 v6, v8;
	(pc) =	sbr.rel @p0 .LBB2_68-.Ltmp33, $4  }
0x3c7: {  	s7 =	sand.u32 $0x70, s3;
	v5 =	vor.u32 v5, v6  }
0x3c8: {  	vm0 =	vlt.u32 v7, $0x20;
	v5 =	vor.u32 s7, v5  }
0x3c9: {  	v5 =	vor.u32 v1, v5  }
0x3ca: {  	v6 =	vadd.s32 s6, v2;
	s6 =	sadd.s32 $0x140, s6  }
0x3cb: {  	_ =	sdelay $0x4  }
0x3cc: {  	[tilespmem:v5+s26+$0x0] =	vst.idx.msk vm0, v3  }
0x3cd: {  	v5 =	vld.idx.msk [tilespmem:v6+s2+$0x0], $0xffff  }
0x3ce: {  	s0 =	sadd.s32 $0x1, s0  }
0x3cf: {  	s0 =	sshll.u32 s0, $0x7  }
0x3d0: {  	s0 =	sand.u32 $0xFFFFFC00, s0  }
0x3d1: {  	v6 =	vmov s0  }
0x3d2: {  	v6 =	vadd.s32 $0x8000, v6;
	v7 =	vsub.s32 v5, v0  }
0x3d3: {  	v6 =	vbroadcast v6, $0x0;
	v8 =	vshll.u32 v7, $0xA  }
0x3d4: {  	v5 =	vshll.u32 v5, $0x7;
	v8 =	vand.u32 $0xFFFFE000, v8  }
0x3d5: {  	s9 =	sadd.s32 $0x10, s3;
	v5 =	vand.u32 $0x380, v5;
	v6 =	vadd.s32 v6, v8  }
0x3d6: {  	s0 =	sand.u32 $0x70, s9;
	v5 =	vor.u32 v5, v6  }
0x3d7: {  	vm15 =	vlt.u32 v7, $0x20;
	v5 =	vor.u32 s0, v5  }
0x3d8: {  	v5 =	vor.u32 v1, v5;
	_ =	sdelay $0x4  }
0x3d9: {  	s0 =	simm.s32 $0x0;
	[tilespmem:v5+s26+$0x0] =	vst.idx.msk vm15, v3  }
0x3da: {  	[hbm4b:s22+s0] =	stream.linear.scatter [tilespmem:s28], [sflag:$0x2], $0x8000, $0x38;
	[tilespmem:$0x15000] =	vst v63  }
0x3db: {  	_ =	swait.ge [sflag:s30], $0x8000  }
0x3dc: {  	s3 =	simm.s32 $0x10;
	[sflag:s30] =	ssyncset.done $0x0  }
0x3dd: {  	s6 =	simm.s32 $0x0;
	s7 =	simm.s32 $0x0;
	[sflag:s30] =	ssyncadd.s32 $0xFFFF8000  }
.LBB2_70:
0x3de: {  	v5 =	vadd.s32 s3, v2;
	_ =	sdelay $0x4  }
0x3df: {  	v5 =	vld.idx.msk [tilespmem:v5+s0+$0x0], $0xffff;
	_ =	sdelay $0x3  }
0x3e0: {  	s8 =	sshll.u32 s7, $0x7  }
0x3e1: {  	s9 =	sand.u32 $0x70, s6;
	s8 =	sand.u32 $0xFFFFFC00, s8;
	v6 =	vsub.s32 v5, v0;
	v5 =	vshll.u32 v5, $0x7  }
0x3e2: {  	s8 =	sor.u32 s9, s8;
	v7 =	vshll.u32 v6, $0xA;
	v5 =	vand.u32 $0x380, v5  }
0x3e3: {  	v7 =	vand.u32 $0xFFFFE000, v7;
	v5 =	vor.u32 s8, v5  }
0x3e4: {  	vm0 =	vlt.u32 v6, $0x20;
	v5 =	vor.u32 v7, v5  }
0x3e5: {  	p0 =	sne.s32 s3, $0x4ED0;
	v5 =	vor.u32 v1, v5  }
.Ltmp34:
0x3e6: {  	_ = 	snop;
	(pc) =	sbr.rel @p0 .LBB2_70-.Ltmp34, $2  }
0x3e7: {  	_ =	sdelay $0x2  }
0x3e8: {  	s7 =	sadd.s32 $0x1, s7;
	s6 =	sadd.s32 $0x10, s6;
	s3 =	sadd.s32 $0x140, s3;
	[tilespmem:v5+s26+$0x0] =	vst.idx.msk vm0, v4  }
0x3e9: {  	s3 =	simm.s32 $0x12  }
0x3ea: {  	v5 =	vadd.s32 s3, v2;
	_ =	sdelay $0x4  }
0x3eb: {  	v5 =	vld.idx.msk [tilespmem:v5+s2+$0x0], $0xffff;
	_ =	sdelay $0x3  }
0x3ec: {  	s8 =	simm.s32 $0x0  }
0x3ed: {  	s6 =	sand.u32 $0x70, s0;
	s3 =	sand.u32 $0xFFFFFC00, s8;
	v6 =	vsub.s32 v5, v0;
	v5 =	vshll.u32 v5, $0x7  }
0x3ee: {  	s3 =	sor.u32 s6, s3;
	v7 =	vshll.u32 v6, $0xA;
	v5 =	vand.u32 $0x380, v5  }
0x3ef: {  	v7 =	vand.u32 $0xFFFFE000, v7;
	v5 =	vor.u32 s3, v5  }
0x3f0: {  	vm0 =	vlt.u32 v6, $0x20;
	v5 =	vor.u32 v7, v5  }
0x3f1: {  	s9 =	simm.s32 $0x152;
	v5 =	vor.u32 v1, v5  }
0x3f2: {  	s6 =	simm.s32 $0x292;
	v6 =	vadd.s32 s9, v2;
	s3 =	simm.s32 $0x0  }
.LBB2_72:
0x3f3: {  	p0 =	sne.s32 s6, $0x4ED2;
	_ =	sdelay $0x2  }
0x3f4: {  	[tilespmem:v5+s26+$0x0] =	vst.idx.msk vm0, v3  }
0x3f5: {  	v5 =	vld.idx.msk [tilespmem:v6+s2+$0x0], $0xffff;
	_ =	sdelay $0x3  }
0x3f6: {  	s0 =	sadd.s32 $0x1, s0  }
0x3f7: {  	s3 =	sadd.s32 $0x10, s3;
	s7 =	sshll.u32 s0, $0x7  }
0x3f8: {  	s8 =	sand.u32 $0x70, s3;
	s7 =	sand.u32 $0xFFFFFC00, s7;
	v6 =	vsub.s32 v5, v0;
	v5 =	vshll.u32 v5, $0x7  }
.Ltmp35:
0x3f9: {  	s7 =	sor.u32 s8, s7;
	v7 =	vshll.u32 v6, $0xA;
	v5 =	vand.u32 $0x380, v5;
	(pc) =	sbr.rel @p0 .LBB2_72-.Ltmp35, $4  }
0x3fa: {  	v7 =	vand.u32 $0xFFFFE000, v7;
	v5 =	vor.u32 s7, v5  }
0x3fb: {  	vm0 =	vlt.u32 v6, $0x20;
	v5 =	vor.u32 v7, v5  }
0x3fc: {  	v5 =	vor.u32 v1, v5  }
0x3fd: {  	v6 =	vadd.s32 s6, v2;
	s6 =	sadd.s32 $0x140, s6  }
0x3fe: {  	_ =	sdelay $0x4  }
0x3ff: {  	[tilespmem:v5+s26+$0x0] =	vst.idx.msk vm0, v3  }
0x400: {  	v5 =	vld.idx.msk [tilespmem:v6+s2+$0x0], $0xffff;
	_ =	sdelay $0x2  }
0x401: {  	s0 =	sadd.s32 $0x1, s0  }
0x402: {  	s3 =	sadd.s32 $0x10, s3;
	s0 =	sshll.u32 s0, $0x7  }
0x403: {  	s3 =	sand.u32 $0x70, s3;
	s0 =	sand.u32 $0xFFFFFC00, s0;
	v6 =	vsub.s32 v5, v0;
	v5 =	vshll.u32 v5, $0x7  }
0x404: {  	s0 =	sor.u32 s3, s0;
	v7 =	vshll.u32 v6, $0xA;
	v5 =	vand.u32 $0x380, v5  }
0x405: {  	v7 =	vand.u32 $0xFFFFE000, v7;
	v5 =	vor.u32 s0, v5  }
0x406: {  	vm15 =	vlt.u32 v6, $0x20;
	v5 =	vor.u32 v7, v5  }
0x407: {  	v5 =	vor.u32 v1, v5;
	_ =	sdelay $0x4  }
0x408: {  	s0 =	simm.s32 $0x0;
	[tilespmem:v5+s26+$0x0] =	vst.idx.msk vm15, v3  }
0x409: {  	[hbm4b:s23+s0] =	stream.linear.scatter [tilespmem:s26], [sflag:$0x1], $0x8000, $0x38;
	[tilespmem:$0x15000] =	vst v63  }
0x40a: {  	_ =	swait.ge [sflag:s31], $0x8000  }
0x40b: {  	s6 =	simm.s32 $0x0;
	[sflag:s31] =	ssyncset.done $0x0  }
0x40c: {  	s7 =	simm.s32 $0x0;
	s3 =	simm.s32 $0x11;
	[sflag:s31] =	ssyncadd.s32 $0xFFFF8000  }
.LBB2_74:
0x40d: {  	v5 =	vadd.s32 s3, v2;
	_ =	sdelay $0x4  }
0x40e: {  	v5 =	vld.idx.msk [tilespmem:v5+s0+$0x0], $0xffff;
	_ =	sdelay $0x1  }
0x40f: {  	s8 =	sshll.u32 s7, $0x7  }
0x410: {  	s8 =	sand.u32 $0xFFFFFC00, s8  }
0x411: {  	v6 =	vmov s8  }
0x412: {  	v6 =	vadd.s32 $0x8000, v6;
	v7 =	vsub.s32 v5, v0  }
0x413: {  	v6 =	vbroadcast v6, $0x0;
	v8 =	vshll.u32 v7, $0xA  }
0x414: {  	v5 =	vshll.u32 v5, $0x7;
	v8 =	vand.u32 $0xFFFFE000, v8  }
0x415: {  	v5 =	vand.u32 $0x380, v5;
	v6 =	vadd.s32 v6, v8  }
0x416: {  	s9 =	sand.u32 $0x70, s6;
	v5 =	vor.u32 v5, v6  }
0x417: {  	vm0 =	vlt.u32 v7, $0x20;
	v5 =	vor.u32 s9, v5  }
0x418: {  	p0 =	sne.s32 s3, $0x4ED1;
	v5 =	vor.u32 v1, v5  }
.Ltmp36:
0x419: {  	_ = 	snop;
	(pc) =	sbr.rel @p0 .LBB2_74-.Ltmp36, $2  }
0x41a: {  	_ =	sdelay $0x2  }
0x41b: {  	s7 =	sadd.s32 $0x1, s7;
	s6 =	sadd.s32 $0x10, s6;
	s3 =	sadd.s32 $0x140, s3;
	[tilespmem:v5+s26+$0x0] =	vst.idx.msk vm0, v4  }
0x41c: {  	s3 =	simm.s32 $0x13  }
0x41d: {  	v5 =	vadd.s32 s3, v2;
	_ =	sdelay $0x4  }
0x41e: {  	v5 =	vld.idx.msk [tilespmem:v5+s2+$0x0], $0xffff;
	_ =	sdelay $0x1  }
0x41f: {  	s8 =	simm.s32 $0x0  }
0x420: {  	s3 =	sand.u32 $0xFFFFFC00, s8  }
0x421: {  	v6 =	vmov s3  }
0x422: {  	v6 =	vadd.s32 $0x8000, v6;
	v7 =	vsub.s32 v5, v0  }
0x423: {  	v6 =	vbroadcast v6, $0x0;
	v8 =	vshll.u32 v7, $0xA  }
0x424: {  	v5 =	vshll.u32 v5, $0x7;
	v8 =	vand.u32 $0xFFFFE000, v8  }
0x425: {  	v5 =	vand.u32 $0x380, v5;
	v6 =	vadd.s32 v6, v8  }
0x426: {  	s9 =	sand.u32 $0x70, s0;
	v5 =	vor.u32 v5, v6  }
0x427: {  	vm0 =	vlt.u32 v7, $0x20;
	v5 =	vor.u32 s9, v5  }
0x428: {  	s6 =	simm.s32 $0x153;
	v5 =	vor.u32 v1, v5  }
0x429: {  	s3 =	simm.s32 $0x0;
	v6 =	vadd.s32 s6, v2;
	s6 =	simm.s32 $0x293  }
.LBB2_76:
0x42a: {  	p0 =	sne.s32 s6, $0x4ED3;
	_ =	sdelay $0x2  }
0x42b: {  	[tilespmem:v5+s26+$0x0] =	vst.idx.msk vm0, v3  }
0x42c: {  	v5 =	vld.idx.msk [tilespmem:v6+s2+$0x0], $0xffff;
	_ =	sdelay $0x1  }
0x42d: {  	s0 =	sadd.s32 $0x1, s0  }
0x42e: {  	s7 =	sshll.u32 s0, $0x7  }
0x42f: {  	s7 =	sand.u32 $0xFFFFFC00, s7  }
0x430: {  	v6 =	vmov s7  }
0x431: {  	v6 =	vadd.s32 $0x8000, v6;
	v7 =	vsub.s32 v5, v0  }
0x432: {  	v6 =	vbroadcast v6, $0x0;
	v8 =	vshll.u32 v7, $0xA  }
0x433: {  	v5 =	vshll.u32 v5, $0x7;
	v8 =	vand.u32 $0xFFFFE000, v8  }
.Ltmp37:
0x434: {  	s3 =	sadd.s32 $0x10, s3;
	v5 =	vand.u32 $0x380, v5;
	v6 =	vadd.s32 v6, v8;
	(pc) =	sbr.rel @p0 .LBB2_76-.Ltmp37, $4  }
0x435: {  	s7 =	sand.u32 $0x70, s3;
	v5 =	vor.u32 v5, v6  }
0x436: {  	vm0 =	vlt.u32 v7, $0x20;
	v5 =	vor.u32 s7, v5  }
0x437: {  	v5 =	vor.u32 v1, v5  }
0x438: {  	v6 =	vadd.s32 s6, v2;
	s6 =	sadd.s32 $0x140, s6  }
0x439: {  	_ =	sdelay $0x4  }
0x43a: {  	[tilespmem:v5+s26+$0x0] =	vst.idx.msk vm0, v3  }
0x43b: {  	v5 =	vld.idx.msk [tilespmem:v6+s2+$0x0], $0xffff  }
0x43c: {  	s0 =	sadd.s32 $0x1, s0  }
0x43d: {  	s0 =	sshll.u32 s0, $0x7  }
0x43e: {  	s0 =	sand.u32 $0xFFFFFC00, s0  }
0x43f: {  	v6 =	vmov s0  }
0x440: {  	v6 =	vadd.s32 $0x8000, v6;
	v7 =	vsub.s32 v5, v0  }
0x441: {  	v6 =	vbroadcast v6, $0x0;
	v8 =	vshll.u32 v7, $0xA  }
0x442: {  	v5 =	vshll.u32 v5, $0x7;
	v8 =	vand.u32 $0xFFFFE000, v8  }
0x443: {  	s9 =	sadd.s32 $0x10, s3;
	v5 =	vand.u32 $0x380, v5;
	v6 =	vadd.s32 v6, v8  }
0x444: {  	s0 =	sand.u32 $0x70, s9;
	v5 =	vor.u32 v5, v6  }
0x445: {  	vm15 =	vlt.u32 v7, $0x20;
	v5 =	vor.u32 s0, v5  }
0x446: {  	v5 =	vor.u32 v1, v5;
	_ =	sdelay $0x4  }
0x447: {  	s1 =	sadd.s32 $0x1, s1;
	[tilespmem:v5+s26+$0x0] =	vst.idx.msk vm15, v3  }
0x448: {  	[hbm4b:s25+s2] =	stream.linear.scatter [tilespmem:s28], [sflag:$0x2], $0x8000, $0x38;
	[tilespmem:$0x15000] =	vst v63  }
0x449: {  	p0 =	sne.s32 s1, s24;
	_ =	swait.ge [sflag:s30], $0x8000  }
.Ltmp38:
0x44a: {  	[sflag:s30] =	ssyncset.done $0x0;
	(pc) =	sbr.rel @p0 .LBB2_1-.Ltmp38, $4  }
0x44b: {  	[sflag:s30] =	ssyncadd.s32 $0xFFFF8000  }
0x44c: {  	_ =	swait.ge [sflag:s31], $0x8000  }
0x44d: {  	[sflag:s31] =	ssyncset.done $0x0  }
0x44e: {  	[sflag:s31] =	ssyncadd.s32 $0xFFFF8000  }
0x44f: {  	_ =	sfence.sel $0x180000  }
0x450: {  	[bflag:$0x0] =	sbarrier.arrive $0xFFFF  }
0x451: {  	_ =	strace $0x90000047  }
0x452: {  	s0 =	stileid.u32;
	[bflag:$0x2] =	sbarrier.arrive $0xFFFF  }
0x453: {  	p0 =	sne.s32 s0, $0x0;
	s0 =	rddreg [dreg:$0x2]  }
0x454: {  	s0 =	sadd.s32 @!p0 $0x100000, s0  }
0x455: {  	[sflag:s0] =	ssyncadd.tile.s32 @!p0 $0x1;
	_ =	shalt  }
.Lfunc_end2:
_tile_overlayer_lowered:
.L_overlay_start_2:
0x456: {  	(tag) =	ssettag $0x2  }
0x457: {  	s0 =	rddreg [dreg:$0x0];
	s2 =	stileid.u32  }
0x458: {  	s1 =	rddreg [dreg:$0x1];
	p0 =	sne.s32 s2, $0x0  }
0x459: {  	s3 =	rddreg [dreg:$0x2];
	[bflag:$0x3] =	sbarrier.arrive $0xFFFF;
	s2 =	simm.s32 @!p0 $0x1C03  }
0x45a: {  	[timem:s3], [sflag:s2] =	dma.local @!p0 [hbm:s0], s1  }
0x45b: {  	s0 =	simm.s32 @!p0 $0x3  }
0x45c: {  	_ =	swait.ge @!p0 [sflag:s0], s1  }
0x45d: {  	s1 =	ssub.s32 @!p0 $0x0, s1;
	[sflag:s0] =	ssyncset.done @!p0 $0x0  }
0x45e: {  	[sflag:s0] =	ssyncadd.s32 @!p0 s1  }
0x45f: {  	[bflag:$0x3] =	sbarrier.arrive $0xFFFF  }
0x460: {  	_ =	shalt  }

</sc_bundles>
